<compile_context>
chip_gen: v7x
topology: tpu7x:2x2x1
jax: 0.10.2.dev20260603
libtpu: 0.0.44.dev20260713+nightly
codegen_flags: <defaults>
</compile_context>

<pallas_src>
import jax
import jax.numpy as jnp
from jax import lax
from jax.experimental import pallas as pl
from jax.experimental.pallas import tpu as pltpu
from jax.experimental.pallas import tpu_sc as plsc

N = 10000
NP = 10240
E = 320000
D = 128
H = D // 2
NC = 2
NS = 16
NW = NC * NS
CHUNK = 80
NBUF = 4
NCH_A = -(-(-(-(E // NS) // CHUNK)) // NBUF) * NBUF
CH_D = 80
NCH_D = E // NW // CH_D
RPT = NP // NS
ZROWS = 128
CW = 16


def _sc_aggregate(hlo, hhi, src3, dst3):
    mesh = plsc.VectorSubcoreMesh(core_axis_name="c", subcore_axis_name="s")
    out_type = (jax.ShapeDtypeStruct((NP, H), jnp.float32),
                jax.ShapeDtypeStruct((NP, H), jnp.float32))
    scratch = [
        pltpu.VMEM((NCH_A, CHUNK), jnp.int32),
        pltpu.VMEM((NCH_A, CHUNK), jnp.int32),
        [pltpu.VMEM((CHUNK, H), jnp.float32) for _ in range(NBUF)],
        pltpu.VMEM((ZROWS, H), jnp.float32),
        pltpu.VMEM_SHARED((NP, H), jnp.float32),
        [pltpu.SemaphoreType.DMA for _ in range(NBUF)],
    ]

    def body(lo_hbm, hi_hbm, src_hbm, dst_hbm, olo_hbm, ohi_hbm,
             src_v, dst_v, rows, zrow_v, acc_sh, gsem):
        cid = lax.axis_index("c")
        sid = lax.axis_index("s")

        zeros16 = jnp.zeros((16,), jnp.float32)

        @pl.loop(0, ZROWS)
        def _(r):
            for c in range(H // 16):
                zrow_v[r, pl.ds(c * 16, 16)] = zeros16

        @pl.loop(0, RPT // ZROWS)
        def _(r):
            pltpu.sync_copy(zrow_v,
                            acc_sh.at[pl.ds(sid * RPT + r * ZROWS, ZROWS)])

        pltpu.sync_copy(src_hbm.at[sid], src_v)
        pltpu.sync_copy(dst_hbm.at[sid], dst_v)

        plsc.subcore_barrier()

        def run(table):
            def gather(j, b):
                pltpu.make_async_copy(table.at[src_v.at[j]], rows[b],
                                      gsem[b]).start()

            def gather_wait(j, b):
                pltpu.make_async_copy(table.at[src_v.at[j]], rows[b],
                                      gsem[b]).wait()

            for b in range(NBUF):
                gather(b, b)

            @pl.loop(0, NCH_A, step=NBUF)
            def _(j):
                for b in range(NBUF):
                    gather_wait(j + b, b)
                    pltpu.sync_copy(rows[b], acc_sh.at[dst_v.at[j + b]],
                                    add=True)

                    @pl.when(j + b + NBUF < NCH_A)
                    def _(b=b):
                        gather(j + b + NBUF, b)

        @pl.when(cid == 0)
        def _():
            run(lo_hbm)

        @pl.when(cid == 1)
        def _():
            run(hi_hbm)

        plsc.subcore_barrier()

        @pl.when(cid == 0)
        def _():
            pltpu.sync_copy(acc_sh.at[pl.ds(sid * RPT, RPT)],
                            olo_hbm.at[pl.ds(sid * RPT, RPT)])

        @pl.when(cid == 1)
        def _():
            pltpu.sync_copy(acc_sh.at[pl.ds(sid * RPT, RPT)],
                            ohi_hbm.at[pl.ds(sid * RPT, RPT)])

    k = pl.kernel(body, out_type=out_type, mesh=mesh, scratch_types=scratch,
                  compiler_params=pltpu.CompilerParams(
                      use_tc_tiling_on_sc=False))
    return k(hlo, hhi, src3, dst3)


def _sc_degree(dst3):
    mesh = plsc.VectorSubcoreMesh(core_axis_name="c", subcore_axis_name="s")
    scratch = [
        pltpu.VMEM((NCH_D, CH_D), jnp.int32),
        pltpu.VMEM((CH_D, CW), jnp.float32),
        pltpu.VMEM((ZROWS, CW), jnp.float32),
        pltpu.VMEM_SHARED((NP, CW), jnp.float32),
    ]

    def body(dst_hbm, cnt_hbm, dst_v, ones_v, zcnt_v, cnt_sh):
        cid = lax.axis_index("c")
        sid = lax.axis_index("s")
        wid = cid * NS + sid

        zeros16 = jnp.zeros((16,), jnp.float32)
        ones16 = jnp.ones((16,), jnp.float32)

        @pl.loop(0, ZROWS)
        def _(r):
            zcnt_v[r, pl.ds(0, 16)] = zeros16

        @pl.loop(0, CH_D)
        def _(r):
            ones_v[r, pl.ds(0, 16)] = ones16

        @pl.loop(0, RPT // ZROWS)
        def _(r):
            pltpu.sync_copy(zcnt_v,
                            cnt_sh.at[pl.ds(sid * RPT + r * ZROWS, ZROWS)])

        pltpu.sync_copy(dst_hbm.at[wid], dst_v)

        plsc.subcore_barrier()

        @pl.loop(0, NCH_D)
        def _(j):
            pltpu.sync_copy(ones_v, cnt_sh.at[dst_v.at[j]], add=True)

        plsc.subcore_barrier()

        pltpu.sync_copy(cnt_sh.at[pl.ds(sid * RPT, RPT)],
                        cnt_hbm.at[pl.ds(cid * NP + sid * RPT, RPT)])

    k = pl.kernel(body, out_type=jax.ShapeDtypeStruct((NC * NP, CW),
                                                      jnp.float32),
                  mesh=mesh, scratch_types=scratch,
                  compiler_params=pltpu.CompilerParams(
                      use_tc_tiling_on_sc=False))
    return k(dst3)


_B = 1024


def _sage_block(plo, phi, c0, c1, hlo, hhi, wl_lo, wl_hi, bl, wr_lo, wr_hi):
    cnt = jnp.maximum(c0[0][:, :1] + c1[0][:, :1], 1.0)
    inv = 1.0 / cnt
    out = (jnp.dot(plo[...] * inv, wl_lo[...],
                   preferred_element_type=jnp.float32)
           + jnp.dot(phi[...] * inv, wl_hi[...],
                     preferred_element_type=jnp.float32)
           + jnp.dot(hlo[...], wr_lo[...],
                     preferred_element_type=jnp.float32)
           + jnp.dot(hhi[...], wr_hi[...],
                     preferred_element_type=jnp.float32)
           + bl[...])
    return jnp.maximum(out, 0.0)


def _combine_body(plo, phi, c0, c1, hlo, hhi, wl_lo, wl_hi, bl, wr_lo,
                  wr_hi, olo_ref, ohi_ref):
    res = _sage_block(plo, phi, c0, c1, hlo, hhi, wl_lo, wl_hi, bl,
                      wr_lo, wr_hi)
    olo_ref[...] = res[:, :H]
    ohi_ref[...] = res[:, H:]


def _head_body(plo, phi, c0, c1, hlo, hhi, wl_lo, wl_hi, bl, wr_lo, wr_hi,
               wh1, bh1, wh2, bh2, o_ref):
    res = _sage_block(plo, phi, c0, c1, hlo, hhi, wl_lo, wl_hi, bl,
                      wr_lo, wr_hi)
    t = jnp.maximum(
        jnp.dot(res, wh1[...], preferred_element_type=jnp.float32)
        + bh1[...], 0.0)
    o_ref[...] = (jnp.dot(t, wh2[...], preferred_element_type=jnp.float32)
                  + bh2[...])


def _tc_combine(plo, phi, cnt, hlo, hhi, WlT, bl, WrT, head=None):
    c3 = cnt.reshape(NC, NP, CW)
    bl2 = bl.reshape(1, D)
    full = lambda s: pl.BlockSpec(s, lambda i: (0,) * len(s))
    row = lambda w: pl.BlockSpec((_B, w), lambda i: (i, 0))
    in_specs = [
        row(H), row(H),
        pl.BlockSpec((1, _B, CW), lambda i: (0, i, 0)),
        pl.BlockSpec((1, _B, CW), lambda i: (1, i, 0)),
        row(H), row(H),
        full((H, D)), full((H, D)),
        full((1, D)),
        full((H, D)), full((H, D)),
    ]
    args = [plo, phi, c3, c3, hlo, hhi,
            WlT[:H], WlT[H:], bl2, WrT[:H], WrT[H:]]
    if head is None:
        fn = _combine_body
        out_specs = (row(H), row(H))
        out_shape = (jax.ShapeDtypeStruct((NP, H), jnp.float32),
                     jax.ShapeDtypeStruct((NP, H), jnp.float32))
    else:
        fn = _head_body
        wh1, bh1, wh2, bh2 = head
        in_specs += [full((D, D)), full((1, D)), full((D, D)), full((1, D))]
        args += [wh1, bh1, wh2, bh2]
        out_specs = row(D)
        out_shape = jax.ShapeDtypeStruct((NP, D), jnp.float32)
    return pl.pallas_call(
        fn,
        grid=(NP // _B,),
        in_specs=in_specs,
        out_specs=out_specs,
        out_shape=out_shape,
    )(*args)


def kernel(x, edge_index, Wl0, bl0, Wr0, Wl1, bl1, Wr1, Wl2, bl2, Wr2,
           Wh1, bh1, Wh2, bh2):
    npad = NCH_A * CHUNK - E // NS
    s2 = edge_index[0].reshape(NS, -1)
    d2 = edge_index[1].reshape(NS, -1)
    src16 = jnp.concatenate(
        [s2, jnp.zeros((NS, npad), jnp.int32)], axis=1
    ).reshape(NS, NCH_A, CHUNK)
    dst16 = jnp.concatenate(
        [d2, jnp.full((NS, npad), N, jnp.int32)], axis=1
    ).reshape(NS, NCH_A, CHUNK)
    dst32 = edge_index[1].reshape(NW, NCH_D, CH_D)
    xp = jnp.pad(x, ((0, NP - N), (0, 0)))
    xlo = xp[:, :H]
    xhi = xp[:, H:]

    Wh1T = Wh1.T
    Wh1Tp = jnp.pad(Wh1T, ((0, 0), (0, D - Wh1T.shape[1])))
    bh1p = jnp.pad(bh1, (0, D - bh1.shape[0])).reshape(1, D)
    Wh2T = Wh2.T
    Wh2Tp = jnp.pad(Wh2T, ((0, D - Wh2T.shape[0]), (0, D - Wh2T.shape[1])))
    bh2p = jnp.pad(bh2, (0, D - bh2.shape[0])).reshape(1, D)

    cnt = _sc_degree(dst32)
    plo, phi = _sc_aggregate(xlo, xhi, src16, dst16)
    hlo, hhi = _tc_combine(plo, phi, cnt, xlo, xhi, Wl0.T, bl0, Wr0.T)
    plo, phi = _sc_aggregate(hlo, hhi, src16, dst16)
    hlo, hhi = _tc_combine(plo, phi, cnt, hlo, hhi, Wl1.T, bl1, Wr1.T)
    plo, phi = _sc_aggregate(hlo, hhi, src16, dst16)
    y = _tc_combine(plo, phi, cnt, hlo, hhi, Wl2.T, bl2, Wr2.T,
                    head=(Wh1Tp, bh1p, Wh2Tp, bh2p))
    return y[:N, :4]

# --- scband reference (transcript-rebuilt; emitter-appended) ---
"""Pipeline reference for scband-station-gnn-3977139716140 (READ-ONLY COPY).

The authoritative reference and input builder live on the scoring server;
editing this copy changes nothing except your own understanding.
"""

import jax, jax.numpy as jnp
import numpy as np

N = 10000
E = 320000
IN_DIM = 128
HIDDEN = 128
N_CLASSES = 4


def setup_inputs(seed: int = 0) -> dict:
    key = jax.random.key(seed)
    ks = jax.random.split(key, 16)
    x = jax.random.normal(ks[0], (N, IN_DIM), dtype=jnp.float32)
    edge_index = jax.random.randint(ks[1], (2, E), 0, N)
    s_in = 1.0 / np.sqrt(IN_DIM)
    s_h = 1.0 / np.sqrt(HIDDEN)
    s_h2 = 1.0 / np.sqrt(HIDDEN // 2)
    # SAGEConv layer 0: in_dim -> hidden (lin_l has bias, lin_r no bias, PyG convention)
    Wl0 = jax.random.normal(ks[2], (HIDDEN, IN_DIM), dtype=jnp.float32) * s_in
    bl0 = jnp.zeros((HIDDEN,), dtype=jnp.float32)
    Wr0 = jax.random.normal(ks[3], (HIDDEN, IN_DIM), dtype=jnp.float32) * s_in
    # SAGEConv layer 1: hidden -> hidden
    Wl1 = jax.random.normal(ks[4], (HIDDEN, HIDDEN), dtype=jnp.float32) * s_h
    bl1 = jnp.zeros((HIDDEN,), dtype=jnp.float32)
    Wr1 = jax.random.normal(ks[5], (HIDDEN, HIDDEN), dtype=jnp.float32) * s_h
    # SAGEConv layer 2: hidden -> hidden
    Wl2 = jax.random.normal(ks[6], (HIDDEN, HIDDEN), dtype=jnp.float32) * s_h
    bl2 = jnp.zeros((HIDDEN,), dtype=jnp.float32)
    Wr2 = jax.random.normal(ks[7], (HIDDEN, HIDDEN), dtype=jnp.float32) * s_h
    # Head: Linear(hidden, hidden//2) -> ReLU -> Linear(hidden//2, n_classes)
    Wh1 = jax.random.normal(ks[8], (HIDDEN // 2, HIDDEN), dtype=jnp.float32) * s_h
    bh1 = jnp.zeros((HIDDEN // 2,), dtype=jnp.float32)
    Wh2 = jax.random.normal(ks[9], (N_CLASSES, HIDDEN // 2), dtype=jnp.float32) * s_h2
    bh2 = jnp.zeros((N_CLASSES,), dtype=jnp.float32)
    return {"x": x, "edge_index": edge_index,
            "Wl0": Wl0, "bl0": bl0, "Wr0": Wr0,
            "Wl1": Wl1, "bl1": bl1, "Wr1": Wr1,
            "Wl2": Wl2, "bl2": bl2, "Wr2": Wr2,
            "Wh1": Wh1, "bh1": bh1, "Wh2": Wh2, "bh2": bh2}


def _sage_conv(x, edge_index, Wl, bl, Wr):
    # mean aggregation of source-node features at destination nodes
    src = edge_index[0]
    dst = edge_index[1]
    msgs = jnp.take(x, src, axis=0)
    agg = jax.ops.segment_sum(msgs, dst, num_segments=N)
    cnt = jax.ops.segment_sum(jnp.ones((msgs.shape[0], 1), dtype=x.dtype), dst, num_segments=N)
    mean = agg / jnp.clip(cnt, 1.0)
    return mean @ Wl.T + bl + x @ Wr.T


def reference(x, edge_index, Wl0, bl0, Wr0, Wl1, bl1, Wr1, Wl2, bl2, Wr2, Wh1, bh1, Wh2, bh2):
    h = jax.nn.relu(_sage_conv(x, edge_index, Wl0, bl0, Wr0))
    h = jax.nn.relu(_sage_conv(h, edge_index, Wl1, bl1, Wr1))
    h = jax.nn.relu(_sage_conv(h, edge_index, Wl2, bl2, Wr2))
    h = jax.nn.relu(h @ Wh1.T + bh1)
    return h @ Wh2.T + bh2

if __name__ == "__main__":
    import jax
    _d = setup_inputs()
    print(jax.jit(kernel)(*tuple(_d.values())))

</pallas_src>

<mosaic_0001>
#map = affine_map<(d0, d1) -> (0, 0)>
#map1 = affine_map<(d0, d1) -> (0, 0, 0)>
module attributes {stable_mosaic.version = 14 : i64} {
  func.func @body(%arg0: i32, %arg1: i32, %arg2: memref<10240x64xf32, #tpu.memory_space<hbm>>, %arg3: memref<10240x64xf32, #tpu.memory_space<hbm>>, %arg4: memref<16x252x80xi32, #tpu.memory_space<hbm>>, %arg5: memref<16x252x80xi32, #tpu.memory_space<hbm>>, %arg6: memref<10240x64xf32, #tpu.memory_space<hbm>>, %arg7: memref<10240x64xf32, #tpu.memory_space<hbm>>, %arg8: memref<252x80xi32, #tpu.memory_space<vmem>>, %arg9: memref<252x80xi32, #tpu.memory_space<vmem>>, %arg10: memref<80x64xf32, #tpu.memory_space<vmem>>, %arg11: memref<80x64xf32, #tpu.memory_space<vmem>>, %arg12: memref<80x64xf32, #tpu.memory_space<vmem>>, %arg13: memref<80x64xf32, #tpu.memory_space<vmem>>, %arg14: memref<128x64xf32, #tpu.memory_space<vmem>>, %arg15: memref<10240x64xf32, #tpu.memory_space<vmem_shared>>, %arg16: memref<!tpu.dma_semaphore, #tpu.memory_space<semaphore_mem>>, %arg17: memref<!tpu.dma_semaphore, #tpu.memory_space<semaphore_mem>>, %arg18: memref<!tpu.dma_semaphore, #tpu.memory_space<semaphore_mem>>, %arg19: memref<!tpu.dma_semaphore, #tpu.memory_space<semaphore_mem>>) attributes {dimension_semantics = [#tpu.dimension_semantics<core_parallel>, #tpu.dimension_semantics<subcore_parallel>], iteration_bounds = array<i64: 2, 16>, scalar_prefetch = 0 : i64, scratch_operands = 12 : i64, tpu.core_type = #tpu.core_type<sc_vector_subcore>, window_params = [{transform_indices = #map}, {transform_indices = #map}, {transform_indices = #map1}, {transform_indices = #map1}, {transform_indices = #map}, {transform_indices = #map}]} {
    %broadcast_in_dim3A = arith.constant 0.000000e+00 : f32
    %broadcast_in_dim3A_0 = vector.broadcast %broadcast_in_dim3A : f32 to vector<16xf32>
    %scan3A = arith.constant 0 : i32
    %scan3A_1 = arith.constant 128 : i32
    %scan3A_2 = arith.addi %scan3A, %scan3A_1 : i32
    %scan3A_3 = arith.constant 1 : i32
    scf.for %scan3A_28 = %scan3A to %scan3A_2 step %scan3A_3  : i32 {
      %mul3A = arith.constant 1 : i32
      %mul3A_29 = arith.muli %scan3A_28, %mul3A : i32
      %add3A = arith.constant 0 : i32
      %add3A_30 = arith.addi %add3A, %mul3A_29 : i32
      %swap3A = arith.index_cast %add3A_30 : i32 to index
      %swap3A_31 = arith.constant 0 : index
      %swap3A_32 = tpu.vector_load %arg14[%swap3A, %swap3A_31] {strides = array<i32>} : memref<128x64xf32, #tpu.memory_space<vmem>>, vector<1x16xf32>,
      %swap3A_33 = vector.shape_cast %swap3A_32 : vector<1x16xf32> to vector<16xf32>
      %swap3A_34 = vector.shape_cast %broadcast_in_dim3A_0 : vector<16xf32> to vector<1x16xf32>
      tpu.vector_store %arg14[%swap3A, %swap3A_31], %swap3A_34 {strides = array<i32>} : memref<128x64xf32, #tpu.memory_space<vmem>>, vector<1x16xf32>,
      %swap3A_35 = arith.index_cast %add3A_30 : i32 to index
      %swap3A_36 = arith.constant 16 : index
      %swap3A_37 = tpu.vector_load %arg14[%swap3A_35, %swap3A_36] {strides = array<i32>} : memref<128x64xf32, #tpu.memory_space<vmem>>, vector<1x16xf32>,
      %swap3A_38 = vector.shape_cast %swap3A_37 : vector<1x16xf32> to vector<16xf32>
      %swap3A_39 = vector.shape_cast %broadcast_in_dim3A_0 : vector<16xf32> to vector<1x16xf32>
      tpu.vector_store %arg14[%swap3A_35, %swap3A_36], %swap3A_39 {strides = array<i32>} : memref<128x64xf32, #tpu.memory_space<vmem>>, vector<1x16xf32>,
      %swap3A_40 = arith.index_cast %add3A_30 : i32 to index
      %swap3A_41 = arith.constant 32 : index
      %swap3A_42 = tpu.vector_load %arg14[%swap3A_40, %swap3A_41] {strides = array<i32>} : memref<128x64xf32, #tpu.memory_space<vmem>>, vector<1x16xf32>,
      %swap3A_43 = vector.shape_cast %swap3A_42 : vector<1x16xf32> to vector<16xf32>
      %swap3A_44 = vector.shape_cast %broadcast_in_dim3A_0 : vector<16xf32> to vector<1x16xf32>
      tpu.vector_store %arg14[%swap3A_40, %swap3A_41], %swap3A_44 {strides = array<i32>} : memref<128x64xf32, #tpu.memory_space<vmem>>, vector<1x16xf32>,
      %swap3A_45 = arith.index_cast %add3A_30 : i32 to index
      %swap3A_46 = arith.constant 48 : index
      %swap3A_47 = tpu.vector_load %arg14[%swap3A_45, %swap3A_46] {strides = array<i32>} : memref<128x64xf32, #tpu.memory_space<vmem>>, vector<1x16xf32>,
      %swap3A_48 = vector.shape_cast %swap3A_47 : vector<1x16xf32> to vector<16xf32>
      %swap3A_49 = vector.shape_cast %broadcast_in_dim3A_0 : vector<16xf32> to vector<1x16xf32>
      tpu.vector_store %arg14[%swap3A_45, %swap3A_46], %swap3A_49 {strides = array<i32>} : memref<128x64xf32, #tpu.memory_space<vmem>>, vector<1x16xf32>,
    }
    %scan3A_4 = arith.constant 128 : i32
    %scan3A_5 = arith.constant 0 : i32
    %scan3A_6 = arith.constant 5 : i32
    %scan3A_7 = arith.addi %scan3A_5, %scan3A_6 : i32
    %scan3A_8 = arith.constant 1 : i32
    scf.for %scan3A_28 = %scan3A_5 to %scan3A_7 step %scan3A_8  : i32 {
      %mul3A = arith.constant 1 : i32
      %mul3A_29 = arith.muli %scan3A_28, %mul3A : i32
      %add3A = arith.constant 0 : i32
      %add3A_30 = arith.addi %add3A, %mul3A_29 : i32
      %mul3A_31 = arith.constant 640 : i32
      %mul3A_32 = arith.muli %arg1, %mul3A_31 : i32
      %mul3A_33 = arith.constant 128 : i32
      %mul3A_34 = arith.muli %add3A_30, %mul3A_33 : i32
      %add3A_35 = arith.addi %mul3A_32, %mul3A_34 : i32
      "tpu.region"() ({
        %run_scoped3A = tpu.sem_alloc : memref<!tpu.dma_semaphore, #tpu.memory_space<semaphore_mem>>
        %dma_start3A = arith.constant 0 : i32
        %dma_start3A_36 = tpu.memref_slice %arg15[%add3A_35, %dma_start3A] : memref<10240x64xf32, #tpu.memory_space<vmem_shared>> -> memref<128x64xf32, #tpu.memory_space<vmem_shared>>
        %dma_start3A_37 = arith.constant 0 : i32
        %dma_start3A_38 = tpu.memref_slice %arg15[%add3A_35, %dma_start3A_37] : memref<10240x64xf32, #tpu.memory_space<vmem_shared>> -> memref<128x64xf32, #tpu.memory_space<vmem_shared>>
        tpu.enqueue_dma source(%arg14 : memref<128x64xf32, #tpu.memory_space<vmem>>) target(%dma_start3A_38 : memref<128x64xf32, #tpu.memory_space<vmem_shared>>) target_semaphore(%run_scoped3A : memref<!tpu.dma_semaphore, #tpu.memory_space<semaphore_mem>>)
        %dma_wait3A = arith.constant 0 : i32
        %dma_wait3A_39 = tpu.memref_slice %arg15[%add3A_35, %dma_wait3A] : memref<10240x64xf32, #tpu.memory_space<vmem_shared>> -> memref<128x64xf32, #tpu.memory_space<vmem_shared>>
        %dma_wait3A_40 = arith.constant 0 : i32
        %dma_wait3A_41 = tpu.memref_slice %arg15[%add3A_35, %dma_wait3A_40] : memref<10240x64xf32, #tpu.memory_space<vmem_shared>> -> memref<128x64xf32, #tpu.memory_space<vmem_shared>>
        tpu.wait_dma2 semaphore(%run_scoped3A : memref<!tpu.dma_semaphore, #tpu.memory_space<semaphore_mem>>) src(%arg14 : memref<128x64xf32, #tpu.memory_space<vmem>>) dst(%dma_wait3A_41 : memref<128x64xf32, #tpu.memory_space<vmem_shared>>)
        tpu.yield
      }) : () -> ()
    }
    %scan3A_9 = arith.constant 5 : i32
    "tpu.region"() ({
      %run_scoped3A = tpu.sem_alloc : memref<!tpu.dma_semaphore, #tpu.memory_space<semaphore_mem>>
      %dma_start3A = arith.constant 0 : i32
      %dma_start3A_28 = arith.constant 0 : i32
      %dma_start3A_29 = tpu.memref_slice %arg4[%arg1, %dma_start3A, %dma_start3A_28] : memref<16x252x80xi32, #tpu.memory_space<hbm>> -> memref<1x252x80xi32, #tpu.memory_space<hbm>>
      %dma_start3A_30 = tpu.memref_squeeze %dma_start3A_29 : memref<1x252x80xi32, #tpu.memory_space<hbm>> -> memref<252x80xi32, #tpu.memory_space<hbm>>
      %dma_start3A_31 = arith.constant 0 : i32
      %dma_start3A_32 = arith.constant 0 : i32
      %dma_start3A_33 = tpu.memref_slice %arg4[%arg1, %dma_start3A_31, %dma_start3A_32] : memref<16x252x80xi32, #tpu.memory_space<hbm>> -> memref<1x252x80xi32, #tpu.memory_space<hbm>>
      %dma_start3A_34 = tpu.memref_squeeze %dma_start3A_33 : memref<1x252x80xi32, #tpu.memory_space<hbm>> -> memref<252x80xi32, #tpu.memory_space<hbm>>
      tpu.enqueue_dma source(%dma_start3A_34 : memref<252x80xi32, #tpu.memory_space<hbm>>) target(%arg8 : memref<252x80xi32, #tpu.memory_space<vmem>>) target_semaphore(%run_scoped3A : memref<!tpu.dma_semaphore, #tpu.memory_space<semaphore_mem>>)
      %dma_wait3A = arith.constant 0 : i32
      %dma_wait3A_35 = arith.constant 0 : i32
      %dma_wait3A_36 = tpu.memref_slice %arg4[%arg1, %dma_wait3A, %dma_wait3A_35] : memref<16x252x80xi32, #tpu.memory_space<hbm>> -> memref<1x252x80xi32, #tpu.memory_space<hbm>>
      %dma_wait3A_37 = tpu.memref_squeeze %dma_wait3A_36 : memref<1x252x80xi32, #tpu.memory_space<hbm>> -> memref<252x80xi32, #tpu.memory_space<hbm>>
      %dma_wait3A_38 = arith.constant 0 : i32
      %dma_wait3A_39 = arith.constant 0 : i32
      %dma_wait3A_40 = tpu.memref_slice %arg4[%arg1, %dma_wait3A_38, %dma_wait3A_39] : memref<16x252x80xi32, #tpu.memory_space<hbm>> -> memref<1x252x80xi32, #tpu.memory_space<hbm>>
      %dma_wait3A_41 = tpu.memref_squeeze %dma_wait3A_40 : memref<1x252x80xi32, #tpu.memory_space<hbm>> -> memref<252x80xi32, #tpu.memory_space<hbm>>
      tpu.wait_dma2 semaphore(%run_scoped3A : memref<!tpu.dma_semaphore, #tpu.memory_space<semaphore_mem>>) src(%dma_wait3A_41 : memref<252x80xi32, #tpu.memory_space<hbm>>) dst(%arg8 : memref<252x80xi32, #tpu.memory_space<vmem>>)
      tpu.yield
    }) : () -> ()
    "tpu.region"() ({
      %run_scoped3A = tpu.sem_alloc : memref<!tpu.dma_semaphore, #tpu.memory_space<semaphore_mem>>
      %dma_start3A = arith.constant 0 : i32
      %dma_start3A_28 = arith.constant 0 : i32
      %dma_start3A_29 = tpu.memref_slice %arg5[%arg1, %dma_start3A, %dma_start3A_28] : memref<16x252x80xi32, #tpu.memory_space<hbm>> -> memref<1x252x80xi32, #tpu.memory_space<hbm>>
      %dma_start3A_30 = tpu.memref_squeeze %dma_start3A_29 : memref<1x252x80xi32, #tpu.memory_space<hbm>> -> memref<252x80xi32, #tpu.memory_space<hbm>>
      %dma_start3A_31 = arith.constant 0 : i32
      %dma_start3A_32 = arith.constant 0 : i32
      %dma_start3A_33 = tpu.memref_slice %arg5[%arg1, %dma_start3A_31, %dma_start3A_32] : memref<16x252x80xi32, #tpu.memory_space<hbm>> -> memref<1x252x80xi32, #tpu.memory_space<hbm>>
      %dma_start3A_34 = tpu.memref_squeeze %dma_start3A_33 : memref<1x252x80xi32, #tpu.memory_space<hbm>> -> memref<252x80xi32, #tpu.memory_space<hbm>>
      tpu.enqueue_dma source(%dma_start3A_34 : memref<252x80xi32, #tpu.memory_space<hbm>>) target(%arg9 : memref<252x80xi32, #tpu.memory_space<vmem>>) target_semaphore(%run_scoped3A : memref<!tpu.dma_semaphore, #tpu.memory_space<semaphore_mem>>)
      %dma_wait3A = arith.constant 0 : i32
      %dma_wait3A_35 = arith.constant 0 : i32
      %dma_wait3A_36 = tpu.memref_slice %arg5[%arg1, %dma_wait3A, %dma_wait3A_35] : memref<16x252x80xi32, #tpu.memory_space<hbm>> -> memref<1x252x80xi32, #tpu.memory_space<hbm>>
      %dma_wait3A_37 = tpu.memref_squeeze %dma_wait3A_36 : memref<1x252x80xi32, #tpu.memory_space<hbm>> -> memref<252x80xi32, #tpu.memory_space<hbm>>
      %dma_wait3A_38 = arith.constant 0 : i32
      %dma_wait3A_39 = arith.constant 0 : i32
      %dma_wait3A_40 = tpu.memref_slice %arg5[%arg1, %dma_wait3A_38, %dma_wait3A_39] : memref<16x252x80xi32, #tpu.memory_space<hbm>> -> memref<1x252x80xi32, #tpu.memory_space<hbm>>
      %dma_wait3A_41 = tpu.memref_squeeze %dma_wait3A_40 : memref<1x252x80xi32, #tpu.memory_space<hbm>> -> memref<252x80xi32, #tpu.memory_space<hbm>>
      tpu.wait_dma2 semaphore(%run_scoped3A : memref<!tpu.dma_semaphore, #tpu.memory_space<semaphore_mem>>) src(%dma_wait3A_41 : memref<252x80xi32, #tpu.memory_space<hbm>>) dst(%arg9 : memref<252x80xi32, #tpu.memory_space<vmem>>)
      tpu.yield
    }) : () -> ()
    %barrier3A = arith.constant 0 : index
    tpu.barrier barrier_id(%barrier3A)
    %eq3A = arith.constant 0 : i32
    %eq3A_10 = arith.cmpi eq, %arg0, %eq3A : i32
    %convert_element_type3A = arith.extui %eq3A_10 : i1 to i32
    %cond3A = arith.constant 0 : i32
    %cond3A_11 = arith.cmpi ne, %convert_element_type3A, %cond3A : i32
    scf.if %cond3A_11 {
      %dma_start3A = arith.constant 0 : i32
      %dma_start3A_28 = arith.constant 0 : i32
      %dma_start3A_29 = tpu.memref_slice %arg8[%dma_start3A, %dma_start3A_28] : memref<252x80xi32, #tpu.memory_space<vmem>> -> memref<1x80xi32, #tpu.memory_space<vmem>>
      %dma_start3A_30 = tpu.memref_squeeze %dma_start3A_29 : memref<1x80xi32, #tpu.memory_space<vmem>> -> memref<80xi32, #tpu.memory_space<vmem>>
      %dma_start3A_31 = arith.constant 0 : i32
      %dma_start3A_32 = arith.constant 0 : i32
      %dma_start3A_33 = tpu.memref_slice %arg2[%dma_start3A_31, %dma_start3A_32] : memref<10240x64xf32, #tpu.memory_space<hbm>> -> memref<10240x64xf32, #tpu.memory_space<hbm>>
      tpu.enqueue_indirect_dma source(%dma_start3A_33 : memref<10240x64xf32, #tpu.memory_space<hbm>>) target(%arg10 : memref<80x64xf32, #tpu.memory_space<vmem>>) offsets(%dma_start3A_30 : memref<80xi32, #tpu.memory_space<vmem>>) semaphore(%arg16 : memref<!tpu.dma_semaphore, #tpu.memory_space<semaphore_mem>>)
      %dma_start3A_34 = arith.constant 1 : i32
      %dma_start3A_35 = arith.constant 0 : i32
      %dma_start3A_36 = tpu.memref_slice %arg8[%dma_start3A_34, %dma_start3A_35] : memref<252x80xi32, #tpu.memory_space<vmem>> -> memref<1x80xi32, #tpu.memory_space<vmem>>
      %dma_start3A_37 = tpu.memref_squeeze %dma_start3A_36 : memref<1x80xi32, #tpu.memory_space<vmem>> -> memref<80xi32, #tpu.memory_space<vmem>>
      %dma_start3A_38 = arith.constant 0 : i32
      %dma_start3A_39 = arith.constant 0 : i32
      %dma_start3A_40 = tpu.memref_slice %arg2[%dma_start3A_38, %dma_start3A_39] : memref<10240x64xf32, #tpu.memory_space<hbm>> -> memref<10240x64xf32, #tpu.memory_space<hbm>>
      tpu.enqueue_indirect_dma source(%dma_start3A_40 : memref<10240x64xf32, #tpu.memory_space<hbm>>) target(%arg11 : memref<80x64xf32, #tpu.memory_space<vmem>>) offsets(%dma_start3A_37 : memref<80xi32, #tpu.memory_space<vmem>>) semaphore(%arg17 : memref<!tpu.dma_semaphore, #tpu.memory_space<semaphore_mem>>)
      %dma_start3A_41 = arith.constant 2 : i32
      %dma_start3A_42 = arith.constant 0 : i32
      %dma_start3A_43 = tpu.memref_slice %arg8[%dma_start3A_41, %dma_start3A_42] : memref<252x80xi32, #tpu.memory_space<vmem>> -> memref<1x80xi32, #tpu.memory_space<vmem>>
      %dma_start3A_44 = tpu.memref_squeeze %dma_start3A_43 : memref<1x80xi32, #tpu.memory_space<vmem>> -> memref<80xi32, #tpu.memory_space<vmem>>
      %dma_start3A_45 = arith.constant 0 : i32
      %dma_start3A_46 = arith.constant 0 : i32
      %dma_start3A_47 = tpu.memref_slice %arg2[%dma_start3A_45, %dma_start3A_46] : memref<10240x64xf32, #tpu.memory_space<hbm>> -> memref<10240x64xf32, #tpu.memory_space<hbm>>
      tpu.enqueue_indirect_dma source(%dma_start3A_47 : memref<10240x64xf32, #tpu.memory_space<hbm>>) target(%arg12 : memref<80x64xf32, #tpu.memory_space<vmem>>) offsets(%dma_start3A_44 : memref<80xi32, #tpu.memory_space<vmem>>) semaphore(%arg18 : memref<!tpu.dma_semaphore, #tpu.memory_space<semaphore_mem>>)
      %dma_start3A_48 = arith.constant 3 : i32
      %dma_start3A_49 = arith.constant 0 : i32
      %dma_start3A_50 = tpu.memref_slice %arg8[%dma_start3A_48, %dma_start3A_49] : memref<252x80xi32, #tpu.memory_space<vmem>> -> memref<1x80xi32, #tpu.memory_space<vmem>>
      %dma_start3A_51 = tpu.memref_squeeze %dma_start3A_50 : memref<1x80xi32, #tpu.memory_space<vmem>> -> memref<80xi32, #tpu.memory_space<vmem>>
      %dma_start3A_52 = arith.constant 0 : i32
      %dma_start3A_53 = arith.constant 0 : i32
      %dma_start3A_54 = tpu.memref_slice %arg2[%dma_start3A_52, %dma_start3A_53] : memref<10240x64xf32, #tpu.memory_space<hbm>> -> memref<10240x64xf32, #tpu.memory_space<hbm>>
      tpu.enqueue_indirect_dma source(%dma_start3A_54 : memref<10240x64xf32, #tpu.memory_space<hbm>>) target(%arg13 : memref<80x64xf32, #tpu.memory_space<vmem>>) offsets(%dma_start3A_51 : memref<80xi32, #tpu.memory_space<vmem>>) semaphore(%arg19 : memref<!tpu.dma_semaphore, #tpu.memory_space<semaphore_mem>>)
      %scan3A_55 = arith.constant 0 : i32
      %scan3A_56 = arith.constant 63 : i32
      %scan3A_57 = arith.addi %scan3A_55, %scan3A_56 : i32
      %scan3A_58 = arith.constant 1 : i32
      scf.for %scan3A_60 = %scan3A_55 to %scan3A_57 step %scan3A_58  : i32 {
        %mul3A = arith.constant 4 : i32
        %mul3A_61 = arith.muli %scan3A_60, %mul3A : i32
        %add3A = arith.constant 0 : i32
        %add3A_62 = arith.addi %add3A, %mul3A_61 : i32
        %add3A_63 = arith.constant 0 : i32
        %add3A_64 = arith.addi %add3A_62, %add3A_63 : i32
        %dma_wait3A = arith.constant 0 : i32
        %dma_wait3A_65 = tpu.memref_slice %arg8[%add3A_64, %dma_wait3A] : memref<252x80xi32, #tpu.memory_space<vmem>> -> memref<1x80xi32, #tpu.memory_space<vmem>>
        %dma_wait3A_66 = tpu.memref_squeeze %dma_wait3A_65 : memref<1x80xi32, #tpu.memory_space<vmem>> -> memref<80xi32, #tpu.memory_space<vmem>>
        %dma_wait3A_67 = arith.constant 0 : i32
        %dma_wait3A_68 = arith.constant 0 : i32
        %dma_wait3A_69 = tpu.memref_slice %arg2[%dma_wait3A_67, %dma_wait3A_68] : memref<10240x64xf32, #tpu.memory_space<hbm>> -> memref<10240x64xf32, #tpu.memory_space<hbm>>
        tpu.wait_indirect_dma semaphore(%arg16 : memref<!tpu.dma_semaphore, #tpu.memory_space<semaphore_mem>>) src(%dma_wait3A_69 : memref<10240x64xf32, #tpu.memory_space<hbm>>) dst(%arg10 : memref<80x64xf32, #tpu.memory_space<vmem>>)
        %add3A_70 = arith.constant 0 : i32
        %add3A_71 = arith.addi %add3A_62, %add3A_70 : i32
        "tpu.region"() ({
          %run_scoped3A = tpu.sem_alloc : memref<!tpu.dma_semaphore, #tpu.memory_space<semaphore_mem>>
          %dma_start3A_137 = arith.constant 0 : i32
          %dma_start3A_138 = tpu.memref_slice %arg9[%add3A_71, %dma_start3A_137] : memref<252x80xi32, #tpu.memory_space<vmem>> -> memref<1x80xi32, #tpu.memory_space<vmem>>
          %dma_start3A_139 = tpu.memref_squeeze %dma_start3A_138 : memref<1x80xi32, #tpu.memory_space<vmem>> -> memref<80xi32, #tpu.memory_space<vmem>>
          %dma_start3A_140 = arith.constant 0 : i32
          %dma_start3A_141 = arith.constant 0 : i32
          %dma_start3A_142 = tpu.memref_slice %arg15[%dma_start3A_140, %dma_start3A_141] : memref<10240x64xf32, #tpu.memory_space<vmem_shared>> -> memref<10240x64xf32, #tpu.memory_space<vmem_shared>>
          tpu.enqueue_indirect_dma source(%arg10 : memref<80x64xf32, #tpu.memory_space<vmem>>) target(%dma_start3A_142 : memref<10240x64xf32, #tpu.memory_space<vmem_shared>>) offsets(%dma_start3A_139 : memref<80xi32, #tpu.memory_space<vmem>>) semaphore(%run_scoped3A : memref<!tpu.dma_semaphore, #tpu.memory_space<semaphore_mem>>) {add = true}
          %dma_wait3A_143 = arith.constant 0 : i32
          %dma_wait3A_144 = tpu.memref_slice %arg9[%add3A_71, %dma_wait3A_143] : memref<252x80xi32, #tpu.memory_space<vmem>> -> memref<1x80xi32, #tpu.memory_space<vmem>>
          %dma_wait3A_145 = tpu.memref_squeeze %dma_wait3A_144 : memref<1x80xi32, #tpu.memory_space<vmem>> -> memref<80xi32, #tpu.memory_space<vmem>>
          %dma_wait3A_146 = arith.constant 0 : i32
          %dma_wait3A_147 = arith.constant 0 : i32
          %dma_wait3A_148 = tpu.memref_slice %arg15[%dma_wait3A_146, %dma_wait3A_147] : memref<10240x64xf32, #tpu.memory_space<vmem_shared>> -> memref<10240x64xf32, #tpu.memory_space<vmem_shared>>
          tpu.wait_indirect_dma semaphore(%run_scoped3A : memref<!tpu.dma_semaphore, #tpu.memory_space<semaphore_mem>>) src(%arg10 : memref<80x64xf32, #tpu.memory_space<vmem>>) dst(%dma_wait3A_148 : memref<10240x64xf32, #tpu.memory_space<vmem_shared>>)
          tpu.yield
        }) : () -> ()
        %add3A_72 = arith.constant 0 : i32
        %add3A_73 = arith.addi %add3A_62, %add3A_72 : i32
        %add3A_74 = arith.constant 4 : i32
        %add3A_75 = arith.addi %add3A_73, %add3A_74 : i32
        %lt3A = arith.constant 252 : i32
        %lt3A_76 = arith.cmpi slt, %add3A_75, %lt3A : i32
        %convert_element_type3A_77 = arith.extui %lt3A_76 : i1 to i32
        %cond3A_78 = arith.constant 0 : i32
        %cond3A_79 = arith.cmpi ne, %convert_element_type3A_77, %cond3A_78 : i32
        scf.if %cond3A_79 {
          %add3A_137 = arith.constant 0 : i32
          %add3A_138 = arith.addi %add3A_62, %add3A_137 : i32
          %add3A_139 = arith.constant 4 : i32
          %add3A_140 = arith.addi %add3A_138, %add3A_139 : i32
          %dma_start3A_141 = arith.constant 0 : i32
          %dma_start3A_142 = tpu.memref_slice %arg8[%add3A_140, %dma_start3A_141] : memref<252x80xi32, #tpu.memory_space<vmem>> -> memref<1x80xi32, #tpu.memory_space<vmem>>
          %dma_start3A_143 = tpu.memref_squeeze %dma_start3A_142 : memref<1x80xi32, #tpu.memory_space<vmem>> -> memref<80xi32, #tpu.memory_space<vmem>>
          %dma_start3A_144 = arith.constant 0 : i32
          %dma_start3A_145 = arith.constant 0 : i32
          %dma_start3A_146 = tpu.memref_slice %arg2[%dma_start3A_144, %dma_start3A_145] : memref<10240x64xf32, #tpu.memory_space<hbm>> -> memref<10240x64xf32, #tpu.memory_space<hbm>>
          tpu.enqueue_indirect_dma source(%dma_start3A_146 : memref<10240x64xf32, #tpu.memory_space<hbm>>) target(%arg10 : memref<80x64xf32, #tpu.memory_space<vmem>>) offsets(%dma_start3A_143 : memref<80xi32, #tpu.memory_space<vmem>>) semaphore(%arg16 : memref<!tpu.dma_semaphore, #tpu.memory_space<semaphore_mem>>)
        } else {
        }
        %add3A_80 = arith.constant 1 : i32
        %add3A_81 = arith.addi %add3A_62, %add3A_80 : i32
        %dma_wait3A_82 = arith.constant 0 : i32
        %dma_wait3A_83 = tpu.memref_slice %arg8[%add3A_81, %dma_wait3A_82] : memref<252x80xi32, #tpu.memory_space<vmem>> -> memref<1x80xi32, #tpu.memory_space<vmem>>
        %dma_wait3A_84 = tpu.memref_squeeze %dma_wait3A_83 : memref<1x80xi32, #tpu.memory_space<vmem>> -> memref<80xi32, #tpu.memory_space<vmem>>
        %dma_wait3A_85 = arith.constant 0 : i32
        %dma_wait3A_86 = arith.constant 0 : i32
        %dma_wait3A_87 = tpu.memref_slice %arg2[%dma_wait3A_85, %dma_wait3A_86] : memref<10240x64xf32, #tpu.memory_space<hbm>> -> memref<10240x64xf32, #tpu.memory_space<hbm>>
        tpu.wait_indirect_dma semaphore(%arg17 : memref<!tpu.dma_semaphore, #tpu.memory_space<semaphore_mem>>) src(%dma_wait3A_87 : memref<10240x64xf32, #tpu.memory_space<hbm>>) dst(%arg11 : memref<80x64xf32, #tpu.memory_space<vmem>>)
        %add3A_88 = arith.constant 1 : i32
        %add3A_89 = arith.addi %add3A_62, %add3A_88 : i32
        "tpu.region"() ({
          %run_scoped3A = tpu.sem_alloc : memref<!tpu.dma_semaphore, #tpu.memory_space<semaphore_mem>>
          %dma_start3A_137 = arith.constant 0 : i32
          %dma_start3A_138 = tpu.memref_slice %arg9[%add3A_89, %dma_start3A_137] : memref<252x80xi32, #tpu.memory_space<vmem>> -> memref<1x80xi32, #tpu.memory_space<vmem>>
          %dma_start3A_139 = tpu.memref_squeeze %dma_start3A_138 : memref<1x80xi32, #tpu.memory_space<vmem>> -> memref<80xi32, #tpu.memory_space<vmem>>
          %dma_start3A_140 = arith.constant 0 : i32
          %dma_start3A_141 = arith.constant 0 : i32
          %dma_start3A_142 = tpu.memref_slice %arg15[%dma_start3A_140, %dma_start3A_141] : memref<10240x64xf32, #tpu.memory_space<vmem_shared>> -> memref<10240x64xf32, #tpu.memory_space<vmem_shared>>
          tpu.enqueue_indirect_dma source(%arg11 : memref<80x64xf32, #tpu.memory_space<vmem>>) target(%dma_start3A_142 : memref<10240x64xf32, #tpu.memory_space<vmem_shared>>) offsets(%dma_start3A_139 : memref<80xi32, #tpu.memory_space<vmem>>) semaphore(%run_scoped3A : memref<!tpu.dma_semaphore, #tpu.memory_space<semaphore_mem>>) {add = true}
          %dma_wait3A_143 = arith.constant 0 : i32
          %dma_wait3A_144 = tpu.memref_slice %arg9[%add3A_89, %dma_wait3A_143] : memref<252x80xi32, #tpu.memory_space<vmem>> -> memref<1x80xi32, #tpu.memory_space<vmem>>
          %dma_wait3A_145 = tpu.memref_squeeze %dma_wait3A_144 : memref<1x80xi32, #tpu.memory_space<vmem>> -> memref<80xi32, #tpu.memory_space<vmem>>
          %dma_wait3A_146 = arith.constant 0 : i32
          %dma_wait3A_147 = arith.constant 0 : i32
          %dma_wait3A_148 = tpu.memref_slice %arg15[%dma_wait3A_146, %dma_wait3A_147] : memref<10240x64xf32, #tpu.memory_space<vmem_shared>> -> memref<10240x64xf32, #tpu.memory_space<vmem_shared>>
          tpu.wait_indirect_dma semaphore(%run_scoped3A : memref<!tpu.dma_semaphore, #tpu.memory_space<semaphore_mem>>) src(%arg11 : memref<80x64xf32, #tpu.memory_space<vmem>>) dst(%dma_wait3A_148 : memref<10240x64xf32, #tpu.memory_space<vmem_shared>>)
          tpu.yield
        }) : () -> ()
        %add3A_90 = arith.constant 1 : i32
        %add3A_91 = arith.addi %add3A_62, %add3A_90 : i32
        %add3A_92 = arith.constant 4 : i32
        %add3A_93 = arith.addi %add3A_91, %add3A_92 : i32
        %lt3A_94 = arith.constant 252 : i32
        %lt3A_95 = arith.cmpi slt, %add3A_93, %lt3A_94 : i32
        %convert_element_type3A_96 = arith.extui %lt3A_95 : i1 to i32
        %cond3A_97 = arith.constant 0 : i32
        %cond3A_98 = arith.cmpi ne, %convert_element_type3A_96, %cond3A_97 : i32
        scf.if %cond3A_98 {
          %add3A_137 = arith.constant 1 : i32
          %add3A_138 = arith.addi %add3A_62, %add3A_137 : i32
          %add3A_139 = arith.constant 4 : i32
          %add3A_140 = arith.addi %add3A_138, %add3A_139 : i32
          %dma_start3A_141 = arith.constant 0 : i32
          %dma_start3A_142 = tpu.memref_slice %arg8[%add3A_140, %dma_start3A_141] : memref<252x80xi32, #tpu.memory_space<vmem>> -> memref<1x80xi32, #tpu.memory_space<vmem>>
          %dma_start3A_143 = tpu.memref_squeeze %dma_start3A_142 : memref<1x80xi32, #tpu.memory_space<vmem>> -> memref<80xi32, #tpu.memory_space<vmem>>
          %dma_start3A_144 = arith.constant 0 : i32
          %dma_start3A_145 = arith.constant 0 : i32
          %dma_start3A_146 = tpu.memref_slice %arg2[%dma_start3A_144, %dma_start3A_145] : memref<10240x64xf32, #tpu.memory_space<hbm>> -> memref<10240x64xf32, #tpu.memory_space<hbm>>
          tpu.enqueue_indirect_dma source(%dma_start3A_146 : memref<10240x64xf32, #tpu.memory_space<hbm>>) target(%arg11 : memref<80x64xf32, #tpu.memory_space<vmem>>) offsets(%dma_start3A_143 : memref<80xi32, #tpu.memory_space<vmem>>) semaphore(%arg17 : memref<!tpu.dma_semaphore, #tpu.memory_space<semaphore_mem>>)
        } else {
        }
        %add3A_99 = arith.constant 2 : i32
        %add3A_100 = arith.addi %add3A_62, %add3A_99 : i32
        %dma_wait3A_101 = arith.constant 0 : i32
        %dma_wait3A_102 = tpu.memref_slice %arg8[%add3A_100, %dma_wait3A_101] : memref<252x80xi32, #tpu.memory_space<vmem>> -> memref<1x80xi32, #tpu.memory_space<vmem>>
        %dma_wait3A_103 = tpu.memref_squeeze %dma_wait3A_102 : memref<1x80xi32, #tpu.memory_space<vmem>> -> memref<80xi32, #tpu.memory_space<vmem>>
        %dma_wait3A_104 = arith.constant 0 : i32
        %dma_wait3A_105 = arith.constant 0 : i32
        %dma_wait3A_106 = tpu.memref_slice %arg2[%dma_wait3A_104, %dma_wait3A_105] : memref<10240x64xf32, #tpu.memory_space<hbm>> -> memref<10240x64xf32, #tpu.memory_space<hbm>>
        tpu.wait_indirect_dma semaphore(%arg18 : memref<!tpu.dma_semaphore, #tpu.memory_space<semaphore_mem>>) src(%dma_wait3A_106 : memref<10240x64xf32, #tpu.memory_space<hbm>>) dst(%arg12 : memref<80x64xf32, #tpu.memory_space<vmem>>)
        %add3A_107 = arith.constant 2 : i32
        %add3A_108 = arith.addi %add3A_62, %add3A_107 : i32
        "tpu.region"() ({
          %run_scoped3A = tpu.sem_alloc : memref<!tpu.dma_semaphore, #tpu.memory_space<semaphore_mem>>
          %dma_start3A_137 = arith.constant 0 : i32
          %dma_start3A_138 = tpu.memref_slice %arg9[%add3A_108, %dma_start3A_137] : memref<252x80xi32, #tpu.memory_space<vmem>> -> memref<1x80xi32, #tpu.memory_space<vmem>>
          %dma_start3A_139 = tpu.memref_squeeze %dma_start3A_138 : memref<1x80xi32, #tpu.memory_space<vmem>> -> memref<80xi32, #tpu.memory_space<vmem>>
          %dma_start3A_140 = arith.constant 0 : i32
          %dma_start3A_141 = arith.constant 0 : i32
          %dma_start3A_142 = tpu.memref_slice %arg15[%dma_start3A_140, %dma_start3A_141] : memref<10240x64xf32, #tpu.memory_space<vmem_shared>> -> memref<10240x64xf32, #tpu.memory_space<vmem_shared>>
          tpu.enqueue_indirect_dma source(%arg12 : memref<80x64xf32, #tpu.memory_space<vmem>>) target(%dma_start3A_142 : memref<10240x64xf32, #tpu.memory_space<vmem_shared>>) offsets(%dma_start3A_139 : memref<80xi32, #tpu.memory_space<vmem>>) semaphore(%run_scoped3A : memref<!tpu.dma_semaphore, #tpu.memory_space<semaphore_mem>>) {add = true}
          %dma_wait3A_143 = arith.constant 0 : i32
          %dma_wait3A_144 = tpu.memref_slice %arg9[%add3A_108, %dma_wait3A_143] : memref<252x80xi32, #tpu.memory_space<vmem>> -> memref<1x80xi32, #tpu.memory_space<vmem>>
          %dma_wait3A_145 = tpu.memref_squeeze %dma_wait3A_144 : memref<1x80xi32, #tpu.memory_space<vmem>> -> memref<80xi32, #tpu.memory_space<vmem>>
          %dma_wait3A_146 = arith.constant 0 : i32
          %dma_wait3A_147 = arith.constant 0 : i32
          %dma_wait3A_148 = tpu.memref_slice %arg15[%dma_wait3A_146, %dma_wait3A_147] : memref<10240x64xf32, #tpu.memory_space<vmem_shared>> -> memref<10240x64xf32, #tpu.memory_space<vmem_shared>>
          tpu.wait_indirect_dma semaphore(%run_scoped3A : memref<!tpu.dma_semaphore, #tpu.memory_space<semaphore_mem>>) src(%arg12 : memref<80x64xf32, #tpu.memory_space<vmem>>) dst(%dma_wait3A_148 : memref<10240x64xf32, #tpu.memory_space<vmem_shared>>)
          tpu.yield
        }) : () -> ()
        %add3A_109 = arith.constant 2 : i32
        %add3A_110 = arith.addi %add3A_62, %add3A_109 : i32
        %add3A_111 = arith.constant 4 : i32
        %add3A_112 = arith.addi %add3A_110, %add3A_111 : i32
        %lt3A_113 = arith.constant 252 : i32
        %lt3A_114 = arith.cmpi slt, %add3A_112, %lt3A_113 : i32
        %convert_element_type3A_115 = arith.extui %lt3A_114 : i1 to i32
        %cond3A_116 = arith.constant 0 : i32
        %cond3A_117 = arith.cmpi ne, %convert_element_type3A_115, %cond3A_116 : i32
        scf.if %cond3A_117 {
          %add3A_137 = arith.constant 2 : i32
          %add3A_138 = arith.addi %add3A_62, %add3A_137 : i32
          %add3A_139 = arith.constant 4 : i32
          %add3A_140 = arith.addi %add3A_138, %add3A_139 : i32
          %dma_start3A_141 = arith.constant 0 : i32
          %dma_start3A_142 = tpu.memref_slice %arg8[%add3A_140, %dma_start3A_141] : memref<252x80xi32, #tpu.memory_space<vmem>> -> memref<1x80xi32, #tpu.memory_space<vmem>>
          %dma_start3A_143 = tpu.memref_squeeze %dma_start3A_142 : memref<1x80xi32, #tpu.memory_space<vmem>> -> memref<80xi32, #tpu.memory_space<vmem>>
          %dma_start3A_144 = arith.constant 0 : i32
          %dma_start3A_145 = arith.constant 0 : i32
          %dma_start3A_146 = tpu.memref_slice %arg2[%dma_start3A_144, %dma_start3A_145] : memref<10240x64xf32, #tpu.memory_space<hbm>> -> memref<10240x64xf32, #tpu.memory_space<hbm>>
          tpu.enqueue_indirect_dma source(%dma_start3A_146 : memref<10240x64xf32, #tpu.memory_space<hbm>>) target(%arg12 : memref<80x64xf32, #tpu.memory_space<vmem>>) offsets(%dma_start3A_143 : memref<80xi32, #tpu.memory_space<vmem>>) semaphore(%arg18 : memref<!tpu.dma_semaphore, #tpu.memory_space<semaphore_mem>>)
        } else {
        }
        %add3A_118 = arith.constant 3 : i32
        %add3A_119 = arith.addi %add3A_62, %add3A_118 : i32
        %dma_wait3A_120 = arith.constant 0 : i32
        %dma_wait3A_121 = tpu.memref_slice %arg8[%add3A_119, %dma_wait3A_120] : memref<252x80xi32, #tpu.memory_space<vmem>> -> memref<1x80xi32, #tpu.memory_space<vmem>>
        %dma_wait3A_122 = tpu.memref_squeeze %dma_wait3A_121 : memref<1x80xi32, #tpu.memory_space<vmem>> -> memref<80xi32, #tpu.memory_space<vmem>>
        %dma_wait3A_123 = arith.constant 0 : i32
        %dma_wait3A_124 = arith.constant 0 : i32
        %dma_wait3A_125 = tpu.memref_slice %arg2[%dma_wait3A_123, %dma_wait3A_124] : memref<10240x64xf32, #tpu.memory_space<hbm>> -> memref<10240x64xf32, #tpu.memory_space<hbm>>
        tpu.wait_indirect_dma semaphore(%arg19 : memref<!tpu.dma_semaphore, #tpu.memory_space<semaphore_mem>>) src(%dma_wait3A_125 : memref<10240x64xf32, #tpu.memory_space<hbm>>) dst(%arg13 : memref<80x64xf32, #tpu.memory_space<vmem>>)
        %add3A_126 = arith.constant 3 : i32
        %add3A_127 = arith.addi %add3A_62, %add3A_126 : i32
        "tpu.region"() ({
          %run_scoped3A = tpu.sem_alloc : memref<!tpu.dma_semaphore, #tpu.memory_space<semaphore_mem>>
          %dma_start3A_137 = arith.constant 0 : i32
          %dma_start3A_138 = tpu.memref_slice %arg9[%add3A_127, %dma_start3A_137] : memref<252x80xi32, #tpu.memory_space<vmem>> -> memref<1x80xi32, #tpu.memory_space<vmem>>
          %dma_start3A_139 = tpu.memref_squeeze %dma_start3A_138 : memref<1x80xi32, #tpu.memory_space<vmem>> -> memref<80xi32, #tpu.memory_space<vmem>>
          %dma_start3A_140 = arith.constant 0 : i32
          %dma_start3A_141 = arith.constant 0 : i32
          %dma_start3A_142 = tpu.memref_slice %arg15[%dma_start3A_140, %dma_start3A_141] : memref<10240x64xf32, #tpu.memory_space<vmem_shared>> -> memref<10240x64xf32, #tpu.memory_space<vmem_shared>>
          tpu.enqueue_indirect_dma source(%arg13 : memref<80x64xf32, #tpu.memory_space<vmem>>) target(%dma_start3A_142 : memref<10240x64xf32, #tpu.memory_space<vmem_shared>>) offsets(%dma_start3A_139 : memref<80xi32, #tpu.memory_space<vmem>>) semaphore(%run_scoped3A : memref<!tpu.dma_semaphore, #tpu.memory_space<semaphore_mem>>) {add = true}
          %dma_wait3A_143 = arith.constant 0 : i32
          %dma_wait3A_144 = tpu.memref_slice %arg9[%add3A_127, %dma_wait3A_143] : memref<252x80xi32, #tpu.memory_space<vmem>> -> memref<1x80xi32, #tpu.memory_space<vmem>>
          %dma_wait3A_145 = tpu.memref_squeeze %dma_wait3A_144 : memref<1x80xi32, #tpu.memory_space<vmem>> -> memref<80xi32, #tpu.memory_space<vmem>>
          %dma_wait3A_146 = arith.constant 0 : i32
          %dma_wait3A_147 = arith.constant 0 : i32
          %dma_wait3A_148 = tpu.memref_slice %arg15[%dma_wait3A_146, %dma_wait3A_147] : memref<10240x64xf32, #tpu.memory_space<vmem_shared>> -> memref<10240x64xf32, #tpu.memory_space<vmem_shared>>
          tpu.wait_indirect_dma semaphore(%run_scoped3A : memref<!tpu.dma_semaphore, #tpu.memory_space<semaphore_mem>>) src(%arg13 : memref<80x64xf32, #tpu.memory_space<vmem>>) dst(%dma_wait3A_148 : memref<10240x64xf32, #tpu.memory_space<vmem_shared>>)
          tpu.yield
        }) : () -> ()
        %add3A_128 = arith.constant 3 : i32
        %add3A_129 = arith.addi %add3A_62, %add3A_128 : i32
        %add3A_130 = arith.constant 4 : i32
        %add3A_131 = arith.addi %add3A_129, %add3A_130 : i32
        %lt3A_132 = arith.constant 252 : i32
        %lt3A_133 = arith.cmpi slt, %add3A_131, %lt3A_132 : i32
        %convert_element_type3A_134 = arith.extui %lt3A_133 : i1 to i32
        %cond3A_135 = arith.constant 0 : i32
        %cond3A_136 = arith.cmpi ne, %convert_element_type3A_134, %cond3A_135 : i32
        scf.if %cond3A_136 {
          %add3A_137 = arith.constant 3 : i32
          %add3A_138 = arith.addi %add3A_62, %add3A_137 : i32
          %add3A_139 = arith.constant 4 : i32
          %add3A_140 = arith.addi %add3A_138, %add3A_139 : i32
          %dma_start3A_141 = arith.constant 0 : i32
          %dma_start3A_142 = tpu.memref_slice %arg8[%add3A_140, %dma_start3A_141] : memref<252x80xi32, #tpu.memory_space<vmem>> -> memref<1x80xi32, #tpu.memory_space<vmem>>
          %dma_start3A_143 = tpu.memref_squeeze %dma_start3A_142 : memref<1x80xi32, #tpu.memory_space<vmem>> -> memref<80xi32, #tpu.memory_space<vmem>>
          %dma_start3A_144 = arith.constant 0 : i32
          %dma_start3A_145 = arith.constant 0 : i32
          %dma_start3A_146 = tpu.memref_slice %arg2[%dma_start3A_144, %dma_start3A_145] : memref<10240x64xf32, #tpu.memory_space<hbm>> -> memref<10240x64xf32, #tpu.memory_space<hbm>>
          tpu.enqueue_indirect_dma source(%dma_start3A_146 : memref<10240x64xf32, #tpu.memory_space<hbm>>) target(%arg13 : memref<80x64xf32, #tpu.memory_space<vmem>>) offsets(%dma_start3A_143 : memref<80xi32, #tpu.memory_space<vmem>>) semaphore(%arg19 : memref<!tpu.dma_semaphore, #tpu.memory_space<semaphore_mem>>)
        } else {
        }
      }
      %scan3A_59 = arith.constant 63 : i32
    } else {
    }
    %eq3A_12 = arith.constant 1 : i32
    %eq3A_13 = arith.cmpi eq, %arg0, %eq3A_12 : i32
    %convert_element_type3A_14 = arith.extui %eq3A_13 : i1 to i32
    %cond3A_15 = arith.constant 0 : i32
    %cond3A_16 = arith.cmpi ne, %convert_element_type3A_14, %cond3A_15 : i32
    scf.if %cond3A_16 {
      %dma_start3A = arith.constant 0 : i32
      %dma_start3A_28 = arith.constant 0 : i32
      %dma_start3A_29 = tpu.memref_slice %arg8[%dma_start3A, %dma_start3A_28] : memref<252x80xi32, #tpu.memory_space<vmem>> -> memref<1x80xi32, #tpu.memory_space<vmem>>
      %dma_start3A_30 = tpu.memref_squeeze %dma_start3A_29 : memref<1x80xi32, #tpu.memory_space<vmem>> -> memref<80xi32, #tpu.memory_space<vmem>>
      %dma_start3A_31 = arith.constant 0 : i32
      %dma_start3A_32 = arith.constant 0 : i32
      %dma_start3A_33 = tpu.memref_slice %arg3[%dma_start3A_31, %dma_start3A_32] : memref<10240x64xf32, #tpu.memory_space<hbm>> -> memref<10240x64xf32, #tpu.memory_space<hbm>>
      tpu.enqueue_indirect_dma source(%dma_start3A_33 : memref<10240x64xf32, #tpu.memory_space<hbm>>) target(%arg10 : memref<80x64xf32, #tpu.memory_space<vmem>>) offsets(%dma_start3A_30 : memref<80xi32, #tpu.memory_space<vmem>>) semaphore(%arg16 : memref<!tpu.dma_semaphore, #tpu.memory_space<semaphore_mem>>)
      %dma_start3A_34 = arith.constant 1 : i32
      %dma_start3A_35 = arith.constant 0 : i32
      %dma_start3A_36 = tpu.memref_slice %arg8[%dma_start3A_34, %dma_start3A_35] : memref<252x80xi32, #tpu.memory_space<vmem>> -> memref<1x80xi32, #tpu.memory_space<vmem>>
      %dma_start3A_37 = tpu.memref_squeeze %dma_start3A_36 : memref<1x80xi32, #tpu.memory_space<vmem>> -> memref<80xi32, #tpu.memory_space<vmem>>
      %dma_start3A_38 = arith.constant 0 : i32
      %dma_start3A_39 = arith.constant 0 : i32
      %dma_start3A_40 = tpu.memref_slice %arg3[%dma_start3A_38, %dma_start3A_39] : memref<10240x64xf32, #tpu.memory_space<hbm>> -> memref<10240x64xf32, #tpu.memory_space<hbm>>
      tpu.enqueue_indirect_dma source(%dma_start3A_40 : memref<10240x64xf32, #tpu.memory_space<hbm>>) target(%arg11 : memref<80x64xf32, #tpu.memory_space<vmem>>) offsets(%dma_start3A_37 : memref<80xi32, #tpu.memory_space<vmem>>) semaphore(%arg17 : memref<!tpu.dma_semaphore, #tpu.memory_space<semaphore_mem>>)
      %dma_start3A_41 = arith.constant 2 : i32
      %dma_start3A_42 = arith.constant 0 : i32
      %dma_start3A_43 = tpu.memref_slice %arg8[%dma_start3A_41, %dma_start3A_42] : memref<252x80xi32, #tpu.memory_space<vmem>> -> memref<1x80xi32, #tpu.memory_space<vmem>>
      %dma_start3A_44 = tpu.memref_squeeze %dma_start3A_43 : memref<1x80xi32, #tpu.memory_space<vmem>> -> memref<80xi32, #tpu.memory_space<vmem>>
      %dma_start3A_45 = arith.constant 0 : i32
      %dma_start3A_46 = arith.constant 0 : i32
      %dma_start3A_47 = tpu.memref_slice %arg3[%dma_start3A_45, %dma_start3A_46] : memref<10240x64xf32, #tpu.memory_space<hbm>> -> memref<10240x64xf32, #tpu.memory_space<hbm>>
      tpu.enqueue_indirect_dma source(%dma_start3A_47 : memref<10240x64xf32, #tpu.memory_space<hbm>>) target(%arg12 : memref<80x64xf32, #tpu.memory_space<vmem>>) offsets(%dma_start3A_44 : memref<80xi32, #tpu.memory_space<vmem>>) semaphore(%arg18 : memref<!tpu.dma_semaphore, #tpu.memory_space<semaphore_mem>>)
      %dma_start3A_48 = arith.constant 3 : i32
      %dma_start3A_49 = arith.constant 0 : i32
      %dma_start3A_50 = tpu.memref_slice %arg8[%dma_start3A_48, %dma_start3A_49] : memref<252x80xi32, #tpu.memory_space<vmem>> -> memref<1x80xi32, #tpu.memory_space<vmem>>
      %dma_start3A_51 = tpu.memref_squeeze %dma_start3A_50 : memref<1x80xi32, #tpu.memory_space<vmem>> -> memref<80xi32, #tpu.memory_space<vmem>>
      %dma_start3A_52 = arith.constant 0 : i32
      %dma_start3A_53 = arith.constant 0 : i32
      %dma_start3A_54 = tpu.memref_slice %arg3[%dma_start3A_52, %dma_start3A_53] : memref<10240x64xf32, #tpu.memory_space<hbm>> -> memref<10240x64xf32, #tpu.memory_space<hbm>>
      tpu.enqueue_indirect_dma source(%dma_start3A_54 : memref<10240x64xf32, #tpu.memory_space<hbm>>) target(%arg13 : memref<80x64xf32, #tpu.memory_space<vmem>>) offsets(%dma_start3A_51 : memref<80xi32, #tpu.memory_space<vmem>>) semaphore(%arg19 : memref<!tpu.dma_semaphore, #tpu.memory_space<semaphore_mem>>)
      %scan3A_55 = arith.constant 0 : i32
      %scan3A_56 = arith.constant 63 : i32
      %scan3A_57 = arith.addi %scan3A_55, %scan3A_56 : i32
      %scan3A_58 = arith.constant 1 : i32
      scf.for %scan3A_60 = %scan3A_55 to %scan3A_57 step %scan3A_58  : i32 {
        %mul3A = arith.constant 4 : i32
        %mul3A_61 = arith.muli %scan3A_60, %mul3A : i32
        %add3A = arith.constant 0 : i32
        %add3A_62 = arith.addi %add3A, %mul3A_61 : i32
        %add3A_63 = arith.constant 0 : i32
        %add3A_64 = arith.addi %add3A_62, %add3A_63 : i32
        %dma_wait3A = arith.constant 0 : i32
        %dma_wait3A_65 = tpu.memref_slice %arg8[%add3A_64, %dma_wait3A] : memref<252x80xi32, #tpu.memory_space<vmem>> -> memref<1x80xi32, #tpu.memory_space<vmem>>
        %dma_wait3A_66 = tpu.memref_squeeze %dma_wait3A_65 : memref<1x80xi32, #tpu.memory_space<vmem>> -> memref<80xi32, #tpu.memory_space<vmem>>
        %dma_wait3A_67 = arith.constant 0 : i32
        %dma_wait3A_68 = arith.constant 0 : i32
        %dma_wait3A_69 = tpu.memref_slice %arg3[%dma_wait3A_67, %dma_wait3A_68] : memref<10240x64xf32, #tpu.memory_space<hbm>> -> memref<10240x64xf32, #tpu.memory_space<hbm>>
        tpu.wait_indirect_dma semaphore(%arg16 : memref<!tpu.dma_semaphore, #tpu.memory_space<semaphore_mem>>) src(%dma_wait3A_69 : memref<10240x64xf32, #tpu.memory_space<hbm>>) dst(%arg10 : memref<80x64xf32, #tpu.memory_space<vmem>>)
        %add3A_70 = arith.constant 0 : i32
        %add3A_71 = arith.addi %add3A_62, %add3A_70 : i32
        "tpu.region"() ({
          %run_scoped3A = tpu.sem_alloc : memref<!tpu.dma_semaphore, #tpu.memory_space<semaphore_mem>>
          %dma_start3A_137 = arith.constant 0 : i32
          %dma_start3A_138 = tpu.memref_slice %arg9[%add3A_71, %dma_start3A_137] : memref<252x80xi32, #tpu.memory_space<vmem>> -> memref<1x80xi32, #tpu.memory_space<vmem>>
          %dma_start3A_139 = tpu.memref_squeeze %dma_start3A_138 : memref<1x80xi32, #tpu.memory_space<vmem>> -> memref<80xi32, #tpu.memory_space<vmem>>
          %dma_start3A_140 = arith.constant 0 : i32
          %dma_start3A_141 = arith.constant 0 : i32
          %dma_start3A_142 = tpu.memref_slice %arg15[%dma_start3A_140, %dma_start3A_141] : memref<10240x64xf32, #tpu.memory_space<vmem_shared>> -> memref<10240x64xf32, #tpu.memory_space<vmem_shared>>
          tpu.enqueue_indirect_dma source(%arg10 : memref<80x64xf32, #tpu.memory_space<vmem>>) target(%dma_start3A_142 : memref<10240x64xf32, #tpu.memory_space<vmem_shared>>) offsets(%dma_start3A_139 : memref<80xi32, #tpu.memory_space<vmem>>) semaphore(%run_scoped3A : memref<!tpu.dma_semaphore, #tpu.memory_space<semaphore_mem>>) {add = true}
          %dma_wait3A_143 = arith.constant 0 : i32
          %dma_wait3A_144 = tpu.memref_slice %arg9[%add3A_71, %dma_wait3A_143] : memref<252x80xi32, #tpu.memory_space<vmem>> -> memref<1x80xi32, #tpu.memory_space<vmem>>
          %dma_wait3A_145 = tpu.memref_squeeze %dma_wait3A_144 : memref<1x80xi32, #tpu.memory_space<vmem>> -> memref<80xi32, #tpu.memory_space<vmem>>
          %dma_wait3A_146 = arith.constant 0 : i32
          %dma_wait3A_147 = arith.constant 0 : i32
          %dma_wait3A_148 = tpu.memref_slice %arg15[%dma_wait3A_146, %dma_wait3A_147] : memref<10240x64xf32, #tpu.memory_space<vmem_shared>> -> memref<10240x64xf32, #tpu.memory_space<vmem_shared>>
          tpu.wait_indirect_dma semaphore(%run_scoped3A : memref<!tpu.dma_semaphore, #tpu.memory_space<semaphore_mem>>) src(%arg10 : memref<80x64xf32, #tpu.memory_space<vmem>>) dst(%dma_wait3A_148 : memref<10240x64xf32, #tpu.memory_space<vmem_shared>>)
          tpu.yield
        }) : () -> ()
        %add3A_72 = arith.constant 0 : i32
        %add3A_73 = arith.addi %add3A_62, %add3A_72 : i32
        %add3A_74 = arith.constant 4 : i32
        %add3A_75 = arith.addi %add3A_73, %add3A_74 : i32
        %lt3A = arith.constant 252 : i32
        %lt3A_76 = arith.cmpi slt, %add3A_75, %lt3A : i32
        %convert_element_type3A_77 = arith.extui %lt3A_76 : i1 to i32
        %cond3A_78 = arith.constant 0 : i32
        %cond3A_79 = arith.cmpi ne, %convert_element_type3A_77, %cond3A_78 : i32
        scf.if %cond3A_79 {
          %add3A_137 = arith.constant 0 : i32
          %add3A_138 = arith.addi %add3A_62, %add3A_137 : i32
          %add3A_139 = arith.constant 4 : i32
          %add3A_140 = arith.addi %add3A_138, %add3A_139 : i32
          %dma_start3A_141 = arith.constant 0 : i32
          %dma_start3A_142 = tpu.memref_slice %arg8[%add3A_140, %dma_start3A_141] : memref<252x80xi32, #tpu.memory_space<vmem>> -> memref<1x80xi32, #tpu.memory_space<vmem>>
          %dma_start3A_143 = tpu.memref_squeeze %dma_start3A_142 : memref<1x80xi32, #tpu.memory_space<vmem>> -> memref<80xi32, #tpu.memory_space<vmem>>
          %dma_start3A_144 = arith.constant 0 : i32
          %dma_start3A_145 = arith.constant 0 : i32
          %dma_start3A_146 = tpu.memref_slice %arg3[%dma_start3A_144, %dma_start3A_145] : memref<10240x64xf32, #tpu.memory_space<hbm>> -> memref<10240x64xf32, #tpu.memory_space<hbm>>
          tpu.enqueue_indirect_dma source(%dma_start3A_146 : memref<10240x64xf32, #tpu.memory_space<hbm>>) target(%arg10 : memref<80x64xf32, #tpu.memory_space<vmem>>) offsets(%dma_start3A_143 : memref<80xi32, #tpu.memory_space<vmem>>) semaphore(%arg16 : memref<!tpu.dma_semaphore, #tpu.memory_space<semaphore_mem>>)
        } else {
        }
        %add3A_80 = arith.constant 1 : i32
        %add3A_81 = arith.addi %add3A_62, %add3A_80 : i32
        %dma_wait3A_82 = arith.constant 0 : i32
        %dma_wait3A_83 = tpu.memref_slice %arg8[%add3A_81, %dma_wait3A_82] : memref<252x80xi32, #tpu.memory_space<vmem>> -> memref<1x80xi32, #tpu.memory_space<vmem>>
        %dma_wait3A_84 = tpu.memref_squeeze %dma_wait3A_83 : memref<1x80xi32, #tpu.memory_space<vmem>> -> memref<80xi32, #tpu.memory_space<vmem>>
        %dma_wait3A_85 = arith.constant 0 : i32
        %dma_wait3A_86 = arith.constant 0 : i32
        %dma_wait3A_87 = tpu.memref_slice %arg3[%dma_wait3A_85, %dma_wait3A_86] : memref<10240x64xf32, #tpu.memory_space<hbm>> -> memref<10240x64xf32, #tpu.memory_space<hbm>>
        tpu.wait_indirect_dma semaphore(%arg17 : memref<!tpu.dma_semaphore, #tpu.memory_space<semaphore_mem>>) src(%dma_wait3A_87 : memref<10240x64xf32, #tpu.memory_space<hbm>>) dst(%arg11 : memref<80x64xf32, #tpu.memory_space<vmem>>)
        %add3A_88 = arith.constant 1 : i32
        %add3A_89 = arith.addi %add3A_62, %add3A_88 : i32
        "tpu.region"() ({
          %run_scoped3A = tpu.sem_alloc : memref<!tpu.dma_semaphore, #tpu.memory_space<semaphore_mem>>
          %dma_start3A_137 = arith.constant 0 : i32
          %dma_start3A_138 = tpu.memref_slice %arg9[%add3A_89, %dma_start3A_137] : memref<252x80xi32, #tpu.memory_space<vmem>> -> memref<1x80xi32, #tpu.memory_space<vmem>>
          %dma_start3A_139 = tpu.memref_squeeze %dma_start3A_138 : memref<1x80xi32, #tpu.memory_space<vmem>> -> memref<80xi32, #tpu.memory_space<vmem>>
          %dma_start3A_140 = arith.constant 0 : i32
          %dma_start3A_141 = arith.constant 0 : i32
          %dma_start3A_142 = tpu.memref_slice %arg15[%dma_start3A_140, %dma_start3A_141] : memref<10240x64xf32, #tpu.memory_space<vmem_shared>> -> memref<10240x64xf32, #tpu.memory_space<vmem_shared>>
          tpu.enqueue_indirect_dma source(%arg11 : memref<80x64xf32, #tpu.memory_space<vmem>>) target(%dma_start3A_142 : memref<10240x64xf32, #tpu.memory_space<vmem_shared>>) offsets(%dma_start3A_139 : memref<80xi32, #tpu.memory_space<vmem>>) semaphore(%run_scoped3A : memref<!tpu.dma_semaphore, #tpu.memory_space<semaphore_mem>>) {add = true}
          %dma_wait3A_143 = arith.constant 0 : i32
          %dma_wait3A_144 = tpu.memref_slice %arg9[%add3A_89, %dma_wait3A_143] : memref<252x80xi32, #tpu.memory_space<vmem>> -> memref<1x80xi32, #tpu.memory_space<vmem>>
          %dma_wait3A_145 = tpu.memref_squeeze %dma_wait3A_144 : memref<1x80xi32, #tpu.memory_space<vmem>> -> memref<80xi32, #tpu.memory_space<vmem>>
          %dma_wait3A_146 = arith.constant 0 : i32
          %dma_wait3A_147 = arith.constant 0 : i32
          %dma_wait3A_148 = tpu.memref_slice %arg15[%dma_wait3A_146, %dma_wait3A_147] : memref<10240x64xf32, #tpu.memory_space<vmem_shared>> -> memref<10240x64xf32, #tpu.memory_space<vmem_shared>>
          tpu.wait_indirect_dma semaphore(%run_scoped3A : memref<!tpu.dma_semaphore, #tpu.memory_space<semaphore_mem>>) src(%arg11 : memref<80x64xf32, #tpu.memory_space<vmem>>) dst(%dma_wait3A_148 : memref<10240x64xf32, #tpu.memory_space<vmem_shared>>)
          tpu.yield
        }) : () -> ()
        %add3A_90 = arith.constant 1 : i32
        %add3A_91 = arith.addi %add3A_62, %add3A_90 : i32
        %add3A_92 = arith.constant 4 : i32
        %add3A_93 = arith.addi %add3A_91, %add3A_92 : i32
        %lt3A_94 = arith.constant 252 : i32
        %lt3A_95 = arith.cmpi slt, %add3A_93, %lt3A_94 : i32
        %convert_element_type3A_96 = arith.extui %lt3A_95 : i1 to i32
        %cond3A_97 = arith.constant 0 : i32
        %cond3A_98 = arith.cmpi ne, %convert_element_type3A_96, %cond3A_97 : i32
        scf.if %cond3A_98 {
          %add3A_137 = arith.constant 1 : i32
          %add3A_138 = arith.addi %add3A_62, %add3A_137 : i32
          %add3A_139 = arith.constant 4 : i32
          %add3A_140 = arith.addi %add3A_138, %add3A_139 : i32
          %dma_start3A_141 = arith.constant 0 : i32
          %dma_start3A_142 = tpu.memref_slice %arg8[%add3A_140, %dma_start3A_141] : memref<252x80xi32, #tpu.memory_space<vmem>> -> memref<1x80xi32, #tpu.memory_space<vmem>>
          %dma_start3A_143 = tpu.memref_squeeze %dma_start3A_142 : memref<1x80xi32, #tpu.memory_space<vmem>> -> memref<80xi32, #tpu.memory_space<vmem>>
          %dma_start3A_144 = arith.constant 0 : i32
          %dma_start3A_145 = arith.constant 0 : i32
          %dma_start3A_146 = tpu.memref_slice %arg3[%dma_start3A_144, %dma_start3A_145] : memref<10240x64xf32, #tpu.memory_space<hbm>> -> memref<10240x64xf32, #tpu.memory_space<hbm>>
          tpu.enqueue_indirect_dma source(%dma_start3A_146 : memref<10240x64xf32, #tpu.memory_space<hbm>>) target(%arg11 : memref<80x64xf32, #tpu.memory_space<vmem>>) offsets(%dma_start3A_143 : memref<80xi32, #tpu.memory_space<vmem>>) semaphore(%arg17 : memref<!tpu.dma_semaphore, #tpu.memory_space<semaphore_mem>>)
        } else {
        }
        %add3A_99 = arith.constant 2 : i32
        %add3A_100 = arith.addi %add3A_62, %add3A_99 : i32
        %dma_wait3A_101 = arith.constant 0 : i32
        %dma_wait3A_102 = tpu.memref_slice %arg8[%add3A_100, %dma_wait3A_101] : memref<252x80xi32, #tpu.memory_space<vmem>> -> memref<1x80xi32, #tpu.memory_space<vmem>>
        %dma_wait3A_103 = tpu.memref_squeeze %dma_wait3A_102 : memref<1x80xi32, #tpu.memory_space<vmem>> -> memref<80xi32, #tpu.memory_space<vmem>>
        %dma_wait3A_104 = arith.constant 0 : i32
        %dma_wait3A_105 = arith.constant 0 : i32
        %dma_wait3A_106 = tpu.memref_slice %arg3[%dma_wait3A_104, %dma_wait3A_105] : memref<10240x64xf32, #tpu.memory_space<hbm>> -> memref<10240x64xf32, #tpu.memory_space<hbm>>
        tpu.wait_indirect_dma semaphore(%arg18 : memref<!tpu.dma_semaphore, #tpu.memory_space<semaphore_mem>>) src(%dma_wait3A_106 : memref<10240x64xf32, #tpu.memory_space<hbm>>) dst(%arg12 : memref<80x64xf32, #tpu.memory_space<vmem>>)
        %add3A_107 = arith.constant 2 : i32
        %add3A_108 = arith.addi %add3A_62, %add3A_107 : i32
        "tpu.region"() ({
          %run_scoped3A = tpu.sem_alloc : memref<!tpu.dma_semaphore, #tpu.memory_space<semaphore_mem>>
          %dma_start3A_137 = arith.constant 0 : i32
          %dma_start3A_138 = tpu.memref_slice %arg9[%add3A_108, %dma_start3A_137] : memref<252x80xi32, #tpu.memory_space<vmem>> -> memref<1x80xi32, #tpu.memory_space<vmem>>
          %dma_start3A_139 = tpu.memref_squeeze %dma_start3A_138 : memref<1x80xi32, #tpu.memory_space<vmem>> -> memref<80xi32, #tpu.memory_space<vmem>>
          %dma_start3A_140 = arith.constant 0 : i32
          %dma_start3A_141 = arith.constant 0 : i32
          %dma_start3A_142 = tpu.memref_slice %arg15[%dma_start3A_140, %dma_start3A_141] : memref<10240x64xf32, #tpu.memory_space<vmem_shared>> -> memref<10240x64xf32, #tpu.memory_space<vmem_shared>>
          tpu.enqueue_indirect_dma source(%arg12 : memref<80x64xf32, #tpu.memory_space<vmem>>) target(%dma_start3A_142 : memref<10240x64xf32, #tpu.memory_space<vmem_shared>>) offsets(%dma_start3A_139 : memref<80xi32, #tpu.memory_space<vmem>>) semaphore(%run_scoped3A : memref<!tpu.dma_semaphore, #tpu.memory_space<semaphore_mem>>) {add = true}
          %dma_wait3A_143 = arith.constant 0 : i32
          %dma_wait3A_144 = tpu.memref_slice %arg9[%add3A_108, %dma_wait3A_143] : memref<252x80xi32, #tpu.memory_space<vmem>> -> memref<1x80xi32, #tpu.memory_space<vmem>>
          %dma_wait3A_145 = tpu.memref_squeeze %dma_wait3A_144 : memref<1x80xi32, #tpu.memory_space<vmem>> -> memref<80xi32, #tpu.memory_space<vmem>>
          %dma_wait3A_146 = arith.constant 0 : i32
          %dma_wait3A_147 = arith.constant 0 : i32
          %dma_wait3A_148 = tpu.memref_slice %arg15[%dma_wait3A_146, %dma_wait3A_147] : memref<10240x64xf32, #tpu.memory_space<vmem_shared>> -> memref<10240x64xf32, #tpu.memory_space<vmem_shared>>
          tpu.wait_indirect_dma semaphore(%run_scoped3A : memref<!tpu.dma_semaphore, #tpu.memory_space<semaphore_mem>>) src(%arg12 : memref<80x64xf32, #tpu.memory_space<vmem>>) dst(%dma_wait3A_148 : memref<10240x64xf32, #tpu.memory_space<vmem_shared>>)
          tpu.yield
        }) : () -> ()
        %add3A_109 = arith.constant 2 : i32
        %add3A_110 = arith.addi %add3A_62, %add3A_109 : i32
        %add3A_111 = arith.constant 4 : i32
        %add3A_112 = arith.addi %add3A_110, %add3A_111 : i32
        %lt3A_113 = arith.constant 252 : i32
        %lt3A_114 = arith.cmpi slt, %add3A_112, %lt3A_113 : i32
        %convert_element_type3A_115 = arith.extui %lt3A_114 : i1 to i32
        %cond3A_116 = arith.constant 0 : i32
        %cond3A_117 = arith.cmpi ne, %convert_element_type3A_115, %cond3A_116 : i32
        scf.if %cond3A_117 {
          %add3A_137 = arith.constant 2 : i32
          %add3A_138 = arith.addi %add3A_62, %add3A_137 : i32
          %add3A_139 = arith.constant 4 : i32
          %add3A_140 = arith.addi %add3A_138, %add3A_139 : i32
          %dma_start3A_141 = arith.constant 0 : i32
          %dma_start3A_142 = tpu.memref_slice %arg8[%add3A_140, %dma_start3A_141] : memref<252x80xi32, #tpu.memory_space<vmem>> -> memref<1x80xi32, #tpu.memory_space<vmem>>
          %dma_start3A_143 = tpu.memref_squeeze %dma_start3A_142 : memref<1x80xi32, #tpu.memory_space<vmem>> -> memref<80xi32, #tpu.memory_space<vmem>>
          %dma_start3A_144 = arith.constant 0 : i32
          %dma_start3A_145 = arith.constant 0 : i32
          %dma_start3A_146 = tpu.memref_slice %arg3[%dma_start3A_144, %dma_start3A_145] : memref<10240x64xf32, #tpu.memory_space<hbm>> -> memref<10240x64xf32, #tpu.memory_space<hbm>>
          tpu.enqueue_indirect_dma source(%dma_start3A_146 : memref<10240x64xf32, #tpu.memory_space<hbm>>) target(%arg12 : memref<80x64xf32, #tpu.memory_space<vmem>>) offsets(%dma_start3A_143 : memref<80xi32, #tpu.memory_space<vmem>>) semaphore(%arg18 : memref<!tpu.dma_semaphore, #tpu.memory_space<semaphore_mem>>)
        } else {
        }
        %add3A_118 = arith.constant 3 : i32
        %add3A_119 = arith.addi %add3A_62, %add3A_118 : i32
        %dma_wait3A_120 = arith.constant 0 : i32
        %dma_wait3A_121 = tpu.memref_slice %arg8[%add3A_119, %dma_wait3A_120] : memref<252x80xi32, #tpu.memory_space<vmem>> -> memref<1x80xi32, #tpu.memory_space<vmem>>
        %dma_wait3A_122 = tpu.memref_squeeze %dma_wait3A_121 : memref<1x80xi32, #tpu.memory_space<vmem>> -> memref<80xi32, #tpu.memory_space<vmem>>
        %dma_wait3A_123 = arith.constant 0 : i32
        %dma_wait3A_124 = arith.constant 0 : i32
        %dma_wait3A_125 = tpu.memref_slice %arg3[%dma_wait3A_123, %dma_wait3A_124] : memref<10240x64xf32, #tpu.memory_space<hbm>> -> memref<10240x64xf32, #tpu.memory_space<hbm>>
        tpu.wait_indirect_dma semaphore(%arg19 : memref<!tpu.dma_semaphore, #tpu.memory_space<semaphore_mem>>) src(%dma_wait3A_125 : memref<10240x64xf32, #tpu.memory_space<hbm>>) dst(%arg13 : memref<80x64xf32, #tpu.memory_space<vmem>>)
        %add3A_126 = arith.constant 3 : i32
        %add3A_127 = arith.addi %add3A_62, %add3A_126 : i32
        "tpu.region"() ({
          %run_scoped3A = tpu.sem_alloc : memref<!tpu.dma_semaphore, #tpu.memory_space<semaphore_mem>>
          %dma_start3A_137 = arith.constant 0 : i32
          %dma_start3A_138 = tpu.memref_slice %arg9[%add3A_127, %dma_start3A_137] : memref<252x80xi32, #tpu.memory_space<vmem>> -> memref<1x80xi32, #tpu.memory_space<vmem>>
          %dma_start3A_139 = tpu.memref_squeeze %dma_start3A_138 : memref<1x80xi32, #tpu.memory_space<vmem>> -> memref<80xi32, #tpu.memory_space<vmem>>
          %dma_start3A_140 = arith.constant 0 : i32
          %dma_start3A_141 = arith.constant 0 : i32
          %dma_start3A_142 = tpu.memref_slice %arg15[%dma_start3A_140, %dma_start3A_141] : memref<10240x64xf32, #tpu.memory_space<vmem_shared>> -> memref<10240x64xf32, #tpu.memory_space<vmem_shared>>
          tpu.enqueue_indirect_dma source(%arg13 : memref<80x64xf32, #tpu.memory_space<vmem>>) target(%dma_start3A_142 : memref<10240x64xf32, #tpu.memory_space<vmem_shared>>) offsets(%dma_start3A_139 : memref<80xi32, #tpu.memory_space<vmem>>) semaphore(%run_scoped3A : memref<!tpu.dma_semaphore, #tpu.memory_space<semaphore_mem>>) {add = true}
          %dma_wait3A_143 = arith.constant 0 : i32
          %dma_wait3A_144 = tpu.memref_slice %arg9[%add3A_127, %dma_wait3A_143] : memref<252x80xi32, #tpu.memory_space<vmem>> -> memref<1x80xi32, #tpu.memory_space<vmem>>
          %dma_wait3A_145 = tpu.memref_squeeze %dma_wait3A_144 : memref<1x80xi32, #tpu.memory_space<vmem>> -> memref<80xi32, #tpu.memory_space<vmem>>
          %dma_wait3A_146 = arith.constant 0 : i32
          %dma_wait3A_147 = arith.constant 0 : i32
          %dma_wait3A_148 = tpu.memref_slice %arg15[%dma_wait3A_146, %dma_wait3A_147] : memref<10240x64xf32, #tpu.memory_space<vmem_shared>> -> memref<10240x64xf32, #tpu.memory_space<vmem_shared>>
          tpu.wait_indirect_dma semaphore(%run_scoped3A : memref<!tpu.dma_semaphore, #tpu.memory_space<semaphore_mem>>) src(%arg13 : memref<80x64xf32, #tpu.memory_space<vmem>>) dst(%dma_wait3A_148 : memref<10240x64xf32, #tpu.memory_space<vmem_shared>>)
          tpu.yield
        }) : () -> ()
        %add3A_128 = arith.constant 3 : i32
        %add3A_129 = arith.addi %add3A_62, %add3A_128 : i32
        %add3A_130 = arith.constant 4 : i32
        %add3A_131 = arith.addi %add3A_129, %add3A_130 : i32
        %lt3A_132 = arith.constant 252 : i32
        %lt3A_133 = arith.cmpi slt, %add3A_131, %lt3A_132 : i32
        %convert_element_type3A_134 = arith.extui %lt3A_133 : i1 to i32
        %cond3A_135 = arith.constant 0 : i32
        %cond3A_136 = arith.cmpi ne, %convert_element_type3A_134, %cond3A_135 : i32
        scf.if %cond3A_136 {
          %add3A_137 = arith.constant 3 : i32
          %add3A_138 = arith.addi %add3A_62, %add3A_137 : i32
          %add3A_139 = arith.constant 4 : i32
          %add3A_140 = arith.addi %add3A_138, %add3A_139 : i32
          %dma_start3A_141 = arith.constant 0 : i32
          %dma_start3A_142 = tpu.memref_slice %arg8[%add3A_140, %dma_start3A_141] : memref<252x80xi32, #tpu.memory_space<vmem>> -> memref<1x80xi32, #tpu.memory_space<vmem>>
          %dma_start3A_143 = tpu.memref_squeeze %dma_start3A_142 : memref<1x80xi32, #tpu.memory_space<vmem>> -> memref<80xi32, #tpu.memory_space<vmem>>
          %dma_start3A_144 = arith.constant 0 : i32
          %dma_start3A_145 = arith.constant 0 : i32
          %dma_start3A_146 = tpu.memref_slice %arg3[%dma_start3A_144, %dma_start3A_145] : memref<10240x64xf32, #tpu.memory_space<hbm>> -> memref<10240x64xf32, #tpu.memory_space<hbm>>
          tpu.enqueue_indirect_dma source(%dma_start3A_146 : memref<10240x64xf32, #tpu.memory_space<hbm>>) target(%arg13 : memref<80x64xf32, #tpu.memory_space<vmem>>) offsets(%dma_start3A_143 : memref<80xi32, #tpu.memory_space<vmem>>) semaphore(%arg19 : memref<!tpu.dma_semaphore, #tpu.memory_space<semaphore_mem>>)
        } else {
        }
      }
      %scan3A_59 = arith.constant 63 : i32
    } else {
    }
    %barrier3A_17 = arith.constant 0 : index
    tpu.barrier barrier_id(%barrier3A_17)
    %eq3A_18 = arith.constant 0 : i32
    %eq3A_19 = arith.cmpi eq, %arg0, %eq3A_18 : i32
    %convert_element_type3A_20 = arith.extui %eq3A_19 : i1 to i32
    %cond3A_21 = arith.constant 0 : i32
    %cond3A_22 = arith.cmpi ne, %convert_element_type3A_20, %cond3A_21 : i32
    scf.if %cond3A_22 {
      %mul3A = arith.constant 640 : i32
      %mul3A_28 = arith.muli %arg1, %mul3A : i32
      %mul3A_29 = arith.constant 640 : i32
      %mul3A_30 = arith.muli %arg1, %mul3A_29 : i32
      "tpu.region"() ({
        %run_scoped3A = tpu.sem_alloc : memref<!tpu.dma_semaphore, #tpu.memory_space<semaphore_mem>>
        %dma_start3A = arith.constant 0 : i32
        %dma_start3A_31 = tpu.memref_slice %arg6[%mul3A_30, %dma_start3A] : memref<10240x64xf32, #tpu.memory_space<hbm>> -> memref<640x64xf32, #tpu.memory_space<hbm>>
        %dma_start3A_32 = arith.constant 0 : i32
        %dma_start3A_33 = tpu.memref_slice %arg15[%mul3A_28, %dma_start3A_32] : memref<10240x64xf32, #tpu.memory_space<vmem_shared>> -> memref<640x64xf32, #tpu.memory_space<vmem_shared>>
        tpu.enqueue_dma source(%dma_start3A_33 : memref<640x64xf32, #tpu.memory_space<vmem_shared>>) target(%dma_start3A_31 : memref<640x64xf32, #tpu.memory_space<hbm>>) target_semaphore(%run_scoped3A : memref<!tpu.dma_semaphore, #tpu.memory_space<semaphore_mem>>)
        %dma_wait3A = arith.constant 0 : i32
        %dma_wait3A_34 = tpu.memref_slice %arg6[%mul3A_30, %dma_wait3A] : memref<10240x64xf32, #tpu.memory_space<hbm>> -> memref<640x64xf32, #tpu.memory_space<hbm>>
        %dma_wait3A_35 = arith.constant 0 : i32
        %dma_wait3A_36 = tpu.memref_slice %arg15[%mul3A_28, %dma_wait3A_35] : memref<10240x64xf32, #tpu.memory_space<vmem_shared>> -> memref<640x64xf32, #tpu.memory_space<vmem_shared>>
        tpu.wait_dma2 semaphore(%run_scoped3A : memref<!tpu.dma_semaphore, #tpu.memory_space<semaphore_mem>>) src(%dma_wait3A_36 : memref<640x64xf32, #tpu.memory_space<vmem_shared>>) dst(%dma_wait3A_34 : memref<640x64xf32, #tpu.memory_space<hbm>>)
        tpu.yield
      }) : () -> ()
    } else {
    }
    %eq3A_23 = arith.constant 1 : i32
    %eq3A_24 = arith.cmpi eq, %arg0, %eq3A_23 : i32
    %convert_element_type3A_25 = arith.extui %eq3A_24 : i1 to i32
    %cond3A_26 = arith.constant 0 : i32
    %cond3A_27 = arith.cmpi ne, %convert_element_type3A_25, %cond3A_26 : i32
    scf.if %cond3A_27 {
      %mul3A = arith.constant 640 : i32
      %mul3A_28 = arith.muli %arg1, %mul3A : i32
      %mul3A_29 = arith.constant 640 : i32
      %mul3A_30 = arith.muli %arg1, %mul3A_29 : i32
      "tpu.region"() ({
        %run_scoped3A = tpu.sem_alloc : memref<!tpu.dma_semaphore, #tpu.memory_space<semaphore_mem>>
        %dma_start3A = arith.constant 0 : i32
        %dma_start3A_31 = tpu.memref_slice %arg7[%mul3A_30, %dma_start3A] : memref<10240x64xf32, #tpu.memory_space<hbm>> -> memref<640x64xf32, #tpu.memory_space<hbm>>
        %dma_start3A_32 = arith.constant 0 : i32
        %dma_start3A_33 = tpu.memref_slice %arg15[%mul3A_28, %dma_start3A_32] : memref<10240x64xf32, #tpu.memory_space<vmem_shared>> -> memref<640x64xf32, #tpu.memory_space<vmem_shared>>
        tpu.enqueue_dma source(%dma_start3A_33 : memref<640x64xf32, #tpu.memory_space<vmem_shared>>) target(%dma_start3A_31 : memref<640x64xf32, #tpu.memory_space<hbm>>) target_semaphore(%run_scoped3A : memref<!tpu.dma_semaphore, #tpu.memory_space<semaphore_mem>>)
        %dma_wait3A = arith.constant 0 : i32
        %dma_wait3A_34 = tpu.memref_slice %arg7[%mul3A_30, %dma_wait3A] : memref<10240x64xf32, #tpu.memory_space<hbm>> -> memref<640x64xf32, #tpu.memory_space<hbm>>
        %dma_wait3A_35 = arith.constant 0 : i32
        %dma_wait3A_36 = tpu.memref_slice %arg15[%mul3A_28, %dma_wait3A_35] : memref<10240x64xf32, #tpu.memory_space<vmem_shared>> -> memref<640x64xf32, #tpu.memory_space<vmem_shared>>
        tpu.wait_dma2 semaphore(%run_scoped3A : memref<!tpu.dma_semaphore, #tpu.memory_space<semaphore_mem>>) src(%dma_wait3A_36 : memref<640x64xf32, #tpu.memory_space<vmem_shared>>) dst(%dma_wait3A_34 : memref<640x64xf32, #tpu.memory_space<hbm>>)
        tpu.yield
      }) : () -> ()
    } else {
    }
    return
  }
}

#map = affine_map<(d0, d1) -> (0, 0)>
#map1 = affine_map<(d0, d1) -> (0, 0, 0)>
module attributes {stable_mosaic.version = 14 : i64} {
  func.func @body(%arg0: i32, %arg1: i32, %arg2: memref<10240x64xf32, #tpu.memory_space<hbm>>, %arg3: memref<10240x64xf32, #tpu.memory_space<hbm>>, %arg4: memref<16x252x80xi32, #tpu.memory_space<hbm>>, %arg5: memref<16x252x80xi32, #tpu.memory_space<hbm>>, %arg6: memref<10240x64xf32, #tpu.memory_space<hbm>>, %arg7: memref<10240x64xf32, #tpu.memory_space<hbm>>, %arg8: memref<252x80xi32, #tpu.memory_space<vmem>>, %arg9: memref<252x80xi32, #tpu.memory_space<vmem>>, %arg10: memref<80x64xf32, #tpu.memory_space<vmem>>, %arg11: memref<80x64xf32, #tpu.memory_space<vmem>>, %arg12: memref<80x64xf32, #tpu.memory_space<vmem>>, %arg13: memref<80x64xf32, #tpu.memory_space<vmem>>, %arg14: memref<128x64xf32, #tpu.memory_space<vmem>>, %arg15: memref<10240x64xf32, #tpu.memory_space<vmem_shared>>, %arg16: memref<!tpu.dma_semaphore, #tpu.memory_space<semaphore_mem>>, %arg17: memref<!tpu.dma_semaphore, #tpu.memory_space<semaphore_mem>>, %arg18: memref<!tpu.dma_semaphore, #tpu.memory_space<semaphore_mem>>, %arg19: memref<!tpu.dma_semaphore, #tpu.memory_space<semaphore_mem>>) attributes {dimension_semantics = [#tpu.dimension_semantics<core_parallel>, #tpu.dimension_semantics<subcore_parallel>], iteration_bounds = array<i64: 2, 16>, scalar_prefetch = 0 : i64, scratch_operands = 12 : i64, tpu.core_type = #tpu.core_type<sc_vector_subcore>, window_params = [{transform_indices = #map}, {transform_indices = #map}, {transform_indices = #map1}, {transform_indices = #map1}, {transform_indices = #map}, {transform_indices = #map}]} {
    %broadcast_in_dim3A = arith.constant 0.000000e+00 : f32
    %broadcast_in_dim3A_0 = vector.broadcast %broadcast_in_dim3A : f32 to vector<16xf32>
    %scan3A = arith.constant 0 : i32
    %scan3A_1 = arith.constant 128 : i32
    %scan3A_2 = arith.addi %scan3A, %scan3A_1 : i32
    %scan3A_3 = arith.constant 1 : i32
    scf.for %scan3A_28 = %scan3A to %scan3A_2 step %scan3A_3  : i32 {
      %mul3A = arith.constant 1 : i32
      %mul3A_29 = arith.muli %scan3A_28, %mul3A : i32
      %add3A = arith.constant 0 : i32
      %add3A_30 = arith.addi %add3A, %mul3A_29 : i32
      %swap3A = arith.index_cast %add3A_30 : i32 to index
      %swap3A_31 = arith.constant 0 : index
      %swap3A_32 = tpu.vector_load %arg14[%swap3A, %swap3A_31] {strides = array<i32>} : memref<128x64xf32, #tpu.memory_space<vmem>>, vector<1x16xf32>,
      %swap3A_33 = vector.shape_cast %swap3A_32 : vector<1x16xf32> to vector<16xf32>
      %swap3A_34 = vector.shape_cast %broadcast_in_dim3A_0 : vector<16xf32> to vector<1x16xf32>
      tpu.vector_store %arg14[%swap3A, %swap3A_31], %swap3A_34 {strides = array<i32>} : memref<128x64xf32, #tpu.memory_space<vmem>>, vector<1x16xf32>,
      %swap3A_35 = arith.index_cast %add3A_30 : i32 to index
      %swap3A_36 = arith.constant 16 : index
      %swap3A_37 = tpu.vector_load %arg14[%swap3A_35, %swap3A_36] {strides = array<i32>} : memref<128x64xf32, #tpu.memory_space<vmem>>, vector<1x16xf32>,
      %swap3A_38 = vector.shape_cast %swap3A_37 : vector<1x16xf32> to vector<16xf32>
      %swap3A_39 = vector.shape_cast %broadcast_in_dim3A_0 : vector<16xf32> to vector<1x16xf32>
      tpu.vector_store %arg14[%swap3A_35, %swap3A_36], %swap3A_39 {strides = array<i32>} : memref<128x64xf32, #tpu.memory_space<vmem>>, vector<1x16xf32>,
      %swap3A_40 = arith.index_cast %add3A_30 : i32 to index
      %swap3A_41 = arith.constant 32 : index
      %swap3A_42 = tpu.vector_load %arg14[%swap3A_40, %swap3A_41] {strides = array<i32>} : memref<128x64xf32, #tpu.memory_space<vmem>>, vector<1x16xf32>,
      %swap3A_43 = vector.shape_cast %swap3A_42 : vector<1x16xf32> to vector<16xf32>
      %swap3A_44 = vector.shape_cast %broadcast_in_dim3A_0 : vector<16xf32> to vector<1x16xf32>
      tpu.vector_store %arg14[%swap3A_40, %swap3A_41], %swap3A_44 {strides = array<i32>} : memref<128x64xf32, #tpu.memory_space<vmem>>, vector<1x16xf32>,
      %swap3A_45 = arith.index_cast %add3A_30 : i32 to index
      %swap3A_46 = arith.constant 48 : index
      %swap3A_47 = tpu.vector_load %arg14[%swap3A_45, %swap3A_46] {strides = array<i32>} : memref<128x64xf32, #tpu.memory_space<vmem>>, vector<1x16xf32>,
      %swap3A_48 = vector.shape_cast %swap3A_47 : vector<1x16xf32> to vector<16xf32>
      %swap3A_49 = vector.shape_cast %broadcast_in_dim3A_0 : vector<16xf32> to vector<1x16xf32>
      tpu.vector_store %arg14[%swap3A_45, %swap3A_46], %swap3A_49 {strides = array<i32>} : memref<128x64xf32, #tpu.memory_space<vmem>>, vector<1x16xf32>,
    }
    %scan3A_4 = arith.constant 128 : i32
    %scan3A_5 = arith.constant 0 : i32
    %scan3A_6 = arith.constant 5 : i32
    %scan3A_7 = arith.addi %scan3A_5, %scan3A_6 : i32
    %scan3A_8 = arith.constant 1 : i32
    scf.for %scan3A_28 = %scan3A_5 to %scan3A_7 step %scan3A_8  : i32 {
      %mul3A = arith.constant 1 : i32
      %mul3A_29 = arith.muli %scan3A_28, %mul3A : i32
      %add3A = arith.constant 0 : i32
      %add3A_30 = arith.addi %add3A, %mul3A_29 : i32
      %mul3A_31 = arith.constant 640 : i32
      %mul3A_32 = arith.muli %arg1, %mul3A_31 : i32
      %mul3A_33 = arith.constant 128 : i32
      %mul3A_34 = arith.muli %add3A_30, %mul3A_33 : i32
      %add3A_35 = arith.addi %mul3A_32, %mul3A_34 : i32
      "tpu.region"() ({
        %run_scoped3A = tpu.sem_alloc : memref<!tpu.dma_semaphore, #tpu.memory_space<semaphore_mem>>
        %dma_start3A = arith.constant 0 : i32
        %dma_start3A_36 = tpu.memref_slice %arg15[%add3A_35, %dma_start3A] : memref<10240x64xf32, #tpu.memory_space<vmem_shared>> -> memref<128x64xf32, #tpu.memory_space<vmem_shared>>
        %dma_start3A_37 = arith.constant 0 : i32
        %dma_start3A_38 = tpu.memref_slice %arg15[%add3A_35, %dma_start3A_37] : memref<10240x64xf32, #tpu.memory_space<vmem_shared>> -> memref<128x64xf32, #tpu.memory_space<vmem_shared>>
        tpu.enqueue_dma source(%arg14 : memref<128x64xf32, #tpu.memory_space<vmem>>) target(%dma_start3A_38 : memref<128x64xf32, #tpu.memory_space<vmem_shared>>) target_semaphore(%run_scoped3A : memref<!tpu.dma_semaphore, #tpu.memory_space<semaphore_mem>>)
        %dma_wait3A = arith.constant 0 : i32
        %dma_wait3A_39 = tpu.memref_slice %arg15[%add3A_35, %dma_wait3A] : memref<10240x64xf32, #tpu.memory_space<vmem_shared>> -> memref<128x64xf32, #tpu.memory_space<vmem_shared>>
        %dma_wait3A_40 = arith.constant 0 : i32
        %dma_wait3A_41 = tpu.memref_slice %arg15[%add3A_35, %dma_wait3A_40] : memref<10240x64xf32, #tpu.memory_space<vmem_shared>> -> memref<128x64xf32, #tpu.memory_space<vmem_shared>>
        tpu.wait_dma2 semaphore(%run_scoped3A : memref<!tpu.dma_semaphore, #tpu.memory_space<semaphore_mem>>) src(%arg14 : memref<128x64xf32, #tpu.memory_space<vmem>>) dst(%dma_wait3A_41 : memref<128x64xf32, #tpu.memory_space<vmem_shared>>)
        tpu.yield
      }) : () -> ()
    }
    %scan3A_9 = arith.constant 5 : i32
    "tpu.region"() ({
      %run_scoped3A = tpu.sem_alloc : memref<!tpu.dma_semaphore, #tpu.memory_space<semaphore_mem>>
      %dma_start3A = arith.constant 0 : i32
      %dma_start3A_28 = arith.constant 0 : i32
      %dma_start3A_29 = tpu.memref_slice %arg4[%arg1, %dma_start3A, %dma_start3A_28] : memref<16x252x80xi32, #tpu.memory_space<hbm>> -> memref<1x252x80xi32, #tpu.memory_space<hbm>>
      %dma_start3A_30 = tpu.memref_squeeze %dma_start3A_29 : memref<1x252x80xi32, #tpu.memory_space<hbm>> -> memref<252x80xi32, #tpu.memory_space<hbm>>
      %dma_start3A_31 = arith.constant 0 : i32
      %dma_start3A_32 = arith.constant 0 : i32
      %dma_start3A_33 = tpu.memref_slice %arg4[%arg1, %dma_start3A_31, %dma_start3A_32] : memref<16x252x80xi32, #tpu.memory_space<hbm>> -> memref<1x252x80xi32, #tpu.memory_space<hbm>>
      %dma_start3A_34 = tpu.memref_squeeze %dma_start3A_33 : memref<1x252x80xi32, #tpu.memory_space<hbm>> -> memref<252x80xi32, #tpu.memory_space<hbm>>
      tpu.enqueue_dma source(%dma_start3A_34 : memref<252x80xi32, #tpu.memory_space<hbm>>) target(%arg8 : memref<252x80xi32, #tpu.memory_space<vmem>>) target_semaphore(%run_scoped3A : memref<!tpu.dma_semaphore, #tpu.memory_space<semaphore_mem>>)
      %dma_wait3A = arith.constant 0 : i32
      %dma_wait3A_35 = arith.constant 0 : i32
      %dma_wait3A_36 = tpu.memref_slice %arg4[%arg1, %dma_wait3A, %dma_wait3A_35] : memref<16x252x80xi32, #tpu.memory_space<hbm>> -> memref<1x252x80xi32, #tpu.memory_space<hbm>>
      %dma_wait3A_37 = tpu.memref_squeeze %dma_wait3A_36 : memref<1x252x80xi32, #tpu.memory_space<hbm>> -> memref<252x80xi32, #tpu.memory_space<hbm>>
      %dma_wait3A_38 = arith.constant 0 : i32
      %dma_wait3A_39 = arith.constant 0 : i32
      %dma_wait3A_40 = tpu.memref_slice %arg4[%arg1, %dma_wait3A_38, %dma_wait3A_39] : memref<16x252x80xi32, #tpu.memory_space<hbm>> -> memref<1x252x80xi32, #tpu.memory_space<hbm>>
      %dma_wait3A_41 = tpu.memref_squeeze %dma_wait3A_40 : memref<1x252x80xi32, #tpu.memory_space<hbm>> -> memref<252x80xi32, #tpu.memory_space<hbm>>
      tpu.wait_dma2 semaphore(%run_scoped3A : memref<!tpu.dma_semaphore, #tpu.memory_space<semaphore_mem>>) src(%dma_wait3A_41 : memref<252x80xi32, #tpu.memory_space<hbm>>) dst(%arg8 : memref<252x80xi32, #tpu.memory_space<vmem>>)
      tpu.yield
    }) : () -> ()
    "tpu.region"() ({
      %run_scoped3A = tpu.sem_alloc : memref<!tpu.dma_semaphore, #tpu.memory_space<semaphore_mem>>
      %dma_start3A = arith.constant 0 : i32
      %dma_start3A_28 = arith.constant 0 : i32
      %dma_start3A_29 = tpu.memref_slice %arg5[%arg1, %dma_start3A, %dma_start3A_28] : memref<16x252x80xi32, #tpu.memory_space<hbm>> -> memref<1x252x80xi32, #tpu.memory_space<hbm>>
      %dma_start3A_30 = tpu.memref_squeeze %dma_start3A_29 : memref<1x252x80xi32, #tpu.memory_space<hbm>> -> memref<252x80xi32, #tpu.memory_space<hbm>>
      %dma_start3A_31 = arith.constant 0 : i32
      %dma_start3A_32 = arith.constant 0 : i32
      %dma_start3A_33 = tpu.memref_slice %arg5[%arg1, %dma_start3A_31, %dma_start3A_32] : memref<16x252x80xi32, #tpu.memory_space<hbm>> -> memref<1x252x80xi32, #tpu.memory_space<hbm>>
      %dma_start3A_34 = tpu.memref_squeeze %dma_start3A_33 : memref<1x252x80xi32, #tpu.memory_space<hbm>> -> memref<252x80xi32, #tpu.memory_space<hbm>>
      tpu.enqueue_dma source(%dma_start3A_34 : memref<252x80xi32, #tpu.memory_space<hbm>>) target(%arg9 : memref<252x80xi32, #tpu.memory_space<vmem>>) target_semaphore(%run_scoped3A : memref<!tpu.dma_semaphore, #tpu.memory_space<semaphore_mem>>)
      %dma_wait3A = arith.constant 0 : i32
      %dma_wait3A_35 = arith.constant 0 : i32
      %dma_wait3A_36 = tpu.memref_slice %arg5[%arg1, %dma_wait3A, %dma_wait3A_35] : memref<16x252x80xi32, #tpu.memory_space<hbm>> -> memref<1x252x80xi32, #tpu.memory_space<hbm>>
      %dma_wait3A_37 = tpu.memref_squeeze %dma_wait3A_36 : memref<1x252x80xi32, #tpu.memory_space<hbm>> -> memref<252x80xi32, #tpu.memory_space<hbm>>
      %dma_wait3A_38 = arith.constant 0 : i32
      %dma_wait3A_39 = arith.constant 0 : i32
      %dma_wait3A_40 = tpu.memref_slice %arg5[%arg1, %dma_wait3A_38, %dma_wait3A_39] : memref<16x252x80xi32, #tpu.memory_space<hbm>> -> memref<1x252x80xi32, #tpu.memory_space<hbm>>
      %dma_wait3A_41 = tpu.memref_squeeze %dma_wait3A_40 : memref<1x252x80xi32, #tpu.memory_space<hbm>> -> memref<252x80xi32, #tpu.memory_space<hbm>>
      tpu.wait_dma2 semaphore(%run_scoped3A : memref<!tpu.dma_semaphore, #tpu.memory_space<semaphore_mem>>) src(%dma_wait3A_41 : memref<252x80xi32, #tpu.memory_space<hbm>>) dst(%arg9 : memref<252x80xi32, #tpu.memory_space<vmem>>)
      tpu.yield
    }) : () -> ()
    %barrier3A = arith.constant 0 : index
    tpu.barrier barrier_id(%barrier3A)
    %eq3A = arith.constant 0 : i32
    %eq3A_10 = arith.cmpi eq, %arg0, %eq3A : i32
    %convert_element_type3A = arith.extui %eq3A_10 : i1 to i32
    %cond3A = arith.constant 0 : i32
    %cond3A_11 = arith.cmpi ne, %convert_element_type3A, %cond3A : i32
    scf.if %cond3A_11 {
      %dma_start3A = arith.constant 0 : i32
      %dma_start3A_28 = arith.constant 0 : i32
      %dma_start3A_29 = tpu.memref_slice %arg8[%dma_start3A, %dma_start3A_28] : memref<252x80xi32, #tpu.memory_space<vmem>> -> memref<1x80xi32, #tpu.memory_space<vmem>>
      %dma_start3A_30 = tpu.memref_squeeze %dma_start3A_29 : memref<1x80xi32, #tpu.memory_space<vmem>> -> memref<80xi32, #tpu.memory_space<vmem>>
      %dma_start3A_31 = arith.constant 0 : i32
      %dma_start3A_32 = arith.constant 0 : i32
      %dma_start3A_33 = tpu.memref_slice %arg2[%dma_start3A_31, %dma_start3A_32] : memref<10240x64xf32, #tpu.memory_space<hbm>> -> memref<10240x64xf32, #tpu.memory_space<hbm>>
      tpu.enqueue_indirect_dma source(%dma_start3A_33 : memref<10240x64xf32, #tpu.memory_space<hbm>>) target(%arg10 : memref<80x64xf32, #tpu.memory_space<vmem>>) offsets(%dma_start3A_30 : memref<80xi32, #tpu.memory_space<vmem>>) semaphore(%arg16 : memref<!tpu.dma_semaphore, #tpu.memory_space<semaphore_mem>>)
      %dma_start3A_34 = arith.constant 1 : i32
      %dma_start3A_35 = arith.constant 0 : i32
      %dma_start3A_36 = tpu.memref_slice %arg8[%dma_start3A_34, %dma_start3A_35] : memref<252x80xi32, #tpu.memory_space<vmem>> -> memref<1x80xi32, #tpu.memory_space<vmem>>
      %dma_start3A_37 = tpu.memref_squeeze %dma_start3A_36 : memref<1x80xi32, #tpu.memory_space<vmem>> -> memref<80xi32, #tpu.memory_space<vmem>>
      %dma_start3A_38 = arith.constant 0 : i32
      %dma_start3A_39 = arith.constant 0 : i32
      %dma_start3A_40 = tpu.memref_slice %arg2[%dma_start3A_38, %dma_start3A_39] : memref<10240x64xf32, #tpu.memory_space<hbm>> -> memref<10240x64xf32, #tpu.memory_space<hbm>>
      tpu.enqueue_indirect_dma source(%dma_start3A_40 : memref<10240x64xf32, #tpu.memory_space<hbm>>) target(%arg11 : memref<80x64xf32, #tpu.memory_space<vmem>>) offsets(%dma_start3A_37 : memref<80xi32, #tpu.memory_space<vmem>>) semaphore(%arg17 : memref<!tpu.dma_semaphore, #tpu.memory_space<semaphore_mem>>)
      %dma_start3A_41 = arith.constant 2 : i32
      %dma_start3A_42 = arith.constant 0 : i32
      %dma_start3A_43 = tpu.memref_slice %arg8[%dma_start3A_41, %dma_start3A_42] : memref<252x80xi32, #tpu.memory_space<vmem>> -> memref<1x80xi32, #tpu.memory_space<vmem>>
      %dma_start3A_44 = tpu.memref_squeeze %dma_start3A_43 : memref<1x80xi32, #tpu.memory_space<vmem>> -> memref<80xi32, #tpu.memory_space<vmem>>
      %dma_start3A_45 = arith.constant 0 : i32
      %dma_start3A_46 = arith.constant 0 : i32
      %dma_start3A_47 = tpu.memref_slice %arg2[%dma_start3A_45, %dma_start3A_46] : memref<10240x64xf32, #tpu.memory_space<hbm>> -> memref<10240x64xf32, #tpu.memory_space<hbm>>
      tpu.enqueue_indirect_dma source(%dma_start3A_47 : memref<10240x64xf32, #tpu.memory_space<hbm>>) target(%arg12 : memref<80x64xf32, #tpu.memory_space<vmem>>) offsets(%dma_start3A_44 : memref<80xi32, #tpu.memory_space<vmem>>) semaphore(%arg18 : memref<!tpu.dma_semaphore, #tpu.memory_space<semaphore_mem>>)
      %dma_start3A_48 = arith.constant 3 : i32
      %dma_start3A_49 = arith.constant 0 : i32
      %dma_start3A_50 = tpu.memref_slice %arg8[%dma_start3A_48, %dma_start3A_49] : memref<252x80xi32, #tpu.memory_space<vmem>> -> memref<1x80xi32, #tpu.memory_space<vmem>>
      %dma_start3A_51 = tpu.memref_squeeze %dma_start3A_50 : memref<1x80xi32, #tpu.memory_space<vmem>> -> memref<80xi32, #tpu.memory_space<vmem>>
      %dma_start3A_52 = arith.constant 0 : i32
      %dma_start3A_53 = arith.constant 0 : i32
      %dma_start3A_54 = tpu.memref_slice %arg2[%dma_start3A_52, %dma_start3A_53] : memref<10240x64xf32, #tpu.memory_space<hbm>> -> memref<10240x64xf32, #tpu.memory_space<hbm>>
      tpu.enqueue_indirect_dma source(%dma_start3A_54 : memref<10240x64xf32, #tpu.memory_space<hbm>>) target(%arg13 : memref<80x64xf32, #tpu.memory_space<vmem>>) offsets(%dma_start3A_51 : memref<80xi32, #tpu.memory_space<vmem>>) semaphore(%arg19 : memref<!tpu.dma_semaphore, #tpu.memory_space<semaphore_mem>>)
      %scan3A_55 = arith.constant 0 : i32
      %scan3A_56 = arith.constant 63 : i32
      %scan3A_57 = arith.addi %scan3A_55, %scan3A_56 : i32
      %scan3A_58 = arith.constant 1 : i32
      scf.for %scan3A_60 = %scan3A_55 to %scan3A_57 step %scan3A_58  : i32 {
        %mul3A = arith.constant 4 : i32
        %mul3A_61 = arith.muli %scan3A_60, %mul3A : i32
        %add3A = arith.constant 0 : i32
        %add3A_62 = arith.addi %add3A, %mul3A_61 : i32
        %add3A_63 = arith.constant 0 : i32
        %add3A_64 = arith.addi %add3A_62, %add3A_63 : i32
        %dma_wait3A = arith.constant 0 : i32
        %dma_wait3A_65 = tpu.memref_slice %arg8[%add3A_64, %dma_wait3A] : memref<252x80xi32, #tpu.memory_space<vmem>> -> memref<1x80xi32, #tpu.memory_space<vmem>>
        %dma_wait3A_66 = tpu.memref_squeeze %dma_wait3A_65 : memref<1x80xi32, #tpu.memory_space<vmem>> -> memref<80xi32, #tpu.memory_space<vmem>>
        %dma_wait3A_67 = arith.constant 0 : i32
        %dma_wait3A_68 = arith.constant 0 : i32
        %dma_wait3A_69 = tpu.memref_slice %arg2[%dma_wait3A_67, %dma_wait3A_68] : memref<10240x64xf32, #tpu.memory_space<hbm>> -> memref<10240x64xf32, #tpu.memory_space<hbm>>
        tpu.wait_indirect_dma semaphore(%arg16 : memref<!tpu.dma_semaphore, #tpu.memory_space<semaphore_mem>>) src(%dma_wait3A_69 : memref<10240x64xf32, #tpu.memory_space<hbm>>) dst(%arg10 : memref<80x64xf32, #tpu.memory_space<vmem>>)
        %add3A_70 = arith.constant 0 : i32
        %add3A_71 = arith.addi %add3A_62, %add3A_70 : i32
        "tpu.region"() ({
          %run_scoped3A = tpu.sem_alloc : memref<!tpu.dma_semaphore, #tpu.memory_space<semaphore_mem>>
          %dma_start3A_137 = arith.constant 0 : i32
          %dma_start3A_138 = tpu.memref_slice %arg9[%add3A_71, %dma_start3A_137] : memref<252x80xi32, #tpu.memory_space<vmem>> -> memref<1x80xi32, #tpu.memory_space<vmem>>
          %dma_start3A_139 = tpu.memref_squeeze %dma_start3A_138 : memref<1x80xi32, #tpu.memory_space<vmem>> -> memref<80xi32, #tpu.memory_space<vmem>>
          %dma_start3A_140 = arith.constant 0 : i32
          %dma_start3A_141 = arith.constant 0 : i32
          %dma_start3A_142 = tpu.memref_slice %arg15[%dma_start3A_140, %dma_start3A_141] : memref<10240x64xf32, #tpu.memory_space<vmem_shared>> -> memref<10240x64xf32, #tpu.memory_space<vmem_shared>>
          tpu.enqueue_indirect_dma source(%arg10 : memref<80x64xf32, #tpu.memory_space<vmem>>) target(%dma_start3A_142 : memref<10240x64xf32, #tpu.memory_space<vmem_shared>>) offsets(%dma_start3A_139 : memref<80xi32, #tpu.memory_space<vmem>>) semaphore(%run_scoped3A : memref<!tpu.dma_semaphore, #tpu.memory_space<semaphore_mem>>) {add = true}
          %dma_wait3A_143 = arith.constant 0 : i32
          %dma_wait3A_144 = tpu.memref_slice %arg9[%add3A_71, %dma_wait3A_143] : memref<252x80xi32, #tpu.memory_space<vmem>> -> memref<1x80xi32, #tpu.memory_space<vmem>>
          %dma_wait3A_145 = tpu.memref_squeeze %dma_wait3A_144 : memref<1x80xi32, #tpu.memory_space<vmem>> -> memref<80xi32, #tpu.memory_space<vmem>>
          %dma_wait3A_146 = arith.constant 0 : i32
          %dma_wait3A_147 = arith.constant 0 : i32
          %dma_wait3A_148 = tpu.memref_slice %arg15[%dma_wait3A_146, %dma_wait3A_147] : memref<10240x64xf32, #tpu.memory_space<vmem_shared>> -> memref<10240x64xf32, #tpu.memory_space<vmem_shared>>
          tpu.wait_indirect_dma semaphore(%run_scoped3A : memref<!tpu.dma_semaphore, #tpu.memory_space<semaphore_mem>>) src(%arg10 : memref<80x64xf32, #tpu.memory_space<vmem>>) dst(%dma_wait3A_148 : memref<10240x64xf32, #tpu.memory_space<vmem_shared>>)
          tpu.yield
        }) : () -> ()
        %add3A_72 = arith.constant 0 : i32
        %add3A_73 = arith.addi %add3A_62, %add3A_72 : i32
        %add3A_74 = arith.constant 4 : i32
        %add3A_75 = arith.addi %add3A_73, %add3A_74 : i32
        %lt3A = arith.constant 252 : i32
        %lt3A_76 = arith.cmpi slt, %add3A_75, %lt3A : i32
        %convert_element_type3A_77 = arith.extui %lt3A_76 : i1 to i32
        %cond3A_78 = arith.constant 0 : i32
        %cond3A_79 = arith.cmpi ne, %convert_element_type3A_77, %cond3A_78 : i32
        scf.if %cond3A_79 {
          %add3A_137 = arith.constant 0 : i32
          %add3A_138 = arith.addi %add3A_62, %add3A_137 : i32
          %add3A_139 = arith.constant 4 : i32
          %add3A_140 = arith.addi %add3A_138, %add3A_139 : i32
          %dma_start3A_141 = arith.constant 0 : i32
          %dma_start3A_142 = tpu.memref_slice %arg8[%add3A_140, %dma_start3A_141] : memref<252x80xi32, #tpu.memory_space<vmem>> -> memref<1x80xi32, #tpu.memory_space<vmem>>
          %dma_start3A_143 = tpu.memref_squeeze %dma_start3A_142 : memref<1x80xi32, #tpu.memory_space<vmem>> -> memref<80xi32, #tpu.memory_space<vmem>>
          %dma_start3A_144 = arith.constant 0 : i32
          %dma_start3A_145 = arith.constant 0 : i32
          %dma_start3A_146 = tpu.memref_slice %arg2[%dma_start3A_144, %dma_start3A_145] : memref<10240x64xf32, #tpu.memory_space<hbm>> -> memref<10240x64xf32, #tpu.memory_space<hbm>>
          tpu.enqueue_indirect_dma source(%dma_start3A_146 : memref<10240x64xf32, #tpu.memory_space<hbm>>) target(%arg10 : memref<80x64xf32, #tpu.memory_space<vmem>>) offsets(%dma_start3A_143 : memref<80xi32, #tpu.memory_space<vmem>>) semaphore(%arg16 : memref<!tpu.dma_semaphore, #tpu.memory_space<semaphore_mem>>)
        } else {
        }
        %add3A_80 = arith.constant 1 : i32
        %add3A_81 = arith.addi %add3A_62, %add3A_80 : i32
        %dma_wait3A_82 = arith.constant 0 : i32
        %dma_wait3A_83 = tpu.memref_slice %arg8[%add3A_81, %dma_wait3A_82] : memref<252x80xi32, #tpu.memory_space<vmem>> -> memref<1x80xi32, #tpu.memory_space<vmem>>
        %dma_wait3A_84 = tpu.memref_squeeze %dma_wait3A_83 : memref<1x80xi32, #tpu.memory_space<vmem>> -> memref<80xi32, #tpu.memory_space<vmem>>
        %dma_wait3A_85 = arith.constant 0 : i32
        %dma_wait3A_86 = arith.constant 0 : i32
        %dma_wait3A_87 = tpu.memref_slice %arg2[%dma_wait3A_85, %dma_wait3A_86] : memref<10240x64xf32, #tpu.memory_space<hbm>> -> memref<10240x64xf32, #tpu.memory_space<hbm>>
        tpu.wait_indirect_dma semaphore(%arg17 : memref<!tpu.dma_semaphore, #tpu.memory_space<semaphore_mem>>) src(%dma_wait3A_87 : memref<10240x64xf32, #tpu.memory_space<hbm>>) dst(%arg11 : memref<80x64xf32, #tpu.memory_space<vmem>>)
        %add3A_88 = arith.constant 1 : i32
        %add3A_89 = arith.addi %add3A_62, %add3A_88 : i32
        "tpu.region"() ({
          %run_scoped3A = tpu.sem_alloc : memref<!tpu.dma_semaphore, #tpu.memory_space<semaphore_mem>>
          %dma_start3A_137 = arith.constant 0 : i32
          %dma_start3A_138 = tpu.memref_slice %arg9[%add3A_89, %dma_start3A_137] : memref<252x80xi32, #tpu.memory_space<vmem>> -> memref<1x80xi32, #tpu.memory_space<vmem>>
          %dma_start3A_139 = tpu.memref_squeeze %dma_start3A_138 : memref<1x80xi32, #tpu.memory_space<vmem>> -> memref<80xi32, #tpu.memory_space<vmem>>
          %dma_start3A_140 = arith.constant 0 : i32
          %dma_start3A_141 = arith.constant 0 : i32
          %dma_start3A_142 = tpu.memref_slice %arg15[%dma_start3A_140, %dma_start3A_141] : memref<10240x64xf32, #tpu.memory_space<vmem_shared>> -> memref<10240x64xf32, #tpu.memory_space<vmem_shared>>
          tpu.enqueue_indirect_dma source(%arg11 : memref<80x64xf32, #tpu.memory_space<vmem>>) target(%dma_start3A_142 : memref<10240x64xf32, #tpu.memory_space<vmem_shared>>) offsets(%dma_start3A_139 : memref<80xi32, #tpu.memory_space<vmem>>) semaphore(%run_scoped3A : memref<!tpu.dma_semaphore, #tpu.memory_space<semaphore_mem>>) {add = true}
          %dma_wait3A_143 = arith.constant 0 : i32
          %dma_wait3A_144 = tpu.memref_slice %arg9[%add3A_89, %dma_wait3A_143] : memref<252x80xi32, #tpu.memory_space<vmem>> -> memref<1x80xi32, #tpu.memory_space<vmem>>
          %dma_wait3A_145 = tpu.memref_squeeze %dma_wait3A_144 : memref<1x80xi32, #tpu.memory_space<vmem>> -> memref<80xi32, #tpu.memory_space<vmem>>
          %dma_wait3A_146 = arith.constant 0 : i32
          %dma_wait3A_147 = arith.constant 0 : i32
          %dma_wait3A_148 = tpu.memref_slice %arg15[%dma_wait3A_146, %dma_wait3A_147] : memref<10240x64xf32, #tpu.memory_space<vmem_shared>> -> memref<10240x64xf32, #tpu.memory_space<vmem_shared>>
          tpu.wait_indirect_dma semaphore(%run_scoped3A : memref<!tpu.dma_semaphore, #tpu.memory_space<semaphore_mem>>) src(%arg11 : memref<80x64xf32, #tpu.memory_space<vmem>>) dst(%dma_wait3A_148 : memref<10240x64xf32, #tpu.memory_space<vmem_shared>>)
          tpu.yield
        }) : () -> ()
        %add3A_90 = arith.constant 1 : i32
        %add3A_91 = arith.addi %add3A_62, %add3A_90 : i32
        %add3A_92 = arith.constant 4 : i32
        %add3A_93 = arith.addi %add3A_91, %add3A_92 : i32
        %lt3A_94 = arith.constant 252 : i32
        %lt3A_95 = arith.cmpi slt, %add3A_93, %lt3A_94 : i32
        %convert_element_type3A_96 = arith.extui %lt3A_95 : i1 to i32
        %cond3A_97 = arith.constant 0 : i32
        %cond3A_98 = arith.cmpi ne, %convert_element_type3A_96, %cond3A_97 : i32
        scf.if %cond3A_98 {
          %add3A_137 = arith.constant 1 : i32
          %add3A_138 = arith.addi %add3A_62, %add3A_137 : i32
          %add3A_139 = arith.constant 4 : i32
          %add3A_140 = arith.addi %add3A_138, %add3A_139 : i32
          %dma_start3A_141 = arith.constant 0 : i32
          %dma_start3A_142 = tpu.memref_slice %arg8[%add3A_140, %dma_start3A_141] : memref<252x80xi32, #tpu.memory_space<vmem>> -> memref<1x80xi32, #tpu.memory_space<vmem>>
          %dma_start3A_143 = tpu.memref_squeeze %dma_start3A_142 : memref<1x80xi32, #tpu.memory_space<vmem>> -> memref<80xi32, #tpu.memory_space<vmem>>
          %dma_start3A_144 = arith.constant 0 : i32
          %dma_start3A_145 = arith.constant 0 : i32
          %dma_start3A_146 = tpu.memref_slice %arg2[%dma_start3A_144, %dma_start3A_145] : memref<10240x64xf32, #tpu.memory_space<hbm>> -> memref<10240x64xf32, #tpu.memory_space<hbm>>
          tpu.enqueue_indirect_dma source(%dma_start3A_146 : memref<10240x64xf32, #tpu.memory_space<hbm>>) target(%arg11 : memref<80x64xf32, #tpu.memory_space<vmem>>) offsets(%dma_start3A_143 : memref<80xi32, #tpu.memory_space<vmem>>) semaphore(%arg17 : memref<!tpu.dma_semaphore, #tpu.memory_space<semaphore_mem>>)
        } else {
        }
        %add3A_99 = arith.constant 2 : i32
        %add3A_100 = arith.addi %add3A_62, %add3A_99 : i32
        %dma_wait3A_101 = arith.constant 0 : i32
        %dma_wait3A_102 = tpu.memref_slice %arg8[%add3A_100, %dma_wait3A_101] : memref<252x80xi32, #tpu.memory_space<vmem>> -> memref<1x80xi32, #tpu.memory_space<vmem>>
        %dma_wait3A_103 = tpu.memref_squeeze %dma_wait3A_102 : memref<1x80xi32, #tpu.memory_space<vmem>> -> memref<80xi32, #tpu.memory_space<vmem>>
        %dma_wait3A_104 = arith.constant 0 : i32
        %dma_wait3A_105 = arith.constant 0 : i32
        %dma_wait3A_106 = tpu.memref_slice %arg2[%dma_wait3A_104, %dma_wait3A_105] : memref<10240x64xf32, #tpu.memory_space<hbm>> -> memref<10240x64xf32, #tpu.memory_space<hbm>>
        tpu.wait_indirect_dma semaphore(%arg18 : memref<!tpu.dma_semaphore, #tpu.memory_space<semaphore_mem>>) src(%dma_wait3A_106 : memref<10240x64xf32, #tpu.memory_space<hbm>>) dst(%arg12 : memref<80x64xf32, #tpu.memory_space<vmem>>)
        %add3A_107 = arith.constant 2 : i32
        %add3A_108 = arith.addi %add3A_62, %add3A_107 : i32
        "tpu.region"() ({
          %run_scoped3A = tpu.sem_alloc : memref<!tpu.dma_semaphore, #tpu.memory_space<semaphore_mem>>
          %dma_start3A_137 = arith.constant 0 : i32
          %dma_start3A_138 = tpu.memref_slice %arg9[%add3A_108, %dma_start3A_137] : memref<252x80xi32, #tpu.memory_space<vmem>> -> memref<1x80xi32, #tpu.memory_space<vmem>>
          %dma_start3A_139 = tpu.memref_squeeze %dma_start3A_138 : memref<1x80xi32, #tpu.memory_space<vmem>> -> memref<80xi32, #tpu.memory_space<vmem>>
          %dma_start3A_140 = arith.constant 0 : i32
          %dma_start3A_141 = arith.constant 0 : i32
          %dma_start3A_142 = tpu.memref_slice %arg15[%dma_start3A_140, %dma_start3A_141] : memref<10240x64xf32, #tpu.memory_space<vmem_shared>> -> memref<10240x64xf32, #tpu.memory_space<vmem_shared>>
          tpu.enqueue_indirect_dma source(%arg12 : memref<80x64xf32, #tpu.memory_space<vmem>>) target(%dma_start3A_142 : memref<10240x64xf32, #tpu.memory_space<vmem_shared>>) offsets(%dma_start3A_139 : memref<80xi32, #tpu.memory_space<vmem>>) semaphore(%run_scoped3A : memref<!tpu.dma_semaphore, #tpu.memory_space<semaphore_mem>>) {add = true}
          %dma_wait3A_143 = arith.constant 0 : i32
          %dma_wait3A_144 = tpu.memref_slice %arg9[%add3A_108, %dma_wait3A_143] : memref<252x80xi32, #tpu.memory_space<vmem>> -> memref<1x80xi32, #tpu.memory_space<vmem>>
          %dma_wait3A_145 = tpu.memref_squeeze %dma_wait3A_144 : memref<1x80xi32, #tpu.memory_space<vmem>> -> memref<80xi32, #tpu.memory_space<vmem>>
          %dma_wait3A_146 = arith.constant 0 : i32
          %dma_wait3A_147 = arith.constant 0 : i32
          %dma_wait3A_148 = tpu.memref_slice %arg15[%dma_wait3A_146, %dma_wait3A_147] : memref<10240x64xf32, #tpu.memory_space<vmem_shared>> -> memref<10240x64xf32, #tpu.memory_space<vmem_shared>>
          tpu.wait_indirect_dma semaphore(%run_scoped3A : memref<!tpu.dma_semaphore, #tpu.memory_space<semaphore_mem>>) src(%arg12 : memref<80x64xf32, #tpu.memory_space<vmem>>) dst(%dma_wait3A_148 : memref<10240x64xf32, #tpu.memory_space<vmem_shared>>)
          tpu.yield
        }) : () -> ()
        %add3A_109 = arith.constant 2 : i32
        %add3A_110 = arith.addi %add3A_62, %add3A_109 : i32
        %add3A_111 = arith.constant 4 : i32
        %add3A_112 = arith.addi %add3A_110, %add3A_111 : i32
        %lt3A_113 = arith.constant 252 : i32
        %lt3A_114 = arith.cmpi slt, %add3A_112, %lt3A_113 : i32
        %convert_element_type3A_115 = arith.extui %lt3A_114 : i1 to i32
        %cond3A_116 = arith.constant 0 : i32
        %cond3A_117 = arith.cmpi ne, %convert_element_type3A_115, %cond3A_116 : i32
        scf.if %cond3A_117 {
          %add3A_137 = arith.constant 2 : i32
          %add3A_138 = arith.addi %add3A_62, %add3A_137 : i32
          %add3A_139 = arith.constant 4 : i32
          %add3A_140 = arith.addi %add3A_138, %add3A_139 : i32
          %dma_start3A_141 = arith.constant 0 : i32
          %dma_start3A_142 = tpu.memref_slice %arg8[%add3A_140, %dma_start3A_141] : memref<252x80xi32, #tpu.memory_space<vmem>> -> memref<1x80xi32, #tpu.memory_space<vmem>>
          %dma_start3A_143 = tpu.memref_squeeze %dma_start3A_142 : memref<1x80xi32, #tpu.memory_space<vmem>> -> memref<80xi32, #tpu.memory_space<vmem>>
          %dma_start3A_144 = arith.constant 0 : i32
          %dma_start3A_145 = arith.constant 0 : i32
          %dma_start3A_146 = tpu.memref_slice %arg2[%dma_start3A_144, %dma_start3A_145] : memref<10240x64xf32, #tpu.memory_space<hbm>> -> memref<10240x64xf32, #tpu.memory_space<hbm>>
          tpu.enqueue_indirect_dma source(%dma_start3A_146 : memref<10240x64xf32, #tpu.memory_space<hbm>>) target(%arg12 : memref<80x64xf32, #tpu.memory_space<vmem>>) offsets(%dma_start3A_143 : memref<80xi32, #tpu.memory_space<vmem>>) semaphore(%arg18 : memref<!tpu.dma_semaphore, #tpu.memory_space<semaphore_mem>>)
        } else {
        }
        %add3A_118 = arith.constant 3 : i32
        %add3A_119 = arith.addi %add3A_62, %add3A_118 : i32
        %dma_wait3A_120 = arith.constant 0 : i32
        %dma_wait3A_121 = tpu.memref_slice %arg8[%add3A_119, %dma_wait3A_120] : memref<252x80xi32, #tpu.memory_space<vmem>> -> memref<1x80xi32, #tpu.memory_space<vmem>>
        %dma_wait3A_122 = tpu.memref_squeeze %dma_wait3A_121 : memref<1x80xi32, #tpu.memory_space<vmem>> -> memref<80xi32, #tpu.memory_space<vmem>>
        %dma_wait3A_123 = arith.constant 0 : i32
        %dma_wait3A_124 = arith.constant 0 : i32
        %dma_wait3A_125 = tpu.memref_slice %arg2[%dma_wait3A_123, %dma_wait3A_124] : memref<10240x64xf32, #tpu.memory_space<hbm>> -> memref<10240x64xf32, #tpu.memory_space<hbm>>
        tpu.wait_indirect_dma semaphore(%arg19 : memref<!tpu.dma_semaphore, #tpu.memory_space<semaphore_mem>>) src(%dma_wait3A_125 : memref<10240x64xf32, #tpu.memory_space<hbm>>) dst(%arg13 : memref<80x64xf32, #tpu.memory_space<vmem>>)
        %add3A_126 = arith.constant 3 : i32
        %add3A_127 = arith.addi %add3A_62, %add3A_126 : i32
        "tpu.region"() ({
          %run_scoped3A = tpu.sem_alloc : memref<!tpu.dma_semaphore, #tpu.memory_space<semaphore_mem>>
          %dma_start3A_137 = arith.constant 0 : i32
          %dma_start3A_138 = tpu.memref_slice %arg9[%add3A_127, %dma_start3A_137] : memref<252x80xi32, #tpu.memory_space<vmem>> -> memref<1x80xi32, #tpu.memory_space<vmem>>
          %dma_start3A_139 = tpu.memref_squeeze %dma_start3A_138 : memref<1x80xi32, #tpu.memory_space<vmem>> -> memref<80xi32, #tpu.memory_space<vmem>>
          %dma_start3A_140 = arith.constant 0 : i32
          %dma_start3A_141 = arith.constant 0 : i32
          %dma_start3A_142 = tpu.memref_slice %arg15[%dma_start3A_140, %dma_start3A_141] : memref<10240x64xf32, #tpu.memory_space<vmem_shared>> -> memref<10240x64xf32, #tpu.memory_space<vmem_shared>>
          tpu.enqueue_indirect_dma source(%arg13 : memref<80x64xf32, #tpu.memory_space<vmem>>) target(%dma_start3A_142 : memref<10240x64xf32, #tpu.memory_space<vmem_shared>>) offsets(%dma_start3A_139 : memref<80xi32, #tpu.memory_space<vmem>>) semaphore(%run_scoped3A : memref<!tpu.dma_semaphore, #tpu.memory_space<semaphore_mem>>) {add = true}
          %dma_wait3A_143 = arith.constant 0 : i32
          %dma_wait3A_144 = tpu.memref_slice %arg9[%add3A_127, %dma_wait3A_143] : memref<252x80xi32, #tpu.memory_space<vmem>> -> memref<1x80xi32, #tpu.memory_space<vmem>>
          %dma_wait3A_145 = tpu.memref_squeeze %dma_wait3A_144 : memref<1x80xi32, #tpu.memory_space<vmem>> -> memref<80xi32, #tpu.memory_space<vmem>>
          %dma_wait3A_146 = arith.constant 0 : i32
          %dma_wait3A_147 = arith.constant 0 : i32
          %dma_wait3A_148 = tpu.memref_slice %arg15[%dma_wait3A_146, %dma_wait3A_147] : memref<10240x64xf32, #tpu.memory_space<vmem_shared>> -> memref<10240x64xf32, #tpu.memory_space<vmem_shared>>
          tpu.wait_indirect_dma semaphore(%run_scoped3A : memref<!tpu.dma_semaphore, #tpu.memory_space<semaphore_mem>>) src(%arg13 : memref<80x64xf32, #tpu.memory_space<vmem>>) dst(%dma_wait3A_148 : memref<10240x64xf32, #tpu.memory_space<vmem_shared>>)
          tpu.yield
        }) : () -> ()
        %add3A_128 = arith.constant 3 : i32
        %add3A_129 = arith.addi %add3A_62, %add3A_128 : i32
        %add3A_130 = arith.constant 4 : i32
        %add3A_131 = arith.addi %add3A_129, %add3A_130 : i32
        %lt3A_132 = arith.constant 252 : i32
        %lt3A_133 = arith.cmpi slt, %add3A_131, %lt3A_132 : i32
        %convert_element_type3A_134 = arith.extui %lt3A_133 : i1 to i32
        %cond3A_135 = arith.constant 0 : i32
        %cond3A_136 = arith.cmpi ne, %convert_element_type3A_134, %cond3A_135 : i32
        scf.if %cond3A_136 {
          %add3A_137 = arith.constant 3 : i32
          %add3A_138 = arith.addi %add3A_62, %add3A_137 : i32
          %add3A_139 = arith.constant 4 : i32
          %add3A_140 = arith.addi %add3A_138, %add3A_139 : i32
          %dma_start3A_141 = arith.constant 0 : i32
          %dma_start3A_142 = tpu.memref_slice %arg8[%add3A_140, %dma_start3A_141] : memref<252x80xi32, #tpu.memory_space<vmem>> -> memref<1x80xi32, #tpu.memory_space<vmem>>
          %dma_start3A_143 = tpu.memref_squeeze %dma_start3A_142 : memref<1x80xi32, #tpu.memory_space<vmem>> -> memref<80xi32, #tpu.memory_space<vmem>>
          %dma_start3A_144 = arith.constant 0 : i32
          %dma_start3A_145 = arith.constant 0 : i32
          %dma_start3A_146 = tpu.memref_slice %arg2[%dma_start3A_144, %dma_start3A_145] : memref<10240x64xf32, #tpu.memory_space<hbm>> -> memref<10240x64xf32, #tpu.memory_space<hbm>>
          tpu.enqueue_indirect_dma source(%dma_start3A_146 : memref<10240x64xf32, #tpu.memory_space<hbm>>) target(%arg13 : memref<80x64xf32, #tpu.memory_space<vmem>>) offsets(%dma_start3A_143 : memref<80xi32, #tpu.memory_space<vmem>>) semaphore(%arg19 : memref<!tpu.dma_semaphore, #tpu.memory_space<semaphore_mem>>)
        } else {
        }
      }
      %scan3A_59 = arith.constant 63 : i32
    } else {
    }
    %eq3A_12 = arith.constant 1 : i32
    %eq3A_13 = arith.cmpi eq, %arg0, %eq3A_12 : i32
    %convert_element_type3A_14 = arith.extui %eq3A_13 : i1 to i32
    %cond3A_15 = arith.constant 0 : i32
    %cond3A_16 = arith.cmpi ne, %convert_element_type3A_14, %cond3A_15 : i32
    scf.if %cond3A_16 {
      %dma_start3A = arith.constant 0 : i32
      %dma_start3A_28 = arith.constant 0 : i32
      %dma_start3A_29 = tpu.memref_slice %arg8[%dma_start3A, %dma_start3A_28] : memref<252x80xi32, #tpu.memory_space<vmem>> -> memref<1x80xi32, #tpu.memory_space<vmem>>
      %dma_start3A_30 = tpu.memref_squeeze %dma_start3A_29 : memref<1x80xi32, #tpu.memory_space<vmem>> -> memref<80xi32, #tpu.memory_space<vmem>>
      %dma_start3A_31 = arith.constant 0 : i32
      %dma_start3A_32 = arith.constant 0 : i32
      %dma_start3A_33 = tpu.memref_slice %arg3[%dma_start3A_31, %dma_start3A_32] : memref<10240x64xf32, #tpu.memory_space<hbm>> -> memref<10240x64xf32, #tpu.memory_space<hbm>>
      tpu.enqueue_indirect_dma source(%dma_start3A_33 : memref<10240x64xf32, #tpu.memory_space<hbm>>) target(%arg10 : memref<80x64xf32, #tpu.memory_space<vmem>>) offsets(%dma_start3A_30 : memref<80xi32, #tpu.memory_space<vmem>>) semaphore(%arg16 : memref<!tpu.dma_semaphore, #tpu.memory_space<semaphore_mem>>)
      %dma_start3A_34 = arith.constant 1 : i32
      %dma_start3A_35 = arith.constant 0 : i32
      %dma_start3A_36 = tpu.memref_slice %arg8[%dma_start3A_34, %dma_start3A_35] : memref<252x80xi32, #tpu.memory_space<vmem>> -> memref<1x80xi32, #tpu.memory_space<vmem>>
      %dma_start3A_37 = tpu.memref_squeeze %dma_start3A_36 : memref<1x80xi32, #tpu.memory_space<vmem>> -> memref<80xi32, #tpu.memory_space<vmem>>
      %dma_start3A_38 = arith.constant 0 : i32
      %dma_start3A_39 = arith.constant 0 : i32
      %dma_start3A_40 = tpu.memref_slice %arg3[%dma_start3A_38, %dma_start3A_39] : memref<10240x64xf32, #tpu.memory_space<hbm>> -> memref<10240x64xf32, #tpu.memory_space<hbm>>
      tpu.enqueue_indirect_dma source(%dma_start3A_40 : memref<10240x64xf32, #tpu.memory_space<hbm>>) target(%arg11 : memref<80x64xf32, #tpu.memory_space<vmem>>) offsets(%dma_start3A_37 : memref<80xi32, #tpu.memory_space<vmem>>) semaphore(%arg17 : memref<!tpu.dma_semaphore, #tpu.memory_space<semaphore_mem>>)
      %dma_start3A_41 = arith.constant 2 : i32
      %dma_start3A_42 = arith.constant 0 : i32
      %dma_start3A_43 = tpu.memref_slice %arg8[%dma_start3A_41, %dma_start3A_42] : memref<252x80xi32, #tpu.memory_space<vmem>> -> memref<1x80xi32, #tpu.memory_space<vmem>>
      %dma_start3A_44 = tpu.memref_squeeze %dma_start3A_43 : memref<1x80xi32, #tpu.memory_space<vmem>> -> memref<80xi32, #tpu.memory_space<vmem>>
      %dma_start3A_45 = arith.constant 0 : i32
      %dma_start3A_46 = arith.constant 0 : i32
      %dma_start3A_47 = tpu.memref_slice %arg3[%dma_start3A_45, %dma_start3A_46] : memref<10240x64xf32, #tpu.memory_space<hbm>> -> memref<10240x64xf32, #tpu.memory_space<hbm>>
      tpu.enqueue_indirect_dma source(%dma_start3A_47 : memref<10240x64xf32, #tpu.memory_space<hbm>>) target(%arg12 : memref<80x64xf32, #tpu.memory_space<vmem>>) offsets(%dma_start3A_44 : memref<80xi32, #tpu.memory_space<vmem>>) semaphore(%arg18 : memref<!tpu.dma_semaphore, #tpu.memory_space<semaphore_mem>>)
      %dma_start3A_48 = arith.constant 3 : i32
      %dma_start3A_49 = arith.constant 0 : i32
      %dma_start3A_50 = tpu.memref_slice %arg8[%dma_start3A_48, %dma_start3A_49] : memref<252x80xi32, #tpu.memory_space<vmem>> -> memref<1x80xi32, #tpu.memory_space<vmem>>
      %dma_start3A_51 = tpu.memref_squeeze %dma_start3A_50 : memref<1x80xi32, #tpu.memory_space<vmem>> -> memref<80xi32, #tpu.memory_space<vmem>>
      %dma_start3A_52 = arith.constant 0 : i32
      %dma_start3A_53 = arith.constant 0 : i32
      %dma_start3A_54 = tpu.memref_slice %arg3[%dma_start3A_52, %dma_start3A_53] : memref<10240x64xf32, #tpu.memory_space<hbm>> -> memref<10240x64xf32, #tpu.memory_space<hbm>>
      tpu.enqueue_indirect_dma source(%dma_start3A_54 : memref<10240x64xf32, #tpu.memory_space<hbm>>) target(%arg13 : memref<80x64xf32, #tpu.memory_space<vmem>>) offsets(%dma_start3A_51 : memref<80xi32, #tpu.memory_space<vmem>>) semaphore(%arg19 : memref<!tpu.dma_semaphore, #tpu.memory_space<semaphore_mem>>)
      %scan3A_55 = arith.constant 0 : i32
      %scan3A_56 = arith.constant 63 : i32
      %scan3A_57 = arith.addi %scan3A_55, %scan3A_56 : i32
      %scan3A_58 = arith.constant 1 : i32
      scf.for %scan3A_60 = %scan3A_55 to %scan3A_57 step %scan3A_58  : i32 {
        %mul3A = arith.constant 4 : i32
        %mul3A_61 = arith.muli %scan3A_60, %mul3A : i32
        %add3A = arith.constant 0 : i32
        %add3A_62 = arith.addi %add3A, %mul3A_61 : i32
        %add3A_63 = arith.constant 0 : i32
        %add3A_64 = arith.addi %add3A_62, %add3A_63 : i32
        %dma_wait3A = arith.constant 0 : i32
        %dma_wait3A_65 = tpu.memref_slice %arg8[%add3A_64, %dma_wait3A] : memref<252x80xi32, #tpu.memory_space<vmem>> -> memref<1x80xi32, #tpu.memory_space<vmem>>
        %dma_wait3A_66 = tpu.memref_squeeze %dma_wait3A_65 : memref<1x80xi32, #tpu.memory_space<vmem>> -> memref<80xi32, #tpu.memory_space<vmem>>
        %dma_wait3A_67 = arith.constant 0 : i32
        %dma_wait3A_68 = arith.constant 0 : i32
        %dma_wait3A_69 = tpu.memref_slice %arg3[%dma_wait3A_67, %dma_wait3A_68] : memref<10240x64xf32, #tpu.memory_space<hbm>> -> memref<10240x64xf32, #tpu.memory_space<hbm>>
        tpu.wait_indirect_dma semaphore(%arg16 : memref<!tpu.dma_semaphore, #tpu.memory_space<semaphore_mem>>) src(%dma_wait3A_69 : memref<10240x64xf32, #tpu.memory_space<hbm>>) dst(%arg10 : memref<80x64xf32, #tpu.memory_space<vmem>>)
        %add3A_70 = arith.constant 0 : i32
        %add3A_71 = arith.addi %add3A_62, %add3A_70 : i32
        "tpu.region"() ({
          %run_scoped3A = tpu.sem_alloc : memref<!tpu.dma_semaphore, #tpu.memory_space<semaphore_mem>>
          %dma_start3A_137 = arith.constant 0 : i32
          %dma_start3A_138 = tpu.memref_slice %arg9[%add3A_71, %dma_start3A_137] : memref<252x80xi32, #tpu.memory_space<vmem>> -> memref<1x80xi32, #tpu.memory_space<vmem>>
          %dma_start3A_139 = tpu.memref_squeeze %dma_start3A_138 : memref<1x80xi32, #tpu.memory_space<vmem>> -> memref<80xi32, #tpu.memory_space<vmem>>
          %dma_start3A_140 = arith.constant 0 : i32
          %dma_start3A_141 = arith.constant 0 : i32
          %dma_start3A_142 = tpu.memref_slice %arg15[%dma_start3A_140, %dma_start3A_141] : memref<10240x64xf32, #tpu.memory_space<vmem_shared>> -> memref<10240x64xf32, #tpu.memory_space<vmem_shared>>
          tpu.enqueue_indirect_dma source(%arg10 : memref<80x64xf32, #tpu.memory_space<vmem>>) target(%dma_start3A_142 : memref<10240x64xf32, #tpu.memory_space<vmem_shared>>) offsets(%dma_start3A_139 : memref<80xi32, #tpu.memory_space<vmem>>) semaphore(%run_scoped3A : memref<!tpu.dma_semaphore, #tpu.memory_space<semaphore_mem>>) {add = true}
          %dma_wait3A_143 = arith.constant 0 : i32
          %dma_wait3A_144 = tpu.memref_slice %arg9[%add3A_71, %dma_wait3A_143] : memref<252x80xi32, #tpu.memory_space<vmem>> -> memref<1x80xi32, #tpu.memory_space<vmem>>
          %dma_wait3A_145 = tpu.memref_squeeze %dma_wait3A_144 : memref<1x80xi32, #tpu.memory_space<vmem>> -> memref<80xi32, #tpu.memory_space<vmem>>
          %dma_wait3A_146 = arith.constant 0 : i32
          %dma_wait3A_147 = arith.constant 0 : i32
          %dma_wait3A_148 = tpu.memref_slice %arg15[%dma_wait3A_146, %dma_wait3A_147] : memref<10240x64xf32, #tpu.memory_space<vmem_shared>> -> memref<10240x64xf32, #tpu.memory_space<vmem_shared>>
          tpu.wait_indirect_dma semaphore(%run_scoped3A : memref<!tpu.dma_semaphore, #tpu.memory_space<semaphore_mem>>) src(%arg10 : memref<80x64xf32, #tpu.memory_space<vmem>>) dst(%dma_wait3A_148 : memref<10240x64xf32, #tpu.memory_space<vmem_shared>>)
          tpu.yield
        }) : () -> ()
        %add3A_72 = arith.constant 0 : i32
        %add3A_73 = arith.addi %add3A_62, %add3A_72 : i32
        %add3A_74 = arith.constant 4 : i32
        %add3A_75 = arith.addi %add3A_73, %add3A_74 : i32
        %lt3A = arith.constant 252 : i32
        %lt3A_76 = arith.cmpi slt, %add3A_75, %lt3A : i32
        %convert_element_type3A_77 = arith.extui %lt3A_76 : i1 to i32
        %cond3A_78 = arith.constant 0 : i32
        %cond3A_79 = arith.cmpi ne, %convert_element_type3A_77, %cond3A_78 : i32
        scf.if %cond3A_79 {
          %add3A_137 = arith.constant 0 : i32
          %add3A_138 = arith.addi %add3A_62, %add3A_137 : i32
          %add3A_139 = arith.constant 4 : i32
          %add3A_140 = arith.addi %add3A_138, %add3A_139 : i32
          %dma_start3A_141 = arith.constant 0 : i32
          %dma_start3A_142 = tpu.memref_slice %arg8[%add3A_140, %dma_start3A_141] : memref<252x80xi32, #tpu.memory_space<vmem>> -> memref<1x80xi32, #tpu.memory_space<vmem>>
          %dma_start3A_143 = tpu.memref_squeeze %dma_start3A_142 : memref<1x80xi32, #tpu.memory_space<vmem>> -> memref<80xi32, #tpu.memory_space<vmem>>
          %dma_start3A_144 = arith.constant 0 : i32
          %dma_start3A_145 = arith.constant 0 : i32
          %dma_start3A_146 = tpu.memref_slice %arg3[%dma_start3A_144, %dma_start3A_145] : memref<10240x64xf32, #tpu.memory_space<hbm>> -> memref<10240x64xf32, #tpu.memory_space<hbm>>
          tpu.enqueue_indirect_dma source(%dma_start3A_146 : memref<10240x64xf32, #tpu.memory_space<hbm>>) target(%arg10 : memref<80x64xf32, #tpu.memory_space<vmem>>) offsets(%dma_start3A_143 : memref<80xi32, #tpu.memory_space<vmem>>) semaphore(%arg16 : memref<!tpu.dma_semaphore, #tpu.memory_space<semaphore_mem>>)
        } else {
        }
        %add3A_80 = arith.constant 1 : i32
        %add3A_81 = arith.addi %add3A_62, %add3A_80 : i32
        %dma_wait3A_82 = arith.constant 0 : i32
        %dma_wait3A_83 = tpu.memref_slice %arg8[%add3A_81, %dma_wait3A_82] : memref<252x80xi32, #tpu.memory_space<vmem>> -> memref<1x80xi32, #tpu.memory_space<vmem>>
        %dma_wait3A_84 = tpu.memref_squeeze %dma_wait3A_83 : memref<1x80xi32, #tpu.memory_space<vmem>> -> memref<80xi32, #tpu.memory_space<vmem>>
        %dma_wait3A_85 = arith.constant 0 : i32
        %dma_wait3A_86 = arith.constant 0 : i32
        %dma_wait3A_87 = tpu.memref_slice %arg3[%dma_wait3A_85, %dma_wait3A_86] : memref<10240x64xf32, #tpu.memory_space<hbm>> -> memref<10240x64xf32, #tpu.memory_space<hbm>>
        tpu.wait_indirect_dma semaphore(%arg17 : memref<!tpu.dma_semaphore, #tpu.memory_space<semaphore_mem>>) src(%dma_wait3A_87 : memref<10240x64xf32, #tpu.memory_space<hbm>>) dst(%arg11 : memref<80x64xf32, #tpu.memory_space<vmem>>)
        %add3A_88 = arith.constant 1 : i32
        %add3A_89 = arith.addi %add3A_62, %add3A_88 : i32
        "tpu.region"() ({
          %run_scoped3A = tpu.sem_alloc : memref<!tpu.dma_semaphore, #tpu.memory_space<semaphore_mem>>
          %dma_start3A_137 = arith.constant 0 : i32
          %dma_start3A_138 = tpu.memref_slice %arg9[%add3A_89, %dma_start3A_137] : memref<252x80xi32, #tpu.memory_space<vmem>> -> memref<1x80xi32, #tpu.memory_space<vmem>>
          %dma_start3A_139 = tpu.memref_squeeze %dma_start3A_138 : memref<1x80xi32, #tpu.memory_space<vmem>> -> memref<80xi32, #tpu.memory_space<vmem>>
          %dma_start3A_140 = arith.constant 0 : i32
          %dma_start3A_141 = arith.constant 0 : i32
          %dma_start3A_142 = tpu.memref_slice %arg15[%dma_start3A_140, %dma_start3A_141] : memref<10240x64xf32, #tpu.memory_space<vmem_shared>> -> memref<10240x64xf32, #tpu.memory_space<vmem_shared>>
          tpu.enqueue_indirect_dma source(%arg11 : memref<80x64xf32, #tpu.memory_space<vmem>>) target(%dma_start3A_142 : memref<10240x64xf32, #tpu.memory_space<vmem_shared>>) offsets(%dma_start3A_139 : memref<80xi32, #tpu.memory_space<vmem>>) semaphore(%run_scoped3A : memref<!tpu.dma_semaphore, #tpu.memory_space<semaphore_mem>>) {add = true}
          %dma_wait3A_143 = arith.constant 0 : i32
          %dma_wait3A_144 = tpu.memref_slice %arg9[%add3A_89, %dma_wait3A_143] : memref<252x80xi32, #tpu.memory_space<vmem>> -> memref<1x80xi32, #tpu.memory_space<vmem>>
          %dma_wait3A_145 = tpu.memref_squeeze %dma_wait3A_144 : memref<1x80xi32, #tpu.memory_space<vmem>> -> memref<80xi32, #tpu.memory_space<vmem>>
          %dma_wait3A_146 = arith.constant 0 : i32
          %dma_wait3A_147 = arith.constant 0 : i32
          %dma_wait3A_148 = tpu.memref_slice %arg15[%dma_wait3A_146, %dma_wait3A_147] : memref<10240x64xf32, #tpu.memory_space<vmem_shared>> -> memref<10240x64xf32, #tpu.memory_space<vmem_shared>>
          tpu.wait_indirect_dma semaphore(%run_scoped3A : memref<!tpu.dma_semaphore, #tpu.memory_space<semaphore_mem>>) src(%arg11 : memref<80x64xf32, #tpu.memory_space<vmem>>) dst(%dma_wait3A_148 : memref<10240x64xf32, #tpu.memory_space<vmem_shared>>)
          tpu.yield
        }) : () -> ()
        %add3A_90 = arith.constant 1 : i32
        %add3A_91 = arith.addi %add3A_62, %add3A_90 : i32
        %add3A_92 = arith.constant 4 : i32
        %add3A_93 = arith.addi %add3A_91, %add3A_92 : i32
        %lt3A_94 = arith.constant 252 : i32
        %lt3A_95 = arith.cmpi slt, %add3A_93, %lt3A_94 : i32
        %convert_element_type3A_96 = arith.extui %lt3A_95 : i1 to i32
        %cond3A_97 = arith.constant 0 : i32
        %cond3A_98 = arith.cmpi ne, %convert_element_type3A_96, %cond3A_97 : i32
        scf.if %cond3A_98 {
          %add3A_137 = arith.constant 1 : i32
          %add3A_138 = arith.addi %add3A_62, %add3A_137 : i32
          %add3A_139 = arith.constant 4 : i32
          %add3A_140 = arith.addi %add3A_138, %add3A_139 : i32
          %dma_start3A_141 = arith.constant 0 : i32
          %dma_start3A_142 = tpu.memref_slice %arg8[%add3A_140, %dma_start3A_141] : memref<252x80xi32, #tpu.memory_space<vmem>> -> memref<1x80xi32, #tpu.memory_space<vmem>>
          %dma_start3A_143 = tpu.memref_squeeze %dma_start3A_142 : memref<1x80xi32, #tpu.memory_space<vmem>> -> memref<80xi32, #tpu.memory_space<vmem>>
          %dma_start3A_144 = arith.constant 0 : i32
          %dma_start3A_145 = arith.constant 0 : i32
          %dma_start3A_146 = tpu.memref_slice %arg3[%dma_start3A_144, %dma_start3A_145] : memref<10240x64xf32, #tpu.memory_space<hbm>> -> memref<10240x64xf32, #tpu.memory_space<hbm>>
          tpu.enqueue_indirect_dma source(%dma_start3A_146 : memref<10240x64xf32, #tpu.memory_space<hbm>>) target(%arg11 : memref<80x64xf32, #tpu.memory_space<vmem>>) offsets(%dma_start3A_143 : memref<80xi32, #tpu.memory_space<vmem>>) semaphore(%arg17 : memref<!tpu.dma_semaphore, #tpu.memory_space<semaphore_mem>>)
        } else {
        }
        %add3A_99 = arith.constant 2 : i32
        %add3A_100 = arith.addi %add3A_62, %add3A_99 : i32
        %dma_wait3A_101 = arith.constant 0 : i32
        %dma_wait3A_102 = tpu.memref_slice %arg8[%add3A_100, %dma_wait3A_101] : memref<252x80xi32, #tpu.memory_space<vmem>> -> memref<1x80xi32, #tpu.memory_space<vmem>>
        %dma_wait3A_103 = tpu.memref_squeeze %dma_wait3A_102 : memref<1x80xi32, #tpu.memory_space<vmem>> -> memref<80xi32, #tpu.memory_space<vmem>>
        %dma_wait3A_104 = arith.constant 0 : i32
        %dma_wait3A_105 = arith.constant 0 : i32
        %dma_wait3A_106 = tpu.memref_slice %arg3[%dma_wait3A_104, %dma_wait3A_105] : memref<10240x64xf32, #tpu.memory_space<hbm>> -> memref<10240x64xf32, #tpu.memory_space<hbm>>
        tpu.wait_indirect_dma semaphore(%arg18 : memref<!tpu.dma_semaphore, #tpu.memory_space<semaphore_mem>>) src(%dma_wait3A_106 : memref<10240x64xf32, #tpu.memory_space<hbm>>) dst(%arg12 : memref<80x64xf32, #tpu.memory_space<vmem>>)
        %add3A_107 = arith.constant 2 : i32
        %add3A_108 = arith.addi %add3A_62, %add3A_107 : i32
        "tpu.region"() ({
          %run_scoped3A = tpu.sem_alloc : memref<!tpu.dma_semaphore, #tpu.memory_space<semaphore_mem>>
          %dma_start3A_137 = arith.constant 0 : i32
          %dma_start3A_138 = tpu.memref_slice %arg9[%add3A_108, %dma_start3A_137] : memref<252x80xi32, #tpu.memory_space<vmem>> -> memref<1x80xi32, #tpu.memory_space<vmem>>
          %dma_start3A_139 = tpu.memref_squeeze %dma_start3A_138 : memref<1x80xi32, #tpu.memory_space<vmem>> -> memref<80xi32, #tpu.memory_space<vmem>>
          %dma_start3A_140 = arith.constant 0 : i32
          %dma_start3A_141 = arith.constant 0 : i32
          %dma_start3A_142 = tpu.memref_slice %arg15[%dma_start3A_140, %dma_start3A_141] : memref<10240x64xf32, #tpu.memory_space<vmem_shared>> -> memref<10240x64xf32, #tpu.memory_space<vmem_shared>>
          tpu.enqueue_indirect_dma source(%arg12 : memref<80x64xf32, #tpu.memory_space<vmem>>) target(%dma_start3A_142 : memref<10240x64xf32, #tpu.memory_space<vmem_shared>>) offsets(%dma_start3A_139 : memref<80xi32, #tpu.memory_space<vmem>>) semaphore(%run_scoped3A : memref<!tpu.dma_semaphore, #tpu.memory_space<semaphore_mem>>) {add = true}
          %dma_wait3A_143 = arith.constant 0 : i32
          %dma_wait3A_144 = tpu.memref_slice %arg9[%add3A_108, %dma_wait3A_143] : memref<252x80xi32, #tpu.memory_space<vmem>> -> memref<1x80xi32, #tpu.memory_space<vmem>>
          %dma_wait3A_145 = tpu.memref_squeeze %dma_wait3A_144 : memref<1x80xi32, #tpu.memory_space<vmem>> -> memref<80xi32, #tpu.memory_space<vmem>>
          %dma_wait3A_146 = arith.constant 0 : i32
          %dma_wait3A_147 = arith.constant 0 : i32
          %dma_wait3A_148 = tpu.memref_slice %arg15[%dma_wait3A_146, %dma_wait3A_147] : memref<10240x64xf32, #tpu.memory_space<vmem_shared>> -> memref<10240x64xf32, #tpu.memory_space<vmem_shared>>
          tpu.wait_indirect_dma semaphore(%run_scoped3A : memref<!tpu.dma_semaphore, #tpu.memory_space<semaphore_mem>>) src(%arg12 : memref<80x64xf32, #tpu.memory_space<vmem>>) dst(%dma_wait3A_148 : memref<10240x64xf32, #tpu.memory_space<vmem_shared>>)
          tpu.yield
        }) : () -> ()
        %add3A_109 = arith.constant 2 : i32
        %add3A_110 = arith.addi %add3A_62, %add3A_109 : i32
        %add3A_111 = arith.constant 4 : i32
        %add3A_112 = arith.addi %add3A_110, %add3A_111 : i32
        %lt3A_113 = arith.constant 252 : i32
        %lt3A_114 = arith.cmpi slt, %add3A_112, %lt3A_113 : i32
        %convert_element_type3A_115 = arith.extui %lt3A_114 : i1 to i32
        %cond3A_116 = arith.constant 0 : i32
        %cond3A_117 = arith.cmpi ne, %convert_element_type3A_115, %cond3A_116 : i32
        scf.if %cond3A_117 {
          %add3A_137 = arith.constant 2 : i32
          %add3A_138 = arith.addi %add3A_62, %add3A_137 : i32
          %add3A_139 = arith.constant 4 : i32
          %add3A_140 = arith.addi %add3A_138, %add3A_139 : i32
          %dma_start3A_141 = arith.constant 0 : i32
          %dma_start3A_142 = tpu.memref_slice %arg8[%add3A_140, %dma_start3A_141] : memref<252x80xi32, #tpu.memory_space<vmem>> -> memref<1x80xi32, #tpu.memory_space<vmem>>
          %dma_start3A_143 = tpu.memref_squeeze %dma_start3A_142 : memref<1x80xi32, #tpu.memory_space<vmem>> -> memref<80xi32, #tpu.memory_space<vmem>>
          %dma_start3A_144 = arith.constant 0 : i32
          %dma_start3A_145 = arith.constant 0 : i32
          %dma_start3A_146 = tpu.memref_slice %arg3[%dma_start3A_144, %dma_start3A_145] : memref<10240x64xf32, #tpu.memory_space<hbm>> -> memref<10240x64xf32, #tpu.memory_space<hbm>>
          tpu.enqueue_indirect_dma source(%dma_start3A_146 : memref<10240x64xf32, #tpu.memory_space<hbm>>) target(%arg12 : memref<80x64xf32, #tpu.memory_space<vmem>>) offsets(%dma_start3A_143 : memref<80xi32, #tpu.memory_space<vmem>>) semaphore(%arg18 : memref<!tpu.dma_semaphore, #tpu.memory_space<semaphore_mem>>)
        } else {
        }
        %add3A_118 = arith.constant 3 : i32
        %add3A_119 = arith.addi %add3A_62, %add3A_118 : i32
        %dma_wait3A_120 = arith.constant 0 : i32
        %dma_wait3A_121 = tpu.memref_slice %arg8[%add3A_119, %dma_wait3A_120] : memref<252x80xi32, #tpu.memory_space<vmem>> -> memref<1x80xi32, #tpu.memory_space<vmem>>
        %dma_wait3A_122 = tpu.memref_squeeze %dma_wait3A_121 : memref<1x80xi32, #tpu.memory_space<vmem>> -> memref<80xi32, #tpu.memory_space<vmem>>
        %dma_wait3A_123 = arith.constant 0 : i32
        %dma_wait3A_124 = arith.constant 0 : i32
        %dma_wait3A_125 = tpu.memref_slice %arg3[%dma_wait3A_123, %dma_wait3A_124] : memref<10240x64xf32, #tpu.memory_space<hbm>> -> memref<10240x64xf32, #tpu.memory_space<hbm>>
        tpu.wait_indirect_dma semaphore(%arg19 : memref<!tpu.dma_semaphore, #tpu.memory_space<semaphore_mem>>) src(%dma_wait3A_125 : memref<10240x64xf32, #tpu.memory_space<hbm>>) dst(%arg13 : memref<80x64xf32, #tpu.memory_space<vmem>>)
        %add3A_126 = arith.constant 3 : i32
        %add3A_127 = arith.addi %add3A_62, %add3A_126 : i32
        "tpu.region"() ({
          %run_scoped3A = tpu.sem_alloc : memref<!tpu.dma_semaphore, #tpu.memory_space<semaphore_mem>>
          %dma_start3A_137 = arith.constant 0 : i32
          %dma_start3A_138 = tpu.memref_slice %arg9[%add3A_127, %dma_start3A_137] : memref<252x80xi32, #tpu.memory_space<vmem>> -> memref<1x80xi32, #tpu.memory_space<vmem>>
          %dma_start3A_139 = tpu.memref_squeeze %dma_start3A_138 : memref<1x80xi32, #tpu.memory_space<vmem>> -> memref<80xi32, #tpu.memory_space<vmem>>
          %dma_start3A_140 = arith.constant 0 : i32
          %dma_start3A_141 = arith.constant 0 : i32
          %dma_start3A_142 = tpu.memref_slice %arg15[%dma_start3A_140, %dma_start3A_141] : memref<10240x64xf32, #tpu.memory_space<vmem_shared>> -> memref<10240x64xf32, #tpu.memory_space<vmem_shared>>
          tpu.enqueue_indirect_dma source(%arg13 : memref<80x64xf32, #tpu.memory_space<vmem>>) target(%dma_start3A_142 : memref<10240x64xf32, #tpu.memory_space<vmem_shared>>) offsets(%dma_start3A_139 : memref<80xi32, #tpu.memory_space<vmem>>) semaphore(%run_scoped3A : memref<!tpu.dma_semaphore, #tpu.memory_space<semaphore_mem>>) {add = true}
          %dma_wait3A_143 = arith.constant 0 : i32
          %dma_wait3A_144 = tpu.memref_slice %arg9[%add3A_127, %dma_wait3A_143] : memref<252x80xi32, #tpu.memory_space<vmem>> -> memref<1x80xi32, #tpu.memory_space<vmem>>
          %dma_wait3A_145 = tpu.memref_squeeze %dma_wait3A_144 : memref<1x80xi32, #tpu.memory_space<vmem>> -> memref<80xi32, #tpu.memory_space<vmem>>
          %dma_wait3A_146 = arith.constant 0 : i32
          %dma_wait3A_147 = arith.constant 0 : i32
          %dma_wait3A_148 = tpu.memref_slice %arg15[%dma_wait3A_146, %dma_wait3A_147] : memref<10240x64xf32, #tpu.memory_space<vmem_shared>> -> memref<10240x64xf32, #tpu.memory_space<vmem_shared>>
          tpu.wait_indirect_dma semaphore(%run_scoped3A : memref<!tpu.dma_semaphore, #tpu.memory_space<semaphore_mem>>) src(%arg13 : memref<80x64xf32, #tpu.memory_space<vmem>>) dst(%dma_wait3A_148 : memref<10240x64xf32, #tpu.memory_space<vmem_shared>>)
          tpu.yield
        }) : () -> ()
        %add3A_128 = arith.constant 3 : i32
        %add3A_129 = arith.addi %add3A_62, %add3A_128 : i32
        %add3A_130 = arith.constant 4 : i32
        %add3A_131 = arith.addi %add3A_129, %add3A_130 : i32
        %lt3A_132 = arith.constant 252 : i32
        %lt3A_133 = arith.cmpi slt, %add3A_131, %lt3A_132 : i32
        %convert_element_type3A_134 = arith.extui %lt3A_133 : i1 to i32
        %cond3A_135 = arith.constant 0 : i32
        %cond3A_136 = arith.cmpi ne, %convert_element_type3A_134, %cond3A_135 : i32
        scf.if %cond3A_136 {
          %add3A_137 = arith.constant 3 : i32
          %add3A_138 = arith.addi %add3A_62, %add3A_137 : i32
          %add3A_139 = arith.constant 4 : i32
          %add3A_140 = arith.addi %add3A_138, %add3A_139 : i32
          %dma_start3A_141 = arith.constant 0 : i32
          %dma_start3A_142 = tpu.memref_slice %arg8[%add3A_140, %dma_start3A_141] : memref<252x80xi32, #tpu.memory_space<vmem>> -> memref<1x80xi32, #tpu.memory_space<vmem>>
          %dma_start3A_143 = tpu.memref_squeeze %dma_start3A_142 : memref<1x80xi32, #tpu.memory_space<vmem>> -> memref<80xi32, #tpu.memory_space<vmem>>
          %dma_start3A_144 = arith.constant 0 : i32
          %dma_start3A_145 = arith.constant 0 : i32
          %dma_start3A_146 = tpu.memref_slice %arg3[%dma_start3A_144, %dma_start3A_145] : memref<10240x64xf32, #tpu.memory_space<hbm>> -> memref<10240x64xf32, #tpu.memory_space<hbm>>
          tpu.enqueue_indirect_dma source(%dma_start3A_146 : memref<10240x64xf32, #tpu.memory_space<hbm>>) target(%arg13 : memref<80x64xf32, #tpu.memory_space<vmem>>) offsets(%dma_start3A_143 : memref<80xi32, #tpu.memory_space<vmem>>) semaphore(%arg19 : memref<!tpu.dma_semaphore, #tpu.memory_space<semaphore_mem>>)
        } else {
        }
      }
      %scan3A_59 = arith.constant 63 : i32
    } else {
    }
    %barrier3A_17 = arith.constant 0 : index
    tpu.barrier barrier_id(%barrier3A_17)
    %eq3A_18 = arith.constant 0 : i32
    %eq3A_19 = arith.cmpi eq, %arg0, %eq3A_18 : i32
    %convert_element_type3A_20 = arith.extui %eq3A_19 : i1 to i32
    %cond3A_21 = arith.constant 0 : i32
    %cond3A_22 = arith.cmpi ne, %convert_element_type3A_20, %cond3A_21 : i32
    scf.if %cond3A_22 {
      %mul3A = arith.constant 640 : i32
      %mul3A_28 = arith.muli %arg1, %mul3A : i32
      %mul3A_29 = arith.constant 640 : i32
      %mul3A_30 = arith.muli %arg1, %mul3A_29 : i32
      "tpu.region"() ({
        %run_scoped3A = tpu.sem_alloc : memref<!tpu.dma_semaphore, #tpu.memory_space<semaphore_mem>>
        %dma_start3A = arith.constant 0 : i32
        %dma_start3A_31 = tpu.memref_slice %arg6[%mul3A_30, %dma_start3A] : memref<10240x64xf32, #tpu.memory_space<hbm>> -> memref<640x64xf32, #tpu.memory_space<hbm>>
        %dma_start3A_32 = arith.constant 0 : i32
        %dma_start3A_33 = tpu.memref_slice %arg15[%mul3A_28, %dma_start3A_32] : memref<10240x64xf32, #tpu.memory_space<vmem_shared>> -> memref<640x64xf32, #tpu.memory_space<vmem_shared>>
        tpu.enqueue_dma source(%dma_start3A_33 : memref<640x64xf32, #tpu.memory_space<vmem_shared>>) target(%dma_start3A_31 : memref<640x64xf32, #tpu.memory_space<hbm>>) target_semaphore(%run_scoped3A : memref<!tpu.dma_semaphore, #tpu.memory_space<semaphore_mem>>)
        %dma_wait3A = arith.constant 0 : i32
        %dma_wait3A_34 = tpu.memref_slice %arg6[%mul3A_30, %dma_wait3A] : memref<10240x64xf32, #tpu.memory_space<hbm>> -> memref<640x64xf32, #tpu.memory_space<hbm>>
        %dma_wait3A_35 = arith.constant 0 : i32
        %dma_wait3A_36 = tpu.memref_slice %arg15[%mul3A_28, %dma_wait3A_35] : memref<10240x64xf32, #tpu.memory_space<vmem_shared>> -> memref<640x64xf32, #tpu.memory_space<vmem_shared>>
        tpu.wait_dma2 semaphore(%run_scoped3A : memref<!tpu.dma_semaphore, #tpu.memory_space<semaphore_mem>>) src(%dma_wait3A_36 : memref<640x64xf32, #tpu.memory_space<vmem_shared>>) dst(%dma_wait3A_34 : memref<640x64xf32, #tpu.memory_space<hbm>>)
        tpu.yield
      }) : () -> ()
    } else {
    }
    %eq3A_23 = arith.constant 1 : i32
    %eq3A_24 = arith.cmpi eq, %arg0, %eq3A_23 : i32
    %convert_element_type3A_25 = arith.extui %eq3A_24 : i1 to i32
    %cond3A_26 = arith.constant 0 : i32
    %cond3A_27 = arith.cmpi ne, %convert_element_type3A_25, %cond3A_26 : i32
    scf.if %cond3A_27 {
      %mul3A = arith.constant 640 : i32
      %mul3A_28 = arith.muli %arg1, %mul3A : i32
      %mul3A_29 = arith.constant 640 : i32
      %mul3A_30 = arith.muli %arg1, %mul3A_29 : i32
      "tpu.region"() ({
        %run_scoped3A = tpu.sem_alloc : memref<!tpu.dma_semaphore, #tpu.memory_space<semaphore_mem>>
        %dma_start3A = arith.constant 0 : i32
        %dma_start3A_31 = tpu.memref_slice %arg7[%mul3A_30, %dma_start3A] : memref<10240x64xf32, #tpu.memory_space<hbm>> -> memref<640x64xf32, #tpu.memory_space<hbm>>
        %dma_start3A_32 = arith.constant 0 : i32
        %dma_start3A_33 = tpu.memref_slice %arg15[%mul3A_28, %dma_start3A_32] : memref<10240x64xf32, #tpu.memory_space<vmem_shared>> -> memref<640x64xf32, #tpu.memory_space<vmem_shared>>
        tpu.enqueue_dma source(%dma_start3A_33 : memref<640x64xf32, #tpu.memory_space<vmem_shared>>) target(%dma_start3A_31 : memref<640x64xf32, #tpu.memory_space<hbm>>) target_semaphore(%run_scoped3A : memref<!tpu.dma_semaphore, #tpu.memory_space<semaphore_mem>>)
        %dma_wait3A = arith.constant 0 : i32
        %dma_wait3A_34 = tpu.memref_slice %arg7[%mul3A_30, %dma_wait3A] : memref<10240x64xf32, #tpu.memory_space<hbm>> -> memref<640x64xf32, #tpu.memory_space<hbm>>
        %dma_wait3A_35 = arith.constant 0 : i32
        %dma_wait3A_36 = tpu.memref_slice %arg15[%mul3A_28, %dma_wait3A_35] : memref<10240x64xf32, #tpu.memory_space<vmem_shared>> -> memref<640x64xf32, #tpu.memory_space<vmem_shared>>
        tpu.wait_dma2 semaphore(%run_scoped3A : memref<!tpu.dma_semaphore, #tpu.memory_space<semaphore_mem>>) src(%dma_wait3A_36 : memref<640x64xf32, #tpu.memory_space<vmem_shared>>) dst(%dma_wait3A_34 : memref<640x64xf32, #tpu.memory_space<hbm>>)
        tpu.yield
      }) : () -> ()
    } else {
    }
    return
  }
}

#map = affine_map<(d0, d1) -> (0, 0)>
#map1 = affine_map<(d0, d1) -> (0, 0, 0)>
module attributes {stable_mosaic.version = 14 : i64} {
  func.func @body(%arg0: i32, %arg1: i32, %arg2: memref<10240x64xf32, #tpu.memory_space<hbm>>, %arg3: memref<10240x64xf32, #tpu.memory_space<hbm>>, %arg4: memref<16x252x80xi32, #tpu.memory_space<hbm>>, %arg5: memref<16x252x80xi32, #tpu.memory_space<hbm>>, %arg6: memref<10240x64xf32, #tpu.memory_space<hbm>>, %arg7: memref<10240x64xf32, #tpu.memory_space<hbm>>, %arg8: memref<252x80xi32, #tpu.memory_space<vmem>>, %arg9: memref<252x80xi32, #tpu.memory_space<vmem>>, %arg10: memref<80x64xf32, #tpu.memory_space<vmem>>, %arg11: memref<80x64xf32, #tpu.memory_space<vmem>>, %arg12: memref<80x64xf32, #tpu.memory_space<vmem>>, %arg13: memref<80x64xf32, #tpu.memory_space<vmem>>, %arg14: memref<128x64xf32, #tpu.memory_space<vmem>>, %arg15: memref<10240x64xf32, #tpu.memory_space<vmem_shared>>, %arg16: memref<!tpu.dma_semaphore, #tpu.memory_space<semaphore_mem>>, %arg17: memref<!tpu.dma_semaphore, #tpu.memory_space<semaphore_mem>>, %arg18: memref<!tpu.dma_semaphore, #tpu.memory_space<semaphore_mem>>, %arg19: memref<!tpu.dma_semaphore, #tpu.memory_space<semaphore_mem>>) attributes {dimension_semantics = [#tpu.dimension_semantics<core_parallel>, #tpu.dimension_semantics<subcore_parallel>], iteration_bounds = array<i64: 2, 16>, scalar_prefetch = 0 : i64, scratch_operands = 12 : i64, tpu.core_type = #tpu.core_type<sc_vector_subcore>, window_params = [{transform_indices = #map}, {transform_indices = #map}, {transform_indices = #map1}, {transform_indices = #map1}, {transform_indices = #map}, {transform_indices = #map}]} {
    %broadcast_in_dim3A = arith.constant 0.000000e+00 : f32
    %broadcast_in_dim3A_0 = vector.broadcast %broadcast_in_dim3A : f32 to vector<16xf32>
    %scan3A = arith.constant 0 : i32
    %scan3A_1 = arith.constant 128 : i32
    %scan3A_2 = arith.addi %scan3A, %scan3A_1 : i32
    %scan3A_3 = arith.constant 1 : i32
    scf.for %scan3A_28 = %scan3A to %scan3A_2 step %scan3A_3  : i32 {
      %mul3A = arith.constant 1 : i32
      %mul3A_29 = arith.muli %scan3A_28, %mul3A : i32
      %add3A = arith.constant 0 : i32
      %add3A_30 = arith.addi %add3A, %mul3A_29 : i32
      %swap3A = arith.index_cast %add3A_30 : i32 to index
      %swap3A_31 = arith.constant 0 : index
      %swap3A_32 = tpu.vector_load %arg14[%swap3A, %swap3A_31] {strides = array<i32>} : memref<128x64xf32, #tpu.memory_space<vmem>>, vector<1x16xf32>,
      %swap3A_33 = vector.shape_cast %swap3A_32 : vector<1x16xf32> to vector<16xf32>
      %swap3A_34 = vector.shape_cast %broadcast_in_dim3A_0 : vector<16xf32> to vector<1x16xf32>
      tpu.vector_store %arg14[%swap3A, %swap3A_31], %swap3A_34 {strides = array<i32>} : memref<128x64xf32, #tpu.memory_space<vmem>>, vector<1x16xf32>,
      %swap3A_35 = arith.index_cast %add3A_30 : i32 to index
      %swap3A_36 = arith.constant 16 : index
      %swap3A_37 = tpu.vector_load %arg14[%swap3A_35, %swap3A_36] {strides = array<i32>} : memref<128x64xf32, #tpu.memory_space<vmem>>, vector<1x16xf32>,
      %swap3A_38 = vector.shape_cast %swap3A_37 : vector<1x16xf32> to vector<16xf32>
      %swap3A_39 = vector.shape_cast %broadcast_in_dim3A_0 : vector<16xf32> to vector<1x16xf32>
      tpu.vector_store %arg14[%swap3A_35, %swap3A_36], %swap3A_39 {strides = array<i32>} : memref<128x64xf32, #tpu.memory_space<vmem>>, vector<1x16xf32>,
      %swap3A_40 = arith.index_cast %add3A_30 : i32 to index
      %swap3A_41 = arith.constant 32 : index
      %swap3A_42 = tpu.vector_load %arg14[%swap3A_40, %swap3A_41] {strides = array<i32>} : memref<128x64xf32, #tpu.memory_space<vmem>>, vector<1x16xf32>,
      %swap3A_43 = vector.shape_cast %swap3A_42 : vector<1x16xf32> to vector<16xf32>
      %swap3A_44 = vector.shape_cast %broadcast_in_dim3A_0 : vector<16xf32> to vector<1x16xf32>
      tpu.vector_store %arg14[%swap3A_40, %swap3A_41], %swap3A_44 {strides = array<i32>} : memref<128x64xf32, #tpu.memory_space<vmem>>, vector<1x16xf32>,
      %swap3A_45 = arith.index_cast %add3A_30 : i32 to index
      %swap3A_46 = arith.constant 48 : index
      %swap3A_47 = tpu.vector_load %arg14[%swap3A_45, %swap3A_46] {strides = array<i32>} : memref<128x64xf32, #tpu.memory_space<vmem>>, vector<1x16xf32>,
      %swap3A_48 = vector.shape_cast %swap3A_47 : vector<1x16xf32> to vector<16xf32>
      %swap3A_49 = vector.shape_cast %broadcast_in_dim3A_0 : vector<16xf32> to vector<1x16xf32>
      tpu.vector_store %arg14[%swap3A_45, %swap3A_46], %swap3A_49 {strides = array<i32>} : memref<128x64xf32, #tpu.memory_space<vmem>>, vector<1x16xf32>,
    }
    %scan3A_4 = arith.constant 128 : i32
    %scan3A_5 = arith.constant 0 : i32
    %scan3A_6 = arith.constant 5 : i32
    %scan3A_7 = arith.addi %scan3A_5, %scan3A_6 : i32
    %scan3A_8 = arith.constant 1 : i32
    scf.for %scan3A_28 = %scan3A_5 to %scan3A_7 step %scan3A_8  : i32 {
      %mul3A = arith.constant 1 : i32
      %mul3A_29 = arith.muli %scan3A_28, %mul3A : i32
      %add3A = arith.constant 0 : i32
      %add3A_30 = arith.addi %add3A, %mul3A_29 : i32
      %mul3A_31 = arith.constant 640 : i32
      %mul3A_32 = arith.muli %arg1, %mul3A_31 : i32
      %mul3A_33 = arith.constant 128 : i32
      %mul3A_34 = arith.muli %add3A_30, %mul3A_33 : i32
      %add3A_35 = arith.addi %mul3A_32, %mul3A_34 : i32
      "tpu.region"() ({
        %run_scoped3A = tpu.sem_alloc : memref<!tpu.dma_semaphore, #tpu.memory_space<semaphore_mem>>
        %dma_start3A = arith.constant 0 : i32
        %dma_start3A_36 = tpu.memref_slice %arg15[%add3A_35, %dma_start3A] : memref<10240x64xf32, #tpu.memory_space<vmem_shared>> -> memref<128x64xf32, #tpu.memory_space<vmem_shared>>
        %dma_start3A_37 = arith.constant 0 : i32
        %dma_start3A_38 = tpu.memref_slice %arg15[%add3A_35, %dma_start3A_37] : memref<10240x64xf32, #tpu.memory_space<vmem_shared>> -> memref<128x64xf32, #tpu.memory_space<vmem_shared>>
        tpu.enqueue_dma source(%arg14 : memref<128x64xf32, #tpu.memory_space<vmem>>) target(%dma_start3A_38 : memref<128x64xf32, #tpu.memory_space<vmem_shared>>) target_semaphore(%run_scoped3A : memref<!tpu.dma_semaphore, #tpu.memory_space<semaphore_mem>>)
        %dma_wait3A = arith.constant 0 : i32
        %dma_wait3A_39 = tpu.memref_slice %arg15[%add3A_35, %dma_wait3A] : memref<10240x64xf32, #tpu.memory_space<vmem_shared>> -> memref<128x64xf32, #tpu.memory_space<vmem_shared>>
        %dma_wait3A_40 = arith.constant 0 : i32
        %dma_wait3A_41 = tpu.memref_slice %arg15[%add3A_35, %dma_wait3A_40] : memref<10240x64xf32, #tpu.memory_space<vmem_shared>> -> memref<128x64xf32, #tpu.memory_space<vmem_shared>>
        tpu.wait_dma2 semaphore(%run_scoped3A : memref<!tpu.dma_semaphore, #tpu.memory_space<semaphore_mem>>) src(%arg14 : memref<128x64xf32, #tpu.memory_space<vmem>>) dst(%dma_wait3A_41 : memref<128x64xf32, #tpu.memory_space<vmem_shared>>)
        tpu.yield
      }) : () -> ()
    }
    %scan3A_9 = arith.constant 5 : i32
    "tpu.region"() ({
      %run_scoped3A = tpu.sem_alloc : memref<!tpu.dma_semaphore, #tpu.memory_space<semaphore_mem>>
      %dma_start3A = arith.constant 0 : i32
      %dma_start3A_28 = arith.constant 0 : i32
      %dma_start3A_29 = tpu.memref_slice %arg4[%arg1, %dma_start3A, %dma_start3A_28] : memref<16x252x80xi32, #tpu.memory_space<hbm>> -> memref<1x252x80xi32, #tpu.memory_space<hbm>>
      %dma_start3A_30 = tpu.memref_squeeze %dma_start3A_29 : memref<1x252x80xi32, #tpu.memory_space<hbm>> -> memref<252x80xi32, #tpu.memory_space<hbm>>
      %dma_start3A_31 = arith.constant 0 : i32
      %dma_start3A_32 = arith.constant 0 : i32
      %dma_start3A_33 = tpu.memref_slice %arg4[%arg1, %dma_start3A_31, %dma_start3A_32] : memref<16x252x80xi32, #tpu.memory_space<hbm>> -> memref<1x252x80xi32, #tpu.memory_space<hbm>>
      %dma_start3A_34 = tpu.memref_squeeze %dma_start3A_33 : memref<1x252x80xi32, #tpu.memory_space<hbm>> -> memref<252x80xi32, #tpu.memory_space<hbm>>
      tpu.enqueue_dma source(%dma_start3A_34 : memref<252x80xi32, #tpu.memory_space<hbm>>) target(%arg8 : memref<252x80xi32, #tpu.memory_space<vmem>>) target_semaphore(%run_scoped3A : memref<!tpu.dma_semaphore, #tpu.memory_space<semaphore_mem>>)
      %dma_wait3A = arith.constant 0 : i32
      %dma_wait3A_35 = arith.constant 0 : i32
      %dma_wait3A_36 = tpu.memref_slice %arg4[%arg1, %dma_wait3A, %dma_wait3A_35] : memref<16x252x80xi32, #tpu.memory_space<hbm>> -> memref<1x252x80xi32, #tpu.memory_space<hbm>>
      %dma_wait3A_37 = tpu.memref_squeeze %dma_wait3A_36 : memref<1x252x80xi32, #tpu.memory_space<hbm>> -> memref<252x80xi32, #tpu.memory_space<hbm>>
      %dma_wait3A_38 = arith.constant 0 : i32
      %dma_wait3A_39 = arith.constant 0 : i32
      %dma_wait3A_40 = tpu.memref_slice %arg4[%arg1, %dma_wait3A_38, %dma_wait3A_39] : memref<16x252x80xi32, #tpu.memory_space<hbm>> -> memref<1x252x80xi32, #tpu.memory_space<hbm>>
      %dma_wait3A_41 = tpu.memref_squeeze %dma_wait3A_40 : memref<1x252x80xi32, #tpu.memory_space<hbm>> -> memref<252x80xi32, #tpu.memory_space<hbm>>
      tpu.wait_dma2 semaphore(%run_scoped3A : memref<!tpu.dma_semaphore, #tpu.memory_space<semaphore_mem>>) src(%dma_wait3A_41 : memref<252x80xi32, #tpu.memory_space<hbm>>) dst(%arg8 : memref<252x80xi32, #tpu.memory_space<vmem>>)
      tpu.yield
    }) : () -> ()
    "tpu.region"() ({
      %run_scoped3A = tpu.sem_alloc : memref<!tpu.dma_semaphore, #tpu.memory_space<semaphore_mem>>
      %dma_start3A = arith.constant 0 : i32
      %dma_start3A_28 = arith.constant 0 : i32
      %dma_start3A_29 = tpu.memref_slice %arg5[%arg1, %dma_start3A, %dma_start3A_28] : memref<16x252x80xi32, #tpu.memory_space<hbm>> -> memref<1x252x80xi32, #tpu.memory_space<hbm>>
      %dma_start3A_30 = tpu.memref_squeeze %dma_start3A_29 : memref<1x252x80xi32, #tpu.memory_space<hbm>> -> memref<252x80xi32, #tpu.memory_space<hbm>>
      %dma_start3A_31 = arith.constant 0 : i32
      %dma_start3A_32 = arith.constant 0 : i32
      %dma_start3A_33 = tpu.memref_slice %arg5[%arg1, %dma_start3A_31, %dma_start3A_32] : memref<16x252x80xi32, #tpu.memory_space<hbm>> -> memref<1x252x80xi32, #tpu.memory_space<hbm>>
      %dma_start3A_34 = tpu.memref_squeeze %dma_start3A_33 : memref<1x252x80xi32, #tpu.memory_space<hbm>> -> memref<252x80xi32, #tpu.memory_space<hbm>>
      tpu.enqueue_dma source(%dma_start3A_34 : memref<252x80xi32, #tpu.memory_space<hbm>>) target(%arg9 : memref<252x80xi32, #tpu.memory_space<vmem>>) target_semaphore(%run_scoped3A : memref<!tpu.dma_semaphore, #tpu.memory_space<semaphore_mem>>)
      %dma_wait3A = arith.constant 0 : i32
      %dma_wait3A_35 = arith.constant 0 : i32
      %dma_wait3A_36 = tpu.memref_slice %arg5[%arg1, %dma_wait3A, %dma_wait3A_35] : memref<16x252x80xi32, #tpu.memory_space<hbm>> -> memref<1x252x80xi32, #tpu.memory_space<hbm>>
      %dma_wait3A_37 = tpu.memref_squeeze %dma_wait3A_36 : memref<1x252x80xi32, #tpu.memory_space<hbm>> -> memref<252x80xi32, #tpu.memory_space<hbm>>
      %dma_wait3A_38 = arith.constant 0 : i32
      %dma_wait3A_39 = arith.constant 0 : i32
      %dma_wait3A_40 = tpu.memref_slice %arg5[%arg1, %dma_wait3A_38, %dma_wait3A_39] : memref<16x252x80xi32, #tpu.memory_space<hbm>> -> memref<1x252x80xi32, #tpu.memory_space<hbm>>
      %dma_wait3A_41 = tpu.memref_squeeze %dma_wait3A_40 : memref<1x252x80xi32, #tpu.memory_space<hbm>> -> memref<252x80xi32, #tpu.memory_space<hbm>>
      tpu.wait_dma2 semaphore(%run_scoped3A : memref<!tpu.dma_semaphore, #tpu.memory_space<semaphore_mem>>) src(%dma_wait3A_41 : memref<252x80xi32, #tpu.memory_space<hbm>>) dst(%arg9 : memref<252x80xi32, #tpu.memory_space<vmem>>)
      tpu.yield
    }) : () -> ()
    %barrier3A = arith.constant 0 : index
    tpu.barrier barrier_id(%barrier3A)
    %eq3A = arith.constant 0 : i32
    %eq3A_10 = arith.cmpi eq, %arg0, %eq3A : i32
    %convert_element_type3A = arith.extui %eq3A_10 : i1 to i32
    %cond3A = arith.constant 0 : i32
    %cond3A_11 = arith.cmpi ne, %convert_element_type3A, %cond3A : i32
    scf.if %cond3A_11 {
      %dma_start3A = arith.constant 0 : i32
      %dma_start3A_28 = arith.constant 0 : i32
      %dma_start3A_29 = tpu.memref_slice %arg8[%dma_start3A, %dma_start3A_28] : memref<252x80xi32, #tpu.memory_space<vmem>> -> memref<1x80xi32, #tpu.memory_space<vmem>>
      %dma_start3A_30 = tpu.memref_squeeze %dma_start3A_29 : memref<1x80xi32, #tpu.memory_space<vmem>> -> memref<80xi32, #tpu.memory_space<vmem>>
      %dma_start3A_31 = arith.constant 0 : i32
      %dma_start3A_32 = arith.constant 0 : i32
      %dma_start3A_33 = tpu.memref_slice %arg2[%dma_start3A_31, %dma_start3A_32] : memref<10240x64xf32, #tpu.memory_space<hbm>> -> memref<10240x64xf32, #tpu.memory_space<hbm>>
      tpu.enqueue_indirect_dma source(%dma_start3A_33 : memref<10240x64xf32, #tpu.memory_space<hbm>>) target(%arg10 : memref<80x64xf32, #tpu.memory_space<vmem>>) offsets(%dma_start3A_30 : memref<80xi32, #tpu.memory_space<vmem>>) semaphore(%arg16 : memref<!tpu.dma_semaphore, #tpu.memory_space<semaphore_mem>>)
      %dma_start3A_34 = arith.constant 1 : i32
      %dma_start3A_35 = arith.constant 0 : i32
      %dma_start3A_36 = tpu.memref_slice %arg8[%dma_start3A_34, %dma_start3A_35] : memref<252x80xi32, #tpu.memory_space<vmem>> -> memref<1x80xi32, #tpu.memory_space<vmem>>
      %dma_start3A_37 = tpu.memref_squeeze %dma_start3A_36 : memref<1x80xi32, #tpu.memory_space<vmem>> -> memref<80xi32, #tpu.memory_space<vmem>>
      %dma_start3A_38 = arith.constant 0 : i32
      %dma_start3A_39 = arith.constant 0 : i32
      %dma_start3A_40 = tpu.memref_slice %arg2[%dma_start3A_38, %dma_start3A_39] : memref<10240x64xf32, #tpu.memory_space<hbm>> -> memref<10240x64xf32, #tpu.memory_space<hbm>>
      tpu.enqueue_indirect_dma source(%dma_start3A_40 : memref<10240x64xf32, #tpu.memory_space<hbm>>) target(%arg11 : memref<80x64xf32, #tpu.memory_space<vmem>>) offsets(%dma_start3A_37 : memref<80xi32, #tpu.memory_space<vmem>>) semaphore(%arg17 : memref<!tpu.dma_semaphore, #tpu.memory_space<semaphore_mem>>)
      %dma_start3A_41 = arith.constant 2 : i32
      %dma_start3A_42 = arith.constant 0 : i32
      %dma_start3A_43 = tpu.memref_slice %arg8[%dma_start3A_41, %dma_start3A_42] : memref<252x80xi32, #tpu.memory_space<vmem>> -> memref<1x80xi32, #tpu.memory_space<vmem>>
      %dma_start3A_44 = tpu.memref_squeeze %dma_start3A_43 : memref<1x80xi32, #tpu.memory_space<vmem>> -> memref<80xi32, #tpu.memory_space<vmem>>
      %dma_start3A_45 = arith.constant 0 : i32
      %dma_start3A_46 = arith.constant 0 : i32
      %dma_start3A_47 = tpu.memref_slice %arg2[%dma_start3A_45, %dma_start3A_46] : memref<10240x64xf32, #tpu.memory_space<hbm>> -> memref<10240x64xf32, #tpu.memory_space<hbm>>
      tpu.enqueue_indirect_dma source(%dma_start3A_47 : memref<10240x64xf32, #tpu.memory_space<hbm>>) target(%arg12 : memref<80x64xf32, #tpu.memory_space<vmem>>) offsets(%dma_start3A_44 : memref<80xi32, #tpu.memory_space<vmem>>) semaphore(%arg18 : memref<!tpu.dma_semaphore, #tpu.memory_space<semaphore_mem>>)
      %dma_start3A_48 = arith.constant 3 : i32
      %dma_start3A_49 = arith.constant 0 : i32
      %dma_start3A_50 = tpu.memref_slice %arg8[%dma_start3A_48, %dma_start3A_49] : memref<252x80xi32, #tpu.memory_space<vmem>> -> memref<1x80xi32, #tpu.memory_space<vmem>>
      %dma_start3A_51 = tpu.memref_squeeze %dma_start3A_50 : memref<1x80xi32, #tpu.memory_space<vmem>> -> memref<80xi32, #tpu.memory_space<vmem>>
      %dma_start3A_52 = arith.constant 0 : i32
      %dma_start3A_53 = arith.constant 0 : i32
      %dma_start3A_54 = tpu.memref_slice %arg2[%dma_start3A_52, %dma_start3A_53] : memref<10240x64xf32, #tpu.memory_space<hbm>> -> memref<10240x64xf32, #tpu.memory_space<hbm>>
      tpu.enqueue_indirect_dma source(%dma_start3A_54 : memref<10240x64xf32, #tpu.memory_space<hbm>>) target(%arg13 : memref<80x64xf32, #tpu.memory_space<vmem>>) offsets(%dma_start3A_51 : memref<80xi32, #tpu.memory_space<vmem>>) semaphore(%arg19 : memref<!tpu.dma_semaphore, #tpu.memory_space<semaphore_mem>>)
      %scan3A_55 = arith.constant 0 : i32
      %scan3A_56 = arith.constant 63 : i32
      %scan3A_57 = arith.addi %scan3A_55, %scan3A_56 : i32
      %scan3A_58 = arith.constant 1 : i32
      scf.for %scan3A_60 = %scan3A_55 to %scan3A_57 step %scan3A_58  : i32 {
        %mul3A = arith.constant 4 : i32
        %mul3A_61 = arith.muli %scan3A_60, %mul3A : i32
        %add3A = arith.constant 0 : i32
        %add3A_62 = arith.addi %add3A, %mul3A_61 : i32
        %add3A_63 = arith.constant 0 : i32
        %add3A_64 = arith.addi %add3A_62, %add3A_63 : i32
        %dma_wait3A = arith.constant 0 : i32
        %dma_wait3A_65 = tpu.memref_slice %arg8[%add3A_64, %dma_wait3A] : memref<252x80xi32, #tpu.memory_space<vmem>> -> memref<1x80xi32, #tpu.memory_space<vmem>>
        %dma_wait3A_66 = tpu.memref_squeeze %dma_wait3A_65 : memref<1x80xi32, #tpu.memory_space<vmem>> -> memref<80xi32, #tpu.memory_space<vmem>>
        %dma_wait3A_67 = arith.constant 0 : i32
        %dma_wait3A_68 = arith.constant 0 : i32
        %dma_wait3A_69 = tpu.memref_slice %arg2[%dma_wait3A_67, %dma_wait3A_68] : memref<10240x64xf32, #tpu.memory_space<hbm>> -> memref<10240x64xf32, #tpu.memory_space<hbm>>
        tpu.wait_indirect_dma semaphore(%arg16 : memref<!tpu.dma_semaphore, #tpu.memory_space<semaphore_mem>>) src(%dma_wait3A_69 : memref<10240x64xf32, #tpu.memory_space<hbm>>) dst(%arg10 : memref<80x64xf32, #tpu.memory_space<vmem>>)
        %add3A_70 = arith.constant 0 : i32
        %add3A_71 = arith.addi %add3A_62, %add3A_70 : i32
        "tpu.region"() ({
          %run_scoped3A = tpu.sem_alloc : memref<!tpu.dma_semaphore, #tpu.memory_space<semaphore_mem>>
          %dma_start3A_137 = arith.constant 0 : i32
          %dma_start3A_138 = tpu.memref_slice %arg9[%add3A_71, %dma_start3A_137] : memref<252x80xi32, #tpu.memory_space<vmem>> -> memref<1x80xi32, #tpu.memory_space<vmem>>
          %dma_start3A_139 = tpu.memref_squeeze %dma_start3A_138 : memref<1x80xi32, #tpu.memory_space<vmem>> -> memref<80xi32, #tpu.memory_space<vmem>>
          %dma_start3A_140 = arith.constant 0 : i32
          %dma_start3A_141 = arith.constant 0 : i32
          %dma_start3A_142 = tpu.memref_slice %arg15[%dma_start3A_140, %dma_start3A_141] : memref<10240x64xf32, #tpu.memory_space<vmem_shared>> -> memref<10240x64xf32, #tpu.memory_space<vmem_shared>>
          tpu.enqueue_indirect_dma source(%arg10 : memref<80x64xf32, #tpu.memory_space<vmem>>) target(%dma_start3A_142 : memref<10240x64xf32, #tpu.memory_space<vmem_shared>>) offsets(%dma_start3A_139 : memref<80xi32, #tpu.memory_space<vmem>>) semaphore(%run_scoped3A : memref<!tpu.dma_semaphore, #tpu.memory_space<semaphore_mem>>) {add = true}
          %dma_wait3A_143 = arith.constant 0 : i32
          %dma_wait3A_144 = tpu.memref_slice %arg9[%add3A_71, %dma_wait3A_143] : memref<252x80xi32, #tpu.memory_space<vmem>> -> memref<1x80xi32, #tpu.memory_space<vmem>>
          %dma_wait3A_145 = tpu.memref_squeeze %dma_wait3A_144 : memref<1x80xi32, #tpu.memory_space<vmem>> -> memref<80xi32, #tpu.memory_space<vmem>>
          %dma_wait3A_146 = arith.constant 0 : i32
          %dma_wait3A_147 = arith.constant 0 : i32
          %dma_wait3A_148 = tpu.memref_slice %arg15[%dma_wait3A_146, %dma_wait3A_147] : memref<10240x64xf32, #tpu.memory_space<vmem_shared>> -> memref<10240x64xf32, #tpu.memory_space<vmem_shared>>
          tpu.wait_indirect_dma semaphore(%run_scoped3A : memref<!tpu.dma_semaphore, #tpu.memory_space<semaphore_mem>>) src(%arg10 : memref<80x64xf32, #tpu.memory_space<vmem>>) dst(%dma_wait3A_148 : memref<10240x64xf32, #tpu.memory_space<vmem_shared>>)
          tpu.yield
        }) : () -> ()
        %add3A_72 = arith.constant 0 : i32
        %add3A_73 = arith.addi %add3A_62, %add3A_72 : i32
        %add3A_74 = arith.constant 4 : i32
        %add3A_75 = arith.addi %add3A_73, %add3A_74 : i32
        %lt3A = arith.constant 252 : i32
        %lt3A_76 = arith.cmpi slt, %add3A_75, %lt3A : i32
        %convert_element_type3A_77 = arith.extui %lt3A_76 : i1 to i32
        %cond3A_78 = arith.constant 0 : i32
        %cond3A_79 = arith.cmpi ne, %convert_element_type3A_77, %cond3A_78 : i32
        scf.if %cond3A_79 {
          %add3A_137 = arith.constant 0 : i32
          %add3A_138 = arith.addi %add3A_62, %add3A_137 : i32
          %add3A_139 = arith.constant 4 : i32
          %add3A_140 = arith.addi %add3A_138, %add3A_139 : i32
          %dma_start3A_141 = arith.constant 0 : i32
          %dma_start3A_142 = tpu.memref_slice %arg8[%add3A_140, %dma_start3A_141] : memref<252x80xi32, #tpu.memory_space<vmem>> -> memref<1x80xi32, #tpu.memory_space<vmem>>
          %dma_start3A_143 = tpu.memref_squeeze %dma_start3A_142 : memref<1x80xi32, #tpu.memory_space<vmem>> -> memref<80xi32, #tpu.memory_space<vmem>>
          %dma_start3A_144 = arith.constant 0 : i32
          %dma_start3A_145 = arith.constant 0 : i32
          %dma_start3A_146 = tpu.memref_slice %arg2[%dma_start3A_144, %dma_start3A_145] : memref<10240x64xf32, #tpu.memory_space<hbm>> -> memref<10240x64xf32, #tpu.memory_space<hbm>>
          tpu.enqueue_indirect_dma source(%dma_start3A_146 : memref<10240x64xf32, #tpu.memory_space<hbm>>) target(%arg10 : memref<80x64xf32, #tpu.memory_space<vmem>>) offsets(%dma_start3A_143 : memref<80xi32, #tpu.memory_space<vmem>>) semaphore(%arg16 : memref<!tpu.dma_semaphore, #tpu.memory_space<semaphore_mem>>)
        } else {
        }
        %add3A_80 = arith.constant 1 : i32
        %add3A_81 = arith.addi %add3A_62, %add3A_80 : i32
        %dma_wait3A_82 = arith.constant 0 : i32
        %dma_wait3A_83 = tpu.memref_slice %arg8[%add3A_81, %dma_wait3A_82] : memref<252x80xi32, #tpu.memory_space<vmem>> -> memref<1x80xi32, #tpu.memory_space<vmem>>
        %dma_wait3A_84 = tpu.memref_squeeze %dma_wait3A_83 : memref<1x80xi32, #tpu.memory_space<vmem>> -> memref<80xi32, #tpu.memory_space<vmem>>
        %dma_wait3A_85 = arith.constant 0 : i32
        %dma_wait3A_86 = arith.constant 0 : i32
        %dma_wait3A_87 = tpu.memref_slice %arg2[%dma_wait3A_85, %dma_wait3A_86] : memref<10240x64xf32, #tpu.memory_space<hbm>> -> memref<10240x64xf32, #tpu.memory_space<hbm>>
        tpu.wait_indirect_dma semaphore(%arg17 : memref<!tpu.dma_semaphore, #tpu.memory_space<semaphore_mem>>) src(%dma_wait3A_87 : memref<10240x64xf32, #tpu.memory_space<hbm>>) dst(%arg11 : memref<80x64xf32, #tpu.memory_space<vmem>>)
        %add3A_88 = arith.constant 1 : i32
        %add3A_89 = arith.addi %add3A_62, %add3A_88 : i32
        "tpu.region"() ({
          %run_scoped3A = tpu.sem_alloc : memref<!tpu.dma_semaphore, #tpu.memory_space<semaphore_mem>>
          %dma_start3A_137 = arith.constant 0 : i32
          %dma_start3A_138 = tpu.memref_slice %arg9[%add3A_89, %dma_start3A_137] : memref<252x80xi32, #tpu.memory_space<vmem>> -> memref<1x80xi32, #tpu.memory_space<vmem>>
          %dma_start3A_139 = tpu.memref_squeeze %dma_start3A_138 : memref<1x80xi32, #tpu.memory_space<vmem>> -> memref<80xi32, #tpu.memory_space<vmem>>
          %dma_start3A_140 = arith.constant 0 : i32
          %dma_start3A_141 = arith.constant 0 : i32
          %dma_start3A_142 = tpu.memref_slice %arg15[%dma_start3A_140, %dma_start3A_141] : memref<10240x64xf32, #tpu.memory_space<vmem_shared>> -> memref<10240x64xf32, #tpu.memory_space<vmem_shared>>
          tpu.enqueue_indirect_dma source(%arg11 : memref<80x64xf32, #tpu.memory_space<vmem>>) target(%dma_start3A_142 : memref<10240x64xf32, #tpu.memory_space<vmem_shared>>) offsets(%dma_start3A_139 : memref<80xi32, #tpu.memory_space<vmem>>) semaphore(%run_scoped3A : memref<!tpu.dma_semaphore, #tpu.memory_space<semaphore_mem>>) {add = true}
          %dma_wait3A_143 = arith.constant 0 : i32
          %dma_wait3A_144 = tpu.memref_slice %arg9[%add3A_89, %dma_wait3A_143] : memref<252x80xi32, #tpu.memory_space<vmem>> -> memref<1x80xi32, #tpu.memory_space<vmem>>
          %dma_wait3A_145 = tpu.memref_squeeze %dma_wait3A_144 : memref<1x80xi32, #tpu.memory_space<vmem>> -> memref<80xi32, #tpu.memory_space<vmem>>
          %dma_wait3A_146 = arith.constant 0 : i32
          %dma_wait3A_147 = arith.constant 0 : i32
          %dma_wait3A_148 = tpu.memref_slice %arg15[%dma_wait3A_146, %dma_wait3A_147] : memref<10240x64xf32, #tpu.memory_space<vmem_shared>> -> memref<10240x64xf32, #tpu.memory_space<vmem_shared>>
          tpu.wait_indirect_dma semaphore(%run_scoped3A : memref<!tpu.dma_semaphore, #tpu.memory_space<semaphore_mem>>) src(%arg11 : memref<80x64xf32, #tpu.memory_space<vmem>>) dst(%dma_wait3A_148 : memref<10240x64xf32, #tpu.memory_space<vmem_shared>>)
          tpu.yield
        }) : () -> ()
        %add3A_90 = arith.constant 1 : i32
        %add3A_91 = arith.addi %add3A_62, %add3A_90 : i32
        %add3A_92 = arith.constant 4 : i32
        %add3A_93 = arith.addi %add3A_91, %add3A_92 : i32
        %lt3A_94 = arith.constant 252 : i32
        %lt3A_95 = arith.cmpi slt, %add3A_93, %lt3A_94 : i32
        %convert_element_type3A_96 = arith.extui %lt3A_95 : i1 to i32
        %cond3A_97 = arith.constant 0 : i32
        %cond3A_98 = arith.cmpi ne, %convert_element_type3A_96, %cond3A_97 : i32
        scf.if %cond3A_98 {
          %add3A_137 = arith.constant 1 : i32
          %add3A_138 = arith.addi %add3A_62, %add3A_137 : i32
          %add3A_139 = arith.constant 4 : i32
          %add3A_140 = arith.addi %add3A_138, %add3A_139 : i32
          %dma_start3A_141 = arith.constant 0 : i32
          %dma_start3A_142 = tpu.memref_slice %arg8[%add3A_140, %dma_start3A_141] : memref<252x80xi32, #tpu.memory_space<vmem>> -> memref<1x80xi32, #tpu.memory_space<vmem>>
          %dma_start3A_143 = tpu.memref_squeeze %dma_start3A_142 : memref<1x80xi32, #tpu.memory_space<vmem>> -> memref<80xi32, #tpu.memory_space<vmem>>
          %dma_start3A_144 = arith.constant 0 : i32
          %dma_start3A_145 = arith.constant 0 : i32
          %dma_start3A_146 = tpu.memref_slice %arg2[%dma_start3A_144, %dma_start3A_145] : memref<10240x64xf32, #tpu.memory_space<hbm>> -> memref<10240x64xf32, #tpu.memory_space<hbm>>
          tpu.enqueue_indirect_dma source(%dma_start3A_146 : memref<10240x64xf32, #tpu.memory_space<hbm>>) target(%arg11 : memref<80x64xf32, #tpu.memory_space<vmem>>) offsets(%dma_start3A_143 : memref<80xi32, #tpu.memory_space<vmem>>) semaphore(%arg17 : memref<!tpu.dma_semaphore, #tpu.memory_space<semaphore_mem>>)
        } else {
        }
        %add3A_99 = arith.constant 2 : i32
        %add3A_100 = arith.addi %add3A_62, %add3A_99 : i32
        %dma_wait3A_101 = arith.constant 0 : i32
        %dma_wait3A_102 = tpu.memref_slice %arg8[%add3A_100, %dma_wait3A_101] : memref<252x80xi32, #tpu.memory_space<vmem>> -> memref<1x80xi32, #tpu.memory_space<vmem>>
        %dma_wait3A_103 = tpu.memref_squeeze %dma_wait3A_102 : memref<1x80xi32, #tpu.memory_space<vmem>> -> memref<80xi32, #tpu.memory_space<vmem>>
        %dma_wait3A_104 = arith.constant 0 : i32
        %dma_wait3A_105 = arith.constant 0 : i32
        %dma_wait3A_106 = tpu.memref_slice %arg2[%dma_wait3A_104, %dma_wait3A_105] : memref<10240x64xf32, #tpu.memory_space<hbm>> -> memref<10240x64xf32, #tpu.memory_space<hbm>>
        tpu.wait_indirect_dma semaphore(%arg18 : memref<!tpu.dma_semaphore, #tpu.memory_space<semaphore_mem>>) src(%dma_wait3A_106 : memref<10240x64xf32, #tpu.memory_space<hbm>>) dst(%arg12 : memref<80x64xf32, #tpu.memory_space<vmem>>)
        %add3A_107 = arith.constant 2 : i32
        %add3A_108 = arith.addi %add3A_62, %add3A_107 : i32
        "tpu.region"() ({
          %run_scoped3A = tpu.sem_alloc : memref<!tpu.dma_semaphore, #tpu.memory_space<semaphore_mem>>
          %dma_start3A_137 = arith.constant 0 : i32
          %dma_start3A_138 = tpu.memref_slice %arg9[%add3A_108, %dma_start3A_137] : memref<252x80xi32, #tpu.memory_space<vmem>> -> memref<1x80xi32, #tpu.memory_space<vmem>>
          %dma_start3A_139 = tpu.memref_squeeze %dma_start3A_138 : memref<1x80xi32, #tpu.memory_space<vmem>> -> memref<80xi32, #tpu.memory_space<vmem>>
          %dma_start3A_140 = arith.constant 0 : i32
          %dma_start3A_141 = arith.constant 0 : i32
          %dma_start3A_142 = tpu.memref_slice %arg15[%dma_start3A_140, %dma_start3A_141] : memref<10240x64xf32, #tpu.memory_space<vmem_shared>> -> memref<10240x64xf32, #tpu.memory_space<vmem_shared>>
          tpu.enqueue_indirect_dma source(%arg12 : memref<80x64xf32, #tpu.memory_space<vmem>>) target(%dma_start3A_142 : memref<10240x64xf32, #tpu.memory_space<vmem_shared>>) offsets(%dma_start3A_139 : memref<80xi32, #tpu.memory_space<vmem>>) semaphore(%run_scoped3A : memref<!tpu.dma_semaphore, #tpu.memory_space<semaphore_mem>>) {add = true}
          %dma_wait3A_143 = arith.constant 0 : i32
          %dma_wait3A_144 = tpu.memref_slice %arg9[%add3A_108, %dma_wait3A_143] : memref<252x80xi32, #tpu.memory_space<vmem>> -> memref<1x80xi32, #tpu.memory_space<vmem>>
          %dma_wait3A_145 = tpu.memref_squeeze %dma_wait3A_144 : memref<1x80xi32, #tpu.memory_space<vmem>> -> memref<80xi32, #tpu.memory_space<vmem>>
          %dma_wait3A_146 = arith.constant 0 : i32
          %dma_wait3A_147 = arith.constant 0 : i32
          %dma_wait3A_148 = tpu.memref_slice %arg15[%dma_wait3A_146, %dma_wait3A_147] : memref<10240x64xf32, #tpu.memory_space<vmem_shared>> -> memref<10240x64xf32, #tpu.memory_space<vmem_shared>>
          tpu.wait_indirect_dma semaphore(%run_scoped3A : memref<!tpu.dma_semaphore, #tpu.memory_space<semaphore_mem>>) src(%arg12 : memref<80x64xf32, #tpu.memory_space<vmem>>) dst(%dma_wait3A_148 : memref<10240x64xf32, #tpu.memory_space<vmem_shared>>)
          tpu.yield
        }) : () -> ()
        %add3A_109 = arith.constant 2 : i32
        %add3A_110 = arith.addi %add3A_62, %add3A_109 : i32
        %add3A_111 = arith.constant 4 : i32
        %add3A_112 = arith.addi %add3A_110, %add3A_111 : i32
        %lt3A_113 = arith.constant 252 : i32
        %lt3A_114 = arith.cmpi slt, %add3A_112, %lt3A_113 : i32
        %convert_element_type3A_115 = arith.extui %lt3A_114 : i1 to i32
        %cond3A_116 = arith.constant 0 : i32
        %cond3A_117 = arith.cmpi ne, %convert_element_type3A_115, %cond3A_116 : i32
        scf.if %cond3A_117 {
          %add3A_137 = arith.constant 2 : i32
          %add3A_138 = arith.addi %add3A_62, %add3A_137 : i32
          %add3A_139 = arith.constant 4 : i32
          %add3A_140 = arith.addi %add3A_138, %add3A_139 : i32
          %dma_start3A_141 = arith.constant 0 : i32
          %dma_start3A_142 = tpu.memref_slice %arg8[%add3A_140, %dma_start3A_141] : memref<252x80xi32, #tpu.memory_space<vmem>> -> memref<1x80xi32, #tpu.memory_space<vmem>>
          %dma_start3A_143 = tpu.memref_squeeze %dma_start3A_142 : memref<1x80xi32, #tpu.memory_space<vmem>> -> memref<80xi32, #tpu.memory_space<vmem>>
          %dma_start3A_144 = arith.constant 0 : i32
          %dma_start3A_145 = arith.constant 0 : i32
          %dma_start3A_146 = tpu.memref_slice %arg2[%dma_start3A_144, %dma_start3A_145] : memref<10240x64xf32, #tpu.memory_space<hbm>> -> memref<10240x64xf32, #tpu.memory_space<hbm>>
          tpu.enqueue_indirect_dma source(%dma_start3A_146 : memref<10240x64xf32, #tpu.memory_space<hbm>>) target(%arg12 : memref<80x64xf32, #tpu.memory_space<vmem>>) offsets(%dma_start3A_143 : memref<80xi32, #tpu.memory_space<vmem>>) semaphore(%arg18 : memref<!tpu.dma_semaphore, #tpu.memory_space<semaphore_mem>>)
        } else {
        }
        %add3A_118 = arith.constant 3 : i32
        %add3A_119 = arith.addi %add3A_62, %add3A_118 : i32
        %dma_wait3A_120 = arith.constant 0 : i32
        %dma_wait3A_121 = tpu.memref_slice %arg8[%add3A_119, %dma_wait3A_120] : memref<252x80xi32, #tpu.memory_space<vmem>> -> memref<1x80xi32, #tpu.memory_space<vmem>>
        %dma_wait3A_122 = tpu.memref_squeeze %dma_wait3A_121 : memref<1x80xi32, #tpu.memory_space<vmem>> -> memref<80xi32, #tpu.memory_space<vmem>>
        %dma_wait3A_123 = arith.constant 0 : i32
        %dma_wait3A_124 = arith.constant 0 : i32
        %dma_wait3A_125 = tpu.memref_slice %arg2[%dma_wait3A_123, %dma_wait3A_124] : memref<10240x64xf32, #tpu.memory_space<hbm>> -> memref<10240x64xf32, #tpu.memory_space<hbm>>
        tpu.wait_indirect_dma semaphore(%arg19 : memref<!tpu.dma_semaphore, #tpu.memory_space<semaphore_mem>>) src(%dma_wait3A_125 : memref<10240x64xf32, #tpu.memory_space<hbm>>) dst(%arg13 : memref<80x64xf32, #tpu.memory_space<vmem>>)
        %add3A_126 = arith.constant 3 : i32
        %add3A_127 = arith.addi %add3A_62, %add3A_126 : i32
        "tpu.region"() ({
          %run_scoped3A = tpu.sem_alloc : memref<!tpu.dma_semaphore, #tpu.memory_space<semaphore_mem>>
          %dma_start3A_137 = arith.constant 0 : i32
          %dma_start3A_138 = tpu.memref_slice %arg9[%add3A_127, %dma_start3A_137] : memref<252x80xi32, #tpu.memory_space<vmem>> -> memref<1x80xi32, #tpu.memory_space<vmem>>
          %dma_start3A_139 = tpu.memref_squeeze %dma_start3A_138 : memref<1x80xi32, #tpu.memory_space<vmem>> -> memref<80xi32, #tpu.memory_space<vmem>>
          %dma_start3A_140 = arith.constant 0 : i32
          %dma_start3A_141 = arith.constant 0 : i32
          %dma_start3A_142 = tpu.memref_slice %arg15[%dma_start3A_140, %dma_start3A_141] : memref<10240x64xf32, #tpu.memory_space<vmem_shared>> -> memref<10240x64xf32, #tpu.memory_space<vmem_shared>>
          tpu.enqueue_indirect_dma source(%arg13 : memref<80x64xf32, #tpu.memory_space<vmem>>) target(%dma_start3A_142 : memref<10240x64xf32, #tpu.memory_space<vmem_shared>>) offsets(%dma_start3A_139 : memref<80xi32, #tpu.memory_space<vmem>>) semaphore(%run_scoped3A : memref<!tpu.dma_semaphore, #tpu.memory_space<semaphore_mem>>) {add = true}
          %dma_wait3A_143 = arith.constant 0 : i32
          %dma_wait3A_144 = tpu.memref_slice %arg9[%add3A_127, %dma_wait3A_143] : memref<252x80xi32, #tpu.memory_space<vmem>> -> memref<1x80xi32, #tpu.memory_space<vmem>>
          %dma_wait3A_145 = tpu.memref_squeeze %dma_wait3A_144 : memref<1x80xi32, #tpu.memory_space<vmem>> -> memref<80xi32, #tpu.memory_space<vmem>>
          %dma_wait3A_146 = arith.constant 0 : i32
          %dma_wait3A_147 = arith.constant 0 : i32
          %dma_wait3A_148 = tpu.memref_slice %arg15[%dma_wait3A_146, %dma_wait3A_147] : memref<10240x64xf32, #tpu.memory_space<vmem_shared>> -> memref<10240x64xf32, #tpu.memory_space<vmem_shared>>
          tpu.wait_indirect_dma semaphore(%run_scoped3A : memref<!tpu.dma_semaphore, #tpu.memory_space<semaphore_mem>>) src(%arg13 : memref<80x64xf32, #tpu.memory_space<vmem>>) dst(%dma_wait3A_148 : memref<10240x64xf32, #tpu.memory_space<vmem_shared>>)
          tpu.yield
        }) : () -> ()
        %add3A_128 = arith.constant 3 : i32
        %add3A_129 = arith.addi %add3A_62, %add3A_128 : i32
        %add3A_130 = arith.constant 4 : i32
        %add3A_131 = arith.addi %add3A_129, %add3A_130 : i32
        %lt3A_132 = arith.constant 252 : i32
        %lt3A_133 = arith.cmpi slt, %add3A_131, %lt3A_132 : i32
        %convert_element_type3A_134 = arith.extui %lt3A_133 : i1 to i32
        %cond3A_135 = arith.constant 0 : i32
        %cond3A_136 = arith.cmpi ne, %convert_element_type3A_134, %cond3A_135 : i32
        scf.if %cond3A_136 {
          %add3A_137 = arith.constant 3 : i32
          %add3A_138 = arith.addi %add3A_62, %add3A_137 : i32
          %add3A_139 = arith.constant 4 : i32
          %add3A_140 = arith.addi %add3A_138, %add3A_139 : i32
          %dma_start3A_141 = arith.constant 0 : i32
          %dma_start3A_142 = tpu.memref_slice %arg8[%add3A_140, %dma_start3A_141] : memref<252x80xi32, #tpu.memory_space<vmem>> -> memref<1x80xi32, #tpu.memory_space<vmem>>
          %dma_start3A_143 = tpu.memref_squeeze %dma_start3A_142 : memref<1x80xi32, #tpu.memory_space<vmem>> -> memref<80xi32, #tpu.memory_space<vmem>>
          %dma_start3A_144 = arith.constant 0 : i32
          %dma_start3A_145 = arith.constant 0 : i32
          %dma_start3A_146 = tpu.memref_slice %arg2[%dma_start3A_144, %dma_start3A_145] : memref<10240x64xf32, #tpu.memory_space<hbm>> -> memref<10240x64xf32, #tpu.memory_space<hbm>>
          tpu.enqueue_indirect_dma source(%dma_start3A_146 : memref<10240x64xf32, #tpu.memory_space<hbm>>) target(%arg13 : memref<80x64xf32, #tpu.memory_space<vmem>>) offsets(%dma_start3A_143 : memref<80xi32, #tpu.memory_space<vmem>>) semaphore(%arg19 : memref<!tpu.dma_semaphore, #tpu.memory_space<semaphore_mem>>)
        } else {
        }
      }
      %scan3A_59 = arith.constant 63 : i32
    } else {
    }
    %eq3A_12 = arith.constant 1 : i32
    %eq3A_13 = arith.cmpi eq, %arg0, %eq3A_12 : i32
    %convert_element_type3A_14 = arith.extui %eq3A_13 : i1 to i32
    %cond3A_15 = arith.constant 0 : i32
    %cond3A_16 = arith.cmpi ne, %convert_element_type3A_14, %cond3A_15 : i32
    scf.if %cond3A_16 {
      %dma_start3A = arith.constant 0 : i32
      %dma_start3A_28 = arith.constant 0 : i32
      %dma_start3A_29 = tpu.memref_slice %arg8[%dma_start3A, %dma_start3A_28] : memref<252x80xi32, #tpu.memory_space<vmem>> -> memref<1x80xi32, #tpu.memory_space<vmem>>
      %dma_start3A_30 = tpu.memref_squeeze %dma_start3A_29 : memref<1x80xi32, #tpu.memory_space<vmem>> -> memref<80xi32, #tpu.memory_space<vmem>>
      %dma_start3A_31 = arith.constant 0 : i32
      %dma_start3A_32 = arith.constant 0 : i32
      %dma_start3A_33 = tpu.memref_slice %arg3[%dma_start3A_31, %dma_start3A_32] : memref<10240x64xf32, #tpu.memory_space<hbm>> -> memref<10240x64xf32, #tpu.memory_space<hbm>>
      tpu.enqueue_indirect_dma source(%dma_start3A_33 : memref<10240x64xf32, #tpu.memory_space<hbm>>) target(%arg10 : memref<80x64xf32, #tpu.memory_space<vmem>>) offsets(%dma_start3A_30 : memref<80xi32, #tpu.memory_space<vmem>>) semaphore(%arg16 : memref<!tpu.dma_semaphore, #tpu.memory_space<semaphore_mem>>)
      %dma_start3A_34 = arith.constant 1 : i32
      %dma_start3A_35 = arith.constant 0 : i32
      %dma_start3A_36 = tpu.memref_slice %arg8[%dma_start3A_34, %dma_start3A_35] : memref<252x80xi32, #tpu.memory_space<vmem>> -> memref<1x80xi32, #tpu.memory_space<vmem>>
      %dma_start3A_37 = tpu.memref_squeeze %dma_start3A_36 : memref<1x80xi32, #tpu.memory_space<vmem>> -> memref<80xi32, #tpu.memory_space<vmem>>
      %dma_start3A_38 = arith.constant 0 : i32
      %dma_start3A_39 = arith.constant 0 : i32
      %dma_start3A_40 = tpu.memref_slice %arg3[%dma_start3A_38, %dma_start3A_39] : memref<10240x64xf32, #tpu.memory_space<hbm>> -> memref<10240x64xf32, #tpu.memory_space<hbm>>
      tpu.enqueue_indirect_dma source(%dma_start3A_40 : memref<10240x64xf32, #tpu.memory_space<hbm>>) target(%arg11 : memref<80x64xf32, #tpu.memory_space<vmem>>) offsets(%dma_start3A_37 : memref<80xi32, #tpu.memory_space<vmem>>) semaphore(%arg17 : memref<!tpu.dma_semaphore, #tpu.memory_space<semaphore_mem>>)
      %dma_start3A_41 = arith.constant 2 : i32
      %dma_start3A_42 = arith.constant 0 : i32
      %dma_start3A_43 = tpu.memref_slice %arg8[%dma_start3A_41, %dma_start3A_42] : memref<252x80xi32, #tpu.memory_space<vmem>> -> memref<1x80xi32, #tpu.memory_space<vmem>>
      %dma_start3A_44 = tpu.memref_squeeze %dma_start3A_43 : memref<1x80xi32, #tpu.memory_space<vmem>> -> memref<80xi32, #tpu.memory_space<vmem>>
      %dma_start3A_45 = arith.constant 0 : i32
      %dma_start3A_46 = arith.constant 0 : i32
      %dma_start3A_47 = tpu.memref_slice %arg3[%dma_start3A_45, %dma_start3A_46] : memref<10240x64xf32, #tpu.memory_space<hbm>> -> memref<10240x64xf32, #tpu.memory_space<hbm>>
      tpu.enqueue_indirect_dma source(%dma_start3A_47 : memref<10240x64xf32, #tpu.memory_space<hbm>>) target(%arg12 : memref<80x64xf32, #tpu.memory_space<vmem>>) offsets(%dma_start3A_44 : memref<80xi32, #tpu.memory_space<vmem>>) semaphore(%arg18 : memref<!tpu.dma_semaphore, #tpu.memory_space<semaphore_mem>>)
      %dma_start3A_48 = arith.constant 3 : i32
      %dma_start3A_49 = arith.constant 0 : i32
      %dma_start3A_50 = tpu.memref_slice %arg8[%dma_start3A_48, %dma_start3A_49] : memref<252x80xi32, #tpu.memory_space<vmem>> -> memref<1x80xi32, #tpu.memory_space<vmem>>
      %dma_start3A_51 = tpu.memref_squeeze %dma_start3A_50 : memref<1x80xi32, #tpu.memory_space<vmem>> -> memref<80xi32, #tpu.memory_space<vmem>>
      %dma_start3A_52 = arith.constant 0 : i32
      %dma_start3A_53 = arith.constant 0 : i32
      %dma_start3A_54 = tpu.memref_slice %arg3[%dma_start3A_52, %dma_start3A_53] : memref<10240x64xf32, #tpu.memory_space<hbm>> -> memref<10240x64xf32, #tpu.memory_space<hbm>>
      tpu.enqueue_indirect_dma source(%dma_start3A_54 : memref<10240x64xf32, #tpu.memory_space<hbm>>) target(%arg13 : memref<80x64xf32, #tpu.memory_space<vmem>>) offsets(%dma_start3A_51 : memref<80xi32, #tpu.memory_space<vmem>>) semaphore(%arg19 : memref<!tpu.dma_semaphore, #tpu.memory_space<semaphore_mem>>)
      %scan3A_55 = arith.constant 0 : i32
      %scan3A_56 = arith.constant 63 : i32
      %scan3A_57 = arith.addi %scan3A_55, %scan3A_56 : i32
      %scan3A_58 = arith.constant 1 : i32
      scf.for %scan3A_60 = %scan3A_55 to %scan3A_57 step %scan3A_58  : i32 {
        %mul3A = arith.constant 4 : i32
        %mul3A_61 = arith.muli %scan3A_60, %mul3A : i32
        %add3A = arith.constant 0 : i32
        %add3A_62 = arith.addi %add3A, %mul3A_61 : i32
        %add3A_63 = arith.constant 0 : i32
        %add3A_64 = arith.addi %add3A_62, %add3A_63 : i32
        %dma_wait3A = arith.constant 0 : i32
        %dma_wait3A_65 = tpu.memref_slice %arg8[%add3A_64, %dma_wait3A] : memref<252x80xi32, #tpu.memory_space<vmem>> -> memref<1x80xi32, #tpu.memory_space<vmem>>
        %dma_wait3A_66 = tpu.memref_squeeze %dma_wait3A_65 : memref<1x80xi32, #tpu.memory_space<vmem>> -> memref<80xi32, #tpu.memory_space<vmem>>
        %dma_wait3A_67 = arith.constant 0 : i32
        %dma_wait3A_68 = arith.constant 0 : i32
        %dma_wait3A_69 = tpu.memref_slice %arg3[%dma_wait3A_67, %dma_wait3A_68] : memref<10240x64xf32, #tpu.memory_space<hbm>> -> memref<10240x64xf32, #tpu.memory_space<hbm>>
        tpu.wait_indirect_dma semaphore(%arg16 : memref<!tpu.dma_semaphore, #tpu.memory_space<semaphore_mem>>) src(%dma_wait3A_69 : memref<10240x64xf32, #tpu.memory_space<hbm>>) dst(%arg10 : memref<80x64xf32, #tpu.memory_space<vmem>>)
        %add3A_70 = arith.constant 0 : i32
        %add3A_71 = arith.addi %add3A_62, %add3A_70 : i32
        "tpu.region"() ({
          %run_scoped3A = tpu.sem_alloc : memref<!tpu.dma_semaphore, #tpu.memory_space<semaphore_mem>>
          %dma_start3A_137 = arith.constant 0 : i32
          %dma_start3A_138 = tpu.memref_slice %arg9[%add3A_71, %dma_start3A_137] : memref<252x80xi32, #tpu.memory_space<vmem>> -> memref<1x80xi32, #tpu.memory_space<vmem>>
          %dma_start3A_139 = tpu.memref_squeeze %dma_start3A_138 : memref<1x80xi32, #tpu.memory_space<vmem>> -> memref<80xi32, #tpu.memory_space<vmem>>
          %dma_start3A_140 = arith.constant 0 : i32
          %dma_start3A_141 = arith.constant 0 : i32
          %dma_start3A_142 = tpu.memref_slice %arg15[%dma_start3A_140, %dma_start3A_141] : memref<10240x64xf32, #tpu.memory_space<vmem_shared>> -> memref<10240x64xf32, #tpu.memory_space<vmem_shared>>
          tpu.enqueue_indirect_dma source(%arg10 : memref<80x64xf32, #tpu.memory_space<vmem>>) target(%dma_start3A_142 : memref<10240x64xf32, #tpu.memory_space<vmem_shared>>) offsets(%dma_start3A_139 : memref<80xi32, #tpu.memory_space<vmem>>) semaphore(%run_scoped3A : memref<!tpu.dma_semaphore, #tpu.memory_space<semaphore_mem>>) {add = true}
          %dma_wait3A_143 = arith.constant 0 : i32
          %dma_wait3A_144 = tpu.memref_slice %arg9[%add3A_71, %dma_wait3A_143] : memref<252x80xi32, #tpu.memory_space<vmem>> -> memref<1x80xi32, #tpu.memory_space<vmem>>
          %dma_wait3A_145 = tpu.memref_squeeze %dma_wait3A_144 : memref<1x80xi32, #tpu.memory_space<vmem>> -> memref<80xi32, #tpu.memory_space<vmem>>
          %dma_wait3A_146 = arith.constant 0 : i32
          %dma_wait3A_147 = arith.constant 0 : i32
          %dma_wait3A_148 = tpu.memref_slice %arg15[%dma_wait3A_146, %dma_wait3A_147] : memref<10240x64xf32, #tpu.memory_space<vmem_shared>> -> memref<10240x64xf32, #tpu.memory_space<vmem_shared>>
          tpu.wait_indirect_dma semaphore(%run_scoped3A : memref<!tpu.dma_semaphore, #tpu.memory_space<semaphore_mem>>) src(%arg10 : memref<80x64xf32, #tpu.memory_space<vmem>>) dst(%dma_wait3A_148 : memref<10240x64xf32, #tpu.memory_space<vmem_shared>>)
          tpu.yield
        }) : () -> ()
        %add3A_72 = arith.constant 0 : i32
        %add3A_73 = arith.addi %add3A_62, %add3A_72 : i32
        %add3A_74 = arith.constant 4 : i32
        %add3A_75 = arith.addi %add3A_73, %add3A_74 : i32
        %lt3A = arith.constant 252 : i32
        %lt3A_76 = arith.cmpi slt, %add3A_75, %lt3A : i32
        %convert_element_type3A_77 = arith.extui %lt3A_76 : i1 to i32
        %cond3A_78 = arith.constant 0 : i32
        %cond3A_79 = arith.cmpi ne, %convert_element_type3A_77, %cond3A_78 : i32
        scf.if %cond3A_79 {
          %add3A_137 = arith.constant 0 : i32
          %add3A_138 = arith.addi %add3A_62, %add3A_137 : i32
          %add3A_139 = arith.constant 4 : i32
          %add3A_140 = arith.addi %add3A_138, %add3A_139 : i32
          %dma_start3A_141 = arith.constant 0 : i32
          %dma_start3A_142 = tpu.memref_slice %arg8[%add3A_140, %dma_start3A_141] : memref<252x80xi32, #tpu.memory_space<vmem>> -> memref<1x80xi32, #tpu.memory_space<vmem>>
          %dma_start3A_143 = tpu.memref_squeeze %dma_start3A_142 : memref<1x80xi32, #tpu.memory_space<vmem>> -> memref<80xi32, #tpu.memory_space<vmem>>
          %dma_start3A_144 = arith.constant 0 : i32
          %dma_start3A_145 = arith.constant 0 : i32
          %dma_start3A_146 = tpu.memref_slice %arg3[%dma_start3A_144, %dma_start3A_145] : memref<10240x64xf32, #tpu.memory_space<hbm>> -> memref<10240x64xf32, #tpu.memory_space<hbm>>
          tpu.enqueue_indirect_dma source(%dma_start3A_146 : memref<10240x64xf32, #tpu.memory_space<hbm>>) target(%arg10 : memref<80x64xf32, #tpu.memory_space<vmem>>) offsets(%dma_start3A_143 : memref<80xi32, #tpu.memory_space<vmem>>) semaphore(%arg16 : memref<!tpu.dma_semaphore, #tpu.memory_space<semaphore_mem>>)
        } else {
        }
        %add3A_80 = arith.constant 1 : i32
        %add3A_81 = arith.addi %add3A_62, %add3A_80 : i32
        %dma_wait3A_82 = arith.constant 0 : i32
        %dma_wait3A_83 = tpu.memref_slice %arg8[%add3A_81, %dma_wait3A_82] : memref<252x80xi32, #tpu.memory_space<vmem>> -> memref<1x80xi32, #tpu.memory_space<vmem>>
        %dma_wait3A_84 = tpu.memref_squeeze %dma_wait3A_83 : memref<1x80xi32, #tpu.memory_space<vmem>> -> memref<80xi32, #tpu.memory_space<vmem>>
        %dma_wait3A_85 = arith.constant 0 : i32
        %dma_wait3A_86 = arith.constant 0 : i32
        %dma_wait3A_87 = tpu.memref_slice %arg3[%dma_wait3A_85, %dma_wait3A_86] : memref<10240x64xf32, #tpu.memory_space<hbm>> -> memref<10240x64xf32, #tpu.memory_space<hbm>>
        tpu.wait_indirect_dma semaphore(%arg17 : memref<!tpu.dma_semaphore, #tpu.memory_space<semaphore_mem>>) src(%dma_wait3A_87 : memref<10240x64xf32, #tpu.memory_space<hbm>>) dst(%arg11 : memref<80x64xf32, #tpu.memory_space<vmem>>)
        %add3A_88 = arith.constant 1 : i32
        %add3A_89 = arith.addi %add3A_62, %add3A_88 : i32
        "tpu.region"() ({
          %run_scoped3A = tpu.sem_alloc : memref<!tpu.dma_semaphore, #tpu.memory_space<semaphore_mem>>
          %dma_start3A_137 = arith.constant 0 : i32
          %dma_start3A_138 = tpu.memref_slice %arg9[%add3A_89, %dma_start3A_137] : memref<252x80xi32, #tpu.memory_space<vmem>> -> memref<1x80xi32, #tpu.memory_space<vmem>>
          %dma_start3A_139 = tpu.memref_squeeze %dma_start3A_138 : memref<1x80xi32, #tpu.memory_space<vmem>> -> memref<80xi32, #tpu.memory_space<vmem>>
          %dma_start3A_140 = arith.constant 0 : i32
          %dma_start3A_141 = arith.constant 0 : i32
          %dma_start3A_142 = tpu.memref_slice %arg15[%dma_start3A_140, %dma_start3A_141] : memref<10240x64xf32, #tpu.memory_space<vmem_shared>> -> memref<10240x64xf32, #tpu.memory_space<vmem_shared>>
          tpu.enqueue_indirect_dma source(%arg11 : memref<80x64xf32, #tpu.memory_space<vmem>>) target(%dma_start3A_142 : memref<10240x64xf32, #tpu.memory_space<vmem_shared>>) offsets(%dma_start3A_139 : memref<80xi32, #tpu.memory_space<vmem>>) semaphore(%run_scoped3A : memref<!tpu.dma_semaphore, #tpu.memory_space<semaphore_mem>>) {add = true}
          %dma_wait3A_143 = arith.constant 0 : i32
          %dma_wait3A_144 = tpu.memref_slice %arg9[%add3A_89, %dma_wait3A_143] : memref<252x80xi32, #tpu.memory_space<vmem>> -> memref<1x80xi32, #tpu.memory_space<vmem>>
          %dma_wait3A_145 = tpu.memref_squeeze %dma_wait3A_144 : memref<1x80xi32, #tpu.memory_space<vmem>> -> memref<80xi32, #tpu.memory_space<vmem>>
          %dma_wait3A_146 = arith.constant 0 : i32
          %dma_wait3A_147 = arith.constant 0 : i32
          %dma_wait3A_148 = tpu.memref_slice %arg15[%dma_wait3A_146, %dma_wait3A_147] : memref<10240x64xf32, #tpu.memory_space<vmem_shared>> -> memref<10240x64xf32, #tpu.memory_space<vmem_shared>>
          tpu.wait_indirect_dma semaphore(%run_scoped3A : memref<!tpu.dma_semaphore, #tpu.memory_space<semaphore_mem>>) src(%arg11 : memref<80x64xf32, #tpu.memory_space<vmem>>) dst(%dma_wait3A_148 : memref<10240x64xf32, #tpu.memory_space<vmem_shared>>)
          tpu.yield
        }) : () -> ()
        %add3A_90 = arith.constant 1 : i32
        %add3A_91 = arith.addi %add3A_62, %add3A_90 : i32
        %add3A_92 = arith.constant 4 : i32
        %add3A_93 = arith.addi %add3A_91, %add3A_92 : i32
        %lt3A_94 = arith.constant 252 : i32
        %lt3A_95 = arith.cmpi slt, %add3A_93, %lt3A_94 : i32
        %convert_element_type3A_96 = arith.extui %lt3A_95 : i1 to i32
        %cond3A_97 = arith.constant 0 : i32
        %cond3A_98 = arith.cmpi ne, %convert_element_type3A_96, %cond3A_97 : i32
        scf.if %cond3A_98 {
          %add3A_137 = arith.constant 1 : i32
          %add3A_138 = arith.addi %add3A_62, %add3A_137 : i32
          %add3A_139 = arith.constant 4 : i32
          %add3A_140 = arith.addi %add3A_138, %add3A_139 : i32
          %dma_start3A_141 = arith.constant 0 : i32
          %dma_start3A_142 = tpu.memref_slice %arg8[%add3A_140, %dma_start3A_141] : memref<252x80xi32, #tpu.memory_space<vmem>> -> memref<1x80xi32, #tpu.memory_space<vmem>>
          %dma_start3A_143 = tpu.memref_squeeze %dma_start3A_142 : memref<1x80xi32, #tpu.memory_space<vmem>> -> memref<80xi32, #tpu.memory_space<vmem>>
          %dma_start3A_144 = arith.constant 0 : i32
          %dma_start3A_145 = arith.constant 0 : i32
          %dma_start3A_146 = tpu.memref_slice %arg3[%dma_start3A_144, %dma_start3A_145] : memref<10240x64xf32, #tpu.memory_space<hbm>> -> memref<10240x64xf32, #tpu.memory_space<hbm>>
          tpu.enqueue_indirect_dma source(%dma_start3A_146 : memref<10240x64xf32, #tpu.memory_space<hbm>>) target(%arg11 : memref<80x64xf32, #tpu.memory_space<vmem>>) offsets(%dma_start3A_143 : memref<80xi32, #tpu.memory_space<vmem>>) semaphore(%arg17 : memref<!tpu.dma_semaphore, #tpu.memory_space<semaphore_mem>>)
        } else {
        }
        %add3A_99 = arith.constant 2 : i32
        %add3A_100 = arith.addi %add3A_62, %add3A_99 : i32
        %dma_wait3A_101 = arith.constant 0 : i32
        %dma_wait3A_102 = tpu.memref_slice %arg8[%add3A_100, %dma_wait3A_101] : memref<252x80xi32, #tpu.memory_space<vmem>> -> memref<1x80xi32, #tpu.memory_space<vmem>>
        %dma_wait3A_103 = tpu.memref_squeeze %dma_wait3A_102 : memref<1x80xi32, #tpu.memory_space<vmem>> -> memref<80xi32, #tpu.memory_space<vmem>>
        %dma_wait3A_104 = arith.constant 0 : i32
        %dma_wait3A_105 = arith.constant 0 : i32
        %dma_wait3A_106 = tpu.memref_slice %arg3[%dma_wait3A_104, %dma_wait3A_105] : memref<10240x64xf32, #tpu.memory_space<hbm>> -> memref<10240x64xf32, #tpu.memory_space<hbm>>
        tpu.wait_indirect_dma semaphore(%arg18 : memref<!tpu.dma_semaphore, #tpu.memory_space<semaphore_mem>>) src(%dma_wait3A_106 : memref<10240x64xf32, #tpu.memory_space<hbm>>) dst(%arg12 : memref<80x64xf32, #tpu.memory_space<vmem>>)
        %add3A_107 = arith.constant 2 : i32
        %add3A_108 = arith.addi %add3A_62, %add3A_107 : i32
        "tpu.region"() ({
          %run_scoped3A = tpu.sem_alloc : memref<!tpu.dma_semaphore, #tpu.memory_space<semaphore_mem>>
          %dma_start3A_137 = arith.constant 0 : i32
          %dma_start3A_138 = tpu.memref_slice %arg9[%add3A_108, %dma_start3A_137] : memref<252x80xi32, #tpu.memory_space<vmem>> -> memref<1x80xi32, #tpu.memory_space<vmem>>
          %dma_start3A_139 = tpu.memref_squeeze %dma_start3A_138 : memref<1x80xi32, #tpu.memory_space<vmem>> -> memref<80xi32, #tpu.memory_space<vmem>>
          %dma_start3A_140 = arith.constant 0 : i32
          %dma_start3A_141 = arith.constant 0 : i32
          %dma_start3A_142 = tpu.memref_slice %arg15[%dma_start3A_140, %dma_start3A_141] : memref<10240x64xf32, #tpu.memory_space<vmem_shared>> -> memref<10240x64xf32, #tpu.memory_space<vmem_shared>>
          tpu.enqueue_indirect_dma source(%arg12 : memref<80x64xf32, #tpu.memory_space<vmem>>) target(%dma_start3A_142 : memref<10240x64xf32, #tpu.memory_space<vmem_shared>>) offsets(%dma_start3A_139 : memref<80xi32, #tpu.memory_space<vmem>>) semaphore(%run_scoped3A : memref<!tpu.dma_semaphore, #tpu.memory_space<semaphore_mem>>) {add = true}
          %dma_wait3A_143 = arith.constant 0 : i32
          %dma_wait3A_144 = tpu.memref_slice %arg9[%add3A_108, %dma_wait3A_143] : memref<252x80xi32, #tpu.memory_space<vmem>> -> memref<1x80xi32, #tpu.memory_space<vmem>>
          %dma_wait3A_145 = tpu.memref_squeeze %dma_wait3A_144 : memref<1x80xi32, #tpu.memory_space<vmem>> -> memref<80xi32, #tpu.memory_space<vmem>>
          %dma_wait3A_146 = arith.constant 0 : i32
          %dma_wait3A_147 = arith.constant 0 : i32
          %dma_wait3A_148 = tpu.memref_slice %arg15[%dma_wait3A_146, %dma_wait3A_147] : memref<10240x64xf32, #tpu.memory_space<vmem_shared>> -> memref<10240x64xf32, #tpu.memory_space<vmem_shared>>
          tpu.wait_indirect_dma semaphore(%run_scoped3A : memref<!tpu.dma_semaphore, #tpu.memory_space<semaphore_mem>>) src(%arg12 : memref<80x64xf32, #tpu.memory_space<vmem>>) dst(%dma_wait3A_148 : memref<10240x64xf32, #tpu.memory_space<vmem_shared>>)
          tpu.yield
        }) : () -> ()
        %add3A_109 = arith.constant 2 : i32
        %add3A_110 = arith.addi %add3A_62, %add3A_109 : i32
        %add3A_111 = arith.constant 4 : i32
        %add3A_112 = arith.addi %add3A_110, %add3A_111 : i32
        %lt3A_113 = arith.constant 252 : i32
        %lt3A_114 = arith.cmpi slt, %add3A_112, %lt3A_113 : i32
        %convert_element_type3A_115 = arith.extui %lt3A_114 : i1 to i32
        %cond3A_116 = arith.constant 0 : i32
        %cond3A_117 = arith.cmpi ne, %convert_element_type3A_115, %cond3A_116 : i32
        scf.if %cond3A_117 {
          %add3A_137 = arith.constant 2 : i32
          %add3A_138 = arith.addi %add3A_62, %add3A_137 : i32
          %add3A_139 = arith.constant 4 : i32
          %add3A_140 = arith.addi %add3A_138, %add3A_139 : i32
          %dma_start3A_141 = arith.constant 0 : i32
          %dma_start3A_142 = tpu.memref_slice %arg8[%add3A_140, %dma_start3A_141] : memref<252x80xi32, #tpu.memory_space<vmem>> -> memref<1x80xi32, #tpu.memory_space<vmem>>
          %dma_start3A_143 = tpu.memref_squeeze %dma_start3A_142 : memref<1x80xi32, #tpu.memory_space<vmem>> -> memref<80xi32, #tpu.memory_space<vmem>>
          %dma_start3A_144 = arith.constant 0 : i32
          %dma_start3A_145 = arith.constant 0 : i32
          %dma_start3A_146 = tpu.memref_slice %arg3[%dma_start3A_144, %dma_start3A_145] : memref<10240x64xf32, #tpu.memory_space<hbm>> -> memref<10240x64xf32, #tpu.memory_space<hbm>>
          tpu.enqueue_indirect_dma source(%dma_start3A_146 : memref<10240x64xf32, #tpu.memory_space<hbm>>) target(%arg12 : memref<80x64xf32, #tpu.memory_space<vmem>>) offsets(%dma_start3A_143 : memref<80xi32, #tpu.memory_space<vmem>>) semaphore(%arg18 : memref<!tpu.dma_semaphore, #tpu.memory_space<semaphore_mem>>)
        } else {
        }
        %add3A_118 = arith.constant 3 : i32
        %add3A_119 = arith.addi %add3A_62, %add3A_118 : i32
        %dma_wait3A_120 = arith.constant 0 : i32
        %dma_wait3A_121 = tpu.memref_slice %arg8[%add3A_119, %dma_wait3A_120] : memref<252x80xi32, #tpu.memory_space<vmem>> -> memref<1x80xi32, #tpu.memory_space<vmem>>
        %dma_wait3A_122 = tpu.memref_squeeze %dma_wait3A_121 : memref<1x80xi32, #tpu.memory_space<vmem>> -> memref<80xi32, #tpu.memory_space<vmem>>
        %dma_wait3A_123 = arith.constant 0 : i32
        %dma_wait3A_124 = arith.constant 0 : i32
        %dma_wait3A_125 = tpu.memref_slice %arg3[%dma_wait3A_123, %dma_wait3A_124] : memref<10240x64xf32, #tpu.memory_space<hbm>> -> memref<10240x64xf32, #tpu.memory_space<hbm>>
        tpu.wait_indirect_dma semaphore(%arg19 : memref<!tpu.dma_semaphore, #tpu.memory_space<semaphore_mem>>) src(%dma_wait3A_125 : memref<10240x64xf32, #tpu.memory_space<hbm>>) dst(%arg13 : memref<80x64xf32, #tpu.memory_space<vmem>>)
        %add3A_126 = arith.constant 3 : i32
        %add3A_127 = arith.addi %add3A_62, %add3A_126 : i32
        "tpu.region"() ({
          %run_scoped3A = tpu.sem_alloc : memref<!tpu.dma_semaphore, #tpu.memory_space<semaphore_mem>>
          %dma_start3A_137 = arith.constant 0 : i32
          %dma_start3A_138 = tpu.memref_slice %arg9[%add3A_127, %dma_start3A_137] : memref<252x80xi32, #tpu.memory_space<vmem>> -> memref<1x80xi32, #tpu.memory_space<vmem>>
          %dma_start3A_139 = tpu.memref_squeeze %dma_start3A_138 : memref<1x80xi32, #tpu.memory_space<vmem>> -> memref<80xi32, #tpu.memory_space<vmem>>
          %dma_start3A_140 = arith.constant 0 : i32
          %dma_start3A_141 = arith.constant 0 : i32
          %dma_start3A_142 = tpu.memref_slice %arg15[%dma_start3A_140, %dma_start3A_141] : memref<10240x64xf32, #tpu.memory_space<vmem_shared>> -> memref<10240x64xf32, #tpu.memory_space<vmem_shared>>
          tpu.enqueue_indirect_dma source(%arg13 : memref<80x64xf32, #tpu.memory_space<vmem>>) target(%dma_start3A_142 : memref<10240x64xf32, #tpu.memory_space<vmem_shared>>) offsets(%dma_start3A_139 : memref<80xi32, #tpu.memory_space<vmem>>) semaphore(%run_scoped3A : memref<!tpu.dma_semaphore, #tpu.memory_space<semaphore_mem>>) {add = true}
          %dma_wait3A_143 = arith.constant 0 : i32
          %dma_wait3A_144 = tpu.memref_slice %arg9[%add3A_127, %dma_wait3A_143] : memref<252x80xi32, #tpu.memory_space<vmem>> -> memref<1x80xi32, #tpu.memory_space<vmem>>
          %dma_wait3A_145 = tpu.memref_squeeze %dma_wait3A_144 : memref<1x80xi32, #tpu.memory_space<vmem>> -> memref<80xi32, #tpu.memory_space<vmem>>
          %dma_wait3A_146 = arith.constant 0 : i32
          %dma_wait3A_147 = arith.constant 0 : i32
          %dma_wait3A_148 = tpu.memref_slice %arg15[%dma_wait3A_146, %dma_wait3A_147] : memref<10240x64xf32, #tpu.memory_space<vmem_shared>> -> memref<10240x64xf32, #tpu.memory_space<vmem_shared>>
          tpu.wait_indirect_dma semaphore(%run_scoped3A : memref<!tpu.dma_semaphore, #tpu.memory_space<semaphore_mem>>) src(%arg13 : memref<80x64xf32, #tpu.memory_space<vmem>>) dst(%dma_wait3A_148 : memref<10240x64xf32, #tpu.memory_space<vmem_shared>>)
          tpu.yield
        }) : () -> ()
        %add3A_128 = arith.constant 3 : i32
        %add3A_129 = arith.addi %add3A_62, %add3A_128 : i32
        %add3A_130 = arith.constant 4 : i32
        %add3A_131 = arith.addi %add3A_129, %add3A_130 : i32
        %lt3A_132 = arith.constant 252 : i32
        %lt3A_133 = arith.cmpi slt, %add3A_131, %lt3A_132 : i32
        %convert_element_type3A_134 = arith.extui %lt3A_133 : i1 to i32
        %cond3A_135 = arith.constant 0 : i32
        %cond3A_136 = arith.cmpi ne, %convert_element_type3A_134, %cond3A_135 : i32
        scf.if %cond3A_136 {
          %add3A_137 = arith.constant 3 : i32
          %add3A_138 = arith.addi %add3A_62, %add3A_137 : i32
          %add3A_139 = arith.constant 4 : i32
          %add3A_140 = arith.addi %add3A_138, %add3A_139 : i32
          %dma_start3A_141 = arith.constant 0 : i32
          %dma_start3A_142 = tpu.memref_slice %arg8[%add3A_140, %dma_start3A_141] : memref<252x80xi32, #tpu.memory_space<vmem>> -> memref<1x80xi32, #tpu.memory_space<vmem>>
          %dma_start3A_143 = tpu.memref_squeeze %dma_start3A_142 : memref<1x80xi32, #tpu.memory_space<vmem>> -> memref<80xi32, #tpu.memory_space<vmem>>
          %dma_start3A_144 = arith.constant 0 : i32
          %dma_start3A_145 = arith.constant 0 : i32
          %dma_start3A_146 = tpu.memref_slice %arg3[%dma_start3A_144, %dma_start3A_145] : memref<10240x64xf32, #tpu.memory_space<hbm>> -> memref<10240x64xf32, #tpu.memory_space<hbm>>
          tpu.enqueue_indirect_dma source(%dma_start3A_146 : memref<10240x64xf32, #tpu.memory_space<hbm>>) target(%arg13 : memref<80x64xf32, #tpu.memory_space<vmem>>) offsets(%dma_start3A_143 : memref<80xi32, #tpu.memory_space<vmem>>) semaphore(%arg19 : memref<!tpu.dma_semaphore, #tpu.memory_space<semaphore_mem>>)
        } else {
        }
      }
      %scan3A_59 = arith.constant 63 : i32
    } else {
    }
    %barrier3A_17 = arith.constant 0 : index
    tpu.barrier barrier_id(%barrier3A_17)
    %eq3A_18 = arith.constant 0 : i32
    %eq3A_19 = arith.cmpi eq, %arg0, %eq3A_18 : i32
    %convert_element_type3A_20 = arith.extui %eq3A_19 : i1 to i32
    %cond3A_21 = arith.constant 0 : i32
    %cond3A_22 = arith.cmpi ne, %convert_element_type3A_20, %cond3A_21 : i32
    scf.if %cond3A_22 {
      %mul3A = arith.constant 640 : i32
      %mul3A_28 = arith.muli %arg1, %mul3A : i32
      %mul3A_29 = arith.constant 640 : i32
      %mul3A_30 = arith.muli %arg1, %mul3A_29 : i32
      "tpu.region"() ({
        %run_scoped3A = tpu.sem_alloc : memref<!tpu.dma_semaphore, #tpu.memory_space<semaphore_mem>>
        %dma_start3A = arith.constant 0 : i32
        %dma_start3A_31 = tpu.memref_slice %arg6[%mul3A_30, %dma_start3A] : memref<10240x64xf32, #tpu.memory_space<hbm>> -> memref<640x64xf32, #tpu.memory_space<hbm>>
        %dma_start3A_32 = arith.constant 0 : i32
        %dma_start3A_33 = tpu.memref_slice %arg15[%mul3A_28, %dma_start3A_32] : memref<10240x64xf32, #tpu.memory_space<vmem_shared>> -> memref<640x64xf32, #tpu.memory_space<vmem_shared>>
        tpu.enqueue_dma source(%dma_start3A_33 : memref<640x64xf32, #tpu.memory_space<vmem_shared>>) target(%dma_start3A_31 : memref<640x64xf32, #tpu.memory_space<hbm>>) target_semaphore(%run_scoped3A : memref<!tpu.dma_semaphore, #tpu.memory_space<semaphore_mem>>)
        %dma_wait3A = arith.constant 0 : i32
        %dma_wait3A_34 = tpu.memref_slice %arg6[%mul3A_30, %dma_wait3A] : memref<10240x64xf32, #tpu.memory_space<hbm>> -> memref<640x64xf32, #tpu.memory_space<hbm>>
        %dma_wait3A_35 = arith.constant 0 : i32
        %dma_wait3A_36 = tpu.memref_slice %arg15[%mul3A_28, %dma_wait3A_35] : memref<10240x64xf32, #tpu.memory_space<vmem_shared>> -> memref<640x64xf32, #tpu.memory_space<vmem_shared>>
        tpu.wait_dma2 semaphore(%run_scoped3A : memref<!tpu.dma_semaphore, #tpu.memory_space<semaphore_mem>>) src(%dma_wait3A_36 : memref<640x64xf32, #tpu.memory_space<vmem_shared>>) dst(%dma_wait3A_34 : memref<640x64xf32, #tpu.memory_space<hbm>>)
        tpu.yield
      }) : () -> ()
    } else {
    }
    %eq3A_23 = arith.constant 1 : i32
    %eq3A_24 = arith.cmpi eq, %arg0, %eq3A_23 : i32
    %convert_element_type3A_25 = arith.extui %eq3A_24 : i1 to i32
    %cond3A_26 = arith.constant 0 : i32
    %cond3A_27 = arith.cmpi ne, %convert_element_type3A_25, %cond3A_26 : i32
    scf.if %cond3A_27 {
      %mul3A = arith.constant 640 : i32
      %mul3A_28 = arith.muli %arg1, %mul3A : i32
      %mul3A_29 = arith.constant 640 : i32
      %mul3A_30 = arith.muli %arg1, %mul3A_29 : i32
      "tpu.region"() ({
        %run_scoped3A = tpu.sem_alloc : memref<!tpu.dma_semaphore, #tpu.memory_space<semaphore_mem>>
        %dma_start3A = arith.constant 0 : i32
        %dma_start3A_31 = tpu.memref_slice %arg7[%mul3A_30, %dma_start3A] : memref<10240x64xf32, #tpu.memory_space<hbm>> -> memref<640x64xf32, #tpu.memory_space<hbm>>
        %dma_start3A_32 = arith.constant 0 : i32
        %dma_start3A_33 = tpu.memref_slice %arg15[%mul3A_28, %dma_start3A_32] : memref<10240x64xf32, #tpu.memory_space<vmem_shared>> -> memref<640x64xf32, #tpu.memory_space<vmem_shared>>
        tpu.enqueue_dma source(%dma_start3A_33 : memref<640x64xf32, #tpu.memory_space<vmem_shared>>) target(%dma_start3A_31 : memref<640x64xf32, #tpu.memory_space<hbm>>) target_semaphore(%run_scoped3A : memref<!tpu.dma_semaphore, #tpu.memory_space<semaphore_mem>>)
        %dma_wait3A = arith.constant 0 : i32
        %dma_wait3A_34 = tpu.memref_slice %arg7[%mul3A_30, %dma_wait3A] : memref<10240x64xf32, #tpu.memory_space<hbm>> -> memref<640x64xf32, #tpu.memory_space<hbm>>
        %dma_wait3A_35 = arith.constant 0 : i32
        %dma_wait3A_36 = tpu.memref_slice %arg15[%mul3A_28, %dma_wait3A_35] : memref<10240x64xf32, #tpu.memory_space<vmem_shared>> -> memref<640x64xf32, #tpu.memory_space<vmem_shared>>
        tpu.wait_dma2 semaphore(%run_scoped3A : memref<!tpu.dma_semaphore, #tpu.memory_space<semaphore_mem>>) src(%dma_wait3A_36 : memref<640x64xf32, #tpu.memory_space<vmem_shared>>) dst(%dma_wait3A_34 : memref<640x64xf32, #tpu.memory_space<hbm>>)
        tpu.yield
      }) : () -> ()
    } else {
    }
    return
  }
}

#map = affine_map<(d0, d1) -> (0, 0, 0)>
#map1 = affine_map<(d0, d1) -> (0, 0)>
module attributes {stable_mosaic.version = 14 : i64} {
  func.func @body(%arg0: i32, %arg1: i32, %arg2: memref<32x125x80xi32, #tpu.memory_space<hbm>>, %arg3: memref<20480x16xf32, #tpu.memory_space<hbm>>, %arg4: memref<125x80xi32, #tpu.memory_space<vmem>>, %arg5: memref<80x16xf32, #tpu.memory_space<vmem>>, %arg6: memref<128x16xf32, #tpu.memory_space<vmem>>, %arg7: memref<10240x16xf32, #tpu.memory_space<vmem_shared>>) attributes {dimension_semantics = [#tpu.dimension_semantics<core_parallel>, #tpu.dimension_semantics<subcore_parallel>], iteration_bounds = array<i64: 2, 16>, scalar_prefetch = 0 : i64, scratch_operands = 4 : i64, tpu.core_type = #tpu.core_type<sc_vector_subcore>, window_params = [{transform_indices = #map}, {transform_indices = #map1}]} {
    %mul3A = arith.constant 16 : i32
    %mul3A_0 = arith.muli %arg0, %mul3A : i32
    %add3A = arith.addi %mul3A_0, %arg1 : i32
    %broadcast_in_dim3A = arith.constant 0.000000e+00 : f32
    %broadcast_in_dim3A_1 = vector.broadcast %broadcast_in_dim3A : f32 to vector<16xf32>
    %broadcast_in_dim3A_2 = arith.constant 1.000000e+00 : f32
    %broadcast_in_dim3A_3 = vector.broadcast %broadcast_in_dim3A_2 : f32 to vector<16xf32>
    %scan3A = arith.constant 0 : i32
    %scan3A_4 = arith.constant 128 : i32
    %scan3A_5 = arith.addi %scan3A, %scan3A_4 : i32
    %scan3A_6 = arith.constant 1 : i32
    scf.for %scan3A_31 = %scan3A to %scan3A_5 step %scan3A_6  : i32 {
      %mul3A_32 = arith.constant 1 : i32
      %mul3A_33 = arith.muli %scan3A_31, %mul3A_32 : i32
      %add3A_34 = arith.constant 0 : i32
      %add3A_35 = arith.addi %add3A_34, %mul3A_33 : i32
      %swap3A = arith.index_cast %add3A_35 : i32 to index
      %swap3A_36 = arith.constant 0 : index
      %swap3A_37 = tpu.vector_load %arg6[%swap3A, %swap3A_36] {strides = array<i32>} : memref<128x16xf32, #tpu.memory_space<vmem>>, vector<1x16xf32>,
      %swap3A_38 = vector.shape_cast %swap3A_37 : vector<1x16xf32> to vector<16xf32>
      %swap3A_39 = vector.shape_cast %broadcast_in_dim3A_1 : vector<16xf32> to vector<1x16xf32>
      tpu.vector_store %arg6[%swap3A, %swap3A_36], %swap3A_39 {strides = array<i32>} : memref<128x16xf32, #tpu.memory_space<vmem>>, vector<1x16xf32>,
    }
    %scan3A_7 = arith.constant 128 : i32
    %scan3A_8 = arith.constant 0 : i32
    %scan3A_9 = arith.constant 80 : i32
    %scan3A_10 = arith.addi %scan3A_8, %scan3A_9 : i32
    %scan3A_11 = arith.constant 1 : i32
    scf.for %scan3A_31 = %scan3A_8 to %scan3A_10 step %scan3A_11  : i32 {
      %mul3A_32 = arith.constant 1 : i32
      %mul3A_33 = arith.muli %scan3A_31, %mul3A_32 : i32
      %add3A_34 = arith.constant 0 : i32
      %add3A_35 = arith.addi %add3A_34, %mul3A_33 : i32
      %swap3A = arith.index_cast %add3A_35 : i32 to index
      %swap3A_36 = arith.constant 0 : index
      %swap3A_37 = tpu.vector_load %arg5[%swap3A, %swap3A_36] {strides = array<i32>} : memref<80x16xf32, #tpu.memory_space<vmem>>, vector<1x16xf32>,
      %swap3A_38 = vector.shape_cast %swap3A_37 : vector<1x16xf32> to vector<16xf32>
      %swap3A_39 = vector.shape_cast %broadcast_in_dim3A_3 : vector<16xf32> to vector<1x16xf32>
      tpu.vector_store %arg5[%swap3A, %swap3A_36], %swap3A_39 {strides = array<i32>} : memref<80x16xf32, #tpu.memory_space<vmem>>, vector<1x16xf32>,
    }
    %scan3A_12 = arith.constant 80 : i32
    %scan3A_13 = arith.constant 0 : i32
    %scan3A_14 = arith.constant 5 : i32
    %scan3A_15 = arith.addi %scan3A_13, %scan3A_14 : i32
    %scan3A_16 = arith.constant 1 : i32
    scf.for %scan3A_31 = %scan3A_13 to %scan3A_15 step %scan3A_16  : i32 {
      %mul3A_32 = arith.constant 1 : i32
      %mul3A_33 = arith.muli %scan3A_31, %mul3A_32 : i32
      %add3A_34 = arith.constant 0 : i32
      %add3A_35 = arith.addi %add3A_34, %mul3A_33 : i32
      %mul3A_36 = arith.constant 640 : i32
      %mul3A_37 = arith.muli %arg1, %mul3A_36 : i32
      %mul3A_38 = arith.constant 128 : i32
      %mul3A_39 = arith.muli %add3A_35, %mul3A_38 : i32
      %add3A_40 = arith.addi %mul3A_37, %mul3A_39 : i32
      "tpu.region"() ({
        %run_scoped3A = tpu.sem_alloc : memref<!tpu.dma_semaphore, #tpu.memory_space<semaphore_mem>>
        %dma_start3A = arith.constant 0 : i32
        %dma_start3A_41 = tpu.memref_slice %arg7[%add3A_40, %dma_start3A] : memref<10240x16xf32, #tpu.memory_space<vmem_shared>> -> memref<128x16xf32, #tpu.memory_space<vmem_shared>>
        %dma_start3A_42 = arith.constant 0 : i32
        %dma_start3A_43 = tpu.memref_slice %arg7[%add3A_40, %dma_start3A_42] : memref<10240x16xf32, #tpu.memory_space<vmem_shared>> -> memref<128x16xf32, #tpu.memory_space<vmem_shared>>
        tpu.enqueue_dma source(%arg6 : memref<128x16xf32, #tpu.memory_space<vmem>>) target(%dma_start3A_43 : memref<128x16xf32, #tpu.memory_space<vmem_shared>>) target_semaphore(%run_scoped3A : memref<!tpu.dma_semaphore, #tpu.memory_space<semaphore_mem>>)
        %dma_wait3A = arith.constant 0 : i32
        %dma_wait3A_44 = tpu.memref_slice %arg7[%add3A_40, %dma_wait3A] : memref<10240x16xf32, #tpu.memory_space<vmem_shared>> -> memref<128x16xf32, #tpu.memory_space<vmem_shared>>
        %dma_wait3A_45 = arith.constant 0 : i32
        %dma_wait3A_46 = tpu.memref_slice %arg7[%add3A_40, %dma_wait3A_45] : memref<10240x16xf32, #tpu.memory_space<vmem_shared>> -> memref<128x16xf32, #tpu.memory_space<vmem_shared>>
        tpu.wait_dma2 semaphore(%run_scoped3A : memref<!tpu.dma_semaphore, #tpu.memory_space<semaphore_mem>>) src(%arg6 : memref<128x16xf32, #tpu.memory_space<vmem>>) dst(%dma_wait3A_46 : memref<128x16xf32, #tpu.memory_space<vmem_shared>>)
        tpu.yield
      }) : () -> ()
    }
    %scan3A_17 = arith.constant 5 : i32
    "tpu.region"() ({
      %run_scoped3A = tpu.sem_alloc : memref<!tpu.dma_semaphore, #tpu.memory_space<semaphore_mem>>
      %dma_start3A = arith.constant 0 : i32
      %dma_start3A_31 = arith.constant 0 : i32
      %dma_start3A_32 = tpu.memref_slice %arg2[%add3A, %dma_start3A, %dma_start3A_31] : memref<32x125x80xi32, #tpu.memory_space<hbm>> -> memref<1x125x80xi32, #tpu.memory_space<hbm>>
      %dma_start3A_33 = tpu.memref_squeeze %dma_start3A_32 : memref<1x125x80xi32, #tpu.memory_space<hbm>> -> memref<125x80xi32, #tpu.memory_space<hbm>>
      %dma_start3A_34 = arith.constant 0 : i32
      %dma_start3A_35 = arith.constant 0 : i32
      %dma_start3A_36 = tpu.memref_slice %arg2[%add3A, %dma_start3A_34, %dma_start3A_35] : memref<32x125x80xi32, #tpu.memory_space<hbm>> -> memref<1x125x80xi32, #tpu.memory_space<hbm>>
      %dma_start3A_37 = tpu.memref_squeeze %dma_start3A_36 : memref<1x125x80xi32, #tpu.memory_space<hbm>> -> memref<125x80xi32, #tpu.memory_space<hbm>>
      tpu.enqueue_dma source(%dma_start3A_37 : memref<125x80xi32, #tpu.memory_space<hbm>>) target(%arg4 : memref<125x80xi32, #tpu.memory_space<vmem>>) target_semaphore(%run_scoped3A : memref<!tpu.dma_semaphore, #tpu.memory_space<semaphore_mem>>)
      %dma_wait3A = arith.constant 0 : i32
      %dma_wait3A_38 = arith.constant 0 : i32
      %dma_wait3A_39 = tpu.memref_slice %arg2[%add3A, %dma_wait3A, %dma_wait3A_38] : memref<32x125x80xi32, #tpu.memory_space<hbm>> -> memref<1x125x80xi32, #tpu.memory_space<hbm>>
      %dma_wait3A_40 = tpu.memref_squeeze %dma_wait3A_39 : memref<1x125x80xi32, #tpu.memory_space<hbm>> -> memref<125x80xi32, #tpu.memory_space<hbm>>
      %dma_wait3A_41 = arith.constant 0 : i32
      %dma_wait3A_42 = arith.constant 0 : i32
      %dma_wait3A_43 = tpu.memref_slice %arg2[%add3A, %dma_wait3A_41, %dma_wait3A_42] : memref<32x125x80xi32, #tpu.memory_space<hbm>> -> memref<1x125x80xi32, #tpu.memory_space<hbm>>
      %dma_wait3A_44 = tpu.memref_squeeze %dma_wait3A_43 : memref<1x125x80xi32, #tpu.memory_space<hbm>> -> memref<125x80xi32, #tpu.memory_space<hbm>>
      tpu.wait_dma2 semaphore(%run_scoped3A : memref<!tpu.dma_semaphore, #tpu.memory_space<semaphore_mem>>) src(%dma_wait3A_44 : memref<125x80xi32, #tpu.memory_space<hbm>>) dst(%arg4 : memref<125x80xi32, #tpu.memory_space<vmem>>)
      tpu.yield
    }) : () -> ()
    %barrier3A = arith.constant 0 : index
    tpu.barrier barrier_id(%barrier3A)
    %scan3A_18 = arith.constant 0 : i32
    %scan3A_19 = arith.constant 125 : i32
    %scan3A_20 = arith.addi %scan3A_18, %scan3A_19 : i32
    %scan3A_21 = arith.constant 1 : i32
    scf.for %scan3A_31 = %scan3A_18 to %scan3A_20 step %scan3A_21  : i32 {
      %mul3A_32 = arith.constant 1 : i32
      %mul3A_33 = arith.muli %scan3A_31, %mul3A_32 : i32
      %add3A_34 = arith.constant 0 : i32
      %add3A_35 = arith.addi %add3A_34, %mul3A_33 : i32
      "tpu.region"() ({
        %run_scoped3A = tpu.sem_alloc : memref<!tpu.dma_semaphore, #tpu.memory_space<semaphore_mem>>
        %dma_start3A = arith.constant 0 : i32
        %dma_start3A_36 = tpu.memref_slice %arg4[%add3A_35, %dma_start3A] : memref<125x80xi32, #tpu.memory_space<vmem>> -> memref<1x80xi32, #tpu.memory_space<vmem>>
        %dma_start3A_37 = tpu.memref_squeeze %dma_start3A_36 : memref<1x80xi32, #tpu.memory_space<vmem>> -> memref<80xi32, #tpu.memory_space<vmem>>
        %dma_start3A_38 = arith.constant 0 : i32
        %dma_start3A_39 = arith.constant 0 : i32
        %dma_start3A_40 = tpu.memref_slice %arg7[%dma_start3A_38, %dma_start3A_39] : memref<10240x16xf32, #tpu.memory_space<vmem_shared>> -> memref<10240x16xf32, #tpu.memory_space<vmem_shared>>
        tpu.enqueue_indirect_dma source(%arg5 : memref<80x16xf32, #tpu.memory_space<vmem>>) target(%dma_start3A_40 : memref<10240x16xf32, #tpu.memory_space<vmem_shared>>) offsets(%dma_start3A_37 : memref<80xi32, #tpu.memory_space<vmem>>) semaphore(%run_scoped3A : memref<!tpu.dma_semaphore, #tpu.memory_space<semaphore_mem>>) {add = true}
        %dma_wait3A = arith.constant 0 : i32
        %dma_wait3A_41 = tpu.memref_slice %arg4[%add3A_35, %dma_wait3A] : memref<125x80xi32, #tpu.memory_space<vmem>> -> memref<1x80xi32, #tpu.memory_space<vmem>>
        %dma_wait3A_42 = tpu.memref_squeeze %dma_wait3A_41 : memref<1x80xi32, #tpu.memory_space<vmem>> -> memref<80xi32, #tpu.memory_space<vmem>>
        %dma_wait3A_43 = arith.constant 0 : i32
        %dma_wait3A_44 = arith.constant 0 : i32
        %dma_wait3A_45 = tpu.memref_slice %arg7[%dma_wait3A_43, %dma_wait3A_44] : memref<10240x16xf32, #tpu.memory_space<vmem_shared>> -> memref<10240x16xf32, #tpu.memory_space<vmem_shared>>
        tpu.wait_indirect_dma semaphore(%run_scoped3A : memref<!tpu.dma_semaphore, #tpu.memory_space<semaphore_mem>>) src(%arg5 : memref<80x16xf32, #tpu.memory_space<vmem>>) dst(%dma_wait3A_45 : memref<10240x16xf32, #tpu.memory_space<vmem_shared>>)
        tpu.yield
      }) : () -> ()
    }
    %scan3A_22 = arith.constant 125 : i32
    %barrier3A_23 = arith.constant 0 : index
    tpu.barrier barrier_id(%barrier3A_23)
    %mul3A_24 = arith.constant 640 : i32
    %mul3A_25 = arith.muli %arg1, %mul3A_24 : i32
    %mul3A_26 = arith.constant 10240 : i32
    %mul3A_27 = arith.muli %arg0, %mul3A_26 : i32
    %mul3A_28 = arith.constant 640 : i32
    %mul3A_29 = arith.muli %arg1, %mul3A_28 : i32
    %add3A_30 = arith.addi %mul3A_27, %mul3A_29 : i32
    "tpu.region"() ({
      %run_scoped3A = tpu.sem_alloc : memref<!tpu.dma_semaphore, #tpu.memory_space<semaphore_mem>>
      %dma_start3A = arith.constant 0 : i32
      %dma_start3A_31 = tpu.memref_slice %arg3[%add3A_30, %dma_start3A] : memref<20480x16xf32, #tpu.memory_space<hbm>> -> memref<640x16xf32, #tpu.memory_space<hbm>>
      %dma_start3A_32 = arith.constant 0 : i32
      %dma_start3A_33 = tpu.memref_slice %arg7[%mul3A_25, %dma_start3A_32] : memref<10240x16xf32, #tpu.memory_space<vmem_shared>> -> memref<640x16xf32, #tpu.memory_space<vmem_shared>>
      tpu.enqueue_dma source(%dma_start3A_33 : memref<640x16xf32, #tpu.memory_space<vmem_shared>>) target(%dma_start3A_31 : memref<640x16xf32, #tpu.memory_space<hbm>>) target_semaphore(%run_scoped3A : memref<!tpu.dma_semaphore, #tpu.memory_space<semaphore_mem>>)
      %dma_wait3A = arith.constant 0 : i32
      %dma_wait3A_34 = tpu.memref_slice %arg3[%add3A_30, %dma_wait3A] : memref<20480x16xf32, #tpu.memory_space<hbm>> -> memref<640x16xf32, #tpu.memory_space<hbm>>
      %dma_wait3A_35 = arith.constant 0 : i32
      %dma_wait3A_36 = tpu.memref_slice %arg7[%mul3A_25, %dma_wait3A_35] : memref<10240x16xf32, #tpu.memory_space<vmem_shared>> -> memref<640x16xf32, #tpu.memory_space<vmem_shared>>
      tpu.wait_dma2 semaphore(%run_scoped3A : memref<!tpu.dma_semaphore, #tpu.memory_space<semaphore_mem>>) src(%dma_wait3A_36 : memref<640x16xf32, #tpu.memory_space<vmem_shared>>) dst(%dma_wait3A_34 : memref<640x16xf32, #tpu.memory_space<hbm>>)
      tpu.yield
    }) : () -> ()
    return
  }
}

module attributes {stable_mosaic.version = 14 : i64} {
  func.func @_combine_body(%arg0: i32, %arg1: memref<1024x64xf32, #tpu.memory_space<vmem>>, %arg2: memref<1024x64xf32, #tpu.memory_space<vmem>>, %arg3: memref<1x1024x16xf32, #tpu.memory_space<vmem>>, %arg4: memref<1x1024x16xf32, #tpu.memory_space<vmem>>, %arg5: memref<1024x64xf32, #tpu.memory_space<vmem>>, %arg6: memref<1024x64xf32, #tpu.memory_space<vmem>>, %arg7: memref<64x128xf32, #tpu.memory_space<vmem>>, %arg8: memref<64x128xf32, #tpu.memory_space<vmem>>, %arg9: memref<1x128xf32, #tpu.memory_space<vmem>>, %arg10: memref<64x128xf32, #tpu.memory_space<vmem>>, %arg11: memref<64x128xf32, #tpu.memory_space<vmem>>, %arg12: memref<1024x64xf32, #tpu.memory_space<vmem>>, %arg13: memref<1024x64xf32, #tpu.memory_space<vmem>>) attributes {dimension_semantics = [#tpu.dimension_semantics<arbitrary>], iteration_bounds = array<i64: 10>, scalar_prefetch = 0 : i64, scratch_operands = 0 : i64, tpu.core_type = #tpu.core_type<tc>, window_params = [{transform_indices = @transform_0, window_bounds = array<i64: 1024, 64>}, {transform_indices = @transform_1, window_bounds = array<i64: 1024, 64>}, {transform_indices = @transform_2, window_bounds = array<i64: 1, 1024, 16>}, {transform_indices = @transform_3, window_bounds = array<i64: 1, 1024, 16>}, {transform_indices = @transform_4, window_bounds = array<i64: 1024, 64>}, {transform_indices = @transform_5, window_bounds = array<i64: 1024, 64>}, {pipeline_mode = #tpu.pipeline_mode<synchronous>, transform_indices = @transform_6, window_bounds = array<i64: 64, 128>}, {pipeline_mode = #tpu.pipeline_mode<synchronous>, transform_indices = @transform_7, window_bounds = array<i64: 64, 128>}, {pipeline_mode = #tpu.pipeline_mode<synchronous>, transform_indices = @transform_8, window_bounds = array<i64: 1, 128>}, {pipeline_mode = #tpu.pipeline_mode<synchronous>, transform_indices = @transform_9, window_bounds = array<i64: 64, 128>}, {pipeline_mode = #tpu.pipeline_mode<synchronous>, transform_indices = @transform_10, window_bounds = array<i64: 64, 128>}, {transform_indices = @transform_11, window_bounds = array<i64: 1024, 64>}, {transform_indices = @transform_12, window_bounds = array<i64: 1024, 64>}]} {
    %get3A = arith.constant 0 : index
    %get3A_0 = arith.constant 0 : index
    %get3A_1 = arith.constant 0 : index
    %get3A_2 = vector.load %arg3[%get3A, %get3A_0, %get3A_1] : memref<1x1024x16xf32, #tpu.memory_space<vmem>>, vector<1x1024x16xf32>
    %get3A_3 = vector.shape_cast %get3A_2 : vector<1x1024x16xf32> to vector<1024x16xf32>
    %slice3A = vector.extract_strided_slice %get3A_3 {offsets = [0, 0], sizes = [1024, 1], strides = [1, 1]} : vector<1024x16xf32> to vector<1024x1xf32>
    %get3A_4 = arith.constant 0 : index
    %get3A_5 = arith.constant 0 : index
    %get3A_6 = arith.constant 0 : index
    %get3A_7 = vector.load %arg4[%get3A_4, %get3A_5, %get3A_6] : memref<1x1024x16xf32, #tpu.memory_space<vmem>>, vector<1x1024x16xf32>
    %get3A_8 = vector.shape_cast %get3A_7 : vector<1x1024x16xf32> to vector<1024x16xf32>
    %slice3A_9 = vector.extract_strided_slice %get3A_8 {offsets = [0, 0], sizes = [1024, 1], strides = [1, 1]} : vector<1024x16xf32> to vector<1024x1xf32>
    %add3A = arith.addf %slice3A, %slice3A_9 : vector<1024x1xf32>
    %max3A = arith.constant 1.000000e+00 : f32
    %max3A_10 = vector.broadcast %max3A : f32 to vector<1024x1xf32>
    %max3A_11 = arith.maximumf %add3A, %max3A_10 : vector<1024x1xf32>
    %div3A = arith.constant 1.000000e+00 : f32
    %div3A_12 = vector.broadcast %div3A : f32 to vector<1024x1xf32>
    %div3A_13 = arith.divf %div3A_12, %max3A_11 : vector<1024x1xf32>
    %get3A_14 = arith.constant 0 : index
    %get3A_15 = arith.constant 0 : index
    %get3A_16 = vector.load %arg1[%get3A_14, %get3A_15] : memref<1024x64xf32, #tpu.memory_space<vmem>>, vector<1024x64xf32>
    %mul3A = vector.broadcast %div3A_13 : vector<1024x1xf32> to vector<1024x64xf32>
    %mul3A_17 = arith.mulf %get3A_16, %mul3A : vector<1024x64xf32>
    %get3A_18 = arith.constant 0 : index
    %get3A_19 = arith.constant 0 : index
    %get3A_20 = vector.load %arg7[%get3A_18, %get3A_19] : memref<64x128xf32, #tpu.memory_space<vmem>>, vector<64x128xf32>
    %dot_general3A = arith.constant dense<0.000000e+00> : vector<1024x128xf32>
    %dot_general3A_21 = tpu.matmul %mul3A_17, %get3A_20, %dot_general3A {dimension_numbers = #tpu.dot_dimension_numbers<[1], [0], [0], [1], [0, 0, 1, 1], [], []>, transpose_lhs_hint = false} : vector<1024x64xf32>, vector<64x128xf32>, vector<1024x128xf32> -> vector<1024x128xf32>
    %get3A_22 = arith.constant 0 : index
    %get3A_23 = arith.constant 0 : index
    %get3A_24 = vector.load %arg2[%get3A_22, %get3A_23] : memref<1024x64xf32, #tpu.memory_space<vmem>>, vector<1024x64xf32>
    %mul3A_25 = vector.broadcast %div3A_13 : vector<1024x1xf32> to vector<1024x64xf32>
    %mul3A_26 = arith.mulf %get3A_24, %mul3A_25 : vector<1024x64xf32>
    %get3A_27 = arith.constant 0 : index
    %get3A_28 = arith.constant 0 : index
    %get3A_29 = vector.load %arg8[%get3A_27, %get3A_28] : memref<64x128xf32, #tpu.memory_space<vmem>>, vector<64x128xf32>
    %dot_general3A_30 = arith.constant dense<0.000000e+00> : vector<1024x128xf32>
    %dot_general3A_31 = tpu.matmul %mul3A_26, %get3A_29, %dot_general3A_30 {dimension_numbers = #tpu.dot_dimension_numbers<[1], [0], [0], [1], [0, 0, 1, 1], [], []>, transpose_lhs_hint = false} : vector<1024x64xf32>, vector<64x128xf32>, vector<1024x128xf32> -> vector<1024x128xf32>
    %add3A_32 = arith.addf %dot_general3A_21, %dot_general3A_31 : vector<1024x128xf32>
    %get3A_33 = arith.constant 0 : index
    %get3A_34 = arith.constant 0 : index
    %get3A_35 = vector.load %arg5[%get3A_33, %get3A_34] : memref<1024x64xf32, #tpu.memory_space<vmem>>, vector<1024x64xf32>
    %get3A_36 = arith.constant 0 : index
    %get3A_37 = arith.constant 0 : index
    %get3A_38 = vector.load %arg10[%get3A_36, %get3A_37] : memref<64x128xf32, #tpu.memory_space<vmem>>, vector<64x128xf32>
    %dot_general3A_39 = arith.constant dense<0.000000e+00> : vector<1024x128xf32>
    %dot_general3A_40 = tpu.matmul %get3A_35, %get3A_38, %dot_general3A_39 {dimension_numbers = #tpu.dot_dimension_numbers<[1], [0], [0], [1], [0, 0, 1, 1], [], []>, transpose_lhs_hint = false} : vector<1024x64xf32>, vector<64x128xf32>, vector<1024x128xf32> -> vector<1024x128xf32>
    %add3A_41 = arith.addf %add3A_32, %dot_general3A_40 : vector<1024x128xf32>
    %get3A_42 = arith.constant 0 : index
    %get3A_43 = arith.constant 0 : index
    %get3A_44 = vector.load %arg6[%get3A_42, %get3A_43] : memref<1024x64xf32, #tpu.memory_space<vmem>>, vector<1024x64xf32>
    %get3A_45 = arith.constant 0 : index
    %get3A_46 = arith.constant 0 : index
    %get3A_47 = vector.load %arg11[%get3A_45, %get3A_46] : memref<64x128xf32, #tpu.memory_space<vmem>>, vector<64x128xf32>
    %dot_general3A_48 = arith.constant dense<0.000000e+00> : vector<1024x128xf32>
    %dot_general3A_49 = tpu.matmul %get3A_44, %get3A_47, %dot_general3A_48 {dimension_numbers = #tpu.dot_dimension_numbers<[1], [0], [0], [1], [0, 0, 1, 1], [], []>, transpose_lhs_hint = false} : vector<1024x64xf32>, vector<64x128xf32>, vector<1024x128xf32> -> vector<1024x128xf32>
    %add3A_50 = arith.addf %add3A_41, %dot_general3A_49 : vector<1024x128xf32>
    %get3A_51 = arith.constant 0 : index
    %get3A_52 = arith.constant 0 : index
    %get3A_53 = vector.load %arg9[%get3A_51, %get3A_52] : memref<1x128xf32, #tpu.memory_space<vmem>>, vector<1x128xf32>
    %add3A_54 = vector.broadcast %get3A_53 : vector<1x128xf32> to vector<1024x128xf32>
    %add3A_55 = arith.addf %add3A_50, %add3A_54 : vector<1024x128xf32>
    %max3A_56 = arith.constant 0.000000e+00 : f32
    %max3A_57 = vector.broadcast %max3A_56 : f32 to vector<1024x128xf32>
    %max3A_58 = arith.maximumf %add3A_55, %max3A_57 : vector<1024x128xf32>
    %slice3A_59 = vector.extract_strided_slice %max3A_58 {offsets = [0, 0], sizes = [1024, 64], strides = [1, 1]} : vector<1024x128xf32> to vector<1024x64xf32>
    %swap3A = arith.constant 0 : index
    %swap3A_60 = arith.constant 0 : index
    %swap3A_61 = vector.load %arg12[%swap3A, %swap3A_60] : memref<1024x64xf32, #tpu.memory_space<vmem>>, vector<1024x64xf32>
    tpu.vector_store %arg12[%swap3A, %swap3A_60], %slice3A_59 {strides = array<i32>} : memref<1024x64xf32, #tpu.memory_space<vmem>>, vector<1024x64xf32>,
    %slice3A_62 = vector.extract_strided_slice %max3A_58 {offsets = [0, 64], sizes = [1024, 64], strides = [1, 1]} : vector<1024x128xf32> to vector<1024x64xf32>
    %swap3A_63 = arith.constant 0 : index
    %swap3A_64 = arith.constant 0 : index
    %swap3A_65 = vector.load %arg13[%swap3A_63, %swap3A_64] : memref<1024x64xf32, #tpu.memory_space<vmem>>, vector<1024x64xf32>
    tpu.vector_store %arg13[%swap3A_63, %swap3A_64], %slice3A_62 {strides = array<i32>} : memref<1024x64xf32, #tpu.memory_space<vmem>>, vector<1024x64xf32>,
    return
  }
  func.func @transform_0(%arg0: i32) -> (i32, i32) {
    %c0_i32 = arith.constant 0 : i32
    %c0_i32_0 = arith.constant 0 : i32
    return %arg0, %c0_i32 : i32, i32
  }
  func.func @transform_1(%arg0: i32) -> (i32, i32) {
    %c0_i32 = arith.constant 0 : i32
    %c0_i32_0 = arith.constant 0 : i32
    return %arg0, %c0_i32 : i32, i32
  }
  func.func @transform_2(%arg0: i32) -> (i32, i32, i32) {
    %c0_i32 = arith.constant 0 : i32
    %c0_i32_0 = arith.constant 0 : i32
    %c0_i32_1 = arith.constant 0 : i32
    return %c0_i32, %arg0, %c0_i32_0 : i32, i32, i32
  }
  func.func @transform_3(%arg0: i32) -> (i32, i32, i32) {
    %c1_i32 = arith.constant 1 : i32
    %c0_i32 = arith.constant 0 : i32
    %c0_i32_0 = arith.constant 0 : i32
    return %c1_i32, %arg0, %c0_i32 : i32, i32, i32
  }
  func.func @transform_4(%arg0: i32) -> (i32, i32) {
    %c0_i32 = arith.constant 0 : i32
    %c0_i32_0 = arith.constant 0 : i32
    return %arg0, %c0_i32 : i32, i32
  }
  func.func @transform_5(%arg0: i32) -> (i32, i32) {
    %c0_i32 = arith.constant 0 : i32
    %c0_i32_0 = arith.constant 0 : i32
    return %arg0, %c0_i32 : i32, i32
  }
  func.func @transform_6(%arg0: i32) -> (i32, i32) {
    %c0_i32 = arith.constant 0 : i32
    %c0_i32_0 = arith.constant 0 : i32
    %c0_i32_1 = arith.constant 0 : i32
    return %c0_i32, %c0_i32_0 : i32, i32
  }
  func.func @transform_7(%arg0: i32) -> (i32, i32) {
    %c0_i32 = arith.constant 0 : i32
    %c0_i32_0 = arith.constant 0 : i32
    %c0_i32_1 = arith.constant 0 : i32
    return %c0_i32, %c0_i32_0 : i32, i32
  }
  func.func @transform_8(%arg0: i32) -> (i32, i32) {
    %c0_i32 = arith.constant 0 : i32
    %c0_i32_0 = arith.constant 0 : i32
    %c0_i32_1 = arith.constant 0 : i32
    return %c0_i32, %c0_i32_0 : i32, i32
  }
  func.func @transform_9(%arg0: i32) -> (i32, i32) {
    %c0_i32 = arith.constant 0 : i32
    %c0_i32_0 = arith.constant 0 : i32
    %c0_i32_1 = arith.constant 0 : i32
    return %c0_i32, %c0_i32_0 : i32, i32
  }
  func.func @transform_10(%arg0: i32) -> (i32, i32) {
    %c0_i32 = arith.constant 0 : i32
    %c0_i32_0 = arith.constant 0 : i32
    %c0_i32_1 = arith.constant 0 : i32
    return %c0_i32, %c0_i32_0 : i32, i32
  }
  func.func @transform_11(%arg0: i32) -> (i32, i32) {
    %c0_i32 = arith.constant 0 : i32
    %c0_i32_0 = arith.constant 0 : i32
    return %arg0, %c0_i32 : i32, i32
  }
  func.func @transform_12(%arg0: i32) -> (i32, i32) {
    %c0_i32 = arith.constant 0 : i32
    %c0_i32_0 = arith.constant 0 : i32
    return %arg0, %c0_i32 : i32, i32
  }
}

module attributes {stable_mosaic.version = 14 : i64} {
  func.func @_head_body(%arg0: i32, %arg1: memref<1024x64xf32, #tpu.memory_space<vmem>>, %arg2: memref<1024x64xf32, #tpu.memory_space<vmem>>, %arg3: memref<1x1024x16xf32, #tpu.memory_space<vmem>>, %arg4: memref<1x1024x16xf32, #tpu.memory_space<vmem>>, %arg5: memref<1024x64xf32, #tpu.memory_space<vmem>>, %arg6: memref<1024x64xf32, #tpu.memory_space<vmem>>, %arg7: memref<64x128xf32, #tpu.memory_space<vmem>>, %arg8: memref<64x128xf32, #tpu.memory_space<vmem>>, %arg9: memref<1x128xf32, #tpu.memory_space<vmem>>, %arg10: memref<64x128xf32, #tpu.memory_space<vmem>>, %arg11: memref<64x128xf32, #tpu.memory_space<vmem>>, %arg12: memref<128x128xf32, #tpu.memory_space<vmem>>, %arg13: memref<1x128xf32, #tpu.memory_space<vmem>>, %arg14: memref<128x128xf32, #tpu.memory_space<vmem>>, %arg15: memref<1x128xf32, #tpu.memory_space<vmem>>, %arg16: memref<1024x128xf32, #tpu.memory_space<vmem>>) attributes {dimension_semantics = [#tpu.dimension_semantics<arbitrary>], iteration_bounds = array<i64: 10>, scalar_prefetch = 0 : i64, scratch_operands = 0 : i64, tpu.core_type = #tpu.core_type<tc>, window_params = [{transform_indices = @transform_0, window_bounds = array<i64: 1024, 64>}, {transform_indices = @transform_1, window_bounds = array<i64: 1024, 64>}, {transform_indices = @transform_2, window_bounds = array<i64: 1, 1024, 16>}, {transform_indices = @transform_3, window_bounds = array<i64: 1, 1024, 16>}, {transform_indices = @transform_4, window_bounds = array<i64: 1024, 64>}, {transform_indices = @transform_5, window_bounds = array<i64: 1024, 64>}, {pipeline_mode = #tpu.pipeline_mode<synchronous>, transform_indices = @transform_6, window_bounds = array<i64: 64, 128>}, {pipeline_mode = #tpu.pipeline_mode<synchronous>, transform_indices = @transform_7, window_bounds = array<i64: 64, 128>}, {pipeline_mode = #tpu.pipeline_mode<synchronous>, transform_indices = @transform_8, window_bounds = array<i64: 1, 128>}, {pipeline_mode = #tpu.pipeline_mode<synchronous>, transform_indices = @transform_9, window_bounds = array<i64: 64, 128>}, {pipeline_mode = #tpu.pipeline_mode<synchronous>, transform_indices = @transform_10, window_bounds = array<i64: 64, 128>}, {pipeline_mode = #tpu.pipeline_mode<synchronous>, transform_indices = @transform_11, window_bounds = array<i64: 128, 128>}, {pipeline_mode = #tpu.pipeline_mode<synchronous>, transform_indices = @transform_12, window_bounds = array<i64: 1, 128>}, {pipeline_mode = #tpu.pipeline_mode<synchronous>, transform_indices = @transform_13, window_bounds = array<i64: 128, 128>}, {pipeline_mode = #tpu.pipeline_mode<synchronous>, transform_indices = @transform_14, window_bounds = array<i64: 1, 128>}, {transform_indices = @transform_15, window_bounds = array<i64: 1024, 128>}]} {
    %get3A = arith.constant 0 : index
    %get3A_0 = arith.constant 0 : index
    %get3A_1 = arith.constant 0 : index
    %get3A_2 = vector.load %arg3[%get3A, %get3A_0, %get3A_1] : memref<1x1024x16xf32, #tpu.memory_space<vmem>>, vector<1x1024x16xf32>
    %get3A_3 = vector.shape_cast %get3A_2 : vector<1x1024x16xf32> to vector<1024x16xf32>
    %slice3A = vector.extract_strided_slice %get3A_3 {offsets = [0, 0], sizes = [1024, 1], strides = [1, 1]} : vector<1024x16xf32> to vector<1024x1xf32>
    %get3A_4 = arith.constant 0 : index
    %get3A_5 = arith.constant 0 : index
    %get3A_6 = arith.constant 0 : index
    %get3A_7 = vector.load %arg4[%get3A_4, %get3A_5, %get3A_6] : memref<1x1024x16xf32, #tpu.memory_space<vmem>>, vector<1x1024x16xf32>
    %get3A_8 = vector.shape_cast %get3A_7 : vector<1x1024x16xf32> to vector<1024x16xf32>
    %slice3A_9 = vector.extract_strided_slice %get3A_8 {offsets = [0, 0], sizes = [1024, 1], strides = [1, 1]} : vector<1024x16xf32> to vector<1024x1xf32>
    %add3A = arith.addf %slice3A, %slice3A_9 : vector<1024x1xf32>
    %max3A = arith.constant 1.000000e+00 : f32
    %max3A_10 = vector.broadcast %max3A : f32 to vector<1024x1xf32>
    %max3A_11 = arith.maximumf %add3A, %max3A_10 : vector<1024x1xf32>
    %div3A = arith.constant 1.000000e+00 : f32
    %div3A_12 = vector.broadcast %div3A : f32 to vector<1024x1xf32>
    %div3A_13 = arith.divf %div3A_12, %max3A_11 : vector<1024x1xf32>
    %get3A_14 = arith.constant 0 : index
    %get3A_15 = arith.constant 0 : index
    %get3A_16 = vector.load %arg1[%get3A_14, %get3A_15] : memref<1024x64xf32, #tpu.memory_space<vmem>>, vector<1024x64xf32>
    %mul3A = vector.broadcast %div3A_13 : vector<1024x1xf32> to vector<1024x64xf32>
    %mul3A_17 = arith.mulf %get3A_16, %mul3A : vector<1024x64xf32>
    %get3A_18 = arith.constant 0 : index
    %get3A_19 = arith.constant 0 : index
    %get3A_20 = vector.load %arg7[%get3A_18, %get3A_19] : memref<64x128xf32, #tpu.memory_space<vmem>>, vector<64x128xf32>
    %dot_general3A = arith.constant dense<0.000000e+00> : vector<1024x128xf32>
    %dot_general3A_21 = tpu.matmul %mul3A_17, %get3A_20, %dot_general3A {dimension_numbers = #tpu.dot_dimension_numbers<[1], [0], [0], [1], [0, 0, 1, 1], [], []>, transpose_lhs_hint = false} : vector<1024x64xf32>, vector<64x128xf32>, vector<1024x128xf32> -> vector<1024x128xf32>
    %get3A_22 = arith.constant 0 : index
    %get3A_23 = arith.constant 0 : index
    %get3A_24 = vector.load %arg2[%get3A_22, %get3A_23] : memref<1024x64xf32, #tpu.memory_space<vmem>>, vector<1024x64xf32>
    %mul3A_25 = vector.broadcast %div3A_13 : vector<1024x1xf32> to vector<1024x64xf32>
    %mul3A_26 = arith.mulf %get3A_24, %mul3A_25 : vector<1024x64xf32>
    %get3A_27 = arith.constant 0 : index
    %get3A_28 = arith.constant 0 : index
    %get3A_29 = vector.load %arg8[%get3A_27, %get3A_28] : memref<64x128xf32, #tpu.memory_space<vmem>>, vector<64x128xf32>
    %dot_general3A_30 = arith.constant dense<0.000000e+00> : vector<1024x128xf32>
    %dot_general3A_31 = tpu.matmul %mul3A_26, %get3A_29, %dot_general3A_30 {dimension_numbers = #tpu.dot_dimension_numbers<[1], [0], [0], [1], [0, 0, 1, 1], [], []>, transpose_lhs_hint = false} : vector<1024x64xf32>, vector<64x128xf32>, vector<1024x128xf32> -> vector<1024x128xf32>
    %add3A_32 = arith.addf %dot_general3A_21, %dot_general3A_31 : vector<1024x128xf32>
    %get3A_33 = arith.constant 0 : index
    %get3A_34 = arith.constant 0 : index
    %get3A_35 = vector.load %arg5[%get3A_33, %get3A_34] : memref<1024x64xf32, #tpu.memory_space<vmem>>, vector<1024x64xf32>
    %get3A_36 = arith.constant 0 : index
    %get3A_37 = arith.constant 0 : index
    %get3A_38 = vector.load %arg10[%get3A_36, %get3A_37] : memref<64x128xf32, #tpu.memory_space<vmem>>, vector<64x128xf32>
    %dot_general3A_39 = arith.constant dense<0.000000e+00> : vector<1024x128xf32>
    %dot_general3A_40 = tpu.matmul %get3A_35, %get3A_38, %dot_general3A_39 {dimension_numbers = #tpu.dot_dimension_numbers<[1], [0], [0], [1], [0, 0, 1, 1], [], []>, transpose_lhs_hint = false} : vector<1024x64xf32>, vector<64x128xf32>, vector<1024x128xf32> -> vector<1024x128xf32>
    %add3A_41 = arith.addf %add3A_32, %dot_general3A_40 : vector<1024x128xf32>
    %get3A_42 = arith.constant 0 : index
    %get3A_43 = arith.constant 0 : index
    %get3A_44 = vector.load %arg6[%get3A_42, %get3A_43] : memref<1024x64xf32, #tpu.memory_space<vmem>>, vector<1024x64xf32>
    %get3A_45 = arith.constant 0 : index
    %get3A_46 = arith.constant 0 : index
    %get3A_47 = vector.load %arg11[%get3A_45, %get3A_46] : memref<64x128xf32, #tpu.memory_space<vmem>>, vector<64x128xf32>
    %dot_general3A_48 = arith.constant dense<0.000000e+00> : vector<1024x128xf32>
    %dot_general3A_49 = tpu.matmul %get3A_44, %get3A_47, %dot_general3A_48 {dimension_numbers = #tpu.dot_dimension_numbers<[1], [0], [0], [1], [0, 0, 1, 1], [], []>, transpose_lhs_hint = false} : vector<1024x64xf32>, vector<64x128xf32>, vector<1024x128xf32> -> vector<1024x128xf32>
    %add3A_50 = arith.addf %add3A_41, %dot_general3A_49 : vector<1024x128xf32>
    %get3A_51 = arith.constant 0 : index
    %get3A_52 = arith.constant 0 : index
    %get3A_53 = vector.load %arg9[%get3A_51, %get3A_52] : memref<1x128xf32, #tpu.memory_space<vmem>>, vector<1x128xf32>
    %add3A_54 = vector.broadcast %get3A_53 : vector<1x128xf32> to vector<1024x128xf32>
    %add3A_55 = arith.addf %add3A_50, %add3A_54 : vector<1024x128xf32>
    %max3A_56 = arith.constant 0.000000e+00 : f32
    %max3A_57 = vector.broadcast %max3A_56 : f32 to vector<1024x128xf32>
    %max3A_58 = arith.maximumf %add3A_55, %max3A_57 : vector<1024x128xf32>
    %get3A_59 = arith.constant 0 : index
    %get3A_60 = arith.constant 0 : index
    %get3A_61 = vector.load %arg12[%get3A_59, %get3A_60] : memref<128x128xf32, #tpu.memory_space<vmem>>, vector<128x128xf32>
    %dot_general3A_62 = arith.constant dense<0.000000e+00> : vector<1024x128xf32>
    %dot_general3A_63 = tpu.matmul %max3A_58, %get3A_61, %dot_general3A_62 {dimension_numbers = #tpu.dot_dimension_numbers<[1], [0], [0], [1], [0, 0, 1, 1], [], []>, transpose_lhs_hint = false} : vector<1024x128xf32>, vector<128x128xf32>, vector<1024x128xf32> -> vector<1024x128xf32>
    %get3A_64 = arith.constant 0 : index
    %get3A_65 = arith.constant 0 : index
    %get3A_66 = vector.load %arg13[%get3A_64, %get3A_65] : memref<1x128xf32, #tpu.memory_space<vmem>>, vector<1x128xf32>
    %add3A_67 = vector.broadcast %get3A_66 : vector<1x128xf32> to vector<1024x128xf32>
    %add3A_68 = arith.addf %dot_general3A_63, %add3A_67 : vector<1024x128xf32>
    %max3A_69 = arith.constant 0.000000e+00 : f32
    %max3A_70 = vector.broadcast %max3A_69 : f32 to vector<1024x128xf32>
    %max3A_71 = arith.maximumf %add3A_68, %max3A_70 : vector<1024x128xf32>
    %get3A_72 = arith.constant 0 : index
    %get3A_73 = arith.constant 0 : index
    %get3A_74 = vector.load %arg14[%get3A_72, %get3A_73] : memref<128x128xf32, #tpu.memory_space<vmem>>, vector<128x128xf32>
    %dot_general3A_75 = arith.constant dense<0.000000e+00> : vector<1024x128xf32>
    %dot_general3A_76 = tpu.matmul %max3A_71, %get3A_74, %dot_general3A_75 {dimension_numbers = #tpu.dot_dimension_numbers<[1], [0], [0], [1], [0, 0, 1, 1], [], []>, transpose_lhs_hint = false} : vector<1024x128xf32>, vector<128x128xf32>, vector<1024x128xf32> -> vector<1024x128xf32>
    %get3A_77 = arith.constant 0 : index
    %get3A_78 = arith.constant 0 : index
    %get3A_79 = vector.load %arg15[%get3A_77, %get3A_78] : memref<1x128xf32, #tpu.memory_space<vmem>>, vector<1x128xf32>
    %add3A_80 = vector.broadcast %get3A_79 : vector<1x128xf32> to vector<1024x128xf32>
    %add3A_81 = arith.addf %dot_general3A_76, %add3A_80 : vector<1024x128xf32>
    %swap3A = arith.constant 0 : index
    %swap3A_82 = arith.constant 0 : index
    %swap3A_83 = vector.load %arg16[%swap3A, %swap3A_82] : memref<1024x128xf32, #tpu.memory_space<vmem>>, vector<1024x128xf32>
    tpu.vector_store %arg16[%swap3A, %swap3A_82], %add3A_81 {strides = array<i32>} : memref<1024x128xf32, #tpu.memory_space<vmem>>, vector<1024x128xf32>,
    return
  }
  func.func @transform_0(%arg0: i32) -> (i32, i32) {
    %c0_i32 = arith.constant 0 : i32
    %c0_i32_0 = arith.constant 0 : i32
    return %arg0, %c0_i32 : i32, i32
  }
  func.func @transform_1(%arg0: i32) -> (i32, i32) {
    %c0_i32 = arith.constant 0 : i32
    %c0_i32_0 = arith.constant 0 : i32
    return %arg0, %c0_i32 : i32, i32
  }
  func.func @transform_2(%arg0: i32) -> (i32, i32, i32) {
    %c0_i32 = arith.constant 0 : i32
    %c0_i32_0 = arith.constant 0 : i32
    %c0_i32_1 = arith.constant 0 : i32
    return %c0_i32, %arg0, %c0_i32_0 : i32, i32, i32
  }
  func.func @transform_3(%arg0: i32) -> (i32, i32, i32) {
    %c1_i32 = arith.constant 1 : i32
    %c0_i32 = arith.constant 0 : i32
    %c0_i32_0 = arith.constant 0 : i32
    return %c1_i32, %arg0, %c0_i32 : i32, i32, i32
  }
  func.func @transform_4(%arg0: i32) -> (i32, i32) {
    %c0_i32 = arith.constant 0 : i32
    %c0_i32_0 = arith.constant 0 : i32
    return %arg0, %c0_i32 : i32, i32
  }
  func.func @transform_5(%arg0: i32) -> (i32, i32) {
    %c0_i32 = arith.constant 0 : i32
    %c0_i32_0 = arith.constant 0 : i32
    return %arg0, %c0_i32 : i32, i32
  }
  func.func @transform_6(%arg0: i32) -> (i32, i32) {
    %c0_i32 = arith.constant 0 : i32
    %c0_i32_0 = arith.constant 0 : i32
    %c0_i32_1 = arith.constant 0 : i32
    return %c0_i32, %c0_i32_0 : i32, i32
  }
  func.func @transform_7(%arg0: i32) -> (i32, i32) {
    %c0_i32 = arith.constant 0 : i32
    %c0_i32_0 = arith.constant 0 : i32
    %c0_i32_1 = arith.constant 0 : i32
    return %c0_i32, %c0_i32_0 : i32, i32
  }
  func.func @transform_8(%arg0: i32) -> (i32, i32) {
    %c0_i32 = arith.constant 0 : i32
    %c0_i32_0 = arith.constant 0 : i32
    %c0_i32_1 = arith.constant 0 : i32
    return %c0_i32, %c0_i32_0 : i32, i32
  }
  func.func @transform_9(%arg0: i32) -> (i32, i32) {
    %c0_i32 = arith.constant 0 : i32
    %c0_i32_0 = arith.constant 0 : i32
    %c0_i32_1 = arith.constant 0 : i32
    return %c0_i32, %c0_i32_0 : i32, i32
  }
  func.func @transform_10(%arg0: i32) -> (i32, i32) {
    %c0_i32 = arith.constant 0 : i32
    %c0_i32_0 = arith.constant 0 : i32
    %c0_i32_1 = arith.constant 0 : i32
    return %c0_i32, %c0_i32_0 : i32, i32
  }
  func.func @transform_11(%arg0: i32) -> (i32, i32) {
    %c0_i32 = arith.constant 0 : i32
    %c0_i32_0 = arith.constant 0 : i32
    %c0_i32_1 = arith.constant 0 : i32
    return %c0_i32, %c0_i32_0 : i32, i32
  }
  func.func @transform_12(%arg0: i32) -> (i32, i32) {
    %c0_i32 = arith.constant 0 : i32
    %c0_i32_0 = arith.constant 0 : i32
    %c0_i32_1 = arith.constant 0 : i32
    return %c0_i32, %c0_i32_0 : i32, i32
  }
  func.func @transform_13(%arg0: i32) -> (i32, i32) {
    %c0_i32 = arith.constant 0 : i32
    %c0_i32_0 = arith.constant 0 : i32
    %c0_i32_1 = arith.constant 0 : i32
    return %c0_i32, %c0_i32_0 : i32, i32
  }
  func.func @transform_14(%arg0: i32) -> (i32, i32) {
    %c0_i32 = arith.constant 0 : i32
    %c0_i32_0 = arith.constant 0 : i32
    %c0_i32_1 = arith.constant 0 : i32
    return %c0_i32, %c0_i32_0 : i32, i32
  }
  func.func @transform_15(%arg0: i32) -> (i32, i32) {
    %c0_i32 = arith.constant 0 : i32
    %c0_i32_0 = arith.constant 0 : i32
    return %arg0, %c0_i32 : i32, i32
  }
}

</mosaic_0001>

<sc_bundles>
// kernel: kernel.12.cloned.1.call-start
scs
__scs_entry_jumppad:
0x0: {  	(pc) =	sbr.rel $0x88, $3  }
0x1: {  	(tag) =	ssettag $0x0;
	lr =	simm.s32 $0x1  }
0x2: {  	[smem:$0x3F92] =	sst lr;
	_ =	strace $0xD0000000  }
0x3: {  	_ = 	snop  }
0x4: {  	_ = 	snop  }
0x5: {  	_ = 	snop  }
0x6: {  	_ = 	snop  }
0x7: {  	_ = 	snop  }
__scs_overlays_trampoline_lowered:
0x8: {  	[smem:$0x3FA1] =	sst s0  }
0x9: {  	[smem:$0x3FA2] =	sst s1  }
0xa: {  	[smem:$0x3FA3] =	sst s2  }
0xb: {  	[smem:$0x3FA4] =	sst s3  }
0xc: {  	[smem:$0x3FA5] =	sst s4  }
0xd: {  	[smem:$0x3FA6] =	sst s5  }
0xe: {  	[smem:$0x3FA7] =	sst s6  }
0xf: {  	[smem:$0x3FA8] =	sst s7  }
0x10: {  	[smem:$0x3FA9] =	sst s8  }
0x11: {  	[smem:$0x3FAA] =	sst s9;
	s0 =	simm.s32 @!p0 $0x0  }
0x12: {  	s1 =	sld [smem:$0x3F90];
	s0 =	simm.s32 @p0 $0x1  }
0x13: {  	[smem:$0x3FAB] =	sst s0;
	s0 =	simm.s32 @!p1 $0x0  }
0x14: {  	s2 =	sld [smem:$0x3F8F];
	s0 =	simm.s32 @p1 $0x1  }
0x15: {  	[smem:$0x3FAC] =	sst s0;
	s0 =	simm.s32 @!p2 $0x0  }
0x16: {  	s3 =	sld [smem:$0x3FDB];
	s0 =	simm.s32 @p2 $0x1  }
0x17: {  	s4 =	simm.s32 $0x1BF5;
	[smem:$0x3FAE] =	sst s0  }
0x18: {  	s0 =	sld [smem:$0x3F91];
	_ =	swait.ge [sflag:s4], $0x0  }
0x19: {  	s7 =	sld [smem:$0x3F92]  }
0x1a: {  	s8 =	sadd.s32 $0xFFFFE003, lr  }
0x1b: {  	s9 =	sadd.s32 $0xFFFFFEF7, lr;
	s5 =	simm.s32 $0xFFFFFFFF;
	p2 =	slt.u32 s8, $0xFFFFF086  }
0x1c: {  	p1 =	slt.u32 s9, $0xF7A;
	s5 =	simm.s32 @!p2 $0x0  }
0x1d: {  	s5 =	simm.s32 @p1 $0x1;
	p0 =	seq.s32 s7, s2  }
0x1e: {  	s7 =	smul.u32 @!p0 $0xF7A, s2;
	p2 =	seq.s32 @!p0 s5, $0x0  }
0x1f: {  	s9 =	smul.u32 $0xF7A, s1;
	s8 =	simm.s32 @!p0 $0x1BF5;
	p2 =	por !p2, p0  }
0x20: {  	[sflag:s8] =	ssyncset.s32 @!p0 $0xFFFFF086;
	s6 =	sadd.s32 @!p0 s3, s7;
	s7 =	simm.s32 @!p0 $0x108  }
0x21: {  	s3 =	sadd.s32 s3, s9;
	s6 =	sadd.s32 @!p0 $0x88, s6;
	s7 =	simm.s32 @p2 $0x1082  }
0x22: {  	[simem:s7], [sflag:s8] =	dma.local @!p0 [hbm:s6], $0xF7A  }
0x23: {  	s9 =	sor.u32 $0xD0000000, s2;
	s6 =	simm.s32 $0x108;
	_ =	swait.ge @!p0 [sflag:s8], $0x0  }
0x24: {  	s3 =	sadd.s32 $0x88, s3;
	s6 =	simm.s32 @!p1 $0x1082;
	[sflag:s4] =	ssyncset.s32 $0xFFFFF086  }
0x25: {  	[simem:s6], [sflag:s4] =	dma.local [hbm:s3], $0xF7A  }
0x26: {  	[smem:$0x3F92] =	sst s1;
	(tag) =	ssettag s2;
	_ =	strace s9  }
0x27: {  	s1 =	sld [smem:$0x3FA2]  }
0x28: {  	s2 =	sld [smem:$0x3FA3]  }
0x29: {  	s4 =	sld [smem:$0x3FA5]  }
0x2a: {  	p0 =	seq.s32 s5, $0x0;
	s5 =	sld [smem:$0x3FA6]  }
0x2b: {  	s6 =	sld [smem:$0x3FA7]  }
0x2c: {  	s7 =	sld [smem:$0x3FA8]  }
0x2d: {  	s3 =	simm.s32 $0x108;
	s8 =	sld [smem:$0x3FA9]  }
0x2e: {  	s3 =	simm.s32 @!p0 $0x1082;
	s9 =	sld [smem:$0x3FAA]  }
0x2f: {  	lr =	sadd.s32 s0, s3;
	s0 =	sld [smem:$0x3FA1]  }
0x30: {  	s3 =	sld [smem:$0x3FA4]  }
0x31: {  	[smem:$0x3FAD] =	sst s10  }
0x32: {  	s10 =	sld [smem:$0x3FAB];
	_ =	sdelay $0x3  }
0x33: {  	p0 =	seq.s32 s10, $0x1;
	s10 =	sld [smem:$0x3FAD];
	_ =	sdelay $0x3  }
0x34: {  	[smem:$0x3FAD] =	sst s10  }
0x35: {  	s10 =	sld [smem:$0x3FAC];
	_ =	sdelay $0x3  }
0x36: {  	p1 =	seq.s32 s10, $0x1;
	s10 =	sld [smem:$0x3FAD];
	_ =	sdelay $0x3  }
0x37: {  	[smem:$0x3FAD] =	sst s10  }
0x38: {  	s10 =	sld [smem:$0x3FAE]  }
0x39: {  	_ = 	snop;
	(pc) =	sbr.ind lr, $3  }
0x3a: {  	_ = 	snop  }
0x3b: {  	_ = 	snop  }
0x3c: {  	p2 =	seq.s32 s10, $0x1;
	s10 =	sld [smem:$0x3FAD]  }
0x3d: {  	_ =	shalt  }
0x3e: {  	_ =	shalt  }
0x3f: {  	_ =	shalt  }
0x40: {  	_ =	shalt  }
0x41: {  	_ =	shalt  }
0x42: {  	_ =	shalt  }
0x43: {  	_ =	shalt  }
0x44: {  	_ =	shalt  }
0x45: {  	_ =	shalt  }
0x46: {  	_ =	shalt  }
0x47: {  	_ =	shalt  }
0x48: {  	_ =	shalt  }
0x49: {  	_ =	shalt  }
0x4a: {  	_ =	shalt  }
0x4b: {  	_ =	shalt  }
0x4c: {  	_ =	shalt  }
0x4d: {  	_ =	shalt  }
0x4e: {  	_ =	shalt  }
0x4f: {  	_ =	shalt  }
0x50: {  	_ =	shalt  }
0x51: {  	_ =	shalt  }
0x52: {  	_ =	shalt  }
0x53: {  	_ =	shalt  }
0x54: {  	_ =	shalt  }
0x55: {  	_ =	shalt  }
0x56: {  	_ =	shalt  }
0x57: {  	_ =	shalt  }
0x58: {  	_ =	shalt  }
0x59: {  	_ =	shalt  }
0x5a: {  	_ =	shalt  }
0x5b: {  	_ =	shalt  }
0x5c: {  	_ =	shalt  }
0x5d: {  	_ =	shalt  }
0x5e: {  	_ =	shalt  }
0x5f: {  	_ =	shalt  }
0x60: {  	_ =	shalt  }
0x61: {  	_ =	shalt  }
0x62: {  	_ =	shalt  }
0x63: {  	_ =	shalt  }
0x64: {  	_ =	shalt  }
0x65: {  	_ =	shalt  }
0x66: {  	_ =	shalt  }
0x67: {  	_ =	shalt  }
0x68: {  	_ =	shalt  }
0x69: {  	_ =	shalt  }
0x6a: {  	_ =	shalt  }
0x6b: {  	_ =	shalt  }
0x6c: {  	_ =	shalt  }
0x6d: {  	_ =	shalt  }
0x6e: {  	_ =	shalt  }
0x6f: {  	_ =	shalt  }
0x70: {  	_ =	shalt  }
0x71: {  	_ =	shalt  }
0x72: {  	_ =	shalt  }
0x73: {  	_ =	shalt  }
0x74: {  	_ =	shalt  }
0x75: {  	_ =	shalt  }
0x76: {  	_ =	shalt  }
0x77: {  	_ =	shalt  }
0x78: {  	_ =	shalt  }
0x79: {  	_ =	shalt  }
0x7a: {  	_ =	shalt  }
0x7b: {  	_ =	shalt  }
0x7c: {  	_ =	shalt  }
0x7d: {  	_ =	shalt  }
0x7e: {  	_ =	shalt  }
0x7f: {  	_ =	shalt  }
0x80: {  	_ =	shalt  }
0x81: {  	_ =	shalt  }
0x82: {  	_ =	shalt  }
0x83: {  	_ =	shalt  }
0x84: {  	_ =	shalt  }
0x85: {  	_ =	shalt  }
0x86: {  	_ =	shalt  }
0x87: {  	_ =	shalt  }
.Lfunc_end0:
.L_simem_size_0:
called_computation.1_lowered:
.L_overlay_start_0:
0x88: {  	s2 =	sld [smem:$0x3FD9]  }
0x89: {  	s3 =	sld [smem:$0x3FFE];
	_ =	sdelay $0x1  }
0x8a: {  	s1 =	srdreg.scid  }
0x8b: {  	s0 =	sand.u32 $0x1, s1  }
0x8c: {  	s16 =	sshll.u32 s0, $0xA;
	s2 =	sadd.s32 s3, s2  }
0x8d: {  	s2 =	sadd.s32 s2, s16  }
0x8e: {  	[smem:$0x3FB9] =	sst s2  }
0x8f: {  	_ = 	snop  }
0x90: {  	(tm) =	ssettm $0x1  }
0x91: {  	s17 =	sld [smem:$0x3FFB];
	_ =	sdelay $0x3  }
0x92: {  	_ =	strace s17  }
0x93: {  	s2 =	sld [smem:$0x3FFC];
	_ =	sdelay $0x3  }
0x94: {  	_ =	strace s2  }
0x95: {  	s2 =	sld [smem:$0x3FFD];
	_ =	sdelay $0x3  }
0x96: {  	_ =	strace s2  }
0x97: {  	_ =	strace $0x8FFFFFFF  }
0x98: {  	s18 =	sld [smem:$0x3FDB];
	_ =	sdelay $0x1  }
0x99: {  	s19 =	simm.s32 $_scs_section_size  }
0x9a: {  	s4 =	simm.s32 $_size__tile_overlayer_lowered;
	s5 =	simm.s32 $_tile_overlayer_lowered  }
0x9b: {  	s22 =	simm.s32 $0x1BFF;
	s21 =	sshll.u32 s5, $0x1;
	s2 =	sadd.s32 s19, s18  }
0x9c: {  	s6 =	simm.s32 $0x0;
	s20 =	sshll.u32 s4, $0x1;
	s4 =	sadd.s32 s21, s2  }
0x9d: {  	[timem:s6], [sflag:s22] =	dma.local [hbm:s4], s20  }
0x9e: {  	_ =	swait.ge [sflag:s22], s20  }
0x9f: {  	s3 =	ssub.s32 $0x0, s20;
	[sflag:s22] =	ssyncset.done $0x0  }
0xa0: {  	[sflag:s22] =	ssyncadd.s32 s3;
	_ =	sdelay $0x1  }
0xa1: {  	s23 =	simm.s32 $0x1B8B  }
0xa2: {  	_ =	swait.ge [sflag:s23], $0x1  }
0xa3: {  	[sflag:s23] =	ssyncset.done $0x0  }
0xa4: {  	s25 =	simm.s32 $0x1B8E;
	s24 =	sld [smem:$0x3FFE];
	[sflag:s23] =	ssyncadd.s32 $0xFFFFFFFF  }
0xa5: {  	s26 =	simm.s32 $execute0_lowered;
	[smem:$0x3FD2] =	sst s25  }
0xa6: {  	s4 =	sshll.u32 s26, $0x1;
	_ =	strace $0x80000046;
	[dreg:$0x1] =	wrdreg $0xFFFFFFFF  }
0xa7: {  	s28 =	simm.s32 $_size_execute0_lowered;
	s2 =	sadd.s32 s2, s4;
	[dreg:$0x0] =	wrdreg $0x0  }
0xa8: {  	s4 =	sshll.u32 s28, $0x1;
	[dreg:$0x2] =	wrdreg s2  }
0xa9: {  	[dreg:$0x3] =	wrdreg s4  }
0xaa: {  	[dreg:$0x4] =	wrdreg $0xC0  }
0xab: {  	_ =	task [dreg:s6], $0x5FFFF  }
0xac: {  	[dreg:$0x1] =	wrdreg $0xFFFFFFFF  }
0xad: {  	[dreg:$0x0] =	wrdreg $0x60  }
0xae: {  	[dreg:$0x2] =	wrdreg s24  }
0xaf: {  	[dreg:$0x3] =	wrdreg $0x10D800  }
0xb0: {  	[dreg:$0x4] =	wrdreg $0xA  }
0xb1: {  	_ =	task.clear_ibuf [dreg:s6], $0x5FFFF;
	_ =	strace $0x90000046  }
0xb2: {  	s29 =	simm.s32 $0xA;
	_ =	strace $0x80000048  }
0xb3: {  	_ =	swait.ge [sflag:s29], $0x1  }
0xb4: {  	[sflag:s29] =	ssyncadd.s32 $0xFFFFFFFF  }
0xb5: {  	_ =	strace $0x90000048  }
0xb6: {  	_ =	sfence  }
0xb7: {  	s30 =	sld [smem:$0x0];
	_ =	sdelay $0x2  }
0xb8: {  	s31 =	sshll.u32 s1, $0xD;
	s1 =	sshrl.u32 s1, $0x2  }
0xb9: {  	s3 =	sand.u32 $0x4000, s31;
	s1 =	sadd.s32 s1, s30  }
0xba: {  	s0 =	sor.u32 s3, s0;
	s1 =	sshll.u32 s1, $0x11  }
0xbb: {  	s0 =	sor.u32 s1, s0  }
0xbc: {  	s0 =	sadd.s32 $0x8F2B, s0  }
0xbd: {  	[sflag:s0] =	ssyncadd.remote.s32 $0x1  }
0xbe: {  	_ =	sfence.sel $0xFFFF  }
0xbf: {  	[dreg:$0x0] =	wrdreg $0xFFFFFFFF;
	(pc) =	sbr.abs _section_cstart, $3  }
0xc0: {  	[dreg:$0x1] =	wrdreg $0xFFFFFFFF  }
0xc1: {  	_ =	task.clear_ibuf [dreg:s6], $0x2FFFF;
	_ =	strace $0x9FFFFFFF  }
0xc2: {  	(tm) =	ssettm $0x7FFFFFFF  }
0xc3: {  	_ =	shalt  }
tec
execute0_lowered:
.L_overlay_start_1:
0x0: {  	(tag) =	ssettag $0x1  }
0x1: {  	s0 =	rddreg [dreg:$0x0]  }
0x2: {  	s1 =	rddreg [dreg:$0x1];
	s3 =	simm.s32 $0x0;
	s2 =	stileid.u32  }
0x3: {  	s7 =	srdreg.scid;
	s17 =	simm.s32 $0xED80;
	s18 =	simm.s32 $0x5  }
0x4: {  	s20 =	simm.s32 $0x50;
	s21 =	simm.s32 $0x9D80;
	s22 =	simm.s32 $0xB180  }
0x5: {  	s28 =	simm.s32 $0xD980;
	s29 =	simm.s32 $0x1;
	s30 =	simm.s32 $0x2  }
0x6: {  	s31 =	simm.s32 $0x3;
	s23 =	simm.s32 $0x9D30;
	[smem:$0x7FF] =	sst s3  }
0x7: {  	s4 =	sadd.s32 $0x87000, s0;
	s6 =	smul.u32 $0x9D8, s2;
	s5 =	sadd.s32 $0x73000, s0  }
0x8: {  	s7 =	sand.u32 $0x1, s7;
	s8 =	smul.u32 $0x28000, s2;
	s9 =	sadd.s32 $0xAF000, s0  }
0x9: {  	s12 =	smul.u32 $0xA000, s2;
	_ =	strace $0x80000047;
	[dreg:$0x3] =	wrdreg s9  }
0xa: {  	s24 =	ssub.s32 $0x2, s7;
	p0 =	sne.s32 s7, $0x0;
	s7 =	simm.s32 $0x9CE0  }
0xb: {  	s6 =	sadd.s32 s6, s0;
	s10 =	sshrl.u32 s24, $0x1;
	s8 =	sshrl.u32 s8, $0x2  }
0xc: {  	s0 =	sadd.s32 $0x9B000, s0;
	s11 =	sshrl.u32 s12, $0x3;
	s26 =	sadd.s32 s12, s1  }
.Ltmp0:
0xd: {  	[dreg:$0x4] =	wrdreg s0;
	s25 =	ssub.s32 s24, s10;
	(pc) =	sbr.rel .LBB2_1-.Ltmp0, $4  }
0xe: {  	s8 =	sadd.s32 s8, s1;
	s9 =	sadd.s32 $0x19200, s6;
	s10 =	sadd.s32 $0xF400, s6  }
0xf: {  	s24 =	simm.s32 $0xC580;
	s0 =	simm.s32 $0x4;
	s12 =	smax.u32 s25, $0x1  }
0x10: {  	s13 =	sadd.s32 $0x2000, s8;
	s14 =	sadd.s32 $0x4000, s8;
	s15 =	sadd.s32 $0x6000, s8  }
0x11: {  	v0 =	vimm.f32 $0.0e+00;
	s16 =	sadd.s32 $0x8000, s8;
	s25 =	sshrl.u32 s26, $0x3;
	s26 =	simm.s32 $0x0  }
.LBB2_9:
0x12: {  	[tilespmem:s28], [sflag:$0x4] =	stream.indirect.gather [hbm4b:s5+s20], $0x40, s19, s20, $0xb8;
	[tilespmem:$0x1AD80] =	vst v63  }
0x13: {  	s6 =	rddreg [dreg:$0x4]  }
.LBB2_10:
0x14: {  	_ =	swait.ge [sflag:s29], $0x1400  }
0x15: {  	[sflag:s29] =	ssyncset.done $0x0  }
0x16: {  	s2 =	simm.s32 $0x9C40;
	[sflag:s29] =	ssyncadd.s32 $0xFFFFEC00  }
0x17: {  	[spmem:s1] =	stream.indirect.scatter.add.f32 [tilespmem:s21], [sflag:$0x5], $0x40, s2, s20, $0xb8;
	[tilespmem:$0x1AD80] =	vst v63  }
0x18: {  	_ =	swait.ge [sflag:s18], $0x1400  }
0x19: {  	[sflag:s18] =	ssyncset.done $0x0  }
0x1a: {  	[sflag:s18] =	ssyncadd.s32 $0xFFFFEC00  }
0x1b: {  	_ =	swait.ge [sflag:s30], $0x1400  }
0x1c: {  	[sflag:s30] =	ssyncset.done $0x0  }
0x1d: {  	s19 =	simm.s32 $0x9C90;
	[sflag:s30] =	ssyncadd.s32 $0xFFFFEC00  }
0x1e: {  	[spmem:s1] =	stream.indirect.scatter.add.f32 [tilespmem:s22], [sflag:$0x5], $0x40, s19, s20, $0xb8;
	[tilespmem:$0x1AD80] =	vst v63  }
0x1f: {  	_ =	swait.ge [sflag:s18], $0x1400  }
0x20: {  	[sflag:s18] =	ssyncset.done $0x0  }
0x21: {  	[sflag:s18] =	ssyncadd.s32 $0xFFFFEC00  }
0x22: {  	_ =	swait.ge [sflag:s31], $0x1400  }
0x23: {  	[sflag:s31] =	ssyncset.done $0x0  }
0x24: {  	[sflag:s31] =	ssyncadd.s32 $0xFFFFEC00  }
0x25: {  	[spmem:s1] =	stream.indirect.scatter.add.f32 [tilespmem:s24], [sflag:$0x5], $0x40, s7, s20, $0xb8;
	[tilespmem:$0x1AD80] =	vst v63  }
0x26: {  	_ =	swait.ge [sflag:s18], $0x1400  }
0x27: {  	[sflag:s18] =	ssyncset.done $0x0  }
0x28: {  	[sflag:s18] =	ssyncadd.s32 $0xFFFFEC00  }
0x29: {  	_ =	swait.ge [sflag:s0], $0x1400  }
0x2a: {  	[sflag:s0] =	ssyncset.done $0x0  }
0x2b: {  	[sflag:s0] =	ssyncadd.s32 $0xFFFFEC00  }
0x2c: {  	[spmem:s1] =	stream.indirect.scatter.add.f32 [tilespmem:s28], [sflag:$0x5], $0x40, s23, s20, $0xb8;
	[tilespmem:$0x1AD80] =	vst v63  }
0x2d: {  	s6 =	sadd.s32 s6, s11;
	_ =	swait.ge [sflag:s18], $0x1400  }
0x2e: {  	s26 =	sadd.s32 $0x1, s26;
	s19 =	stileid.u32;
	[sflag:s18] =	ssyncset.done $0x0  }
0x2f: {  	p1 =	sne.s32 s26, s12;
	s2 =	sshll.u32 s19, $0x6;
	[sflag:s18] =	ssyncadd.s32 $0xFFFFEC00  }
.Ltmp1:
0x30: {  	s2 =	sor.u32 $0x1C05, s2;
	[bflag:$0x0] =	sbarrier.arrive $0xFFFF;
	(pc) =	sbr.rel @!p1 .LBB2_11-.Ltmp1, $4  }
0x31: {  	[hbm:s6], [sflag:s2] =	dma.local [spmem:s25], $0x1400  }
0x32: {  	_ =	swait.ge [sflag:s18], $0x1400  }
0x33: {  	[sflag:s18] =	ssyncset.done $0x0  }
0x34: {  	[sflag:s18] =	ssyncadd.s32 $0xFFFFEC00  }
.LBB2_1:
0x35: {  	s19 =	simm.s32 $0x100;
	s6 =	simm.s32 $0x0  }
.LBB2_2:
0x36: {  	p1 =	sne.s32 s19, $0x7F00;
	[tilespmem:s6+$0xEDB0] =	vst v0;
	s2 =	smov.u32 s19;
	s19 =	sadd.s32 $0x100, s19  }
.Ltmp2:
0x37: {  	[tilespmem:s6+$0xEDA0] =	vst v0;
	(pc) =	sbr.rel @p1 .LBB2_2-.Ltmp2, $3  }
0x38: {  	[tilespmem:s6+$0xED80] =	vst v0  }
0x39: {  	[tilespmem:s6+$0xED90] =	vst v0;
	_ =	sdelay $0x1  }
0x3a: {  	s6 =	sshra.s32 s2, $0x2  }
0x3b: {  	[tilespmem:s6+$0xEDB0] =	vst v0  }
0x3c: {  	[tilespmem:s6+$0xEDA0] =	vst v0  }
0x3d: {  	[tilespmem:s6+$0xED80] =	vst v0  }
0x3e: {  	[tilespmem:s6+$0xED90] =	vst v0  }
0x3f: {  	[spmem:s8] =	stream.linear.scatter [tilespmem:s17], [sflag:$0x5], $0x2000, $0x38;
	[tilespmem:$0x1AD80] =	vst v63  }
0x40: {  	_ =	swait.ge [sflag:s18], $0x2000  }
0x41: {  	[sflag:s18] =	ssyncset.done $0x0  }
0x42: {  	[sflag:s18] =	ssyncadd.s32 $0xFFFFE000  }
0x43: {  	[spmem:s13] =	stream.linear.scatter [tilespmem:s17], [sflag:$0x5], $0x2000, $0x38;
	[tilespmem:$0x1AD80] =	vst v63  }
0x44: {  	_ =	swait.ge [sflag:s18], $0x2000  }
0x45: {  	[sflag:s18] =	ssyncset.done $0x0  }
0x46: {  	[sflag:s18] =	ssyncadd.s32 $0xFFFFE000  }
0x47: {  	[spmem:s14] =	stream.linear.scatter [tilespmem:s17], [sflag:$0x5], $0x2000, $0x38;
	[tilespmem:$0x1AD80] =	vst v63  }
0x48: {  	_ =	swait.ge [sflag:s18], $0x2000  }
0x49: {  	[sflag:s18] =	ssyncset.done $0x0  }
0x4a: {  	[sflag:s18] =	ssyncadd.s32 $0xFFFFE000  }
0x4b: {  	[spmem:s15] =	stream.linear.scatter [tilespmem:s17], [sflag:$0x5], $0x2000, $0x38;
	[tilespmem:$0x1AD80] =	vst v63  }
0x4c: {  	_ =	swait.ge [sflag:s18], $0x2000  }
0x4d: {  	[sflag:s18] =	ssyncset.done $0x0  }
0x4e: {  	[sflag:s18] =	ssyncadd.s32 $0xFFFFE000  }
0x4f: {  	[spmem:s16] =	stream.linear.scatter [tilespmem:s17], [sflag:$0x5], $0x2000, $0x38;
	[tilespmem:$0x1AD80] =	vst v63  }
0x50: {  	_ =	swait.ge [sflag:s18], $0x2000  }
0x51: {  	[sflag:s18] =	ssyncset.done $0x0  }
0x52: {  	[sflag:s18] =	ssyncadd.s32 $0xFFFFE000  }
0x53: {  	[tilespmem:s3], [sflag:$0x5] =	stream.linear.gather [hbm4b:s9+s3], $0x4EC0, $0x38;
	[tilespmem:$0x1AD80] =	vst v63  }
0x54: {  	_ =	swait.ge [sflag:s18], $0x4EC0  }
0x55: {  	[sflag:s18] =	ssyncset.done $0x0  }
0x56: {  	s2 =	simm.s32 $0x4EC0;
	[sflag:s18] =	ssyncadd.s32 $0xFFFFB140  }
0x57: {  	[tilespmem:s2], [sflag:$0x5] =	stream.linear.gather [hbm4b:s10+s3], $0x4EC0, $0x38;
	[tilespmem:$0x1AD80] =	vst v63  }
.Ltmp3:
0x58: {  	_ =	swait.ge [sflag:s18], $0x4EC0;
	(pc) =	sbr.rel @p0 .LBB2_7-.Ltmp3, $4  }
0x59: {  	[sflag:s18] =	ssyncset.done $0x0  }
0x5a: {  	[sflag:s18] =	ssyncadd.s32 $0xFFFFB140  }
0x5b: {  	[bflag:$0x0] =	sbarrier.arrive $0xFFFF  }
0x5c: {  	s2 =	simm.s32 $0x0  }
0x5d: {  	[tilespmem:s21], [sflag:$0x1] =	stream.indirect.gather [hbm4b:s4+s20], $0x40, s2, s20, $0xb8;
	[tilespmem:$0x1AD80] =	vst v63  }
0x5e: {  	_ = 	snop  }
0x5f: {  	[tilespmem:s22], [sflag:$0x2] =	stream.indirect.gather [hbm4b:s4+s20], $0x40, s20, s20, $0xb8;
	[tilespmem:$0x1AD80] =	vst v63  }
0x60: {  	s19 =	simm.s32 $0xA0  }
0x61: {  	[tilespmem:s24], [sflag:$0x3] =	stream.indirect.gather [hbm4b:s4+s20], $0x40, s19, s20, $0xb8;
	[tilespmem:$0x1AD80] =	vst v63  }
0x62: {  	s6 =	simm.s32 $0xF0  }
0x63: {  	[tilespmem:s28], [sflag:$0x4] =	stream.indirect.gather [hbm4b:s4+s20], $0x40, s6, s20, $0xb8;
	[tilespmem:$0x1AD80] =	vst v63  }
0x64: {  	_ =	swait.ge [sflag:s29], $0x1400  }
0x65: {  	[sflag:s29] =	ssyncset.done $0x0  }
0x66: {  	s19 =	simm.s32 $0x4EC0;
	[sflag:s29] =	ssyncadd.s32 $0xFFFFEC00  }
0x67: {  	[spmem:s1] =	stream.indirect.scatter.add.f32 [tilespmem:s21], [sflag:$0x5], $0x40, s19, s20, $0xb8;
	[tilespmem:$0x1AD80] =	vst v63  }
0x68: {  	_ =	swait.ge [sflag:s18], $0x1400  }
0x69: {  	[sflag:s18] =	ssyncset.done $0x0  }
0x6a: {  	s6 =	simm.s32 $0x140;
	[sflag:s18] =	ssyncadd.s32 $0xFFFFEC00  }
0x6b: {  	[tilespmem:s21], [sflag:$0x1] =	stream.indirect.gather [hbm4b:s4+s20], $0x40, s6, s20, $0xb8;
	[tilespmem:$0x1AD80] =	vst v63  }
0x6c: {  	_ =	swait.ge [sflag:s30], $0x1400  }
0x6d: {  	[sflag:s30] =	ssyncset.done $0x0  }
0x6e: {  	s19 =	simm.s32 $0x4F10;
	[sflag:s30] =	ssyncadd.s32 $0xFFFFEC00  }
0x6f: {  	[spmem:s1] =	stream.indirect.scatter.add.f32 [tilespmem:s22], [sflag:$0x5], $0x40, s19, s20, $0xb8;
	[tilespmem:$0x1AD80] =	vst v63  }
0x70: {  	_ =	swait.ge [sflag:s18], $0x1400  }
0x71: {  	[sflag:s18] =	ssyncset.done $0x0  }
0x72: {  	s6 =	simm.s32 $0x190;
	[sflag:s18] =	ssyncadd.s32 $0xFFFFEC00  }
0x73: {  	[tilespmem:s22], [sflag:$0x2] =	stream.indirect.gather [hbm4b:s4+s20], $0x40, s6, s20, $0xb8;
	[tilespmem:$0x1AD80] =	vst v63  }
0x74: {  	_ =	swait.ge [sflag:s31], $0x1400  }
0x75: {  	[sflag:s31] =	ssyncset.done $0x0  }
0x76: {  	s19 =	simm.s32 $0x4F60;
	[sflag:s31] =	ssyncadd.s32 $0xFFFFEC00  }
0x77: {  	[spmem:s1] =	stream.indirect.scatter.add.f32 [tilespmem:s24], [sflag:$0x5], $0x40, s19, s20, $0xb8;
	[tilespmem:$0x1AD80] =	vst v63  }
0x78: {  	_ =	swait.ge [sflag:s18], $0x1400  }
0x79: {  	[sflag:s18] =	ssyncset.done $0x0  }
0x7a: {  	s6 =	simm.s32 $0x1E0;
	[sflag:s18] =	ssyncadd.s32 $0xFFFFEC00  }
0x7b: {  	[tilespmem:s24], [sflag:$0x3] =	stream.indirect.gather [hbm4b:s4+s20], $0x40, s6, s20, $0xb8;
	[tilespmem:$0x1AD80] =	vst v63  }
0x7c: {  	_ =	swait.ge [sflag:s0], $0x1400  }
0x7d: {  	[sflag:s0] =	ssyncset.done $0x0  }
0x7e: {  	s19 =	simm.s32 $0x4FB0;
	[sflag:s0] =	ssyncadd.s32 $0xFFFFEC00  }
0x7f: {  	[spmem:s1] =	stream.indirect.scatter.add.f32 [tilespmem:s28], [sflag:$0x5], $0x40, s19, s20, $0xb8;
	[tilespmem:$0x1AD80] =	vst v63  }
0x80: {  	_ =	swait.ge [sflag:s18], $0x1400  }
0x81: {  	[sflag:s18] =	ssyncset.done $0x0  }
0x82: {  	s6 =	simm.s32 $0x500;
	s19 =	simm.s32 $0x230;
	[sflag:s18] =	ssyncadd.s32 $0xFFFFEC00  }
.LBB2_5:
0x83: {  	[tilespmem:s28], [sflag:$0x4] =	stream.indirect.gather [hbm4b:s4+s20], $0x40, s19, s20, $0xb8;
	[tilespmem:$0x1AD80] =	vst v63  }
0x84: {  	s2 =	smov.u32 s6  }
0x85: {  	p1 =	seq.s32 s6, $0x13100;
	s6 =	sadd.s32 $0x500, s6;
	_ =	swait.ge [sflag:s29], $0x1400  }
0x86: {  	s19 =	sshra.s32 s2, $0x2;
	[sflag:s29] =	ssyncset.done $0x0  }
0x87: {  	s2 =	sadd.s32 $0x4EC0, s19;
	[sflag:s29] =	ssyncadd.s32 $0xFFFFEC00  }
0x88: {  	[spmem:s1] =	stream.indirect.scatter.add.f32 [tilespmem:s21], [sflag:$0x5], $0x40, s2, s20, $0xb8;
	[tilespmem:$0x1AD80] =	vst v63  }
0x89: {  	_ =	swait.ge [sflag:s18], $0x1400  }
0x8a: {  	[sflag:s18] =	ssyncset.done $0x0  }
0x8b: {  	s2 =	sadd.s32 $0x140, s19;
	[sflag:s18] =	ssyncadd.s32 $0xFFFFEC00  }
0x8c: {  	[tilespmem:s21], [sflag:$0x1] =	stream.indirect.gather [hbm4b:s4+s20], $0x40, s2, s20, $0xb8;
	[tilespmem:$0x1AD80] =	vst v63  }
0x8d: {  	_ =	swait.ge [sflag:s30], $0x1400  }
0x8e: {  	[sflag:s30] =	ssyncset.done $0x0  }
0x8f: {  	s2 =	sadd.s32 $0x4F10, s19;
	[sflag:s30] =	ssyncadd.s32 $0xFFFFEC00  }
0x90: {  	[spmem:s1] =	stream.indirect.scatter.add.f32 [tilespmem:s22], [sflag:$0x5], $0x40, s2, s20, $0xb8;
	[tilespmem:$0x1AD80] =	vst v63  }
0x91: {  	_ =	swait.ge [sflag:s18], $0x1400  }
0x92: {  	[sflag:s18] =	ssyncset.done $0x0  }
0x93: {  	s2 =	sadd.s32 $0x190, s19;
	[sflag:s18] =	ssyncadd.s32 $0xFFFFEC00  }
0x94: {  	[tilespmem:s22], [sflag:$0x2] =	stream.indirect.gather [hbm4b:s4+s20], $0x40, s2, s20, $0xb8;
	[tilespmem:$0x1AD80] =	vst v63  }
0x95: {  	_ =	swait.ge [sflag:s31], $0x1400  }
0x96: {  	[sflag:s31] =	ssyncset.done $0x0  }
0x97: {  	s2 =	sadd.s32 $0x4F60, s19;
	[sflag:s31] =	ssyncadd.s32 $0xFFFFEC00  }
0x98: {  	[spmem:s1] =	stream.indirect.scatter.add.f32 [tilespmem:s24], [sflag:$0x5], $0x40, s2, s20, $0xb8;
	[tilespmem:$0x1AD80] =	vst v63  }
0x99: {  	_ =	swait.ge [sflag:s18], $0x1400  }
0x9a: {  	[sflag:s18] =	ssyncset.done $0x0  }
0x9b: {  	s2 =	sadd.s32 $0x1E0, s19;
	[sflag:s18] =	ssyncadd.s32 $0xFFFFEC00  }
0x9c: {  	[tilespmem:s24], [sflag:$0x3] =	stream.indirect.gather [hbm4b:s4+s20], $0x40, s2, s20, $0xb8;
	[tilespmem:$0x1AD80] =	vst v63  }
0x9d: {  	_ =	swait.ge [sflag:s0], $0x1400  }
0x9e: {  	[sflag:s0] =	ssyncset.done $0x0  }
.Ltmp4:
0x9f: {  	s2 =	sadd.s32 $0x4FB0, s19;
	[sflag:s0] =	ssyncadd.s32 $0xFFFFEC00;
	(pc) =	sbr.rel @!p1 .LBB2_5-.Ltmp4, $4  }
0xa0: {  	[spmem:s1] =	stream.indirect.scatter.add.f32 [tilespmem:s28], [sflag:$0x5], $0x40, s2, s20, $0xb8;
	[tilespmem:$0x1AD80] =	vst v63  }
0xa1: {  	_ =	swait.ge [sflag:s18], $0x1400  }
0xa2: {  	[sflag:s18] =	ssyncset.done $0x0  }
0xa3: {  	s19 =	sadd.s32 $0x230, s19;
	[sflag:s18] =	ssyncadd.s32 $0xFFFFEC00  }
.Ltmp5:
0xa4: {  	(pc) =	sbr.rel .LBB2_10-.Ltmp5, $3  }
0xa5: {  	_ =	sdelay $0x1  }
0xa6: {  	[tilespmem:s28], [sflag:$0x4] =	stream.indirect.gather [hbm4b:s4+s20], $0x40, s19, s20, $0xb8;
	[tilespmem:$0x1AD80] =	vst v63  }
0xa7: {  	s6 =	rddreg [dreg:$0x3]  }
.LBB2_7:
0xa8: {  	[tilespmem:s21], [sflag:$0x1] =	stream.indirect.gather [hbm4b:s5+s20], $0x40, s2, s20, $0xb8;
	[tilespmem:$0x1AD80] =	vst v63  }
0xa9: {  	_ = 	snop  }
0xaa: {  	[tilespmem:s22], [sflag:$0x2] =	stream.indirect.gather [hbm4b:s5+s20], $0x40, s20, s20, $0xb8;
	[tilespmem:$0x1AD80] =	vst v63  }
0xab: {  	s19 =	simm.s32 $0xA0  }
0xac: {  	[tilespmem:s24], [sflag:$0x3] =	stream.indirect.gather [hbm4b:s5+s20], $0x40, s19, s20, $0xb8;
	[tilespmem:$0x1AD80] =	vst v63  }
0xad: {  	s6 =	simm.s32 $0xF0  }
0xae: {  	[tilespmem:s28], [sflag:$0x4] =	stream.indirect.gather [hbm4b:s5+s20], $0x40, s6, s20, $0xb8;
	[tilespmem:$0x1AD80] =	vst v63  }
0xaf: {  	_ =	swait.ge [sflag:s29], $0x1400  }
0xb0: {  	[sflag:s29] =	ssyncset.done $0x0  }
0xb1: {  	s19 =	simm.s32 $0x4EC0;
	[sflag:s29] =	ssyncadd.s32 $0xFFFFEC00  }
0xb2: {  	[spmem:s1] =	stream.indirect.scatter.add.f32 [tilespmem:s21], [sflag:$0x5], $0x40, s19, s20, $0xb8;
	[tilespmem:$0x1AD80] =	vst v63  }
0xb3: {  	_ =	swait.ge [sflag:s18], $0x1400  }
0xb4: {  	[sflag:s18] =	ssyncset.done $0x0  }
0xb5: {  	s6 =	simm.s32 $0x140;
	[sflag:s18] =	ssyncadd.s32 $0xFFFFEC00  }
0xb6: {  	[tilespmem:s21], [sflag:$0x1] =	stream.indirect.gather [hbm4b:s5+s20], $0x40, s6, s20, $0xb8;
	[tilespmem:$0x1AD80] =	vst v63  }
0xb7: {  	_ =	swait.ge [sflag:s30], $0x1400  }
0xb8: {  	[sflag:s30] =	ssyncset.done $0x0  }
0xb9: {  	s19 =	simm.s32 $0x4F10;
	[sflag:s30] =	ssyncadd.s32 $0xFFFFEC00  }
0xba: {  	[spmem:s1] =	stream.indirect.scatter.add.f32 [tilespmem:s22], [sflag:$0x5], $0x40, s19, s20, $0xb8;
	[tilespmem:$0x1AD80] =	vst v63  }
0xbb: {  	_ =	swait.ge [sflag:s18], $0x1400  }
0xbc: {  	[sflag:s18] =	ssyncset.done $0x0  }
0xbd: {  	s6 =	simm.s32 $0x190;
	[sflag:s18] =	ssyncadd.s32 $0xFFFFEC00  }
0xbe: {  	[tilespmem:s22], [sflag:$0x2] =	stream.indirect.gather [hbm4b:s5+s20], $0x40, s6, s20, $0xb8;
	[tilespmem:$0x1AD80] =	vst v63  }
0xbf: {  	_ =	swait.ge [sflag:s31], $0x1400  }
0xc0: {  	[sflag:s31] =	ssyncset.done $0x0  }
0xc1: {  	s19 =	simm.s32 $0x4F60;
	[sflag:s31] =	ssyncadd.s32 $0xFFFFEC00  }
0xc2: {  	[spmem:s1] =	stream.indirect.scatter.add.f32 [tilespmem:s24], [sflag:$0x5], $0x40, s19, s20, $0xb8;
	[tilespmem:$0x1AD80] =	vst v63  }
0xc3: {  	_ =	swait.ge [sflag:s18], $0x1400  }
0xc4: {  	[sflag:s18] =	ssyncset.done $0x0  }
0xc5: {  	s6 =	simm.s32 $0x1E0;
	[sflag:s18] =	ssyncadd.s32 $0xFFFFEC00  }
0xc6: {  	[tilespmem:s24], [sflag:$0x3] =	stream.indirect.gather [hbm4b:s5+s20], $0x40, s6, s20, $0xb8;
	[tilespmem:$0x1AD80] =	vst v63  }
0xc7: {  	_ =	swait.ge [sflag:s0], $0x1400  }
0xc8: {  	[sflag:s0] =	ssyncset.done $0x0  }
0xc9: {  	s19 =	simm.s32 $0x4FB0;
	[sflag:s0] =	ssyncadd.s32 $0xFFFFEC00  }
0xca: {  	[spmem:s1] =	stream.indirect.scatter.add.f32 [tilespmem:s28], [sflag:$0x5], $0x40, s19, s20, $0xb8;
	[tilespmem:$0x1AD80] =	vst v63  }
0xcb: {  	_ =	swait.ge [sflag:s18], $0x1400  }
0xcc: {  	[sflag:s18] =	ssyncset.done $0x0  }
0xcd: {  	s6 =	simm.s32 $0x500;
	s19 =	simm.s32 $0x230;
	[sflag:s18] =	ssyncadd.s32 $0xFFFFEC00  }
.LBB2_8:
0xce: {  	[tilespmem:s28], [sflag:$0x4] =	stream.indirect.gather [hbm4b:s5+s20], $0x40, s19, s20, $0xb8;
	[tilespmem:$0x1AD80] =	vst v63  }
0xcf: {  	s2 =	smov.u32 s6  }
0xd0: {  	p1 =	sne.s32 s6, $0x13100;
	s6 =	sadd.s32 $0x500, s6;
	_ =	swait.ge [sflag:s29], $0x1400  }
0xd1: {  	s19 =	sshra.s32 s2, $0x2;
	[sflag:s29] =	ssyncset.done $0x0  }
0xd2: {  	s2 =	sadd.s32 $0x4EC0, s19;
	[sflag:s29] =	ssyncadd.s32 $0xFFFFEC00  }
0xd3: {  	[spmem:s1] =	stream.indirect.scatter.add.f32 [tilespmem:s21], [sflag:$0x5], $0x40, s2, s20, $0xb8;
	[tilespmem:$0x1AD80] =	vst v63  }
0xd4: {  	_ =	swait.ge [sflag:s18], $0x1400  }
0xd5: {  	[sflag:s18] =	ssyncset.done $0x0  }
0xd6: {  	s2 =	sadd.s32 $0x140, s19;
	[sflag:s18] =	ssyncadd.s32 $0xFFFFEC00  }
0xd7: {  	[tilespmem:s21], [sflag:$0x1] =	stream.indirect.gather [hbm4b:s5+s20], $0x40, s2, s20, $0xb8;
	[tilespmem:$0x1AD80] =	vst v63  }
0xd8: {  	_ =	swait.ge [sflag:s30], $0x1400  }
0xd9: {  	[sflag:s30] =	ssyncset.done $0x0  }
0xda: {  	s2 =	sadd.s32 $0x4F10, s19;
	[sflag:s30] =	ssyncadd.s32 $0xFFFFEC00  }
0xdb: {  	[spmem:s1] =	stream.indirect.scatter.add.f32 [tilespmem:s22], [sflag:$0x5], $0x40, s2, s20, $0xb8;
	[tilespmem:$0x1AD80] =	vst v63  }
0xdc: {  	_ =	swait.ge [sflag:s18], $0x1400  }
0xdd: {  	[sflag:s18] =	ssyncset.done $0x0  }
0xde: {  	s2 =	sadd.s32 $0x190, s19;
	[sflag:s18] =	ssyncadd.s32 $0xFFFFEC00  }
0xdf: {  	[tilespmem:s22], [sflag:$0x2] =	stream.indirect.gather [hbm4b:s5+s20], $0x40, s2, s20, $0xb8;
	[tilespmem:$0x1AD80] =	vst v63  }
0xe0: {  	_ =	swait.ge [sflag:s31], $0x1400  }
0xe1: {  	[sflag:s31] =	ssyncset.done $0x0  }
0xe2: {  	s2 =	sadd.s32 $0x4F60, s19;
	[sflag:s31] =	ssyncadd.s32 $0xFFFFEC00  }
0xe3: {  	[spmem:s1] =	stream.indirect.scatter.add.f32 [tilespmem:s24], [sflag:$0x5], $0x40, s2, s20, $0xb8;
	[tilespmem:$0x1AD80] =	vst v63  }
0xe4: {  	_ =	swait.ge [sflag:s18], $0x1400  }
0xe5: {  	[sflag:s18] =	ssyncset.done $0x0  }
0xe6: {  	s2 =	sadd.s32 $0x1E0, s19;
	[sflag:s18] =	ssyncadd.s32 $0xFFFFEC00  }
0xe7: {  	[tilespmem:s24], [sflag:$0x3] =	stream.indirect.gather [hbm4b:s5+s20], $0x40, s2, s20, $0xb8;
	[tilespmem:$0x1AD80] =	vst v63  }
0xe8: {  	_ =	swait.ge [sflag:s0], $0x1400  }
0xe9: {  	[sflag:s0] =	ssyncset.done $0x0  }
.Ltmp6:
0xea: {  	s2 =	sadd.s32 $0x4FB0, s19;
	[sflag:s0] =	ssyncadd.s32 $0xFFFFEC00;
	(pc) =	sbr.rel @p1 .LBB2_8-.Ltmp6, $4  }
0xeb: {  	[spmem:s1] =	stream.indirect.scatter.add.f32 [tilespmem:s28], [sflag:$0x5], $0x40, s2, s20, $0xb8;
	[tilespmem:$0x1AD80] =	vst v63  }
0xec: {  	_ =	swait.ge [sflag:s18], $0x1400  }
0xed: {  	[sflag:s18] =	ssyncset.done $0x0  }
0xee: {  	s19 =	sadd.s32 $0x230, s19;
	[sflag:s18] =	ssyncadd.s32 $0xFFFFEC00  }
.Ltmp7:
0xef: {  	_ = 	snop;
	(pc) =	sbr.rel .LBB2_9-.Ltmp7, $1  }
0xf0: {  	_ =	sdelay $0x3  }
.LBB2_11:
0xf1: {  	_ =	sfence.sel $0x180000  }
0xf2: {  	[bflag:$0x0] =	sbarrier.arrive $0xFFFF  }
0xf3: {  	_ =	strace $0x90000047  }
0xf4: {  	s0 =	stileid.u32;
	[bflag:$0x2] =	sbarrier.arrive $0xFFFF  }
0xf5: {  	p0 =	sne.s32 s0, $0x0;
	s0 =	rddreg [dreg:$0x2]  }
0xf6: {  	s0 =	sadd.s32 @!p0 $0x100000, s0  }
0xf7: {  	[sflag:s0] =	ssyncadd.tile.s32 @!p0 $0x1;
	_ =	shalt  }
.Lfunc_end2:
_tile_overlayer_lowered:
.L_overlay_start_2:
0xf8: {  	(tag) =	ssettag $0x2  }
0xf9: {  	s0 =	rddreg [dreg:$0x0];
	s2 =	stileid.u32  }
0xfa: {  	s1 =	rddreg [dreg:$0x1];
	p0 =	sne.s32 s2, $0x0  }
0xfb: {  	s3 =	rddreg [dreg:$0x2];
	[bflag:$0x3] =	sbarrier.arrive $0xFFFF;
	s2 =	simm.s32 @!p0 $0x1C05  }
0xfc: {  	[timem:s3], [sflag:s2] =	dma.local @!p0 [hbm:s0], s1  }
0xfd: {  	s0 =	simm.s32 @!p0 $0x5  }
0xfe: {  	_ =	swait.ge @!p0 [sflag:s0], s1  }
0xff: {  	s1 =	ssub.s32 @!p0 $0x0, s1;
	[sflag:s0] =	ssyncset.done @!p0 $0x0  }
0x100: {  	[sflag:s0] =	ssyncadd.s32 @!p0 s1  }
0x101: {  	[bflag:$0x3] =	sbarrier.arrive $0xFFFF  }
0x102: {  	_ =	shalt  }

// kernel: kernel.15.cloned.1.call-start
scs
__scs_entry_jumppad:
0x0: {  	(pc) =	sbr.rel $0x88, $3  }
0x1: {  	(tag) =	ssettag $0x0;
	lr =	simm.s32 $0x1  }
0x2: {  	[smem:$0x3F92] =	sst lr;
	_ =	strace $0xD0000000  }
0x3: {  	_ = 	snop  }
0x4: {  	_ = 	snop  }
0x5: {  	_ = 	snop  }
0x6: {  	_ = 	snop  }
0x7: {  	_ = 	snop  }
__scs_overlays_trampoline_lowered:
0x8: {  	[smem:$0x3FA1] =	sst s0  }
0x9: {  	[smem:$0x3FA2] =	sst s1  }
0xa: {  	[smem:$0x3FA3] =	sst s2  }
0xb: {  	[smem:$0x3FA4] =	sst s3  }
0xc: {  	[smem:$0x3FA5] =	sst s4  }
0xd: {  	[smem:$0x3FA6] =	sst s5  }
0xe: {  	[smem:$0x3FA7] =	sst s6  }
0xf: {  	[smem:$0x3FA8] =	sst s7  }
0x10: {  	[smem:$0x3FA9] =	sst s8  }
0x11: {  	[smem:$0x3FAA] =	sst s9;
	s0 =	simm.s32 @!p0 $0x0  }
0x12: {  	s1 =	sld [smem:$0x3F90];
	s0 =	simm.s32 @p0 $0x1  }
0x13: {  	[smem:$0x3FAB] =	sst s0;
	s0 =	simm.s32 @!p1 $0x0  }
0x14: {  	s2 =	sld [smem:$0x3F8F];
	s0 =	simm.s32 @p1 $0x1  }
0x15: {  	[smem:$0x3FAC] =	sst s0;
	s0 =	simm.s32 @!p2 $0x0  }
0x16: {  	s3 =	sld [smem:$0x3FDB];
	s0 =	simm.s32 @p2 $0x1  }
0x17: {  	s4 =	simm.s32 $0x1BF5;
	[smem:$0x3FAE] =	sst s0  }
0x18: {  	s0 =	sld [smem:$0x3F91];
	_ =	swait.ge [sflag:s4], $0x0  }
0x19: {  	s7 =	sld [smem:$0x3F92]  }
0x1a: {  	s8 =	sadd.s32 $0xFFFFE003, lr  }
0x1b: {  	s9 =	sadd.s32 $0xFFFFFEF7, lr;
	s5 =	simm.s32 $0xFFFFFFFF;
	p2 =	slt.u32 s8, $0xFFFFF086  }
0x1c: {  	p1 =	slt.u32 s9, $0xF7A;
	s5 =	simm.s32 @!p2 $0x0  }
0x1d: {  	s5 =	simm.s32 @p1 $0x1;
	p0 =	seq.s32 s7, s2  }
0x1e: {  	s7 =	smul.u32 @!p0 $0xF7A, s2;
	p2 =	seq.s32 @!p0 s5, $0x0  }
0x1f: {  	s9 =	smul.u32 $0xF7A, s1;
	s8 =	simm.s32 @!p0 $0x1BF5;
	p2 =	por !p2, p0  }
0x20: {  	[sflag:s8] =	ssyncset.s32 @!p0 $0xFFFFF086;
	s6 =	sadd.s32 @!p0 s3, s7;
	s7 =	simm.s32 @!p0 $0x108  }
0x21: {  	s3 =	sadd.s32 s3, s9;
	s6 =	sadd.s32 @!p0 $0x88, s6;
	s7 =	simm.s32 @p2 $0x1082  }
0x22: {  	[simem:s7], [sflag:s8] =	dma.local @!p0 [hbm:s6], $0xF7A  }
0x23: {  	s9 =	sor.u32 $0xD0000000, s2;
	s6 =	simm.s32 $0x108;
	_ =	swait.ge @!p0 [sflag:s8], $0x0  }
0x24: {  	s3 =	sadd.s32 $0x88, s3;
	s6 =	simm.s32 @!p1 $0x1082;
	[sflag:s4] =	ssyncset.s32 $0xFFFFF086  }
0x25: {  	[simem:s6], [sflag:s4] =	dma.local [hbm:s3], $0xF7A  }
0x26: {  	[smem:$0x3F92] =	sst s1;
	(tag) =	ssettag s2;
	_ =	strace s9  }
0x27: {  	s1 =	sld [smem:$0x3FA2]  }
0x28: {  	s2 =	sld [smem:$0x3FA3]  }
0x29: {  	s4 =	sld [smem:$0x3FA5]  }
0x2a: {  	p0 =	seq.s32 s5, $0x0;
	s5 =	sld [smem:$0x3FA6]  }
0x2b: {  	s6 =	sld [smem:$0x3FA7]  }
0x2c: {  	s7 =	sld [smem:$0x3FA8]  }
0x2d: {  	s3 =	simm.s32 $0x108;
	s8 =	sld [smem:$0x3FA9]  }
0x2e: {  	s3 =	simm.s32 @!p0 $0x1082;
	s9 =	sld [smem:$0x3FAA]  }
0x2f: {  	lr =	sadd.s32 s0, s3;
	s0 =	sld [smem:$0x3FA1]  }
0x30: {  	s3 =	sld [smem:$0x3FA4]  }
0x31: {  	[smem:$0x3FAD] =	sst s10  }
0x32: {  	s10 =	sld [smem:$0x3FAB];
	_ =	sdelay $0x3  }
0x33: {  	p0 =	seq.s32 s10, $0x1;
	s10 =	sld [smem:$0x3FAD];
	_ =	sdelay $0x3  }
0x34: {  	[smem:$0x3FAD] =	sst s10  }
0x35: {  	s10 =	sld [smem:$0x3FAC];
	_ =	sdelay $0x3  }
0x36: {  	p1 =	seq.s32 s10, $0x1;
	s10 =	sld [smem:$0x3FAD];
	_ =	sdelay $0x3  }
0x37: {  	[smem:$0x3FAD] =	sst s10  }
0x38: {  	s10 =	sld [smem:$0x3FAE]  }
0x39: {  	_ = 	snop;
	(pc) =	sbr.ind lr, $3  }
0x3a: {  	_ = 	snop  }
0x3b: {  	_ = 	snop  }
0x3c: {  	p2 =	seq.s32 s10, $0x1;
	s10 =	sld [smem:$0x3FAD]  }
0x3d: {  	_ =	shalt  }
0x3e: {  	_ =	shalt  }
0x3f: {  	_ =	shalt  }
0x40: {  	_ =	shalt  }
0x41: {  	_ =	shalt  }
0x42: {  	_ =	shalt  }
0x43: {  	_ =	shalt  }
0x44: {  	_ =	shalt  }
0x45: {  	_ =	shalt  }
0x46: {  	_ =	shalt  }
0x47: {  	_ =	shalt  }
0x48: {  	_ =	shalt  }
0x49: {  	_ =	shalt  }
0x4a: {  	_ =	shalt  }
0x4b: {  	_ =	shalt  }
0x4c: {  	_ =	shalt  }
0x4d: {  	_ =	shalt  }
0x4e: {  	_ =	shalt  }
0x4f: {  	_ =	shalt  }
0x50: {  	_ =	shalt  }
0x51: {  	_ =	shalt  }
0x52: {  	_ =	shalt  }
0x53: {  	_ =	shalt  }
0x54: {  	_ =	shalt  }
0x55: {  	_ =	shalt  }
0x56: {  	_ =	shalt  }
0x57: {  	_ =	shalt  }
0x58: {  	_ =	shalt  }
0x59: {  	_ =	shalt  }
0x5a: {  	_ =	shalt  }
0x5b: {  	_ =	shalt  }
0x5c: {  	_ =	shalt  }
0x5d: {  	_ =	shalt  }
0x5e: {  	_ =	shalt  }
0x5f: {  	_ =	shalt  }
0x60: {  	_ =	shalt  }
0x61: {  	_ =	shalt  }
0x62: {  	_ =	shalt  }
0x63: {  	_ =	shalt  }
0x64: {  	_ =	shalt  }
0x65: {  	_ =	shalt  }
0x66: {  	_ =	shalt  }
0x67: {  	_ =	shalt  }
0x68: {  	_ =	shalt  }
0x69: {  	_ =	shalt  }
0x6a: {  	_ =	shalt  }
0x6b: {  	_ =	shalt  }
0x6c: {  	_ =	shalt  }
0x6d: {  	_ =	shalt  }
0x6e: {  	_ =	shalt  }
0x6f: {  	_ =	shalt  }
0x70: {  	_ =	shalt  }
0x71: {  	_ =	shalt  }
0x72: {  	_ =	shalt  }
0x73: {  	_ =	shalt  }
0x74: {  	_ =	shalt  }
0x75: {  	_ =	shalt  }
0x76: {  	_ =	shalt  }
0x77: {  	_ =	shalt  }
0x78: {  	_ =	shalt  }
0x79: {  	_ =	shalt  }
0x7a: {  	_ =	shalt  }
0x7b: {  	_ =	shalt  }
0x7c: {  	_ =	shalt  }
0x7d: {  	_ =	shalt  }
0x7e: {  	_ =	shalt  }
0x7f: {  	_ =	shalt  }
0x80: {  	_ =	shalt  }
0x81: {  	_ =	shalt  }
0x82: {  	_ =	shalt  }
0x83: {  	_ =	shalt  }
0x84: {  	_ =	shalt  }
0x85: {  	_ =	shalt  }
0x86: {  	_ =	shalt  }
0x87: {  	_ =	shalt  }
.Lfunc_end0:
.L_simem_size_0:
called_computation.2_lowered:
.L_overlay_start_0:
0x88: {  	s2 =	sld [smem:$0x3FD9]  }
0x89: {  	s3 =	sld [smem:$0x3FFE];
	_ =	sdelay $0x1  }
0x8a: {  	s1 =	srdreg.scid  }
0x8b: {  	s0 =	sand.u32 $0x1, s1  }
0x8c: {  	s16 =	sshll.u32 s0, $0xA;
	s2 =	sadd.s32 s3, s2  }
0x8d: {  	s2 =	sadd.s32 s2, s16  }
0x8e: {  	[smem:$0x3FB9] =	sst s2  }
0x8f: {  	_ = 	snop  }
0x90: {  	(tm) =	ssettm $0x1  }
0x91: {  	s17 =	sld [smem:$0x3FFB];
	_ =	sdelay $0x3  }
0x92: {  	_ =	strace s17  }
0x93: {  	s2 =	sld [smem:$0x3FFC];
	_ =	sdelay $0x3  }
0x94: {  	_ =	strace s2  }
0x95: {  	s2 =	sld [smem:$0x3FFD];
	_ =	sdelay $0x3  }
0x96: {  	_ =	strace s2  }
0x97: {  	_ =	strace $0x8FFFFFFF  }
0x98: {  	s18 =	sld [smem:$0x3FDB];
	_ =	sdelay $0x1  }
0x99: {  	s19 =	simm.s32 $_scs_section_size  }
0x9a: {  	s4 =	simm.s32 $_size__tile_overlayer_lowered;
	s5 =	simm.s32 $_tile_overlayer_lowered  }
0x9b: {  	s22 =	simm.s32 $0x1BFF;
	s21 =	sshll.u32 s5, $0x1;
	s2 =	sadd.s32 s19, s18  }
0x9c: {  	s6 =	simm.s32 $0x0;
	s20 =	sshll.u32 s4, $0x1;
	s4 =	sadd.s32 s21, s2  }
0x9d: {  	[timem:s6], [sflag:s22] =	dma.local [hbm:s4], s20  }
0x9e: {  	_ =	swait.ge [sflag:s22], s20  }
0x9f: {  	s3 =	ssub.s32 $0x0, s20;
	[sflag:s22] =	ssyncset.done $0x0  }
0xa0: {  	[sflag:s22] =	ssyncadd.s32 s3;
	_ =	sdelay $0x1  }
0xa1: {  	s23 =	simm.s32 $0x1B8B  }
0xa2: {  	_ =	swait.ge [sflag:s23], $0x1  }
0xa3: {  	[sflag:s23] =	ssyncset.done $0x0  }
0xa4: {  	s25 =	simm.s32 $0x1B8E;
	s24 =	sld [smem:$0x3FFE];
	[sflag:s23] =	ssyncadd.s32 $0xFFFFFFFF  }
0xa5: {  	s26 =	simm.s32 $execute0_lowered;
	[smem:$0x3FD2] =	sst s25  }
0xa6: {  	s4 =	sshll.u32 s26, $0x1;
	_ =	strace $0x8000004C;
	[dreg:$0x1] =	wrdreg $0xFFFFFFFF  }
0xa7: {  	s28 =	simm.s32 $_size_execute0_lowered;
	s2 =	sadd.s32 s2, s4;
	[dreg:$0x0] =	wrdreg $0x0  }
0xa8: {  	s4 =	sshll.u32 s28, $0x1;
	[dreg:$0x2] =	wrdreg s2  }
0xa9: {  	[dreg:$0x3] =	wrdreg s4  }
0xaa: {  	[dreg:$0x4] =	wrdreg $0xC0  }
0xab: {  	_ =	task [dreg:s6], $0x5FFFF  }
0xac: {  	[dreg:$0x1] =	wrdreg $0xFFFFFFFF  }
0xad: {  	[dreg:$0x0] =	wrdreg $0x60  }
0xae: {  	[dreg:$0x2] =	wrdreg s24  }
0xaf: {  	[dreg:$0x3] =	wrdreg $0x10D800  }
0xb0: {  	[dreg:$0x4] =	wrdreg $0x9  }
0xb1: {  	_ =	task.clear_ibuf [dreg:s6], $0x5FFFF;
	_ =	strace $0x9000004C  }
0xb2: {  	s29 =	simm.s32 $0x9;
	_ =	strace $0x8000004E  }
0xb3: {  	_ =	swait.ge [sflag:s29], $0x1  }
0xb4: {  	[sflag:s29] =	ssyncadd.s32 $0xFFFFFFFF  }
0xb5: {  	_ =	strace $0x9000004E  }
0xb6: {  	_ =	sfence  }
0xb7: {  	s30 =	sld [smem:$0x0];
	_ =	sdelay $0x2  }
0xb8: {  	s31 =	sshll.u32 s1, $0xD;
	s1 =	sshrl.u32 s1, $0x2  }
0xb9: {  	s3 =	sand.u32 $0x4000, s31;
	s1 =	sadd.s32 s1, s30  }
0xba: {  	s0 =	sor.u32 s3, s0;
	s1 =	sshll.u32 s1, $0x11  }
0xbb: {  	s0 =	sor.u32 s1, s0  }
0xbc: {  	s0 =	sadd.s32 $0x8F2B, s0  }
0xbd: {  	[sflag:s0] =	ssyncadd.remote.s32 $0x1  }
0xbe: {  	_ =	sfence.sel $0xFFFF  }
0xbf: {  	[dreg:$0x0] =	wrdreg $0xFFFFFFFF;
	(pc) =	sbr.abs _section_cstart, $3  }
0xc0: {  	[dreg:$0x1] =	wrdreg $0xFFFFFFFF  }
0xc1: {  	_ =	task.clear_ibuf [dreg:s6], $0x2FFFF;
	_ =	strace $0x9FFFFFFF  }
0xc2: {  	(tm) =	ssettm $0x7FFFFFFF  }
0xc3: {  	_ =	shalt  }
tec
execute0_lowered:
.L_overlay_start_1:
0x0: {  	(tag) =	ssettag $0x1  }
0x1: {  	s0 =	rddreg [dreg:$0x0]  }
0x2: {  	s1 =	rddreg [dreg:$0x1];
	s3 =	simm.s32 $0x0;
	s2 =	stileid.u32  }
0x3: {  	s7 =	srdreg.scid;
	s17 =	simm.s32 $0xED80;
	s18 =	simm.s32 $0x5  }
0x4: {  	s20 =	simm.s32 $0x50;
	s21 =	simm.s32 $0x9D80;
	s22 =	simm.s32 $0xB180  }
0x5: {  	s28 =	simm.s32 $0xD980;
	s29 =	simm.s32 $0x1;
	s30 =	simm.s32 $0x2  }
0x6: {  	s31 =	simm.s32 $0x3;
	s23 =	simm.s32 $0x9D30;
	[smem:$0x7FF] =	sst s3  }
0x7: {  	s4 =	sadd.s32 $0xD7000, s0;
	s6 =	smul.u32 $0x9D8, s2;
	s5 =	sadd.s32 $0xC3000, s0  }
0x8: {  	s7 =	sand.u32 $0x1, s7;
	s8 =	smul.u32 $0x28000, s2;
	s9 =	sadd.s32 $0xFF000, s0  }
0x9: {  	s12 =	smul.u32 $0xA000, s2;
	_ =	strace $0x8000004D;
	[dreg:$0x3] =	wrdreg s9  }
0xa: {  	s24 =	ssub.s32 $0x2, s7;
	p0 =	sne.s32 s7, $0x0;
	s7 =	simm.s32 $0x9CE0  }
0xb: {  	s6 =	sadd.s32 s6, s0;
	s10 =	sshrl.u32 s24, $0x1;
	s8 =	sshrl.u32 s8, $0x2  }
0xc: {  	s0 =	sadd.s32 $0xEB000, s0;
	s11 =	sshrl.u32 s12, $0x3;
	s26 =	sadd.s32 s12, s1  }
.Ltmp0:
0xd: {  	[dreg:$0x4] =	wrdreg s0;
	s25 =	ssub.s32 s24, s10;
	(pc) =	sbr.rel .LBB2_1-.Ltmp0, $4  }
0xe: {  	s8 =	sadd.s32 s8, s1;
	s9 =	sadd.s32 $0x19200, s6;
	s10 =	sadd.s32 $0xF400, s6  }
0xf: {  	s24 =	simm.s32 $0xC580;
	s0 =	simm.s32 $0x4;
	s12 =	smax.u32 s25, $0x1  }
0x10: {  	s13 =	sadd.s32 $0x2000, s8;
	s14 =	sadd.s32 $0x4000, s8;
	s15 =	sadd.s32 $0x6000, s8  }
0x11: {  	v0 =	vimm.f32 $0.0e+00;
	s16 =	sadd.s32 $0x8000, s8;
	s25 =	sshrl.u32 s26, $0x3;
	s26 =	simm.s32 $0x0  }
.LBB2_9:
0x12: {  	[tilespmem:s28], [sflag:$0x4] =	stream.indirect.gather [hbm4b:s5+s20], $0x40, s19, s20, $0xb8;
	[tilespmem:$0x1AD80] =	vst v63  }
0x13: {  	s6 =	rddreg [dreg:$0x4]  }
.LBB2_10:
0x14: {  	_ =	swait.ge [sflag:s29], $0x1400  }
0x15: {  	[sflag:s29] =	ssyncset.done $0x0  }
0x16: {  	s2 =	simm.s32 $0x9C40;
	[sflag:s29] =	ssyncadd.s32 $0xFFFFEC00  }
0x17: {  	[spmem:s1] =	stream.indirect.scatter.add.f32 [tilespmem:s21], [sflag:$0x5], $0x40, s2, s20, $0xb8;
	[tilespmem:$0x1AD80] =	vst v63  }
0x18: {  	_ =	swait.ge [sflag:s18], $0x1400  }
0x19: {  	[sflag:s18] =	ssyncset.done $0x0  }
0x1a: {  	[sflag:s18] =	ssyncadd.s32 $0xFFFFEC00  }
0x1b: {  	_ =	swait.ge [sflag:s30], $0x1400  }
0x1c: {  	[sflag:s30] =	ssyncset.done $0x0  }
0x1d: {  	s19 =	simm.s32 $0x9C90;
	[sflag:s30] =	ssyncadd.s32 $0xFFFFEC00  }
0x1e: {  	[spmem:s1] =	stream.indirect.scatter.add.f32 [tilespmem:s22], [sflag:$0x5], $0x40, s19, s20, $0xb8;
	[tilespmem:$0x1AD80] =	vst v63  }
0x1f: {  	_ =	swait.ge [sflag:s18], $0x1400  }
0x20: {  	[sflag:s18] =	ssyncset.done $0x0  }
0x21: {  	[sflag:s18] =	ssyncadd.s32 $0xFFFFEC00  }
0x22: {  	_ =	swait.ge [sflag:s31], $0x1400  }
0x23: {  	[sflag:s31] =	ssyncset.done $0x0  }
0x24: {  	[sflag:s31] =	ssyncadd.s32 $0xFFFFEC00  }
0x25: {  	[spmem:s1] =	stream.indirect.scatter.add.f32 [tilespmem:s24], [sflag:$0x5], $0x40, s7, s20, $0xb8;
	[tilespmem:$0x1AD80] =	vst v63  }
0x26: {  	_ =	swait.ge [sflag:s18], $0x1400  }
0x27: {  	[sflag:s18] =	ssyncset.done $0x0  }
0x28: {  	[sflag:s18] =	ssyncadd.s32 $0xFFFFEC00  }
0x29: {  	_ =	swait.ge [sflag:s0], $0x1400  }
0x2a: {  	[sflag:s0] =	ssyncset.done $0x0  }
0x2b: {  	[sflag:s0] =	ssyncadd.s32 $0xFFFFEC00  }
0x2c: {  	[spmem:s1] =	stream.indirect.scatter.add.f32 [tilespmem:s28], [sflag:$0x5], $0x40, s23, s20, $0xb8;
	[tilespmem:$0x1AD80] =	vst v63  }
0x2d: {  	s6 =	sadd.s32 s6, s11;
	_ =	swait.ge [sflag:s18], $0x1400  }
0x2e: {  	s26 =	sadd.s32 $0x1, s26;
	s19 =	stileid.u32;
	[sflag:s18] =	ssyncset.done $0x0  }
0x2f: {  	p1 =	sne.s32 s26, s12;
	s2 =	sshll.u32 s19, $0x6;
	[sflag:s18] =	ssyncadd.s32 $0xFFFFEC00  }
.Ltmp1:
0x30: {  	s2 =	sor.u32 $0x1C05, s2;
	[bflag:$0x0] =	sbarrier.arrive $0xFFFF;
	(pc) =	sbr.rel @!p1 .LBB2_11-.Ltmp1, $4  }
0x31: {  	[hbm:s6], [sflag:s2] =	dma.local [spmem:s25], $0x1400  }
0x32: {  	_ =	swait.ge [sflag:s18], $0x1400  }
0x33: {  	[sflag:s18] =	ssyncset.done $0x0  }
0x34: {  	[sflag:s18] =	ssyncadd.s32 $0xFFFFEC00  }
.LBB2_1:
0x35: {  	s19 =	simm.s32 $0x100;
	s6 =	simm.s32 $0x0  }
.LBB2_2:
0x36: {  	p1 =	sne.s32 s19, $0x7F00;
	[tilespmem:s6+$0xEDB0] =	vst v0;
	s2 =	smov.u32 s19;
	s19 =	sadd.s32 $0x100, s19  }
.Ltmp2:
0x37: {  	[tilespmem:s6+$0xEDA0] =	vst v0;
	(pc) =	sbr.rel @p1 .LBB2_2-.Ltmp2, $3  }
0x38: {  	[tilespmem:s6+$0xED80] =	vst v0  }
0x39: {  	[tilespmem:s6+$0xED90] =	vst v0;
	_ =	sdelay $0x1  }
0x3a: {  	s6 =	sshra.s32 s2, $0x2  }
0x3b: {  	[tilespmem:s6+$0xEDB0] =	vst v0  }
0x3c: {  	[tilespmem:s6+$0xEDA0] =	vst v0  }
0x3d: {  	[tilespmem:s6+$0xED80] =	vst v0  }
0x3e: {  	[tilespmem:s6+$0xED90] =	vst v0  }
0x3f: {  	[spmem:s8] =	stream.linear.scatter [tilespmem:s17], [sflag:$0x5], $0x2000, $0x38;
	[tilespmem:$0x1AD80] =	vst v63  }
0x40: {  	_ =	swait.ge [sflag:s18], $0x2000  }
0x41: {  	[sflag:s18] =	ssyncset.done $0x0  }
0x42: {  	[sflag:s18] =	ssyncadd.s32 $0xFFFFE000  }
0x43: {  	[spmem:s13] =	stream.linear.scatter [tilespmem:s17], [sflag:$0x5], $0x2000, $0x38;
	[tilespmem:$0x1AD80] =	vst v63  }
0x44: {  	_ =	swait.ge [sflag:s18], $0x2000  }
0x45: {  	[sflag:s18] =	ssyncset.done $0x0  }
0x46: {  	[sflag:s18] =	ssyncadd.s32 $0xFFFFE000  }
0x47: {  	[spmem:s14] =	stream.linear.scatter [tilespmem:s17], [sflag:$0x5], $0x2000, $0x38;
	[tilespmem:$0x1AD80] =	vst v63  }
0x48: {  	_ =	swait.ge [sflag:s18], $0x2000  }
0x49: {  	[sflag:s18] =	ssyncset.done $0x0  }
0x4a: {  	[sflag:s18] =	ssyncadd.s32 $0xFFFFE000  }
0x4b: {  	[spmem:s15] =	stream.linear.scatter [tilespmem:s17], [sflag:$0x5], $0x2000, $0x38;
	[tilespmem:$0x1AD80] =	vst v63  }
0x4c: {  	_ =	swait.ge [sflag:s18], $0x2000  }
0x4d: {  	[sflag:s18] =	ssyncset.done $0x0  }
0x4e: {  	[sflag:s18] =	ssyncadd.s32 $0xFFFFE000  }
0x4f: {  	[spmem:s16] =	stream.linear.scatter [tilespmem:s17], [sflag:$0x5], $0x2000, $0x38;
	[tilespmem:$0x1AD80] =	vst v63  }
0x50: {  	_ =	swait.ge [sflag:s18], $0x2000  }
0x51: {  	[sflag:s18] =	ssyncset.done $0x0  }
0x52: {  	[sflag:s18] =	ssyncadd.s32 $0xFFFFE000  }
0x53: {  	[tilespmem:s3], [sflag:$0x5] =	stream.linear.gather [hbm4b:s9+s3], $0x4EC0, $0x38;
	[tilespmem:$0x1AD80] =	vst v63  }
0x54: {  	_ =	swait.ge [sflag:s18], $0x4EC0  }
0x55: {  	[sflag:s18] =	ssyncset.done $0x0  }
0x56: {  	s2 =	simm.s32 $0x4EC0;
	[sflag:s18] =	ssyncadd.s32 $0xFFFFB140  }
0x57: {  	[tilespmem:s2], [sflag:$0x5] =	stream.linear.gather [hbm4b:s10+s3], $0x4EC0, $0x38;
	[tilespmem:$0x1AD80] =	vst v63  }
.Ltmp3:
0x58: {  	_ =	swait.ge [sflag:s18], $0x4EC0;
	(pc) =	sbr.rel @p0 .LBB2_7-.Ltmp3, $4  }
0x59: {  	[sflag:s18] =	ssyncset.done $0x0  }
0x5a: {  	[sflag:s18] =	ssyncadd.s32 $0xFFFFB140  }
0x5b: {  	[bflag:$0x0] =	sbarrier.arrive $0xFFFF  }
0x5c: {  	s2 =	simm.s32 $0x0  }
0x5d: {  	[tilespmem:s21], [sflag:$0x1] =	stream.indirect.gather [hbm4b:s4+s20], $0x40, s2, s20, $0xb8;
	[tilespmem:$0x1AD80] =	vst v63  }
0x5e: {  	_ = 	snop  }
0x5f: {  	[tilespmem:s22], [sflag:$0x2] =	stream.indirect.gather [hbm4b:s4+s20], $0x40, s20, s20, $0xb8;
	[tilespmem:$0x1AD80] =	vst v63  }
0x60: {  	s19 =	simm.s32 $0xA0  }
0x61: {  	[tilespmem:s24], [sflag:$0x3] =	stream.indirect.gather [hbm4b:s4+s20], $0x40, s19, s20, $0xb8;
	[tilespmem:$0x1AD80] =	vst v63  }
0x62: {  	s6 =	simm.s32 $0xF0  }
0x63: {  	[tilespmem:s28], [sflag:$0x4] =	stream.indirect.gather [hbm4b:s4+s20], $0x40, s6, s20, $0xb8;
	[tilespmem:$0x1AD80] =	vst v63  }
0x64: {  	_ =	swait.ge [sflag:s29], $0x1400  }
0x65: {  	[sflag:s29] =	ssyncset.done $0x0  }
0x66: {  	s19 =	simm.s32 $0x4EC0;
	[sflag:s29] =	ssyncadd.s32 $0xFFFFEC00  }
0x67: {  	[spmem:s1] =	stream.indirect.scatter.add.f32 [tilespmem:s21], [sflag:$0x5], $0x40, s19, s20, $0xb8;
	[tilespmem:$0x1AD80] =	vst v63  }
0x68: {  	_ =	swait.ge [sflag:s18], $0x1400  }
0x69: {  	[sflag:s18] =	ssyncset.done $0x0  }
0x6a: {  	s6 =	simm.s32 $0x140;
	[sflag:s18] =	ssyncadd.s32 $0xFFFFEC00  }
0x6b: {  	[tilespmem:s21], [sflag:$0x1] =	stream.indirect.gather [hbm4b:s4+s20], $0x40, s6, s20, $0xb8;
	[tilespmem:$0x1AD80] =	vst v63  }
0x6c: {  	_ =	swait.ge [sflag:s30], $0x1400  }
0x6d: {  	[sflag:s30] =	ssyncset.done $0x0  }
0x6e: {  	s19 =	simm.s32 $0x4F10;
	[sflag:s30] =	ssyncadd.s32 $0xFFFFEC00  }
0x6f: {  	[spmem:s1] =	stream.indirect.scatter.add.f32 [tilespmem:s22], [sflag:$0x5], $0x40, s19, s20, $0xb8;
	[tilespmem:$0x1AD80] =	vst v63  }
0x70: {  	_ =	swait.ge [sflag:s18], $0x1400  }
0x71: {  	[sflag:s18] =	ssyncset.done $0x0  }
0x72: {  	s6 =	simm.s32 $0x190;
	[sflag:s18] =	ssyncadd.s32 $0xFFFFEC00  }
0x73: {  	[tilespmem:s22], [sflag:$0x2] =	stream.indirect.gather [hbm4b:s4+s20], $0x40, s6, s20, $0xb8;
	[tilespmem:$0x1AD80] =	vst v63  }
0x74: {  	_ =	swait.ge [sflag:s31], $0x1400  }
0x75: {  	[sflag:s31] =	ssyncset.done $0x0  }
0x76: {  	s19 =	simm.s32 $0x4F60;
	[sflag:s31] =	ssyncadd.s32 $0xFFFFEC00  }
0x77: {  	[spmem:s1] =	stream.indirect.scatter.add.f32 [tilespmem:s24], [sflag:$0x5], $0x40, s19, s20, $0xb8;
	[tilespmem:$0x1AD80] =	vst v63  }
0x78: {  	_ =	swait.ge [sflag:s18], $0x1400  }
0x79: {  	[sflag:s18] =	ssyncset.done $0x0  }
0x7a: {  	s6 =	simm.s32 $0x1E0;
	[sflag:s18] =	ssyncadd.s32 $0xFFFFEC00  }
0x7b: {  	[tilespmem:s24], [sflag:$0x3] =	stream.indirect.gather [hbm4b:s4+s20], $0x40, s6, s20, $0xb8;
	[tilespmem:$0x1AD80] =	vst v63  }
0x7c: {  	_ =	swait.ge [sflag:s0], $0x1400  }
0x7d: {  	[sflag:s0] =	ssyncset.done $0x0  }
0x7e: {  	s19 =	simm.s32 $0x4FB0;
	[sflag:s0] =	ssyncadd.s32 $0xFFFFEC00  }
0x7f: {  	[spmem:s1] =	stream.indirect.scatter.add.f32 [tilespmem:s28], [sflag:$0x5], $0x40, s19, s20, $0xb8;
	[tilespmem:$0x1AD80] =	vst v63  }
0x80: {  	_ =	swait.ge [sflag:s18], $0x1400  }
0x81: {  	[sflag:s18] =	ssyncset.done $0x0  }
0x82: {  	s6 =	simm.s32 $0x500;
	s19 =	simm.s32 $0x230;
	[sflag:s18] =	ssyncadd.s32 $0xFFFFEC00  }
.LBB2_5:
0x83: {  	[tilespmem:s28], [sflag:$0x4] =	stream.indirect.gather [hbm4b:s4+s20], $0x40, s19, s20, $0xb8;
	[tilespmem:$0x1AD80] =	vst v63  }
0x84: {  	s2 =	smov.u32 s6  }
0x85: {  	p1 =	seq.s32 s6, $0x13100;
	s6 =	sadd.s32 $0x500, s6;
	_ =	swait.ge [sflag:s29], $0x1400  }
0x86: {  	s19 =	sshra.s32 s2, $0x2;
	[sflag:s29] =	ssyncset.done $0x0  }
0x87: {  	s2 =	sadd.s32 $0x4EC0, s19;
	[sflag:s29] =	ssyncadd.s32 $0xFFFFEC00  }
0x88: {  	[spmem:s1] =	stream.indirect.scatter.add.f32 [tilespmem:s21], [sflag:$0x5], $0x40, s2, s20, $0xb8;
	[tilespmem:$0x1AD80] =	vst v63  }
0x89: {  	_ =	swait.ge [sflag:s18], $0x1400  }
0x8a: {  	[sflag:s18] =	ssyncset.done $0x0  }
0x8b: {  	s2 =	sadd.s32 $0x140, s19;
	[sflag:s18] =	ssyncadd.s32 $0xFFFFEC00  }
0x8c: {  	[tilespmem:s21], [sflag:$0x1] =	stream.indirect.gather [hbm4b:s4+s20], $0x40, s2, s20, $0xb8;
	[tilespmem:$0x1AD80] =	vst v63  }
0x8d: {  	_ =	swait.ge [sflag:s30], $0x1400  }
0x8e: {  	[sflag:s30] =	ssyncset.done $0x0  }
0x8f: {  	s2 =	sadd.s32 $0x4F10, s19;
	[sflag:s30] =	ssyncadd.s32 $0xFFFFEC00  }
0x90: {  	[spmem:s1] =	stream.indirect.scatter.add.f32 [tilespmem:s22], [sflag:$0x5], $0x40, s2, s20, $0xb8;
	[tilespmem:$0x1AD80] =	vst v63  }
0x91: {  	_ =	swait.ge [sflag:s18], $0x1400  }
0x92: {  	[sflag:s18] =	ssyncset.done $0x0  }
0x93: {  	s2 =	sadd.s32 $0x190, s19;
	[sflag:s18] =	ssyncadd.s32 $0xFFFFEC00  }
0x94: {  	[tilespmem:s22], [sflag:$0x2] =	stream.indirect.gather [hbm4b:s4+s20], $0x40, s2, s20, $0xb8;
	[tilespmem:$0x1AD80] =	vst v63  }
0x95: {  	_ =	swait.ge [sflag:s31], $0x1400  }
0x96: {  	[sflag:s31] =	ssyncset.done $0x0  }
0x97: {  	s2 =	sadd.s32 $0x4F60, s19;
	[sflag:s31] =	ssyncadd.s32 $0xFFFFEC00  }
0x98: {  	[spmem:s1] =	stream.indirect.scatter.add.f32 [tilespmem:s24], [sflag:$0x5], $0x40, s2, s20, $0xb8;
	[tilespmem:$0x1AD80] =	vst v63  }
0x99: {  	_ =	swait.ge [sflag:s18], $0x1400  }
0x9a: {  	[sflag:s18] =	ssyncset.done $0x0  }
0x9b: {  	s2 =	sadd.s32 $0x1E0, s19;
	[sflag:s18] =	ssyncadd.s32 $0xFFFFEC00  }
0x9c: {  	[tilespmem:s24], [sflag:$0x3] =	stream.indirect.gather [hbm4b:s4+s20], $0x40, s2, s20, $0xb8;
	[tilespmem:$0x1AD80] =	vst v63  }
0x9d: {  	_ =	swait.ge [sflag:s0], $0x1400  }
0x9e: {  	[sflag:s0] =	ssyncset.done $0x0  }
.Ltmp4:
0x9f: {  	s2 =	sadd.s32 $0x4FB0, s19;
	[sflag:s0] =	ssyncadd.s32 $0xFFFFEC00;
	(pc) =	sbr.rel @!p1 .LBB2_5-.Ltmp4, $4  }
0xa0: {  	[spmem:s1] =	stream.indirect.scatter.add.f32 [tilespmem:s28], [sflag:$0x5], $0x40, s2, s20, $0xb8;
	[tilespmem:$0x1AD80] =	vst v63  }
0xa1: {  	_ =	swait.ge [sflag:s18], $0x1400  }
0xa2: {  	[sflag:s18] =	ssyncset.done $0x0  }
0xa3: {  	s19 =	sadd.s32 $0x230, s19;
	[sflag:s18] =	ssyncadd.s32 $0xFFFFEC00  }
.Ltmp5:
0xa4: {  	(pc) =	sbr.rel .LBB2_10-.Ltmp5, $3  }
0xa5: {  	_ =	sdelay $0x1  }
0xa6: {  	[tilespmem:s28], [sflag:$0x4] =	stream.indirect.gather [hbm4b:s4+s20], $0x40, s19, s20, $0xb8;
	[tilespmem:$0x1AD80] =	vst v63  }
0xa7: {  	s6 =	rddreg [dreg:$0x3]  }
.LBB2_7:
0xa8: {  	[tilespmem:s21], [sflag:$0x1] =	stream.indirect.gather [hbm4b:s5+s20], $0x40, s2, s20, $0xb8;
	[tilespmem:$0x1AD80] =	vst v63  }
0xa9: {  	_ = 	snop  }
0xaa: {  	[tilespmem:s22], [sflag:$0x2] =	stream.indirect.gather [hbm4b:s5+s20], $0x40, s20, s20, $0xb8;
	[tilespmem:$0x1AD80] =	vst v63  }
0xab: {  	s19 =	simm.s32 $0xA0  }
0xac: {  	[tilespmem:s24], [sflag:$0x3] =	stream.indirect.gather [hbm4b:s5+s20], $0x40, s19, s20, $0xb8;
	[tilespmem:$0x1AD80] =	vst v63  }
0xad: {  	s6 =	simm.s32 $0xF0  }
0xae: {  	[tilespmem:s28], [sflag:$0x4] =	stream.indirect.gather [hbm4b:s5+s20], $0x40, s6, s20, $0xb8;
	[tilespmem:$0x1AD80] =	vst v63  }
0xaf: {  	_ =	swait.ge [sflag:s29], $0x1400  }
0xb0: {  	[sflag:s29] =	ssyncset.done $0x0  }
0xb1: {  	s19 =	simm.s32 $0x4EC0;
	[sflag:s29] =	ssyncadd.s32 $0xFFFFEC00  }
0xb2: {  	[spmem:s1] =	stream.indirect.scatter.add.f32 [tilespmem:s21], [sflag:$0x5], $0x40, s19, s20, $0xb8;
	[tilespmem:$0x1AD80] =	vst v63  }
0xb3: {  	_ =	swait.ge [sflag:s18], $0x1400  }
0xb4: {  	[sflag:s18] =	ssyncset.done $0x0  }
0xb5: {  	s6 =	simm.s32 $0x140;
	[sflag:s18] =	ssyncadd.s32 $0xFFFFEC00  }
0xb6: {  	[tilespmem:s21], [sflag:$0x1] =	stream.indirect.gather [hbm4b:s5+s20], $0x40, s6, s20, $0xb8;
	[tilespmem:$0x1AD80] =	vst v63  }
0xb7: {  	_ =	swait.ge [sflag:s30], $0x1400  }
0xb8: {  	[sflag:s30] =	ssyncset.done $0x0  }
0xb9: {  	s19 =	simm.s32 $0x4F10;
	[sflag:s30] =	ssyncadd.s32 $0xFFFFEC00  }
0xba: {  	[spmem:s1] =	stream.indirect.scatter.add.f32 [tilespmem:s22], [sflag:$0x5], $0x40, s19, s20, $0xb8;
	[tilespmem:$0x1AD80] =	vst v63  }
0xbb: {  	_ =	swait.ge [sflag:s18], $0x1400  }
0xbc: {  	[sflag:s18] =	ssyncset.done $0x0  }
0xbd: {  	s6 =	simm.s32 $0x190;
	[sflag:s18] =	ssyncadd.s32 $0xFFFFEC00  }
0xbe: {  	[tilespmem:s22], [sflag:$0x2] =	stream.indirect.gather [hbm4b:s5+s20], $0x40, s6, s20, $0xb8;
	[tilespmem:$0x1AD80] =	vst v63  }
0xbf: {  	_ =	swait.ge [sflag:s31], $0x1400  }
0xc0: {  	[sflag:s31] =	ssyncset.done $0x0  }
0xc1: {  	s19 =	simm.s32 $0x4F60;
	[sflag:s31] =	ssyncadd.s32 $0xFFFFEC00  }
0xc2: {  	[spmem:s1] =	stream.indirect.scatter.add.f32 [tilespmem:s24], [sflag:$0x5], $0x40, s19, s20, $0xb8;
	[tilespmem:$0x1AD80] =	vst v63  }
0xc3: {  	_ =	swait.ge [sflag:s18], $0x1400  }
0xc4: {  	[sflag:s18] =	ssyncset.done $0x0  }
0xc5: {  	s6 =	simm.s32 $0x1E0;
	[sflag:s18] =	ssyncadd.s32 $0xFFFFEC00  }
0xc6: {  	[tilespmem:s24], [sflag:$0x3] =	stream.indirect.gather [hbm4b:s5+s20], $0x40, s6, s20, $0xb8;
	[tilespmem:$0x1AD80] =	vst v63  }
0xc7: {  	_ =	swait.ge [sflag:s0], $0x1400  }
0xc8: {  	[sflag:s0] =	ssyncset.done $0x0  }
0xc9: {  	s19 =	simm.s32 $0x4FB0;
	[sflag:s0] =	ssyncadd.s32 $0xFFFFEC00  }
0xca: {  	[spmem:s1] =	stream.indirect.scatter.add.f32 [tilespmem:s28], [sflag:$0x5], $0x40, s19, s20, $0xb8;
	[tilespmem:$0x1AD80] =	vst v63  }
0xcb: {  	_ =	swait.ge [sflag:s18], $0x1400  }
0xcc: {  	[sflag:s18] =	ssyncset.done $0x0  }
0xcd: {  	s6 =	simm.s32 $0x500;
	s19 =	simm.s32 $0x230;
	[sflag:s18] =	ssyncadd.s32 $0xFFFFEC00  }
.LBB2_8:
0xce: {  	[tilespmem:s28], [sflag:$0x4] =	stream.indirect.gather [hbm4b:s5+s20], $0x40, s19, s20, $0xb8;
	[tilespmem:$0x1AD80] =	vst v63  }
0xcf: {  	s2 =	smov.u32 s6  }
0xd0: {  	p1 =	sne.s32 s6, $0x13100;
	s6 =	sadd.s32 $0x500, s6;
	_ =	swait.ge [sflag:s29], $0x1400  }
0xd1: {  	s19 =	sshra.s32 s2, $0x2;
	[sflag:s29] =	ssyncset.done $0x0  }
0xd2: {  	s2 =	sadd.s32 $0x4EC0, s19;
	[sflag:s29] =	ssyncadd.s32 $0xFFFFEC00  }
0xd3: {  	[spmem:s1] =	stream.indirect.scatter.add.f32 [tilespmem:s21], [sflag:$0x5], $0x40, s2, s20, $0xb8;
	[tilespmem:$0x1AD80] =	vst v63  }
0xd4: {  	_ =	swait.ge [sflag:s18], $0x1400  }
0xd5: {  	[sflag:s18] =	ssyncset.done $0x0  }
0xd6: {  	s2 =	sadd.s32 $0x140, s19;
	[sflag:s18] =	ssyncadd.s32 $0xFFFFEC00  }
0xd7: {  	[tilespmem:s21], [sflag:$0x1] =	stream.indirect.gather [hbm4b:s5+s20], $0x40, s2, s20, $0xb8;
	[tilespmem:$0x1AD80] =	vst v63  }
0xd8: {  	_ =	swait.ge [sflag:s30], $0x1400  }
0xd9: {  	[sflag:s30] =	ssyncset.done $0x0  }
0xda: {  	s2 =	sadd.s32 $0x4F10, s19;
	[sflag:s30] =	ssyncadd.s32 $0xFFFFEC00  }
0xdb: {  	[spmem:s1] =	stream.indirect.scatter.add.f32 [tilespmem:s22], [sflag:$0x5], $0x40, s2, s20, $0xb8;
	[tilespmem:$0x1AD80] =	vst v63  }
0xdc: {  	_ =	swait.ge [sflag:s18], $0x1400  }
0xdd: {  	[sflag:s18] =	ssyncset.done $0x0  }
0xde: {  	s2 =	sadd.s32 $0x190, s19;
	[sflag:s18] =	ssyncadd.s32 $0xFFFFEC00  }
0xdf: {  	[tilespmem:s22], [sflag:$0x2] =	stream.indirect.gather [hbm4b:s5+s20], $0x40, s2, s20, $0xb8;
	[tilespmem:$0x1AD80] =	vst v63  }
0xe0: {  	_ =	swait.ge [sflag:s31], $0x1400  }
0xe1: {  	[sflag:s31] =	ssyncset.done $0x0  }
0xe2: {  	s2 =	sadd.s32 $0x4F60, s19;
	[sflag:s31] =	ssyncadd.s32 $0xFFFFEC00  }
0xe3: {  	[spmem:s1] =	stream.indirect.scatter.add.f32 [tilespmem:s24], [sflag:$0x5], $0x40, s2, s20, $0xb8;
	[tilespmem:$0x1AD80] =	vst v63  }
0xe4: {  	_ =	swait.ge [sflag:s18], $0x1400  }
0xe5: {  	[sflag:s18] =	ssyncset.done $0x0  }
0xe6: {  	s2 =	sadd.s32 $0x1E0, s19;
	[sflag:s18] =	ssyncadd.s32 $0xFFFFEC00  }
0xe7: {  	[tilespmem:s24], [sflag:$0x3] =	stream.indirect.gather [hbm4b:s5+s20], $0x40, s2, s20, $0xb8;
	[tilespmem:$0x1AD80] =	vst v63  }
0xe8: {  	_ =	swait.ge [sflag:s0], $0x1400  }
0xe9: {  	[sflag:s0] =	ssyncset.done $0x0  }
.Ltmp6:
0xea: {  	s2 =	sadd.s32 $0x4FB0, s19;
	[sflag:s0] =	ssyncadd.s32 $0xFFFFEC00;
	(pc) =	sbr.rel @p1 .LBB2_8-.Ltmp6, $4  }
0xeb: {  	[spmem:s1] =	stream.indirect.scatter.add.f32 [tilespmem:s28], [sflag:$0x5], $0x40, s2, s20, $0xb8;
	[tilespmem:$0x1AD80] =	vst v63  }
0xec: {  	_ =	swait.ge [sflag:s18], $0x1400  }
0xed: {  	[sflag:s18] =	ssyncset.done $0x0  }
0xee: {  	s19 =	sadd.s32 $0x230, s19;
	[sflag:s18] =	ssyncadd.s32 $0xFFFFEC00  }
.Ltmp7:
0xef: {  	_ = 	snop;
	(pc) =	sbr.rel .LBB2_9-.Ltmp7, $1  }
0xf0: {  	_ =	sdelay $0x3  }
.LBB2_11:
0xf1: {  	_ =	sfence.sel $0x180000  }
0xf2: {  	[bflag:$0x0] =	sbarrier.arrive $0xFFFF  }
0xf3: {  	_ =	strace $0x9000004D  }
0xf4: {  	s0 =	stileid.u32;
	[bflag:$0x2] =	sbarrier.arrive $0xFFFF  }
0xf5: {  	p0 =	sne.s32 s0, $0x0;
	s0 =	rddreg [dreg:$0x2]  }
0xf6: {  	s0 =	sadd.s32 @!p0 $0x100000, s0  }
0xf7: {  	[sflag:s0] =	ssyncadd.tile.s32 @!p0 $0x1;
	_ =	shalt  }
.Lfunc_end2:
_tile_overlayer_lowered:
.L_overlay_start_2:
0xf8: {  	(tag) =	ssettag $0x2  }
0xf9: {  	s0 =	rddreg [dreg:$0x0];
	s2 =	stileid.u32  }
0xfa: {  	s1 =	rddreg [dreg:$0x1];
	p0 =	sne.s32 s2, $0x0  }
0xfb: {  	s3 =	rddreg [dreg:$0x2];
	[bflag:$0x3] =	sbarrier.arrive $0xFFFF;
	s2 =	simm.s32 @!p0 $0x1C05  }
0xfc: {  	[timem:s3], [sflag:s2] =	dma.local @!p0 [hbm:s0], s1  }
0xfd: {  	s0 =	simm.s32 @!p0 $0x5  }
0xfe: {  	_ =	swait.ge @!p0 [sflag:s0], s1  }
0xff: {  	s1 =	ssub.s32 @!p0 $0x0, s1;
	[sflag:s0] =	ssyncset.done @!p0 $0x0  }
0x100: {  	[sflag:s0] =	ssyncadd.s32 @!p0 s1  }
0x101: {  	[bflag:$0x3] =	sbarrier.arrive $0xFFFF  }
0x102: {  	_ =	shalt  }

// kernel: kernel.18.cloned.1.call-start
scs
__scs_entry_jumppad:
0x0: {  	(pc) =	sbr.rel $0x88, $3  }
0x1: {  	(tag) =	ssettag $0x0;
	lr =	simm.s32 $0x1  }
0x2: {  	[smem:$0x3F92] =	sst lr;
	_ =	strace $0xD0000000  }
0x3: {  	_ = 	snop  }
0x4: {  	_ = 	snop  }
0x5: {  	_ = 	snop  }
0x6: {  	_ = 	snop  }
0x7: {  	_ = 	snop  }
__scs_overlays_trampoline_lowered:
0x8: {  	[smem:$0x3FA1] =	sst s0  }
0x9: {  	[smem:$0x3FA2] =	sst s1  }
0xa: {  	[smem:$0x3FA3] =	sst s2  }
0xb: {  	[smem:$0x3FA4] =	sst s3  }
0xc: {  	[smem:$0x3FA5] =	sst s4  }
0xd: {  	[smem:$0x3FA6] =	sst s5  }
0xe: {  	[smem:$0x3FA7] =	sst s6  }
0xf: {  	[smem:$0x3FA8] =	sst s7  }
0x10: {  	[smem:$0x3FA9] =	sst s8  }
0x11: {  	[smem:$0x3FAA] =	sst s9;
	s0 =	simm.s32 @!p0 $0x0  }
0x12: {  	s1 =	sld [smem:$0x3F90];
	s0 =	simm.s32 @p0 $0x1  }
0x13: {  	[smem:$0x3FAB] =	sst s0;
	s0 =	simm.s32 @!p1 $0x0  }
0x14: {  	s2 =	sld [smem:$0x3F8F];
	s0 =	simm.s32 @p1 $0x1  }
0x15: {  	[smem:$0x3FAC] =	sst s0;
	s0 =	simm.s32 @!p2 $0x0  }
0x16: {  	s3 =	sld [smem:$0x3FDB];
	s0 =	simm.s32 @p2 $0x1  }
0x17: {  	s4 =	simm.s32 $0x1BF5;
	[smem:$0x3FAE] =	sst s0  }
0x18: {  	s0 =	sld [smem:$0x3F91];
	_ =	swait.ge [sflag:s4], $0x0  }
0x19: {  	s7 =	sld [smem:$0x3F92]  }
0x1a: {  	s8 =	sadd.s32 $0xFFFFE003, lr  }
0x1b: {  	s9 =	sadd.s32 $0xFFFFFEF7, lr;
	s5 =	simm.s32 $0xFFFFFFFF;
	p2 =	slt.u32 s8, $0xFFFFF086  }
0x1c: {  	p1 =	slt.u32 s9, $0xF7A;
	s5 =	simm.s32 @!p2 $0x0  }
0x1d: {  	s5 =	simm.s32 @p1 $0x1;
	p0 =	seq.s32 s7, s2  }
0x1e: {  	s7 =	smul.u32 @!p0 $0xF7A, s2;
	p2 =	seq.s32 @!p0 s5, $0x0  }
0x1f: {  	s9 =	smul.u32 $0xF7A, s1;
	s8 =	simm.s32 @!p0 $0x1BF5;
	p2 =	por !p2, p0  }
0x20: {  	[sflag:s8] =	ssyncset.s32 @!p0 $0xFFFFF086;
	s6 =	sadd.s32 @!p0 s3, s7;
	s7 =	simm.s32 @!p0 $0x108  }
0x21: {  	s3 =	sadd.s32 s3, s9;
	s6 =	sadd.s32 @!p0 $0x88, s6;
	s7 =	simm.s32 @p2 $0x1082  }
0x22: {  	[simem:s7], [sflag:s8] =	dma.local @!p0 [hbm:s6], $0xF7A  }
0x23: {  	s9 =	sor.u32 $0xD0000000, s2;
	s6 =	simm.s32 $0x108;
	_ =	swait.ge @!p0 [sflag:s8], $0x0  }
0x24: {  	s3 =	sadd.s32 $0x88, s3;
	s6 =	simm.s32 @!p1 $0x1082;
	[sflag:s4] =	ssyncset.s32 $0xFFFFF086  }
0x25: {  	[simem:s6], [sflag:s4] =	dma.local [hbm:s3], $0xF7A  }
0x26: {  	[smem:$0x3F92] =	sst s1;
	(tag) =	ssettag s2;
	_ =	strace s9  }
0x27: {  	s1 =	sld [smem:$0x3FA2]  }
0x28: {  	s2 =	sld [smem:$0x3FA3]  }
0x29: {  	s4 =	sld [smem:$0x3FA5]  }
0x2a: {  	p0 =	seq.s32 s5, $0x0;
	s5 =	sld [smem:$0x3FA6]  }
0x2b: {  	s6 =	sld [smem:$0x3FA7]  }
0x2c: {  	s7 =	sld [smem:$0x3FA8]  }
0x2d: {  	s3 =	simm.s32 $0x108;
	s8 =	sld [smem:$0x3FA9]  }
0x2e: {  	s3 =	simm.s32 @!p0 $0x1082;
	s9 =	sld [smem:$0x3FAA]  }
0x2f: {  	lr =	sadd.s32 s0, s3;
	s0 =	sld [smem:$0x3FA1]  }
0x30: {  	s3 =	sld [smem:$0x3FA4]  }
0x31: {  	[smem:$0x3FAD] =	sst s10  }
0x32: {  	s10 =	sld [smem:$0x3FAB];
	_ =	sdelay $0x3  }
0x33: {  	p0 =	seq.s32 s10, $0x1;
	s10 =	sld [smem:$0x3FAD];
	_ =	sdelay $0x3  }
0x34: {  	[smem:$0x3FAD] =	sst s10  }
0x35: {  	s10 =	sld [smem:$0x3FAC];
	_ =	sdelay $0x3  }
0x36: {  	p1 =	seq.s32 s10, $0x1;
	s10 =	sld [smem:$0x3FAD];
	_ =	sdelay $0x3  }
0x37: {  	[smem:$0x3FAD] =	sst s10  }
0x38: {  	s10 =	sld [smem:$0x3FAE]  }
0x39: {  	_ = 	snop;
	(pc) =	sbr.ind lr, $3  }
0x3a: {  	_ = 	snop  }
0x3b: {  	_ = 	snop  }
0x3c: {  	p2 =	seq.s32 s10, $0x1;
	s10 =	sld [smem:$0x3FAD]  }
0x3d: {  	_ =	shalt  }
0x3e: {  	_ =	shalt  }
0x3f: {  	_ =	shalt  }
0x40: {  	_ =	shalt  }
0x41: {  	_ =	shalt  }
0x42: {  	_ =	shalt  }
0x43: {  	_ =	shalt  }
0x44: {  	_ =	shalt  }
0x45: {  	_ =	shalt  }
0x46: {  	_ =	shalt  }
0x47: {  	_ =	shalt  }
0x48: {  	_ =	shalt  }
0x49: {  	_ =	shalt  }
0x4a: {  	_ =	shalt  }
0x4b: {  	_ =	shalt  }
0x4c: {  	_ =	shalt  }
0x4d: {  	_ =	shalt  }
0x4e: {  	_ =	shalt  }
0x4f: {  	_ =	shalt  }
0x50: {  	_ =	shalt  }
0x51: {  	_ =	shalt  }
0x52: {  	_ =	shalt  }
0x53: {  	_ =	shalt  }
0x54: {  	_ =	shalt  }
0x55: {  	_ =	shalt  }
0x56: {  	_ =	shalt  }
0x57: {  	_ =	shalt  }
0x58: {  	_ =	shalt  }
0x59: {  	_ =	shalt  }
0x5a: {  	_ =	shalt  }
0x5b: {  	_ =	shalt  }
0x5c: {  	_ =	shalt  }
0x5d: {  	_ =	shalt  }
0x5e: {  	_ =	shalt  }
0x5f: {  	_ =	shalt  }
0x60: {  	_ =	shalt  }
0x61: {  	_ =	shalt  }
0x62: {  	_ =	shalt  }
0x63: {  	_ =	shalt  }
0x64: {  	_ =	shalt  }
0x65: {  	_ =	shalt  }
0x66: {  	_ =	shalt  }
0x67: {  	_ =	shalt  }
0x68: {  	_ =	shalt  }
0x69: {  	_ =	shalt  }
0x6a: {  	_ =	shalt  }
0x6b: {  	_ =	shalt  }
0x6c: {  	_ =	shalt  }
0x6d: {  	_ =	shalt  }
0x6e: {  	_ =	shalt  }
0x6f: {  	_ =	shalt  }
0x70: {  	_ =	shalt  }
0x71: {  	_ =	shalt  }
0x72: {  	_ =	shalt  }
0x73: {  	_ =	shalt  }
0x74: {  	_ =	shalt  }
0x75: {  	_ =	shalt  }
0x76: {  	_ =	shalt  }
0x77: {  	_ =	shalt  }
0x78: {  	_ =	shalt  }
0x79: {  	_ =	shalt  }
0x7a: {  	_ =	shalt  }
0x7b: {  	_ =	shalt  }
0x7c: {  	_ =	shalt  }
0x7d: {  	_ =	shalt  }
0x7e: {  	_ =	shalt  }
0x7f: {  	_ =	shalt  }
0x80: {  	_ =	shalt  }
0x81: {  	_ =	shalt  }
0x82: {  	_ =	shalt  }
0x83: {  	_ =	shalt  }
0x84: {  	_ =	shalt  }
0x85: {  	_ =	shalt  }
0x86: {  	_ =	shalt  }
0x87: {  	_ =	shalt  }
.Lfunc_end0:
.L_simem_size_0:
called_computation.3_lowered:
.L_overlay_start_0:
0x88: {  	s2 =	sld [smem:$0x3FD9]  }
0x89: {  	s3 =	sld [smem:$0x3FFE];
	_ =	sdelay $0x1  }
0x8a: {  	s1 =	srdreg.scid  }
0x8b: {  	s0 =	sand.u32 $0x1, s1  }
0x8c: {  	s16 =	sshll.u32 s0, $0xA;
	s2 =	sadd.s32 s3, s2  }
0x8d: {  	s2 =	sadd.s32 s2, s16  }
0x8e: {  	[smem:$0x3FB9] =	sst s2  }
0x8f: {  	_ = 	snop  }
0x90: {  	(tm) =	ssettm $0x1  }
0x91: {  	s17 =	sld [smem:$0x3FFB];
	_ =	sdelay $0x3  }
0x92: {  	_ =	strace s17  }
0x93: {  	s2 =	sld [smem:$0x3FFC];
	_ =	sdelay $0x3  }
0x94: {  	_ =	strace s2  }
0x95: {  	s2 =	sld [smem:$0x3FFD];
	_ =	sdelay $0x3  }
0x96: {  	_ =	strace s2  }
0x97: {  	_ =	strace $0x8FFFFFFF  }
0x98: {  	s18 =	sld [smem:$0x3FDB];
	_ =	sdelay $0x1  }
0x99: {  	s19 =	simm.s32 $_scs_section_size  }
0x9a: {  	s4 =	simm.s32 $_size__tile_overlayer_lowered;
	s5 =	simm.s32 $_tile_overlayer_lowered  }
0x9b: {  	s22 =	simm.s32 $0x1BFF;
	s21 =	sshll.u32 s5, $0x1;
	s2 =	sadd.s32 s19, s18  }
0x9c: {  	s6 =	simm.s32 $0x0;
	s20 =	sshll.u32 s4, $0x1;
	s4 =	sadd.s32 s21, s2  }
0x9d: {  	[timem:s6], [sflag:s22] =	dma.local [hbm:s4], s20  }
0x9e: {  	_ =	swait.ge [sflag:s22], s20  }
0x9f: {  	s3 =	ssub.s32 $0x0, s20;
	[sflag:s22] =	ssyncset.done $0x0  }
0xa0: {  	[sflag:s22] =	ssyncadd.s32 s3;
	_ =	sdelay $0x1  }
0xa1: {  	s23 =	simm.s32 $0x1B8B  }
0xa2: {  	_ =	swait.ge [sflag:s23], $0x1  }
0xa3: {  	[sflag:s23] =	ssyncset.done $0x0  }
0xa4: {  	s25 =	simm.s32 $0x1B8E;
	s24 =	sld [smem:$0x3FFE];
	[sflag:s23] =	ssyncadd.s32 $0xFFFFFFFF  }
0xa5: {  	s26 =	simm.s32 $execute0_lowered;
	[smem:$0x3FD2] =	sst s25  }
0xa6: {  	s4 =	sshll.u32 s26, $0x1;
	_ =	strace $0x8000004F;
	[dreg:$0x1] =	wrdreg $0xFFFFFFFF  }
0xa7: {  	s28 =	simm.s32 $_size_execute0_lowered;
	s2 =	sadd.s32 s2, s4;
	[dreg:$0x0] =	wrdreg $0x0  }
0xa8: {  	s4 =	sshll.u32 s28, $0x1;
	[dreg:$0x2] =	wrdreg s2  }
0xa9: {  	[dreg:$0x3] =	wrdreg s4  }
0xaa: {  	[dreg:$0x4] =	wrdreg $0xC0  }
0xab: {  	_ =	task [dreg:s6], $0x5FFFF  }
0xac: {  	[dreg:$0x1] =	wrdreg $0xFFFFFFFF  }
0xad: {  	[dreg:$0x0] =	wrdreg $0x60  }
0xae: {  	[dreg:$0x2] =	wrdreg s24  }
0xaf: {  	[dreg:$0x3] =	wrdreg $0x10D800  }
0xb0: {  	[dreg:$0x4] =	wrdreg $0x9  }
0xb1: {  	_ =	task.clear_ibuf [dreg:s6], $0x5FFFF;
	_ =	strace $0x9000004F  }
0xb2: {  	s29 =	simm.s32 $0x9;
	_ =	strace $0x80000051  }
0xb3: {  	_ =	swait.ge [sflag:s29], $0x1  }
0xb4: {  	[sflag:s29] =	ssyncadd.s32 $0xFFFFFFFF  }
0xb5: {  	_ =	strace $0x90000051  }
0xb6: {  	_ =	sfence  }
0xb7: {  	s30 =	sld [smem:$0x0];
	_ =	sdelay $0x2  }
0xb8: {  	s31 =	sshll.u32 s1, $0xD;
	s1 =	sshrl.u32 s1, $0x2  }
0xb9: {  	s3 =	sand.u32 $0x4000, s31;
	s1 =	sadd.s32 s1, s30  }
0xba: {  	s0 =	sor.u32 s3, s0;
	s1 =	sshll.u32 s1, $0x11  }
0xbb: {  	s0 =	sor.u32 s1, s0  }
0xbc: {  	s0 =	sadd.s32 $0x8F2B, s0  }
0xbd: {  	[sflag:s0] =	ssyncadd.remote.s32 $0x1  }
0xbe: {  	_ =	sfence.sel $0xFFFF  }
0xbf: {  	[dreg:$0x0] =	wrdreg $0xFFFFFFFF;
	(pc) =	sbr.abs _section_cstart, $3  }
0xc0: {  	[dreg:$0x1] =	wrdreg $0xFFFFFFFF  }
0xc1: {  	_ =	task.clear_ibuf [dreg:s6], $0x2FFFF;
	_ =	strace $0x9FFFFFFF  }
0xc2: {  	(tm) =	ssettm $0x7FFFFFFF  }
0xc3: {  	_ =	shalt  }
tec
execute0_lowered:
.L_overlay_start_1:
0x0: {  	(tag) =	ssettag $0x1  }
0x1: {  	s0 =	rddreg [dreg:$0x0]  }
0x2: {  	s1 =	rddreg [dreg:$0x1];
	s3 =	simm.s32 $0x0;
	s2 =	stileid.u32  }
0x3: {  	s7 =	srdreg.scid;
	s17 =	simm.s32 $0xED80;
	s18 =	simm.s32 $0x5  }
0x4: {  	s20 =	simm.s32 $0x50;
	s21 =	simm.s32 $0x9D80;
	s22 =	simm.s32 $0xB180  }
0x5: {  	s28 =	simm.s32 $0xD980;
	s29 =	simm.s32 $0x1;
	s30 =	simm.s32 $0x2  }
0x6: {  	s31 =	simm.s32 $0x3;
	s23 =	simm.s32 $0x9D30;
	[smem:$0x7FF] =	sst s3  }
0x7: {  	s4 =	sadd.s32 $0x5F000, s0;
	s6 =	smul.u32 $0x9D8, s2;
	s5 =	sadd.s32 $0x4B000, s0  }
0x8: {  	s7 =	sand.u32 $0x1, s7;
	s8 =	smul.u32 $0x28000, s2;
	s9 =	sadd.s32 $0xD7000, s0  }
0x9: {  	s12 =	smul.u32 $0xA000, s2;
	_ =	strace $0x80000050;
	[dreg:$0x3] =	wrdreg s9  }
0xa: {  	s24 =	ssub.s32 $0x2, s7;
	p0 =	sne.s32 s7, $0x0;
	s7 =	simm.s32 $0x9CE0  }
0xb: {  	s6 =	sadd.s32 s6, s0;
	s10 =	sshrl.u32 s24, $0x1;
	s8 =	sshrl.u32 s8, $0x2  }
0xc: {  	s0 =	sadd.s32 $0xC3000, s0;
	s11 =	sshrl.u32 s12, $0x3;
	s26 =	sadd.s32 s12, s1  }
.Ltmp0:
0xd: {  	[dreg:$0x4] =	wrdreg s0;
	s25 =	ssub.s32 s24, s10;
	(pc) =	sbr.rel .LBB2_1-.Ltmp0, $4  }
0xe: {  	s8 =	sadd.s32 s8, s1;
	s9 =	sadd.s32 $0x19200, s6;
	s10 =	sadd.s32 $0xF400, s6  }
0xf: {  	s24 =	simm.s32 $0xC580;
	s0 =	simm.s32 $0x4;
	s12 =	smax.u32 s25, $0x1  }
0x10: {  	s13 =	sadd.s32 $0x2000, s8;
	s14 =	sadd.s32 $0x4000, s8;
	s15 =	sadd.s32 $0x6000, s8  }
0x11: {  	v0 =	vimm.f32 $0.0e+00;
	s16 =	sadd.s32 $0x8000, s8;
	s25 =	sshrl.u32 s26, $0x3;
	s26 =	simm.s32 $0x0  }
.LBB2_9:
0x12: {  	[tilespmem:s28], [sflag:$0x4] =	stream.indirect.gather [hbm4b:s5+s20], $0x40, s19, s20, $0xb8;
	[tilespmem:$0x1AD80] =	vst v63  }
0x13: {  	s6 =	rddreg [dreg:$0x4]  }
.LBB2_10:
0x14: {  	_ =	swait.ge [sflag:s29], $0x1400  }
0x15: {  	[sflag:s29] =	ssyncset.done $0x0  }
0x16: {  	s2 =	simm.s32 $0x9C40;
	[sflag:s29] =	ssyncadd.s32 $0xFFFFEC00  }
0x17: {  	[spmem:s1] =	stream.indirect.scatter.add.f32 [tilespmem:s21], [sflag:$0x5], $0x40, s2, s20, $0xb8;
	[tilespmem:$0x1AD80] =	vst v63  }
0x18: {  	_ =	swait.ge [sflag:s18], $0x1400  }
0x19: {  	[sflag:s18] =	ssyncset.done $0x0  }
0x1a: {  	[sflag:s18] =	ssyncadd.s32 $0xFFFFEC00  }
0x1b: {  	_ =	swait.ge [sflag:s30], $0x1400  }
0x1c: {  	[sflag:s30] =	ssyncset.done $0x0  }
0x1d: {  	s19 =	simm.s32 $0x9C90;
	[sflag:s30] =	ssyncadd.s32 $0xFFFFEC00  }
0x1e: {  	[spmem:s1] =	stream.indirect.scatter.add.f32 [tilespmem:s22], [sflag:$0x5], $0x40, s19, s20, $0xb8;
	[tilespmem:$0x1AD80] =	vst v63  }
0x1f: {  	_ =	swait.ge [sflag:s18], $0x1400  }
0x20: {  	[sflag:s18] =	ssyncset.done $0x0  }
0x21: {  	[sflag:s18] =	ssyncadd.s32 $0xFFFFEC00  }
0x22: {  	_ =	swait.ge [sflag:s31], $0x1400  }
0x23: {  	[sflag:s31] =	ssyncset.done $0x0  }
0x24: {  	[sflag:s31] =	ssyncadd.s32 $0xFFFFEC00  }
0x25: {  	[spmem:s1] =	stream.indirect.scatter.add.f32 [tilespmem:s24], [sflag:$0x5], $0x40, s7, s20, $0xb8;
	[tilespmem:$0x1AD80] =	vst v63  }
0x26: {  	_ =	swait.ge [sflag:s18], $0x1400  }
0x27: {  	[sflag:s18] =	ssyncset.done $0x0  }
0x28: {  	[sflag:s18] =	ssyncadd.s32 $0xFFFFEC00  }
0x29: {  	_ =	swait.ge [sflag:s0], $0x1400  }
0x2a: {  	[sflag:s0] =	ssyncset.done $0x0  }
0x2b: {  	[sflag:s0] =	ssyncadd.s32 $0xFFFFEC00  }
0x2c: {  	[spmem:s1] =	stream.indirect.scatter.add.f32 [tilespmem:s28], [sflag:$0x5], $0x40, s23, s20, $0xb8;
	[tilespmem:$0x1AD80] =	vst v63  }
0x2d: {  	s6 =	sadd.s32 s6, s11;
	_ =	swait.ge [sflag:s18], $0x1400  }
0x2e: {  	s26 =	sadd.s32 $0x1, s26;
	s19 =	stileid.u32;
	[sflag:s18] =	ssyncset.done $0x0  }
0x2f: {  	p1 =	sne.s32 s26, s12;
	s2 =	sshll.u32 s19, $0x6;
	[sflag:s18] =	ssyncadd.s32 $0xFFFFEC00  }
.Ltmp1:
0x30: {  	s2 =	sor.u32 $0x1C05, s2;
	[bflag:$0x0] =	sbarrier.arrive $0xFFFF;
	(pc) =	sbr.rel @!p1 .LBB2_11-.Ltmp1, $4  }
0x31: {  	[hbm:s6], [sflag:s2] =	dma.local [spmem:s25], $0x1400  }
0x32: {  	_ =	swait.ge [sflag:s18], $0x1400  }
0x33: {  	[sflag:s18] =	ssyncset.done $0x0  }
0x34: {  	[sflag:s18] =	ssyncadd.s32 $0xFFFFEC00  }
.LBB2_1:
0x35: {  	s19 =	simm.s32 $0x100;
	s6 =	simm.s32 $0x0  }
.LBB2_2:
0x36: {  	p1 =	sne.s32 s19, $0x7F00;
	[tilespmem:s6+$0xEDB0] =	vst v0;
	s2 =	smov.u32 s19;
	s19 =	sadd.s32 $0x100, s19  }
.Ltmp2:
0x37: {  	[tilespmem:s6+$0xEDA0] =	vst v0;
	(pc) =	sbr.rel @p1 .LBB2_2-.Ltmp2, $3  }
0x38: {  	[tilespmem:s6+$0xED80] =	vst v0  }
0x39: {  	[tilespmem:s6+$0xED90] =	vst v0;
	_ =	sdelay $0x1  }
0x3a: {  	s6 =	sshra.s32 s2, $0x2  }
0x3b: {  	[tilespmem:s6+$0xEDB0] =	vst v0  }
0x3c: {  	[tilespmem:s6+$0xEDA0] =	vst v0  }
0x3d: {  	[tilespmem:s6+$0xED80] =	vst v0  }
0x3e: {  	[tilespmem:s6+$0xED90] =	vst v0  }
0x3f: {  	[spmem:s8] =	stream.linear.scatter [tilespmem:s17], [sflag:$0x5], $0x2000, $0x38;
	[tilespmem:$0x1AD80] =	vst v63  }
0x40: {  	_ =	swait.ge [sflag:s18], $0x2000  }
0x41: {  	[sflag:s18] =	ssyncset.done $0x0  }
0x42: {  	[sflag:s18] =	ssyncadd.s32 $0xFFFFE000  }
0x43: {  	[spmem:s13] =	stream.linear.scatter [tilespmem:s17], [sflag:$0x5], $0x2000, $0x38;
	[tilespmem:$0x1AD80] =	vst v63  }
0x44: {  	_ =	swait.ge [sflag:s18], $0x2000  }
0x45: {  	[sflag:s18] =	ssyncset.done $0x0  }
0x46: {  	[sflag:s18] =	ssyncadd.s32 $0xFFFFE000  }
0x47: {  	[spmem:s14] =	stream.linear.scatter [tilespmem:s17], [sflag:$0x5], $0x2000, $0x38;
	[tilespmem:$0x1AD80] =	vst v63  }
0x48: {  	_ =	swait.ge [sflag:s18], $0x2000  }
0x49: {  	[sflag:s18] =	ssyncset.done $0x0  }
0x4a: {  	[sflag:s18] =	ssyncadd.s32 $0xFFFFE000  }
0x4b: {  	[spmem:s15] =	stream.linear.scatter [tilespmem:s17], [sflag:$0x5], $0x2000, $0x38;
	[tilespmem:$0x1AD80] =	vst v63  }
0x4c: {  	_ =	swait.ge [sflag:s18], $0x2000  }
0x4d: {  	[sflag:s18] =	ssyncset.done $0x0  }
0x4e: {  	[sflag:s18] =	ssyncadd.s32 $0xFFFFE000  }
0x4f: {  	[spmem:s16] =	stream.linear.scatter [tilespmem:s17], [sflag:$0x5], $0x2000, $0x38;
	[tilespmem:$0x1AD80] =	vst v63  }
0x50: {  	_ =	swait.ge [sflag:s18], $0x2000  }
0x51: {  	[sflag:s18] =	ssyncset.done $0x0  }
0x52: {  	[sflag:s18] =	ssyncadd.s32 $0xFFFFE000  }
0x53: {  	[tilespmem:s3], [sflag:$0x5] =	stream.linear.gather [hbm4b:s9+s3], $0x4EC0, $0x38;
	[tilespmem:$0x1AD80] =	vst v63  }
0x54: {  	_ =	swait.ge [sflag:s18], $0x4EC0  }
0x55: {  	[sflag:s18] =	ssyncset.done $0x0  }
0x56: {  	s2 =	simm.s32 $0x4EC0;
	[sflag:s18] =	ssyncadd.s32 $0xFFFFB140  }
0x57: {  	[tilespmem:s2], [sflag:$0x5] =	stream.linear.gather [hbm4b:s10+s3], $0x4EC0, $0x38;
	[tilespmem:$0x1AD80] =	vst v63  }
.Ltmp3:
0x58: {  	_ =	swait.ge [sflag:s18], $0x4EC0;
	(pc) =	sbr.rel @p0 .LBB2_7-.Ltmp3, $4  }
0x59: {  	[sflag:s18] =	ssyncset.done $0x0  }
0x5a: {  	[sflag:s18] =	ssyncadd.s32 $0xFFFFB140  }
0x5b: {  	[bflag:$0x0] =	sbarrier.arrive $0xFFFF  }
0x5c: {  	s2 =	simm.s32 $0x0  }
0x5d: {  	[tilespmem:s21], [sflag:$0x1] =	stream.indirect.gather [hbm4b:s4+s20], $0x40, s2, s20, $0xb8;
	[tilespmem:$0x1AD80] =	vst v63  }
0x5e: {  	_ = 	snop  }
0x5f: {  	[tilespmem:s22], [sflag:$0x2] =	stream.indirect.gather [hbm4b:s4+s20], $0x40, s20, s20, $0xb8;
	[tilespmem:$0x1AD80] =	vst v63  }
0x60: {  	s19 =	simm.s32 $0xA0  }
0x61: {  	[tilespmem:s24], [sflag:$0x3] =	stream.indirect.gather [hbm4b:s4+s20], $0x40, s19, s20, $0xb8;
	[tilespmem:$0x1AD80] =	vst v63  }
0x62: {  	s6 =	simm.s32 $0xF0  }
0x63: {  	[tilespmem:s28], [sflag:$0x4] =	stream.indirect.gather [hbm4b:s4+s20], $0x40, s6, s20, $0xb8;
	[tilespmem:$0x1AD80] =	vst v63  }
0x64: {  	_ =	swait.ge [sflag:s29], $0x1400  }
0x65: {  	[sflag:s29] =	ssyncset.done $0x0  }
0x66: {  	s19 =	simm.s32 $0x4EC0;
	[sflag:s29] =	ssyncadd.s32 $0xFFFFEC00  }
0x67: {  	[spmem:s1] =	stream.indirect.scatter.add.f32 [tilespmem:s21], [sflag:$0x5], $0x40, s19, s20, $0xb8;
	[tilespmem:$0x1AD80] =	vst v63  }
0x68: {  	_ =	swait.ge [sflag:s18], $0x1400  }
0x69: {  	[sflag:s18] =	ssyncset.done $0x0  }
0x6a: {  	s6 =	simm.s32 $0x140;
	[sflag:s18] =	ssyncadd.s32 $0xFFFFEC00  }
0x6b: {  	[tilespmem:s21], [sflag:$0x1] =	stream.indirect.gather [hbm4b:s4+s20], $0x40, s6, s20, $0xb8;
	[tilespmem:$0x1AD80] =	vst v63  }
0x6c: {  	_ =	swait.ge [sflag:s30], $0x1400  }
0x6d: {  	[sflag:s30] =	ssyncset.done $0x0  }
0x6e: {  	s19 =	simm.s32 $0x4F10;
	[sflag:s30] =	ssyncadd.s32 $0xFFFFEC00  }
0x6f: {  	[spmem:s1] =	stream.indirect.scatter.add.f32 [tilespmem:s22], [sflag:$0x5], $0x40, s19, s20, $0xb8;
	[tilespmem:$0x1AD80] =	vst v63  }
0x70: {  	_ =	swait.ge [sflag:s18], $0x1400  }
0x71: {  	[sflag:s18] =	ssyncset.done $0x0  }
0x72: {  	s6 =	simm.s32 $0x190;
	[sflag:s18] =	ssyncadd.s32 $0xFFFFEC00  }
0x73: {  	[tilespmem:s22], [sflag:$0x2] =	stream.indirect.gather [hbm4b:s4+s20], $0x40, s6, s20, $0xb8;
	[tilespmem:$0x1AD80] =	vst v63  }
0x74: {  	_ =	swait.ge [sflag:s31], $0x1400  }
0x75: {  	[sflag:s31] =	ssyncset.done $0x0  }
0x76: {  	s19 =	simm.s32 $0x4F60;
	[sflag:s31] =	ssyncadd.s32 $0xFFFFEC00  }
0x77: {  	[spmem:s1] =	stream.indirect.scatter.add.f32 [tilespmem:s24], [sflag:$0x5], $0x40, s19, s20, $0xb8;
	[tilespmem:$0x1AD80] =	vst v63  }
0x78: {  	_ =	swait.ge [sflag:s18], $0x1400  }
0x79: {  	[sflag:s18] =	ssyncset.done $0x0  }
0x7a: {  	s6 =	simm.s32 $0x1E0;
	[sflag:s18] =	ssyncadd.s32 $0xFFFFEC00  }
0x7b: {  	[tilespmem:s24], [sflag:$0x3] =	stream.indirect.gather [hbm4b:s4+s20], $0x40, s6, s20, $0xb8;
	[tilespmem:$0x1AD80] =	vst v63  }
0x7c: {  	_ =	swait.ge [sflag:s0], $0x1400  }
0x7d: {  	[sflag:s0] =	ssyncset.done $0x0  }
0x7e: {  	s19 =	simm.s32 $0x4FB0;
	[sflag:s0] =	ssyncadd.s32 $0xFFFFEC00  }
0x7f: {  	[spmem:s1] =	stream.indirect.scatter.add.f32 [tilespmem:s28], [sflag:$0x5], $0x40, s19, s20, $0xb8;
	[tilespmem:$0x1AD80] =	vst v63  }
0x80: {  	_ =	swait.ge [sflag:s18], $0x1400  }
0x81: {  	[sflag:s18] =	ssyncset.done $0x0  }
0x82: {  	s6 =	simm.s32 $0x500;
	s19 =	simm.s32 $0x230;
	[sflag:s18] =	ssyncadd.s32 $0xFFFFEC00  }
.LBB2_5:
0x83: {  	[tilespmem:s28], [sflag:$0x4] =	stream.indirect.gather [hbm4b:s4+s20], $0x40, s19, s20, $0xb8;
	[tilespmem:$0x1AD80] =	vst v63  }
0x84: {  	s2 =	smov.u32 s6  }
0x85: {  	p1 =	seq.s32 s6, $0x13100;
	s6 =	sadd.s32 $0x500, s6;
	_ =	swait.ge [sflag:s29], $0x1400  }
0x86: {  	s19 =	sshra.s32 s2, $0x2;
	[sflag:s29] =	ssyncset.done $0x0  }
0x87: {  	s2 =	sadd.s32 $0x4EC0, s19;
	[sflag:s29] =	ssyncadd.s32 $0xFFFFEC00  }
0x88: {  	[spmem:s1] =	stream.indirect.scatter.add.f32 [tilespmem:s21], [sflag:$0x5], $0x40, s2, s20, $0xb8;
	[tilespmem:$0x1AD80] =	vst v63  }
0x89: {  	_ =	swait.ge [sflag:s18], $0x1400  }
0x8a: {  	[sflag:s18] =	ssyncset.done $0x0  }
0x8b: {  	s2 =	sadd.s32 $0x140, s19;
	[sflag:s18] =	ssyncadd.s32 $0xFFFFEC00  }
0x8c: {  	[tilespmem:s21], [sflag:$0x1] =	stream.indirect.gather [hbm4b:s4+s20], $0x40, s2, s20, $0xb8;
	[tilespmem:$0x1AD80] =	vst v63  }
0x8d: {  	_ =	swait.ge [sflag:s30], $0x1400  }
0x8e: {  	[sflag:s30] =	ssyncset.done $0x0  }
0x8f: {  	s2 =	sadd.s32 $0x4F10, s19;
	[sflag:s30] =	ssyncadd.s32 $0xFFFFEC00  }
0x90: {  	[spmem:s1] =	stream.indirect.scatter.add.f32 [tilespmem:s22], [sflag:$0x5], $0x40, s2, s20, $0xb8;
	[tilespmem:$0x1AD80] =	vst v63  }
0x91: {  	_ =	swait.ge [sflag:s18], $0x1400  }
0x92: {  	[sflag:s18] =	ssyncset.done $0x0  }
0x93: {  	s2 =	sadd.s32 $0x190, s19;
	[sflag:s18] =	ssyncadd.s32 $0xFFFFEC00  }
0x94: {  	[tilespmem:s22], [sflag:$0x2] =	stream.indirect.gather [hbm4b:s4+s20], $0x40, s2, s20, $0xb8;
	[tilespmem:$0x1AD80] =	vst v63  }
0x95: {  	_ =	swait.ge [sflag:s31], $0x1400  }
0x96: {  	[sflag:s31] =	ssyncset.done $0x0  }
0x97: {  	s2 =	sadd.s32 $0x4F60, s19;
	[sflag:s31] =	ssyncadd.s32 $0xFFFFEC00  }
0x98: {  	[spmem:s1] =	stream.indirect.scatter.add.f32 [tilespmem:s24], [sflag:$0x5], $0x40, s2, s20, $0xb8;
	[tilespmem:$0x1AD80] =	vst v63  }
0x99: {  	_ =	swait.ge [sflag:s18], $0x1400  }
0x9a: {  	[sflag:s18] =	ssyncset.done $0x0  }
0x9b: {  	s2 =	sadd.s32 $0x1E0, s19;
	[sflag:s18] =	ssyncadd.s32 $0xFFFFEC00  }
0x9c: {  	[tilespmem:s24], [sflag:$0x3] =	stream.indirect.gather [hbm4b:s4+s20], $0x40, s2, s20, $0xb8;
	[tilespmem:$0x1AD80] =	vst v63  }
0x9d: {  	_ =	swait.ge [sflag:s0], $0x1400  }
0x9e: {  	[sflag:s0] =	ssyncset.done $0x0  }
.Ltmp4:
0x9f: {  	s2 =	sadd.s32 $0x4FB0, s19;
	[sflag:s0] =	ssyncadd.s32 $0xFFFFEC00;
	(pc) =	sbr.rel @!p1 .LBB2_5-.Ltmp4, $4  }
0xa0: {  	[spmem:s1] =	stream.indirect.scatter.add.f32 [tilespmem:s28], [sflag:$0x5], $0x40, s2, s20, $0xb8;
	[tilespmem:$0x1AD80] =	vst v63  }
0xa1: {  	_ =	swait.ge [sflag:s18], $0x1400  }
0xa2: {  	[sflag:s18] =	ssyncset.done $0x0  }
0xa3: {  	s19 =	sadd.s32 $0x230, s19;
	[sflag:s18] =	ssyncadd.s32 $0xFFFFEC00  }
.Ltmp5:
0xa4: {  	(pc) =	sbr.rel .LBB2_10-.Ltmp5, $3  }
0xa5: {  	_ =	sdelay $0x1  }
0xa6: {  	[tilespmem:s28], [sflag:$0x4] =	stream.indirect.gather [hbm4b:s4+s20], $0x40, s19, s20, $0xb8;
	[tilespmem:$0x1AD80] =	vst v63  }
0xa7: {  	s6 =	rddreg [dreg:$0x3]  }
.LBB2_7:
0xa8: {  	[tilespmem:s21], [sflag:$0x1] =	stream.indirect.gather [hbm4b:s5+s20], $0x40, s2, s20, $0xb8;
	[tilespmem:$0x1AD80] =	vst v63  }
0xa9: {  	_ = 	snop  }
0xaa: {  	[tilespmem:s22], [sflag:$0x2] =	stream.indirect.gather [hbm4b:s5+s20], $0x40, s20, s20, $0xb8;
	[tilespmem:$0x1AD80] =	vst v63  }
0xab: {  	s19 =	simm.s32 $0xA0  }
0xac: {  	[tilespmem:s24], [sflag:$0x3] =	stream.indirect.gather [hbm4b:s5+s20], $0x40, s19, s20, $0xb8;
	[tilespmem:$0x1AD80] =	vst v63  }
0xad: {  	s6 =	simm.s32 $0xF0  }
0xae: {  	[tilespmem:s28], [sflag:$0x4] =	stream.indirect.gather [hbm4b:s5+s20], $0x40, s6, s20, $0xb8;
	[tilespmem:$0x1AD80] =	vst v63  }
0xaf: {  	_ =	swait.ge [sflag:s29], $0x1400  }
0xb0: {  	[sflag:s29] =	ssyncset.done $0x0  }
0xb1: {  	s19 =	simm.s32 $0x4EC0;
	[sflag:s29] =	ssyncadd.s32 $0xFFFFEC00  }
0xb2: {  	[spmem:s1] =	stream.indirect.scatter.add.f32 [tilespmem:s21], [sflag:$0x5], $0x40, s19, s20, $0xb8;
	[tilespmem:$0x1AD80] =	vst v63  }
0xb3: {  	_ =	swait.ge [sflag:s18], $0x1400  }
0xb4: {  	[sflag:s18] =	ssyncset.done $0x0  }
0xb5: {  	s6 =	simm.s32 $0x140;
	[sflag:s18] =	ssyncadd.s32 $0xFFFFEC00  }
0xb6: {  	[tilespmem:s21], [sflag:$0x1] =	stream.indirect.gather [hbm4b:s5+s20], $0x40, s6, s20, $0xb8;
	[tilespmem:$0x1AD80] =	vst v63  }
0xb7: {  	_ =	swait.ge [sflag:s30], $0x1400  }
0xb8: {  	[sflag:s30] =	ssyncset.done $0x0  }
0xb9: {  	s19 =	simm.s32 $0x4F10;
	[sflag:s30] =	ssyncadd.s32 $0xFFFFEC00  }
0xba: {  	[spmem:s1] =	stream.indirect.scatter.add.f32 [tilespmem:s22], [sflag:$0x5], $0x40, s19, s20, $0xb8;
	[tilespmem:$0x1AD80] =	vst v63  }
0xbb: {  	_ =	swait.ge [sflag:s18], $0x1400  }
0xbc: {  	[sflag:s18] =	ssyncset.done $0x0  }
0xbd: {  	s6 =	simm.s32 $0x190;
	[sflag:s18] =	ssyncadd.s32 $0xFFFFEC00  }
0xbe: {  	[tilespmem:s22], [sflag:$0x2] =	stream.indirect.gather [hbm4b:s5+s20], $0x40, s6, s20, $0xb8;
	[tilespmem:$0x1AD80] =	vst v63  }
0xbf: {  	_ =	swait.ge [sflag:s31], $0x1400  }
0xc0: {  	[sflag:s31] =	ssyncset.done $0x0  }
0xc1: {  	s19 =	simm.s32 $0x4F60;
	[sflag:s31] =	ssyncadd.s32 $0xFFFFEC00  }
0xc2: {  	[spmem:s1] =	stream.indirect.scatter.add.f32 [tilespmem:s24], [sflag:$0x5], $0x40, s19, s20, $0xb8;
	[tilespmem:$0x1AD80] =	vst v63  }
0xc3: {  	_ =	swait.ge [sflag:s18], $0x1400  }
0xc4: {  	[sflag:s18] =	ssyncset.done $0x0  }
0xc5: {  	s6 =	simm.s32 $0x1E0;
	[sflag:s18] =	ssyncadd.s32 $0xFFFFEC00  }
0xc6: {  	[tilespmem:s24], [sflag:$0x3] =	stream.indirect.gather [hbm4b:s5+s20], $0x40, s6, s20, $0xb8;
	[tilespmem:$0x1AD80] =	vst v63  }
0xc7: {  	_ =	swait.ge [sflag:s0], $0x1400  }
0xc8: {  	[sflag:s0] =	ssyncset.done $0x0  }
0xc9: {  	s19 =	simm.s32 $0x4FB0;
	[sflag:s0] =	ssyncadd.s32 $0xFFFFEC00  }
0xca: {  	[spmem:s1] =	stream.indirect.scatter.add.f32 [tilespmem:s28], [sflag:$0x5], $0x40, s19, s20, $0xb8;
	[tilespmem:$0x1AD80] =	vst v63  }
0xcb: {  	_ =	swait.ge [sflag:s18], $0x1400  }
0xcc: {  	[sflag:s18] =	ssyncset.done $0x0  }
0xcd: {  	s6 =	simm.s32 $0x500;
	s19 =	simm.s32 $0x230;
	[sflag:s18] =	ssyncadd.s32 $0xFFFFEC00  }
.LBB2_8:
0xce: {  	[tilespmem:s28], [sflag:$0x4] =	stream.indirect.gather [hbm4b:s5+s20], $0x40, s19, s20, $0xb8;
	[tilespmem:$0x1AD80] =	vst v63  }
0xcf: {  	s2 =	smov.u32 s6  }
0xd0: {  	p1 =	sne.s32 s6, $0x13100;
	s6 =	sadd.s32 $0x500, s6;
	_ =	swait.ge [sflag:s29], $0x1400  }
0xd1: {  	s19 =	sshra.s32 s2, $0x2;
	[sflag:s29] =	ssyncset.done $0x0  }
0xd2: {  	s2 =	sadd.s32 $0x4EC0, s19;
	[sflag:s29] =	ssyncadd.s32 $0xFFFFEC00  }
0xd3: {  	[spmem:s1] =	stream.indirect.scatter.add.f32 [tilespmem:s21], [sflag:$0x5], $0x40, s2, s20, $0xb8;
	[tilespmem:$0x1AD80] =	vst v63  }
0xd4: {  	_ =	swait.ge [sflag:s18], $0x1400  }
0xd5: {  	[sflag:s18] =	ssyncset.done $0x0  }
0xd6: {  	s2 =	sadd.s32 $0x140, s19;
	[sflag:s18] =	ssyncadd.s32 $0xFFFFEC00  }
0xd7: {  	[tilespmem:s21], [sflag:$0x1] =	stream.indirect.gather [hbm4b:s5+s20], $0x40, s2, s20, $0xb8;
	[tilespmem:$0x1AD80] =	vst v63  }
0xd8: {  	_ =	swait.ge [sflag:s30], $0x1400  }
0xd9: {  	[sflag:s30] =	ssyncset.done $0x0  }
0xda: {  	s2 =	sadd.s32 $0x4F10, s19;
	[sflag:s30] =	ssyncadd.s32 $0xFFFFEC00  }
0xdb: {  	[spmem:s1] =	stream.indirect.scatter.add.f32 [tilespmem:s22], [sflag:$0x5], $0x40, s2, s20, $0xb8;
	[tilespmem:$0x1AD80] =	vst v63  }
0xdc: {  	_ =	swait.ge [sflag:s18], $0x1400  }
0xdd: {  	[sflag:s18] =	ssyncset.done $0x0  }
0xde: {  	s2 =	sadd.s32 $0x190, s19;
	[sflag:s18] =	ssyncadd.s32 $0xFFFFEC00  }
0xdf: {  	[tilespmem:s22], [sflag:$0x2] =	stream.indirect.gather [hbm4b:s5+s20], $0x40, s2, s20, $0xb8;
	[tilespmem:$0x1AD80] =	vst v63  }
0xe0: {  	_ =	swait.ge [sflag:s31], $0x1400  }
0xe1: {  	[sflag:s31] =	ssyncset.done $0x0  }
0xe2: {  	s2 =	sadd.s32 $0x4F60, s19;
	[sflag:s31] =	ssyncadd.s32 $0xFFFFEC00  }
0xe3: {  	[spmem:s1] =	stream.indirect.scatter.add.f32 [tilespmem:s24], [sflag:$0x5], $0x40, s2, s20, $0xb8;
	[tilespmem:$0x1AD80] =	vst v63  }
0xe4: {  	_ =	swait.ge [sflag:s18], $0x1400  }
0xe5: {  	[sflag:s18] =	ssyncset.done $0x0  }
0xe6: {  	s2 =	sadd.s32 $0x1E0, s19;
	[sflag:s18] =	ssyncadd.s32 $0xFFFFEC00  }
0xe7: {  	[tilespmem:s24], [sflag:$0x3] =	stream.indirect.gather [hbm4b:s5+s20], $0x40, s2, s20, $0xb8;
	[tilespmem:$0x1AD80] =	vst v63  }
0xe8: {  	_ =	swait.ge [sflag:s0], $0x1400  }
0xe9: {  	[sflag:s0] =	ssyncset.done $0x0  }
.Ltmp6:
0xea: {  	s2 =	sadd.s32 $0x4FB0, s19;
	[sflag:s0] =	ssyncadd.s32 $0xFFFFEC00;
	(pc) =	sbr.rel @p1 .LBB2_8-.Ltmp6, $4  }
0xeb: {  	[spmem:s1] =	stream.indirect.scatter.add.f32 [tilespmem:s28], [sflag:$0x5], $0x40, s2, s20, $0xb8;
	[tilespmem:$0x1AD80] =	vst v63  }
0xec: {  	_ =	swait.ge [sflag:s18], $0x1400  }
0xed: {  	[sflag:s18] =	ssyncset.done $0x0  }
0xee: {  	s19 =	sadd.s32 $0x230, s19;
	[sflag:s18] =	ssyncadd.s32 $0xFFFFEC00  }
.Ltmp7:
0xef: {  	_ = 	snop;
	(pc) =	sbr.rel .LBB2_9-.Ltmp7, $1  }
0xf0: {  	_ =	sdelay $0x3  }
.LBB2_11:
0xf1: {  	_ =	sfence.sel $0x180000  }
0xf2: {  	[bflag:$0x0] =	sbarrier.arrive $0xFFFF  }
0xf3: {  	_ =	strace $0x90000050  }
0xf4: {  	s0 =	stileid.u32;
	[bflag:$0x2] =	sbarrier.arrive $0xFFFF  }
0xf5: {  	p0 =	sne.s32 s0, $0x0;
	s0 =	rddreg [dreg:$0x2]  }
0xf6: {  	s0 =	sadd.s32 @!p0 $0x100000, s0  }
0xf7: {  	[sflag:s0] =	ssyncadd.tile.s32 @!p0 $0x1;
	_ =	shalt  }
.Lfunc_end2:
_tile_overlayer_lowered:
.L_overlay_start_2:
0xf8: {  	(tag) =	ssettag $0x2  }
0xf9: {  	s0 =	rddreg [dreg:$0x0];
	s2 =	stileid.u32  }
0xfa: {  	s1 =	rddreg [dreg:$0x1];
	p0 =	sne.s32 s2, $0x0  }
0xfb: {  	s3 =	rddreg [dreg:$0x2];
	[bflag:$0x3] =	sbarrier.arrive $0xFFFF;
	s2 =	simm.s32 @!p0 $0x1C05  }
0xfc: {  	[timem:s3], [sflag:s2] =	dma.local @!p0 [hbm:s0], s1  }
0xfd: {  	s0 =	simm.s32 @!p0 $0x5  }
0xfe: {  	_ =	swait.ge @!p0 [sflag:s0], s1  }
0xff: {  	s1 =	ssub.s32 @!p0 $0x0, s1;
	[sflag:s0] =	ssyncset.done @!p0 $0x0  }
0x100: {  	[sflag:s0] =	ssyncadd.s32 @!p0 s1  }
0x101: {  	[bflag:$0x3] =	sbarrier.arrive $0xFFFF  }
0x102: {  	_ =	shalt  }

// kernel: kernel.9.cloned.1.call-start
scs
__scs_entry_jumppad:
0x0: {  	(pc) =	sbr.rel $0x88, $3  }
0x1: {  	(tag) =	ssettag $0x0;
	lr =	simm.s32 $0x1  }
0x2: {  	[smem:$0x3F92] =	sst lr;
	_ =	strace $0xD0000000  }
0x3: {  	_ = 	snop  }
0x4: {  	_ = 	snop  }
0x5: {  	_ = 	snop  }
0x6: {  	_ = 	snop  }
0x7: {  	_ = 	snop  }
__scs_overlays_trampoline_lowered:
0x8: {  	[smem:$0x3FA1] =	sst s0  }
0x9: {  	[smem:$0x3FA2] =	sst s1  }
0xa: {  	[smem:$0x3FA3] =	sst s2  }
0xb: {  	[smem:$0x3FA4] =	sst s3  }
0xc: {  	[smem:$0x3FA5] =	sst s4  }
0xd: {  	[smem:$0x3FA6] =	sst s5  }
0xe: {  	[smem:$0x3FA7] =	sst s6  }
0xf: {  	[smem:$0x3FA8] =	sst s7  }
0x10: {  	[smem:$0x3FA9] =	sst s8  }
0x11: {  	[smem:$0x3FAA] =	sst s9;
	s0 =	simm.s32 @!p0 $0x0  }
0x12: {  	s1 =	sld [smem:$0x3F90];
	s0 =	simm.s32 @p0 $0x1  }
0x13: {  	[smem:$0x3FAB] =	sst s0;
	s0 =	simm.s32 @!p1 $0x0  }
0x14: {  	s2 =	sld [smem:$0x3F8F];
	s0 =	simm.s32 @p1 $0x1  }
0x15: {  	[smem:$0x3FAC] =	sst s0;
	s0 =	simm.s32 @!p2 $0x0  }
0x16: {  	s3 =	sld [smem:$0x3FDB];
	s0 =	simm.s32 @p2 $0x1  }
0x17: {  	s4 =	simm.s32 $0x1BF5;
	[smem:$0x3FAE] =	sst s0  }
0x18: {  	s0 =	sld [smem:$0x3F91];
	_ =	swait.ge [sflag:s4], $0x0  }
0x19: {  	s7 =	sld [smem:$0x3F92]  }
0x1a: {  	s8 =	sadd.s32 $0xFFFFE003, lr  }
0x1b: {  	s9 =	sadd.s32 $0xFFFFFEF7, lr;
	s5 =	simm.s32 $0xFFFFFFFF;
	p2 =	slt.u32 s8, $0xFFFFF086  }
0x1c: {  	p1 =	slt.u32 s9, $0xF7A;
	s5 =	simm.s32 @!p2 $0x0  }
0x1d: {  	s5 =	simm.s32 @p1 $0x1;
	p0 =	seq.s32 s7, s2  }
0x1e: {  	s7 =	smul.u32 @!p0 $0xF7A, s2;
	p2 =	seq.s32 @!p0 s5, $0x0  }
0x1f: {  	s9 =	smul.u32 $0xF7A, s1;
	s8 =	simm.s32 @!p0 $0x1BF5;
	p2 =	por !p2, p0  }
0x20: {  	[sflag:s8] =	ssyncset.s32 @!p0 $0xFFFFF086;
	s6 =	sadd.s32 @!p0 s3, s7;
	s7 =	simm.s32 @!p0 $0x108  }
0x21: {  	s3 =	sadd.s32 s3, s9;
	s6 =	sadd.s32 @!p0 $0x88, s6;
	s7 =	simm.s32 @p2 $0x1082  }
0x22: {  	[simem:s7], [sflag:s8] =	dma.local @!p0 [hbm:s6], $0xF7A  }
0x23: {  	s9 =	sor.u32 $0xD0000000, s2;
	s6 =	simm.s32 $0x108;
	_ =	swait.ge @!p0 [sflag:s8], $0x0  }
0x24: {  	s3 =	sadd.s32 $0x88, s3;
	s6 =	simm.s32 @!p1 $0x1082;
	[sflag:s4] =	ssyncset.s32 $0xFFFFF086  }
0x25: {  	[simem:s6], [sflag:s4] =	dma.local [hbm:s3], $0xF7A  }
0x26: {  	[smem:$0x3F92] =	sst s1;
	(tag) =	ssettag s2;
	_ =	strace s9  }
0x27: {  	s1 =	sld [smem:$0x3FA2]  }
0x28: {  	s2 =	sld [smem:$0x3FA3]  }
0x29: {  	s4 =	sld [smem:$0x3FA5]  }
0x2a: {  	p0 =	seq.s32 s5, $0x0;
	s5 =	sld [smem:$0x3FA6]  }
0x2b: {  	s6 =	sld [smem:$0x3FA7]  }
0x2c: {  	s7 =	sld [smem:$0x3FA8]  }
0x2d: {  	s3 =	simm.s32 $0x108;
	s8 =	sld [smem:$0x3FA9]  }
0x2e: {  	s3 =	simm.s32 @!p0 $0x1082;
	s9 =	sld [smem:$0x3FAA]  }
0x2f: {  	lr =	sadd.s32 s0, s3;
	s0 =	sld [smem:$0x3FA1]  }
0x30: {  	s3 =	sld [smem:$0x3FA4]  }
0x31: {  	[smem:$0x3FAD] =	sst s10  }
0x32: {  	s10 =	sld [smem:$0x3FAB];
	_ =	sdelay $0x3  }
0x33: {  	p0 =	seq.s32 s10, $0x1;
	s10 =	sld [smem:$0x3FAD];
	_ =	sdelay $0x3  }
0x34: {  	[smem:$0x3FAD] =	sst s10  }
0x35: {  	s10 =	sld [smem:$0x3FAC];
	_ =	sdelay $0x3  }
0x36: {  	p1 =	seq.s32 s10, $0x1;
	s10 =	sld [smem:$0x3FAD];
	_ =	sdelay $0x3  }
0x37: {  	[smem:$0x3FAD] =	sst s10  }
0x38: {  	s10 =	sld [smem:$0x3FAE]  }
0x39: {  	_ = 	snop;
	(pc) =	sbr.ind lr, $3  }
0x3a: {  	_ = 	snop  }
0x3b: {  	_ = 	snop  }
0x3c: {  	p2 =	seq.s32 s10, $0x1;
	s10 =	sld [smem:$0x3FAD]  }
0x3d: {  	_ =	shalt  }
0x3e: {  	_ =	shalt  }
0x3f: {  	_ =	shalt  }
0x40: {  	_ =	shalt  }
0x41: {  	_ =	shalt  }
0x42: {  	_ =	shalt  }
0x43: {  	_ =	shalt  }
0x44: {  	_ =	shalt  }
0x45: {  	_ =	shalt  }
0x46: {  	_ =	shalt  }
0x47: {  	_ =	shalt  }
0x48: {  	_ =	shalt  }
0x49: {  	_ =	shalt  }
0x4a: {  	_ =	shalt  }
0x4b: {  	_ =	shalt  }
0x4c: {  	_ =	shalt  }
0x4d: {  	_ =	shalt  }
0x4e: {  	_ =	shalt  }
0x4f: {  	_ =	shalt  }
0x50: {  	_ =	shalt  }
0x51: {  	_ =	shalt  }
0x52: {  	_ =	shalt  }
0x53: {  	_ =	shalt  }
0x54: {  	_ =	shalt  }
0x55: {  	_ =	shalt  }
0x56: {  	_ =	shalt  }
0x57: {  	_ =	shalt  }
0x58: {  	_ =	shalt  }
0x59: {  	_ =	shalt  }
0x5a: {  	_ =	shalt  }
0x5b: {  	_ =	shalt  }
0x5c: {  	_ =	shalt  }
0x5d: {  	_ =	shalt  }
0x5e: {  	_ =	shalt  }
0x5f: {  	_ =	shalt  }
0x60: {  	_ =	shalt  }
0x61: {  	_ =	shalt  }
0x62: {  	_ =	shalt  }
0x63: {  	_ =	shalt  }
0x64: {  	_ =	shalt  }
0x65: {  	_ =	shalt  }
0x66: {  	_ =	shalt  }
0x67: {  	_ =	shalt  }
0x68: {  	_ =	shalt  }
0x69: {  	_ =	shalt  }
0x6a: {  	_ =	shalt  }
0x6b: {  	_ =	shalt  }
0x6c: {  	_ =	shalt  }
0x6d: {  	_ =	shalt  }
0x6e: {  	_ =	shalt  }
0x6f: {  	_ =	shalt  }
0x70: {  	_ =	shalt  }
0x71: {  	_ =	shalt  }
0x72: {  	_ =	shalt  }
0x73: {  	_ =	shalt  }
0x74: {  	_ =	shalt  }
0x75: {  	_ =	shalt  }
0x76: {  	_ =	shalt  }
0x77: {  	_ =	shalt  }
0x78: {  	_ =	shalt  }
0x79: {  	_ =	shalt  }
0x7a: {  	_ =	shalt  }
0x7b: {  	_ =	shalt  }
0x7c: {  	_ =	shalt  }
0x7d: {  	_ =	shalt  }
0x7e: {  	_ =	shalt  }
0x7f: {  	_ =	shalt  }
0x80: {  	_ =	shalt  }
0x81: {  	_ =	shalt  }
0x82: {  	_ =	shalt  }
0x83: {  	_ =	shalt  }
0x84: {  	_ =	shalt  }
0x85: {  	_ =	shalt  }
0x86: {  	_ =	shalt  }
0x87: {  	_ =	shalt  }
.Lfunc_end0:
.L_simem_size_0:
called_computation_lowered:
.L_overlay_start_0:
0x88: {  	s2 =	sld [smem:$0x3FD9]  }
0x89: {  	s3 =	sld [smem:$0x3FFE];
	_ =	sdelay $0x1  }
0x8a: {  	s1 =	srdreg.scid  }
0x8b: {  	s0 =	sand.u32 $0x1, s1  }
0x8c: {  	s17 =	sshll.u32 s0, $0xA;
	s2 =	sadd.s32 s3, s2  }
0x8d: {  	s2 =	sadd.s32 s2, s17  }
0x8e: {  	[smem:$0x3FB9] =	sst s2  }
0x8f: {  	_ = 	snop  }
0x90: {  	(tm) =	ssettm $0x1  }
0x91: {  	s18 =	sld [smem:$0x3FFB];
	_ =	sdelay $0x3  }
0x92: {  	_ =	strace s18  }
0x93: {  	s2 =	sld [smem:$0x3FFC];
	_ =	sdelay $0x3  }
0x94: {  	_ =	strace s2  }
0x95: {  	s2 =	sld [smem:$0x3FFD];
	_ =	sdelay $0x3  }
0x96: {  	_ =	strace s2  }
0x97: {  	_ =	strace $0x8FFFFFFF  }
0x98: {  	s19 =	sld [smem:$0x3FDB];
	_ =	sdelay $0x1  }
0x99: {  	s20 =	simm.s32 $_scs_section_size  }
0x9a: {  	s4 =	simm.s32 $_size__tile_overlayer_lowered;
	s5 =	simm.s32 $_tile_overlayer_lowered  }
0x9b: {  	s6 =	simm.s32 $0x1BFF;
	s21 =	sshll.u32 s5, $0x1;
	s3 =	sadd.s32 s20, s19  }
0x9c: {  	s22 =	simm.s32 $0x0;
	s4 =	sshll.u32 s4, $0x1;
	s5 =	sadd.s32 s21, s3  }
0x9d: {  	[timem:s22], [sflag:s6] =	dma.local [hbm:s5], s4  }
0x9e: {  	_ =	swait.ge [sflag:s6], s4  }
0x9f: {  	s4 =	ssub.s32 $0x0, s4;
	[sflag:s6] =	ssyncset.done $0x0  }
0xa0: {  	[sflag:s6] =	ssyncadd.s32 s4;
	_ =	sdelay $0x1  }
0xa1: {  	s23 =	simm.s32 $0x1B8B  }
0xa2: {  	_ =	swait.ge [sflag:s23], $0x1  }
0xa3: {  	[sflag:s23] =	ssyncset.done $0x0  }
0xa4: {  	[sflag:s23] =	ssyncadd.s32 $0xFFFFFFFF  }
0xa5: {  	s4 =	sld [smem:$0x0]  }
0xa6: {  	s5 =	sand.u32 $0xFFFFFFFE, s1  }
0xa7: {  	p0 =	sne.s32 s1, s5  }
0xa8: {  	s5 =	sshll.u32 @p0 s5, $0xE  }
0xa9: {  	s5 =	sadd.s32 @p0 $0x11B8D, s5;
	s6 =	sshll.u32 @p0 s4, $0x11  }
0xaa: {  	s5 =	sor.u32 @p0 s6, s5  }
0xab: {  	[sflag:s5] =	ssyncadd.remote.s32 @p0 $0x1;
	_ =	sdelay $0x1  }
0xac: {  	s5 =	simm.s32 @p0 $0x1B8D  }
0xad: {  	_ =	swait.eq @p0 [sflag:s5], $0x1  }
0xae: {  	[sflag:s5] =	ssyncadd.s32 @p0 $0xFFFFFFFF  }
0xaf: {  	s6 =	sshll.u32 @!p0 s1, $0xE  }
0xb0: {  	s6 =	sor.u32 @!p0 $0x4000, s6;
	s5 =	simm.s32 @!p0 $0x1B8D  }
0xb1: {  	s4 =	sshll.u32 @!p0 s4, $0x11;
	s6 =	sadd.s32 @!p0 $0x11B8D, s6;
	_ =	swait.eq @!p0 [sflag:s5], $0x1  }
0xb2: {  	s4 =	sor.u32 @!p0 s4, s6;
	[sflag:s5] =	ssyncadd.s32 @!p0 $0xFFFFFFFF  }
0xb3: {  	s25 =	simm.s32 $0x1B8E;
	s24 =	sld [smem:$0x3FFE];
	[sflag:s4] =	ssyncadd.remote.s32 @!p0 $0x1  }
0xb4: {  	s26 =	simm.s32 $execute0_lowered;
	[smem:$0x3FD2] =	sst s25  }
0xb5: {  	s5 =	sshll.u32 s26, $0x1;
	_ =	strace $0x80000049;
	[dreg:$0x1] =	wrdreg $0xFFFFFFFF  }
0xb6: {  	s28 =	simm.s32 $_size_execute0_lowered;
	s3 =	sadd.s32 s3, s5;
	[dreg:$0x0] =	wrdreg $0x0  }
0xb7: {  	s5 =	sshll.u32 s28, $0x1;
	[dreg:$0x2] =	wrdreg s3  }
0xb8: {  	[dreg:$0x3] =	wrdreg s5  }
0xb9: {  	[dreg:$0x4] =	wrdreg $0xC0  }
0xba: {  	_ =	task [dreg:s22], $0x5FFFF  }
0xbb: {  	[dreg:$0x1] =	wrdreg $0xFFFFFFFF  }
0xbc: {  	[dreg:$0x0] =	wrdreg $0x60  }
0xbd: {  	[dreg:$0x2] =	wrdreg s24  }
0xbe: {  	[dreg:$0x3] =	wrdreg $0x34100  }
0xbf: {  	[dreg:$0x4] =	wrdreg $0x9  }
0xc0: {  	_ =	task.clear_ibuf [dreg:s22], $0x5FFFF;
	_ =	strace $0x90000049  }
0xc1: {  	s29 =	simm.s32 $0x9;
	_ =	strace $0x8000004B  }
0xc2: {  	_ =	swait.ge [sflag:s29], $0x1  }
0xc3: {  	[sflag:s29] =	ssyncadd.s32 $0xFFFFFFFF  }
0xc4: {  	_ =	strace $0x9000004B  }
0xc5: {  	_ =	sfence  }
0xc6: {  	s30 =	sld [smem:$0x0];
	_ =	sdelay $0x2  }
0xc7: {  	s31 =	sshll.u32 s1, $0xD;
	s1 =	sshrl.u32 s1, $0x2  }
0xc8: {  	s4 =	sand.u32 $0x4000, s31;
	s1 =	sadd.s32 s1, s30  }
0xc9: {  	s0 =	sor.u32 s4, s0;
	s1 =	sshll.u32 s1, $0x11  }
0xca: {  	s0 =	sor.u32 s1, s0  }
0xcb: {  	s0 =	sadd.s32 $0x8F2B, s0  }
0xcc: {  	[sflag:s0] =	ssyncadd.remote.s32 $0x1  }
0xcd: {  	_ =	sfence.sel $0xFFFF  }
0xce: {  	[dreg:$0x0] =	wrdreg $0xFFFFFFFF;
	(pc) =	sbr.abs _section_cstart, $3  }
0xcf: {  	[dreg:$0x1] =	wrdreg $0xFFFFFFFF  }
0xd0: {  	_ =	task.clear_ibuf [dreg:s22], $0x2FFFF;
	_ =	strace $0x9FFFFFFF  }
0xd1: {  	(tm) =	ssettm $0x7FFFFFFF  }
tec
execute0_lowered:
.L_overlay_start_1:
0x0: {  	(tag) =	ssettag $0x1  }
0x1: {  	s5 =	rddreg [dreg:$0x0]  }
0x2: {  	s0 =	srdreg.scid;
	s2 =	rddreg [dreg:$0x1];
	s3 =	simm.s32 $0x0  }
0x3: {  	s12 =	simm.s32 $0x2C10;
	s13 =	simm.s32 $0x1;
	s4 =	sand.u32 $0x1, s0  }
0x4: {  	s14 =	simm.s32 $0x50;
	s0 =	stileid.u32;
	s7 =	smul.u32 $0x5000, s4  }
0x5: {  	s15 =	simm.s32 $0x2710;
	[smem:$0x7FF] =	sst s3;
	s8 =	smul.u32 $0x500, s0  }
0x6: {  	s1 =	sshll.u32 s4, $0x4;
	s4 =	ssub.s32 $0x2, s4;
	s9 =	smul.u32 $0xA000, s0  }
0x7: {  	s16 =	sshll.u32 s0, $0x6;
	s1 =	sor.u32 s0, s1;
	s30 =	sshrl.u32 s4, $0x1  }
0x8: {  	s16 =	sor.u32 $0x1C01, s16;
	s6 =	smul.u32 $0x4E2, s1;
	s1 =	rddreg [dreg:$0x2]  }
0x9: {  	_ =	strace $0x8000004A;
	s7 =	sadd.s32 s8, s7;
	s31 =	sshrl.u32 s9, $0x2  }
0xa: {  	s8 =	ssub.s32 s4, s30;
	s7 =	sadd.s32 s7, s5;
	s4 =	sadd.s32 s31, s2  }
0xb: {  	s6 =	sadd.s32 s6, s5;
	s9 =	sadd.s32 $0x1000, s4;
	s10 =	sadd.s32 $0x1800, s4  }
0xc: {  	s11 =	sadd.s32 $0x2000, s4;
	s17 =	sshrl.u32 s4, $0x3;
	s5 =	sadd.s32 $0x5600, s6  }
0xd: {  	v0 =	vimm.f32 $0.0e+00;
	v1 =	vimm.f32 $1.000000000e+00;
	s6 =	sadd.s32 $0xC3000, s7;
	s7 =	smax.u32 s8, $0x1;
	s8 =	sadd.s32 $0x800, s4  }
.LBB2_1:
0xe: {  	s18 =	simm.s32 $0x0  }
.LBB2_2:
0xf: {  	p0 =	sne.s32 s18, $0x1FC0  }
.Ltmp0:
0x10: {  	_ = 	snop;
	(pc) =	sbr.rel @p0 .LBB2_2-.Ltmp0, $3  }
0x11: {  	_ =	sdelay $0x1  }
0x12: {  	s19 =	sshra.s32 s18, $0x2  }
0x13: {  	s18 =	sadd.s32 $0x40, s18;
	[tilespmem:s19+$0x2C10] =	vst v0  }
0x14: {  	s18 =	simm.s32 $0x40;
	s19 =	simm.s32 $0x0  }
.LBB2_4:
0x15: {  	p0 =	sne.s32 s18, $0x13C0;
	[tilespmem:s19+$0x2710] =	vst v1;
	s19 =	smov.u32 s18;
	s18 =	sadd.s32 $0x40, s18  }
.Ltmp1:
0x16: {  	(pc) =	sbr.rel @p0 .LBB2_4-.Ltmp1, $2  }
0x17: {  	_ =	sdelay $0x2  }
0x18: {  	s19 =	sshra.s32 s19, $0x2  }
0x19: {  	[tilespmem:s19+$0x2710] =	vst v1  }
0x1a: {  	[spmem:s4] =	stream.linear.scatter [tilespmem:s12], [sflag:$0x1], $0x800, $0x38;
	[tilespmem:$0x5C10] =	vst v63  }
0x1b: {  	_ =	swait.ge [sflag:s13], $0x800  }
0x1c: {  	[sflag:s13] =	ssyncset.done $0x0  }
0x1d: {  	[sflag:s13] =	ssyncadd.s32 $0xFFFFF800  }
0x1e: {  	[spmem:s8] =	stream.linear.scatter [tilespmem:s12], [sflag:$0x1], $0x800, $0x38;
	[tilespmem:$0x5C10] =	vst v63  }
0x1f: {  	_ =	swait.ge [sflag:s13], $0x800  }
0x20: {  	[sflag:s13] =	ssyncset.done $0x0  }
0x21: {  	[sflag:s13] =	ssyncadd.s32 $0xFFFFF800  }
0x22: {  	[spmem:s9] =	stream.linear.scatter [tilespmem:s12], [sflag:$0x1], $0x800, $0x38;
	[tilespmem:$0x5C10] =	vst v63  }
0x23: {  	_ =	swait.ge [sflag:s13], $0x800  }
0x24: {  	[sflag:s13] =	ssyncset.done $0x0  }
0x25: {  	[sflag:s13] =	ssyncadd.s32 $0xFFFFF800  }
0x26: {  	[spmem:s10] =	stream.linear.scatter [tilespmem:s12], [sflag:$0x1], $0x800, $0x38;
	[tilespmem:$0x5C10] =	vst v63  }
0x27: {  	_ =	swait.ge [sflag:s13], $0x800  }
0x28: {  	[sflag:s13] =	ssyncset.done $0x0  }
0x29: {  	[sflag:s13] =	ssyncadd.s32 $0xFFFFF800  }
0x2a: {  	[spmem:s11] =	stream.linear.scatter [tilespmem:s12], [sflag:$0x1], $0x800, $0x38;
	[tilespmem:$0x5C10] =	vst v63  }
0x2b: {  	_ =	swait.ge [sflag:s13], $0x800  }
0x2c: {  	[sflag:s13] =	ssyncset.done $0x0  }
0x2d: {  	s18 =	simm.s32 $0x0;
	[sflag:s13] =	ssyncadd.s32 $0xFFFFF800  }
0x2e: {  	[tilespmem:s18], [sflag:$0x1] =	stream.linear.gather [hbm4b:s5+s18], $0x2710, $0x38;
	[tilespmem:$0x5C10] =	vst v63  }
0x2f: {  	_ =	swait.ge [sflag:s13], $0x2710  }
0x30: {  	[sflag:s13] =	ssyncset.done $0x0  }
0x31: {  	[sflag:s13] =	ssyncadd.s32 $0xFFFFD8F0  }
0x32: {  	s31 =	simm.s32 $0x0;
	[bflag:$0x0] =	sbarrier.arrive $0xFFFF  }
0x33: {  	[spmem:s2] =	stream.indirect.scatter.add.f32 [tilespmem:s15], [sflag:$0x1], $0x10, s31, s14, $0xb8;
	[tilespmem:$0x5C10] =	vst v63  }
0x34: {  	_ =	swait.ge [sflag:s13], $0x500  }
0x35: {  	s18 =	simm.s32 $0x140;
	[sflag:s13] =	ssyncset.done $0x0  }
.LBB2_6:
0x36: {  	s19 =	sshra.s32 s18, $0x2;
	[sflag:s13] =	ssyncadd.s32 $0xFFFFFB00;
	p0 =	sne.s32 s18, $0x9B00  }
0x37: {  	[spmem:s2] =	stream.indirect.scatter.add.f32 [tilespmem:s15], [sflag:$0x1], $0x10, s19, s14, $0xb8;
	[tilespmem:$0x5C10] =	vst v63  }
.Ltmp2:
0x38: {  	_ = 	snop;
	(pc) =	sbr.rel @p0 .LBB2_6-.Ltmp2, $4  }
0x39: {  	_ = 	snop  }
0x3a: {  	s18 =	sadd.s32 $0x140, s18  }
0x3b: {  	_ =	swait.ge [sflag:s13], $0x500  }
0x3c: {  	[sflag:s13] =	ssyncset.done $0x0  }
0x3d: {  	s3 =	sadd.s32 $0x1, s3  }
0x3e: {  	[sflag:s13] =	ssyncadd.s32 $0xFFFFFB00;
	p0 =	sne.s32 s3, s7  }
.Ltmp3:
0x3f: {  	[bflag:$0x0] =	sbarrier.arrive $0xFFFF;
	(pc) =	sbr.rel @p0 .LBB2_1-.Ltmp3, $4  }
0x40: {  	[hbm:s6], [sflag:s16] =	dma.local [spmem:s17], $0x500  }
0x41: {  	_ =	swait.ge [sflag:s13], $0x500  }
0x42: {  	[sflag:s13] =	ssyncset.done $0x0  }
0x43: {  	[sflag:s13] =	ssyncadd.s32 $0xFFFFFB00  }
0x44: {  	_ =	sfence.sel $0x180000  }
0x45: {  	[bflag:$0x0] =	sbarrier.arrive $0xFFFF  }
0x46: {  	p0 =	sne.s32 s0, $0x0;
	_ =	strace $0x9000004A  }
0x47: {  	s0 =	sadd.s32 @!p0 $0x100000, s1;
	[bflag:$0x2] =	sbarrier.arrive $0xFFFF  }
0x48: {  	[sflag:s0] =	ssyncadd.tile.s32 @!p0 $0x1;
	_ =	shalt  }
.Lfunc_end2:
_tile_overlayer_lowered:
.L_overlay_start_2:
0x49: {  	(tag) =	ssettag $0x2  }
0x4a: {  	s0 =	rddreg [dreg:$0x0];
	s2 =	stileid.u32  }
0x4b: {  	s1 =	rddreg [dreg:$0x1];
	p0 =	sne.s32 s2, $0x0  }
0x4c: {  	s3 =	rddreg [dreg:$0x2];
	[bflag:$0x3] =	sbarrier.arrive $0xFFFF;
	s2 =	simm.s32 @!p0 $0x1C01  }
0x4d: {  	[timem:s3], [sflag:s2] =	dma.local @!p0 [hbm:s0], s1  }
0x4e: {  	s0 =	simm.s32 @!p0 $0x1  }
0x4f: {  	_ =	swait.ge @!p0 [sflag:s0], s1  }
0x50: {  	s1 =	ssub.s32 @!p0 $0x0, s1;
	[sflag:s0] =	ssyncset.done @!p0 $0x0  }
0x51: {  	[sflag:s0] =	ssyncadd.s32 @!p0 s1  }
0x52: {  	[bflag:$0x3] =	sbarrier.arrive $0xFFFF  }
0x53: {  	_ =	shalt  }

</sc_bundles>
